<compile_context>
chip_gen: v7x
topology: tpu7x:2x2x1
jax: 0.10.2.dev20260603
libtpu: 0.0.44.dev20260713+nightly
codegen_flags: <defaults>
</compile_context>

<pallas_src>
import functools

import jax
import jax.numpy as jnp
from jax import lax
from jax.experimental import pallas as pl
from jax.experimental.pallas import tpu as pltpu
from jax.experimental.pallas import tpu_sc as plsc

_B = 16384
_D = 16
_NV = 1_000_000
_TILES = -(-_NV // 128)

_info = plsc.get_sparse_core_info()
_NC = _info.num_cores
_NS = _info.num_subcores
_L = _info.num_lanes
_NW = _NC * _NS
_PER_W = _B // _NW
_GROUPS = _PER_W // _L

_TPW = _TILES // _NW
_CHUNK_T = 16
_CHUNK_V = _CHUNK_T * 128
_NCHUNK = 16
_CAP = 1536

_mesh = plsc.VectorSubcoreMesh(core_axis_name="c", subcore_axis_name="s")
_params = pltpu.CompilerParams(needs_layout_passes=False)
_params_lin = pltpu.CompilerParams(
    needs_layout_passes=False, use_tc_tiling_on_sc=False)


def _make_extract_kernel():
    @functools.partial(
        pl.kernel,
        mesh=_mesh,
        out_type=(jax.ShapeDtypeStruct((_NW * _CAP * _D,), jnp.float32),
                  jax.ShapeDtypeStruct((_NW * _CAP,), jnp.int32),
                  jax.ShapeDtypeStruct((_NW * _CAP * _D,), jnp.float32),
                  jax.ShapeDtypeStruct((_NW * _CAP,), jnp.int32)),
        compiler_params=_params,
        scratch_types=[
            pltpu.VMEM((_B,), jnp.int32),
            pltpu.VMEM((_D, _CHUNK_V), jnp.float32),
            pltpu.VMEM((_D, _CHUNK_V), jnp.float32),
            pltpu.VMEM((_CAP + 4 * _L,), jnp.int32),
            pltpu.VMEM((_CAP + 4 * _L,), jnp.int32),
            pltpu.VMEM((_CAP + 4 * _L,), jnp.int32),
            pltpu.VMEM((_CAP + 4 * _L,), jnp.int32),
            pltpu.VMEM((_CAP * _D,), jnp.float32),
            pltpu.SemaphoreType.DMA,
            pltpu.SemaphoreType.DMA,
        ],
    )
    def extract_kernel(uidx_hbm, iidx_hbm, utab_hbm, itab_hbm,
                       ustage_hbm, upos_hbm, istage_hbm, ipos_hbm,
                       idx_v, cb0_v, cb1_v, mv_v, mp_v, vls_v, sls_v,
                       stage_v, sem0, sem1):
        wid = lax.axis_index("s") * _NC + lax.axis_index("c")
        start_t = wid * _TPW
        nt = jnp.where(wid == _NW - 1, _TILES - (_NW - 1) * _TPW, _TPW)
        end_t = start_t + nt
        lo = start_t * 128
        hi = end_t * 128
        lane = lax.iota(jnp.int32, _L)
        dconsts = [jnp.full((_L,), d, jnp.int32) for d in range(_D)]

        def phase(idx_hbm, tab_hbm, stage_hbm, pos_hbm):
            neg1 = jnp.full((_L,), -1, jnp.int32)

            def init_b(k, c):
                mp_v[pl.ds(k * _L, _L)] = neg1
                mv_v[pl.ds(k * _L, _L)] = neg1
                return c
            lax.fori_loop(0, (_CAP + 4 * _L) // _L, init_b, 0)

            pltpu.sync_copy(idx_hbm, idx_v)

            def scan_b(q, off):
                vs, ms, cnts = [], [], []
                for t in range(4):
                    v = idx_v[pl.ds((q * 4 + t) * _L, _L)]
                    m = (v >= lo) & (v < hi)
                    vs.append(v)
                    ms.append(m)
                    cnts.append(plsc.all_reduce_population_count(m)[0])
                o = off
                for t in range(4):
                    plsc.store_compressed(mv_v.at[pl.ds(o, _L)],
                                          vs[t], mask=ms[t])
                    plsc.store_compressed(mp_v.at[pl.ds(o, _L)],
                                          (q * 4 + t) * _L + lane,
                                          mask=ms[t])
                    o = o + cnts[t]
                return o

            off = lax.fori_loop(0, _B // (4 * _L), scan_b, 0)
            ng4 = (off + 4 * _L - 1) // (4 * _L)

            def chunk_lo(ct):
                t0 = jnp.minimum(start_t + ct * _CHUNK_T, end_t - _CHUNK_T)
                return t0 * 128

            def start_chunk(ct, cb, sem):
                voff = pl.multiple_of(chunk_lo(ct), 128)
                pltpu.async_copy(
                    tab_hbm.at[pl.ds(0, 8), pl.ds(voff, _CHUNK_V)],
                    cb.at[pl.ds(0, 8), :], sem)
                pltpu.async_copy(
                    tab_hbm.at[pl.ds(8, 8), pl.ds(voff, _CHUNK_V)],
                    cb.at[pl.ds(8, 8), :], sem)

            def drain(cb, sem):
                pltpu.make_async_copy(
                    tab_hbm.at[:, pl.ds(0, _CHUNK_V)], cb, sem).wait()

            def process(cb, c_lo):
                def sub_b(q, cc):
                    vs4, ms4, cnts4 = [], [], []
                    for t in range(4):
                        vs = mv_v[pl.ds((q * 4 + t) * _L, _L)]
                        inm = (vs >= c_lo) & (vs < c_lo + _CHUNK_V)
                        vs4.append(vs - c_lo)
                        ms4.append(inm)
                        cnts4.append(
                            plsc.all_reduce_population_count(inm)[0])
                    o = cc
                    for t in range(4):
                        plsc.store_compressed(vls_v.at[pl.ds(o, _L)],
                                              vs4[t], mask=ms4[t])
                        plsc.store_compressed(sls_v.at[pl.ds(o, _L)],
                                              (q * 4 + t) * _L + lane,
                                              mask=ms4[t])
                        o = o + cnts4[t]
                    return o

                ccount = lax.fori_loop(0, ng4, sub_b, 0)
                ng2 = (ccount + _L - 1) // _L

                def ext_b(k, c2):
                    vl = vls_v[pl.ds(k * _L, _L)]
                    sl = sls_v[pl.ds(k * _L, _L)]
                    valid = (k * _L + lane) < ccount
                    sbase = sl * _D
                    for d in range(_D):
                        vals = plsc.load_gather(
                            cb, [dconsts[d], vl], mask=valid)
                        plsc.store_scatter(
                            stage_v, [sbase + d], vals, mask=valid)
                    return c2

                lax.fori_loop(0, ng2, ext_b, 0)

            start_chunk(0, cb0_v, sem0)

            def pair_b(h, c):
                ct0 = 2 * h
                start_chunk(ct0 + 1, cb1_v, sem1)
                drain(cb0_v, sem0)
                process(cb0_v, chunk_lo(ct0))
                start_chunk(ct0 + 2, cb0_v, sem0)
                drain(cb1_v, sem1)
                process(cb1_v, chunk_lo(ct0 + 1))
                return c

            lax.fori_loop(0, _NCHUNK // 2, pair_b, 0)
            drain(cb0_v, sem0)

            pltpu.sync_copy(
                stage_v, stage_hbm.at[pl.ds(wid * _CAP * _D, _CAP * _D)])
            pltpu.sync_copy(
                mp_v.at[pl.ds(0, _CAP)], pos_hbm.at[pl.ds(wid * _CAP, _CAP)])

        phase(uidx_hbm, utab_hbm, ustage_hbm, upos_hbm)
        phase(iidx_hbm, itab_hbm, istage_hbm, ipos_hbm)

    return extract_kernel


def _make_scatter_kernel():
    @functools.partial(
        pl.kernel,
        mesh=_mesh,
        out_type=(jax.ShapeDtypeStruct((_B, _D), jnp.float32),
                  jax.ShapeDtypeStruct((_B, _D), jnp.float32)),
        compiler_params=_params_lin,
        scratch_types=[
            pltpu.VMEM((_CAP, _D), jnp.float32),
            pltpu.VMEM((_CAP,), jnp.int32),
            pltpu.SemaphoreType.DMA,
        ],
    )
    def scatter_kernel(ustage_hbm, upos_hbm, istage_hbm, ipos_hbm,
                       urows_hbm, irows_hbm, st_v, pos_v, sem):
        wid = lax.axis_index("s") * _NC + lax.axis_index("c")
        for stage_hbm, pos_hbm, rows_hbm in (
                (ustage_hbm, upos_hbm, urows_hbm),
                (istage_hbm, ipos_hbm, irows_hbm)):
            pltpu.sync_copy(stage_hbm.at[pl.ds(wid * _CAP, _CAP), :], st_v)
            pltpu.sync_copy(pos_hbm.at[pl.ds(wid * _CAP, _CAP)], pos_v)
            pltpu.async_copy(
                st_v,
                rows_hbm.at[plsc.Indices(pos_v, ignored_value=-1)],
                sem).wait()

    return scatter_kernel


def _make_combine_kernel():
    @functools.partial(
        pl.kernel,
        mesh=_mesh,
        out_type=jax.ShapeDtypeStruct((_B,), jnp.float32),
        compiler_params=_params_lin,
        scratch_types=[
            pltpu.VMEM((_PER_W, _D), jnp.float32),
            pltpu.VMEM((_PER_W, _D), jnp.float32),
            pltpu.VMEM((2 * _L,), jnp.float32),
            pltpu.VMEM((_PER_W,), jnp.float32),
        ],
    )
    def combine_kernel(urows_hbm, irows_hbm, wb_hbm, out_hbm,
                       u_v, i_v, wb_v, out_v):
        wid = lax.axis_index("s") * _NC + lax.axis_index("c")
        base = wid * _PER_W
        pltpu.sync_copy(urows_hbm.at[pl.ds(base, _PER_W), :], u_v)
        pltpu.sync_copy(irows_hbm.at[pl.ds(base, _PER_W), :], i_v)
        pltpu.sync_copy(wb_hbm, wb_v)
        wvec = wb_v[pl.ds(0, _L)]
        bvec = wb_v[pl.ds(_L, _L)]
        lane = lax.iota(jnp.int32, _L)

        def group_b(g, c):
            rows = g * _L + lane
            acc = bvec
            for d in range(_D):
                dvec = jnp.full((_L,), d, jnp.int32)
                uv = plsc.load_gather(u_v, [rows, dvec])
                iv = plsc.load_gather(i_v, [rows, dvec])
                acc = acc + (uv * iv) * wvec[d]
            out_v[pl.ds(g * _L, _L)] = 1.0 / (1.0 + jnp.exp(-acc))
            return c

        lax.fori_loop(0, _GROUPS, group_b, 0)
        pltpu.sync_copy(out_v, out_hbm.at[pl.ds(base, _PER_W)])

    return combine_kernel


_extract = _make_extract_kernel()
_scatter = _make_scatter_kernel()
_combine = _make_combine_kernel()


def kernel(user_input, item_input, user_table, item_table, W, b):
    uidx = user_input.reshape(_B).astype(jnp.int32)
    iidx = item_input.reshape(_B).astype(jnp.int32)
    wb = jnp.concatenate(
        [W.reshape(_D), jnp.broadcast_to(b.astype(jnp.float32), (_L,))])
    ustage, upos, istage, ipos = _extract(
        uidx, iidx, user_table.T, item_table.T)
    urows, irows = _scatter(
        ustage.reshape(_NW * _CAP, _D), upos,
        istage.reshape(_NW * _CAP, _D), ipos)
    out = _combine(urows, irows, wb)
    return out.reshape(_B, 1)

# --- scband reference (transcript-rebuilt; emitter-appended) ---
"""Pipeline reference for scband-ncfmodel-56453050138709 (READ-ONLY COPY).

The authoritative reference and input builder live on the scoring server;
editing this copy changes nothing except your own understanding.
"""

import jax, jax.numpy as jnp
import numpy as np

NUM_USERS = 1000000
NUM_ITEMS = 1000000
LATENT_DIM = 16
BATCH = 16384


def setup_inputs(seed: int = 0) -> dict:
    key = jax.random.key(seed)
    k1, k2, k3, k4, k5 = jax.random.split(key, 5)
    user_input = jax.random.randint(k1, (BATCH, 1), 0, NUM_USERS, dtype=jnp.int64) if jax.config.jax_enable_x64 else jax.random.randint(k1, (BATCH, 1), 0, NUM_USERS).astype(jnp.int32)
    item_input = jax.random.randint(k2, (BATCH, 1), 0, NUM_ITEMS).astype(user_input.dtype)
    user_table = jax.random.normal(k3, (NUM_USERS, LATENT_DIM), dtype=jnp.float32) * 0.01
    item_table = jax.random.normal(k4, (NUM_ITEMS, LATENT_DIM), dtype=jnp.float32) * 0.01
    # Dense(1) prediction layer: lecun_uniform init
    limit = np.sqrt(3.0 / LATENT_DIM)
    W = jax.random.uniform(k5, (LATENT_DIM, 1), dtype=jnp.float32, minval=-limit, maxval=limit)
    b = jnp.zeros((1,), dtype=jnp.float32)
    return {
        "user_input": user_input,
        "item_input": item_input,
        "user_table": user_table,
        "item_table": item_table,
        "W": W,
        "b": b,
    }


def reference(user_input, item_input, user_table, item_table, W, b):
    # Embedding lookup: [B, 1] -> [B, 1, D]
    user_emb = jnp.take(user_table, user_input, axis=0)
    item_emb = jnp.take(item_table, item_input, axis=0)
    # Flatten: [B, 1, D] -> [B, D]
    B = user_emb.shape[0]
    user_emb = user_emb.reshape(B, -1)
    item_emb = item_emb.reshape(B, -1)
    # Elementwise multiply (GMF interaction)
    all_emb = user_emb * item_emb
    # Dense(1, sigmoid)
    score = jax.nn.sigmoid(all_emb @ W + b)
    return score

if __name__ == "__main__":
    import jax
    _d = setup_inputs()
    print(jax.jit(kernel)(*tuple(_d.values())))

</pallas_src>

<mosaic_0001>
#map = affine_map<(d0, d1) -> (0, 0)>
#map1 = affine_map<(d0, d1) -> (0)>
module attributes {stable_mosaic.version = 14 : i64} {
  func.func @combine_kernel(%arg0: i32, %arg1: i32, %arg2: memref<16384x16xf32, #tpu.memory_space<hbm>>, %arg3: memref<16384x16xf32, #tpu.memory_space<hbm>>, %arg4: memref<32xf32, #tpu.memory_space<hbm>>, %arg5: memref<16384xf32, #tpu.memory_space<hbm>>, %arg6: memref<512x16xf32, #tpu.memory_space<vmem>>, %arg7: memref<512x16xf32, #tpu.memory_space<vmem>>, %arg8: memref<32xf32, #tpu.memory_space<vmem>>, %arg9: memref<512xf32, #tpu.memory_space<vmem>>) attributes {dimension_semantics = [#tpu.dimension_semantics<core_parallel>, #tpu.dimension_semantics<subcore_parallel>], iteration_bounds = array<i64: 2, 16>, scalar_prefetch = 0 : i64, scratch_operands = 4 : i64, tpu.core_type = #tpu.core_type<sc_vector_subcore>, window_params = [{transform_indices = #map}, {transform_indices = #map}, {transform_indices = #map1}, {transform_indices = #map1}]} {
    %mul3A = arith.constant 2 : i32
    %mul3A_0 = arith.muli %arg1, %mul3A : i32
    %add3A = arith.addi %mul3A_0, %arg0 : i32
    %mul3A_1 = arith.constant 512 : i32
    %mul3A_2 = arith.muli %add3A, %mul3A_1 : i32
    "tpu.region"() ({
      %run_scoped3A = tpu.sem_alloc : memref<!tpu.dma_semaphore, #tpu.memory_space<semaphore_mem>>
      %dma_start3A = arith.constant 0 : i32
      %dma_start3A_11 = tpu.memref_slice %arg2[%mul3A_2, %dma_start3A] : memref<16384x16xf32, #tpu.memory_space<hbm>> -> memref<512x16xf32, #tpu.memory_space<hbm>>
      %dma_start3A_12 = arith.constant 0 : i32
      %dma_start3A_13 = tpu.memref_slice %arg2[%mul3A_2, %dma_start3A_12] : memref<16384x16xf32, #tpu.memory_space<hbm>> -> memref<512x16xf32, #tpu.memory_space<hbm>>
      tpu.enqueue_dma source(%dma_start3A_13 : memref<512x16xf32, #tpu.memory_space<hbm>>) target(%arg6 : memref<512x16xf32, #tpu.memory_space<vmem>>) target_semaphore(%run_scoped3A : memref<!tpu.dma_semaphore, #tpu.memory_space<semaphore_mem>>)
      %dma_wait3A = arith.constant 0 : i32
      %dma_wait3A_14 = tpu.memref_slice %arg2[%mul3A_2, %dma_wait3A] : memref<16384x16xf32, #tpu.memory_space<hbm>> -> memref<512x16xf32, #tpu.memory_space<hbm>>
      %dma_wait3A_15 = arith.constant 0 : i32
      %dma_wait3A_16 = tpu.memref_slice %arg2[%mul3A_2, %dma_wait3A_15] : memref<16384x16xf32, #tpu.memory_space<hbm>> -> memref<512x16xf32, #tpu.memory_space<hbm>>
      tpu.wait_dma2 semaphore(%run_scoped3A : memref<!tpu.dma_semaphore, #tpu.memory_space<semaphore_mem>>) src(%dma_wait3A_16 : memref<512x16xf32, #tpu.memory_space<hbm>>) dst(%arg6 : memref<512x16xf32, #tpu.memory_space<vmem>>)
      tpu.yield
    }) : () -> ()
    "tpu.region"() ({
      %run_scoped3A = tpu.sem_alloc : memref<!tpu.dma_semaphore, #tpu.memory_space<semaphore_mem>>
      %dma_start3A = arith.constant 0 : i32
      %dma_start3A_11 = tpu.memref_slice %arg3[%mul3A_2, %dma_start3A] : memref<16384x16xf32, #tpu.memory_space<hbm>> -> memref<512x16xf32, #tpu.memory_space<hbm>>
      %dma_start3A_12 = arith.constant 0 : i32
      %dma_start3A_13 = tpu.memref_slice %arg3[%mul3A_2, %dma_start3A_12] : memref<16384x16xf32, #tpu.memory_space<hbm>> -> memref<512x16xf32, #tpu.memory_space<hbm>>
      tpu.enqueue_dma source(%dma_start3A_13 : memref<512x16xf32, #tpu.memory_space<hbm>>) target(%arg7 : memref<512x16xf32, #tpu.memory_space<vmem>>) target_semaphore(%run_scoped3A : memref<!tpu.dma_semaphore, #tpu.memory_space<semaphore_mem>>)
      %dma_wait3A = arith.constant 0 : i32
      %dma_wait3A_14 = tpu.memref_slice %arg3[%mul3A_2, %dma_wait3A] : memref<16384x16xf32, #tpu.memory_space<hbm>> -> memref<512x16xf32, #tpu.memory_space<hbm>>
      %dma_wait3A_15 = arith.constant 0 : i32
      %dma_wait3A_16 = tpu.memref_slice %arg3[%mul3A_2, %dma_wait3A_15] : memref<16384x16xf32, #tpu.memory_space<hbm>> -> memref<512x16xf32, #tpu.memory_space<hbm>>
      tpu.wait_dma2 semaphore(%run_scoped3A : memref<!tpu.dma_semaphore, #tpu.memory_space<semaphore_mem>>) src(%dma_wait3A_16 : memref<512x16xf32, #tpu.memory_space<hbm>>) dst(%arg7 : memref<512x16xf32, #tpu.memory_space<vmem>>)
      tpu.yield
    }) : () -> ()
    "tpu.region"() ({
      %run_scoped3A = tpu.sem_alloc : memref<!tpu.dma_semaphore, #tpu.memory_space<semaphore_mem>>
      tpu.enqueue_dma source(%arg4 : memref<32xf32, #tpu.memory_space<hbm>>) target(%arg8 : memref<32xf32, #tpu.memory_space<vmem>>) target_semaphore(%run_scoped3A : memref<!tpu.dma_semaphore, #tpu.memory_space<semaphore_mem>>)
      tpu.wait_dma2 semaphore(%run_scoped3A : memref<!tpu.dma_semaphore, #tpu.memory_space<semaphore_mem>>) src(%arg4 : memref<32xf32, #tpu.memory_space<hbm>>) dst(%arg8 : memref<32xf32, #tpu.memory_space<vmem>>)
      tpu.yield
    }) : () -> ()
    %get3A = arith.constant 0 : index
    %get3A_3 = tpu.vector_load %arg8[%get3A] {strides = array<i32>} : memref<32xf32, #tpu.memory_space<vmem>>, vector<16xf32>,
    %get3A_4 = arith.constant 16 : index
    %get3A_5 = tpu.vector_load %arg8[%get3A_4] {strides = array<i32>} : memref<32xf32, #tpu.memory_space<vmem>>, vector<16xf32>,
    %iota3A = tpu.iota {dimensions = array<i32: 0>} : vector<16xi32>
    %scan3A = arith.constant 0 : i32
    %scan3A_6 = arith.constant 0 : i32
    %scan3A_7 = arith.constant 32 : i32
    %scan3A_8 = arith.addi %scan3A_6, %scan3A_7 : i32
    %scan3A_9 = arith.constant 1 : i32
    scf.for %scan3A_11 = %scan3A_6 to %scan3A_8 step %scan3A_9  : i32 {
      %mul3A_12 = arith.constant 16 : i32
      %mul3A_13 = arith.muli %scan3A_11, %mul3A_12 : i32
      %add3A_14 = vector.broadcast %mul3A_13 : i32 to vector<16xi32>
      %add3A_15 = arith.addi %add3A_14, %iota3A : vector<16xi32>
      %broadcast_in_dim3A = arith.constant 0 : i32
      %broadcast_in_dim3A_16 = vector.broadcast %broadcast_in_dim3A : i32 to vector<16xi32>
      %gather3A = tpu.vector_load_idx %arg6[%add3A_15, %broadcast_in_dim3A_16] : memref<512x16xf32, #tpu.memory_space<vmem>>[vector<16xi32>, vector<16xi32>], vector<16xf32>,
      %gather3A_17 = tpu.vector_load_idx %arg7[%add3A_15, %broadcast_in_dim3A_16] : memref<512x16xf32, #tpu.memory_space<vmem>>[vector<16xi32>, vector<16xi32>], vector<16xf32>,
      %mul3A_18 = arith.mulf %gather3A, %gather3A_17 : vector<16xf32>
      %slice3A = vector.extract_strided_slice %get3A_3 {offsets = [0], sizes = [1], strides = [1]} : vector<16xf32> to vector<1xf32>
      %squeeze3A = vector.extract %slice3A[0] : f32 from vector<1xf32>
      %mul3A_19 = vector.broadcast %squeeze3A : f32 to vector<16xf32>
      %mul3A_20 = arith.mulf %mul3A_18, %mul3A_19 : vector<16xf32>
      %add3A_21 = arith.addf %get3A_5, %mul3A_20 : vector<16xf32>
      %broadcast_in_dim3A_22 = arith.constant 1 : i32
      %broadcast_in_dim3A_23 = vector.broadcast %broadcast_in_dim3A_22 : i32 to vector<16xi32>
      %gather3A_24 = tpu.vector_load_idx %arg6[%add3A_15, %broadcast_in_dim3A_23] : memref<512x16xf32, #tpu.memory_space<vmem>>[vector<16xi32>, vector<16xi32>], vector<16xf32>,
      %gather3A_25 = tpu.vector_load_idx %arg7[%add3A_15, %broadcast_in_dim3A_23] : memref<512x16xf32, #tpu.memory_space<vmem>>[vector<16xi32>, vector<16xi32>], vector<16xf32>,
      %mul3A_26 = arith.mulf %gather3A_24, %gather3A_25 : vector<16xf32>
      %slice3A_27 = vector.extract_strided_slice %get3A_3 {offsets = [1], sizes = [1], strides = [1]} : vector<16xf32> to vector<1xf32>
      %squeeze3A_28 = vector.extract %slice3A_27[0] : f32 from vector<1xf32>
      %mul3A_29 = vector.broadcast %squeeze3A_28 : f32 to vector<16xf32>
      %mul3A_30 = arith.mulf %mul3A_26, %mul3A_29 : vector<16xf32>
      %add3A_31 = arith.addf %add3A_21, %mul3A_30 : vector<16xf32>
      %broadcast_in_dim3A_32 = arith.constant 2 : i32
      %broadcast_in_dim3A_33 = vector.broadcast %broadcast_in_dim3A_32 : i32 to vector<16xi32>
      %gather3A_34 = tpu.vector_load_idx %arg6[%add3A_15, %broadcast_in_dim3A_33] : memref<512x16xf32, #tpu.memory_space<vmem>>[vector<16xi32>, vector<16xi32>], vector<16xf32>,
      %gather3A_35 = tpu.vector_load_idx %arg7[%add3A_15, %broadcast_in_dim3A_33] : memref<512x16xf32, #tpu.memory_space<vmem>>[vector<16xi32>, vector<16xi32>], vector<16xf32>,
      %mul3A_36 = arith.mulf %gather3A_34, %gather3A_35 : vector<16xf32>
      %slice3A_37 = vector.extract_strided_slice %get3A_3 {offsets = [2], sizes = [1], strides = [1]} : vector<16xf32> to vector<1xf32>
      %squeeze3A_38 = vector.extract %slice3A_37[0] : f32 from vector<1xf32>
      %mul3A_39 = vector.broadcast %squeeze3A_38 : f32 to vector<16xf32>
      %mul3A_40 = arith.mulf %mul3A_36, %mul3A_39 : vector<16xf32>
      %add3A_41 = arith.addf %add3A_31, %mul3A_40 : vector<16xf32>
      %broadcast_in_dim3A_42 = arith.constant 3 : i32
      %broadcast_in_dim3A_43 = vector.broadcast %broadcast_in_dim3A_42 : i32 to vector<16xi32>
      %gather3A_44 = tpu.vector_load_idx %arg6[%add3A_15, %broadcast_in_dim3A_43] : memref<512x16xf32, #tpu.memory_space<vmem>>[vector<16xi32>, vector<16xi32>], vector<16xf32>,
      %gather3A_45 = tpu.vector_load_idx %arg7[%add3A_15, %broadcast_in_dim3A_43] : memref<512x16xf32, #tpu.memory_space<vmem>>[vector<16xi32>, vector<16xi32>], vector<16xf32>,
      %mul3A_46 = arith.mulf %gather3A_44, %gather3A_45 : vector<16xf32>
      %slice3A_47 = vector.extract_strided_slice %get3A_3 {offsets = [3], sizes = [1], strides = [1]} : vector<16xf32> to vector<1xf32>
      %squeeze3A_48 = vector.extract %slice3A_47[0] : f32 from vector<1xf32>
      %mul3A_49 = vector.broadcast %squeeze3A_48 : f32 to vector<16xf32>
      %mul3A_50 = arith.mulf %mul3A_46, %mul3A_49 : vector<16xf32>
      %add3A_51 = arith.addf %add3A_41, %mul3A_50 : vector<16xf32>
      %broadcast_in_dim3A_52 = arith.constant 4 : i32
      %broadcast_in_dim3A_53 = vector.broadcast %broadcast_in_dim3A_52 : i32 to vector<16xi32>
      %gather3A_54 = tpu.vector_load_idx %arg6[%add3A_15, %broadcast_in_dim3A_53] : memref<512x16xf32, #tpu.memory_space<vmem>>[vector<16xi32>, vector<16xi32>], vector<16xf32>,
      %gather3A_55 = tpu.vector_load_idx %arg7[%add3A_15, %broadcast_in_dim3A_53] : memref<512x16xf32, #tpu.memory_space<vmem>>[vector<16xi32>, vector<16xi32>], vector<16xf32>,
      %mul3A_56 = arith.mulf %gather3A_54, %gather3A_55 : vector<16xf32>
      %slice3A_57 = vector.extract_strided_slice %get3A_3 {offsets = [4], sizes = [1], strides = [1]} : vector<16xf32> to vector<1xf32>
      %squeeze3A_58 = vector.extract %slice3A_57[0] : f32 from vector<1xf32>
      %mul3A_59 = vector.broadcast %squeeze3A_58 : f32 to vector<16xf32>
      %mul3A_60 = arith.mulf %mul3A_56, %mul3A_59 : vector<16xf32>
      %add3A_61 = arith.addf %add3A_51, %mul3A_60 : vector<16xf32>
      %broadcast_in_dim3A_62 = arith.constant 5 : i32
      %broadcast_in_dim3A_63 = vector.broadcast %broadcast_in_dim3A_62 : i32 to vector<16xi32>
      %gather3A_64 = tpu.vector_load_idx %arg6[%add3A_15, %broadcast_in_dim3A_63] : memref<512x16xf32, #tpu.memory_space<vmem>>[vector<16xi32>, vector<16xi32>], vector<16xf32>,
      %gather3A_65 = tpu.vector_load_idx %arg7[%add3A_15, %broadcast_in_dim3A_63] : memref<512x16xf32, #tpu.memory_space<vmem>>[vector<16xi32>, vector<16xi32>], vector<16xf32>,
      %mul3A_66 = arith.mulf %gather3A_64, %gather3A_65 : vector<16xf32>
      %slice3A_67 = vector.extract_strided_slice %get3A_3 {offsets = [5], sizes = [1], strides = [1]} : vector<16xf32> to vector<1xf32>
      %squeeze3A_68 = vector.extract %slice3A_67[0] : f32 from vector<1xf32>
      %mul3A_69 = vector.broadcast %squeeze3A_68 : f32 to vector<16xf32>
      %mul3A_70 = arith.mulf %mul3A_66, %mul3A_69 : vector<16xf32>
      %add3A_71 = arith.addf %add3A_61, %mul3A_70 : vector<16xf32>
      %broadcast_in_dim3A_72 = arith.constant 6 : i32
      %broadcast_in_dim3A_73 = vector.broadcast %broadcast_in_dim3A_72 : i32 to vector<16xi32>
      %gather3A_74 = tpu.vector_load_idx %arg6[%add3A_15, %broadcast_in_dim3A_73] : memref<512x16xf32, #tpu.memory_space<vmem>>[vector<16xi32>, vector<16xi32>], vector<16xf32>,
      %gather3A_75 = tpu.vector_load_idx %arg7[%add3A_15, %broadcast_in_dim3A_73] : memref<512x16xf32, #tpu.memory_space<vmem>>[vector<16xi32>, vector<16xi32>], vector<16xf32>,
      %mul3A_76 = arith.mulf %gather3A_74, %gather3A_75 : vector<16xf32>
      %slice3A_77 = vector.extract_strided_slice %get3A_3 {offsets = [6], sizes = [1], strides = [1]} : vector<16xf32> to vector<1xf32>
      %squeeze3A_78 = vector.extract %slice3A_77[0] : f32 from vector<1xf32>
      %mul3A_79 = vector.broadcast %squeeze3A_78 : f32 to vector<16xf32>
      %mul3A_80 = arith.mulf %mul3A_76, %mul3A_79 : vector<16xf32>
      %add3A_81 = arith.addf %add3A_71, %mul3A_80 : vector<16xf32>
      %broadcast_in_dim3A_82 = arith.constant 7 : i32
      %broadcast_in_dim3A_83 = vector.broadcast %broadcast_in_dim3A_82 : i32 to vector<16xi32>
      %gather3A_84 = tpu.vector_load_idx %arg6[%add3A_15, %broadcast_in_dim3A_83] : memref<512x16xf32, #tpu.memory_space<vmem>>[vector<16xi32>, vector<16xi32>], vector<16xf32>,
      %gather3A_85 = tpu.vector_load_idx %arg7[%add3A_15, %broadcast_in_dim3A_83] : memref<512x16xf32, #tpu.memory_space<vmem>>[vector<16xi32>, vector<16xi32>], vector<16xf32>,
      %mul3A_86 = arith.mulf %gather3A_84, %gather3A_85 : vector<16xf32>
      %slice3A_87 = vector.extract_strided_slice %get3A_3 {offsets = [7], sizes = [1], strides = [1]} : vector<16xf32> to vector<1xf32>
      %squeeze3A_88 = vector.extract %slice3A_87[0] : f32 from vector<1xf32>
      %mul3A_89 = vector.broadcast %squeeze3A_88 : f32 to vector<16xf32>
      %mul3A_90 = arith.mulf %mul3A_86, %mul3A_89 : vector<16xf32>
      %add3A_91 = arith.addf %add3A_81, %mul3A_90 : vector<16xf32>
      %broadcast_in_dim3A_92 = arith.constant 8 : i32
      %broadcast_in_dim3A_93 = vector.broadcast %broadcast_in_dim3A_92 : i32 to vector<16xi32>
      %gather3A_94 = tpu.vector_load_idx %arg6[%add3A_15, %broadcast_in_dim3A_93] : memref<512x16xf32, #tpu.memory_space<vmem>>[vector<16xi32>, vector<16xi32>], vector<16xf32>,
      %gather3A_95 = tpu.vector_load_idx %arg7[%add3A_15, %broadcast_in_dim3A_93] : memref<512x16xf32, #tpu.memory_space<vmem>>[vector<16xi32>, vector<16xi32>], vector<16xf32>,
      %mul3A_96 = arith.mulf %gather3A_94, %gather3A_95 : vector<16xf32>
      %slice3A_97 = vector.extract_strided_slice %get3A_3 {offsets = [8], sizes = [1], strides = [1]} : vector<16xf32> to vector<1xf32>
      %squeeze3A_98 = vector.extract %slice3A_97[0] : f32 from vector<1xf32>
      %mul3A_99 = vector.broadcast %squeeze3A_98 : f32 to vector<16xf32>
      %mul3A_100 = arith.mulf %mul3A_96, %mul3A_99 : vector<16xf32>
      %add3A_101 = arith.addf %add3A_91, %mul3A_100 : vector<16xf32>
      %broadcast_in_dim3A_102 = arith.constant 9 : i32
      %broadcast_in_dim3A_103 = vector.broadcast %broadcast_in_dim3A_102 : i32 to vector<16xi32>
      %gather3A_104 = tpu.vector_load_idx %arg6[%add3A_15, %broadcast_in_dim3A_103] : memref<512x16xf32, #tpu.memory_space<vmem>>[vector<16xi32>, vector<16xi32>], vector<16xf32>,
      %gather3A_105 = tpu.vector_load_idx %arg7[%add3A_15, %broadcast_in_dim3A_103] : memref<512x16xf32, #tpu.memory_space<vmem>>[vector<16xi32>, vector<16xi32>], vector<16xf32>,
      %mul3A_106 = arith.mulf %gather3A_104, %gather3A_105 : vector<16xf32>
      %slice3A_107 = vector.extract_strided_slice %get3A_3 {offsets = [9], sizes = [1], strides = [1]} : vector<16xf32> to vector<1xf32>
      %squeeze3A_108 = vector.extract %slice3A_107[0] : f32 from vector<1xf32>
      %mul3A_109 = vector.broadcast %squeeze3A_108 : f32 to vector<16xf32>
      %mul3A_110 = arith.mulf %mul3A_106, %mul3A_109 : vector<16xf32>
      %add3A_111 = arith.addf %add3A_101, %mul3A_110 : vector<16xf32>
      %broadcast_in_dim3A_112 = arith.constant 10 : i32
      %broadcast_in_dim3A_113 = vector.broadcast %broadcast_in_dim3A_112 : i32 to vector<16xi32>
      %gather3A_114 = tpu.vector_load_idx %arg6[%add3A_15, %broadcast_in_dim3A_113] : memref<512x16xf32, #tpu.memory_space<vmem>>[vector<16xi32>, vector<16xi32>], vector<16xf32>,
      %gather3A_115 = tpu.vector_load_idx %arg7[%add3A_15, %broadcast_in_dim3A_113] : memref<512x16xf32, #tpu.memory_space<vmem>>[vector<16xi32>, vector<16xi32>], vector<16xf32>,
      %mul3A_116 = arith.mulf %gather3A_114, %gather3A_115 : vector<16xf32>
      %slice3A_117 = vector.extract_strided_slice %get3A_3 {offsets = [10], sizes = [1], strides = [1]} : vector<16xf32> to vector<1xf32>
      %squeeze3A_118 = vector.extract %slice3A_117[0] : f32 from vector<1xf32>
      %mul3A_119 = vector.broadcast %squeeze3A_118 : f32 to vector<16xf32>
      %mul3A_120 = arith.mulf %mul3A_116, %mul3A_119 : vector<16xf32>
      %add3A_121 = arith.addf %add3A_111, %mul3A_120 : vector<16xf32>
      %broadcast_in_dim3A_122 = arith.constant 11 : i32
      %broadcast_in_dim3A_123 = vector.broadcast %broadcast_in_dim3A_122 : i32 to vector<16xi32>
      %gather3A_124 = tpu.vector_load_idx %arg6[%add3A_15, %broadcast_in_dim3A_123] : memref<512x16xf32, #tpu.memory_space<vmem>>[vector<16xi32>, vector<16xi32>], vector<16xf32>,
      %gather3A_125 = tpu.vector_load_idx %arg7[%add3A_15, %broadcast_in_dim3A_123] : memref<512x16xf32, #tpu.memory_space<vmem>>[vector<16xi32>, vector<16xi32>], vector<16xf32>,
      %mul3A_126 = arith.mulf %gather3A_124, %gather3A_125 : vector<16xf32>
      %slice3A_127 = vector.extract_strided_slice %get3A_3 {offsets = [11], sizes = [1], strides = [1]} : vector<16xf32> to vector<1xf32>
      %squeeze3A_128 = vector.extract %slice3A_127[0] : f32 from vector<1xf32>
      %mul3A_129 = vector.broadcast %squeeze3A_128 : f32 to vector<16xf32>
      %mul3A_130 = arith.mulf %mul3A_126, %mul3A_129 : vector<16xf32>
      %add3A_131 = arith.addf %add3A_121, %mul3A_130 : vector<16xf32>
      %broadcast_in_dim3A_132 = arith.constant 12 : i32
      %broadcast_in_dim3A_133 = vector.broadcast %broadcast_in_dim3A_132 : i32 to vector<16xi32>
      %gather3A_134 = tpu.vector_load_idx %arg6[%add3A_15, %broadcast_in_dim3A_133] : memref<512x16xf32, #tpu.memory_space<vmem>>[vector<16xi32>, vector<16xi32>], vector<16xf32>,
      %gather3A_135 = tpu.vector_load_idx %arg7[%add3A_15, %broadcast_in_dim3A_133] : memref<512x16xf32, #tpu.memory_space<vmem>>[vector<16xi32>, vector<16xi32>], vector<16xf32>,
      %mul3A_136 = arith.mulf %gather3A_134, %gather3A_135 : vector<16xf32>
      %slice3A_137 = vector.extract_strided_slice %get3A_3 {offsets = [12], sizes = [1], strides = [1]} : vector<16xf32> to vector<1xf32>
      %squeeze3A_138 = vector.extract %slice3A_137[0] : f32 from vector<1xf32>
      %mul3A_139 = vector.broadcast %squeeze3A_138 : f32 to vector<16xf32>
      %mul3A_140 = arith.mulf %mul3A_136, %mul3A_139 : vector<16xf32>
      %add3A_141 = arith.addf %add3A_131, %mul3A_140 : vector<16xf32>
      %broadcast_in_dim3A_142 = arith.constant 13 : i32
      %broadcast_in_dim3A_143 = vector.broadcast %broadcast_in_dim3A_142 : i32 to vector<16xi32>
      %gather3A_144 = tpu.vector_load_idx %arg6[%add3A_15, %broadcast_in_dim3A_143] : memref<512x16xf32, #tpu.memory_space<vmem>>[vector<16xi32>, vector<16xi32>], vector<16xf32>,
      %gather3A_145 = tpu.vector_load_idx %arg7[%add3A_15, %broadcast_in_dim3A_143] : memref<512x16xf32, #tpu.memory_space<vmem>>[vector<16xi32>, vector<16xi32>], vector<16xf32>,
      %mul3A_146 = arith.mulf %gather3A_144, %gather3A_145 : vector<16xf32>
      %slice3A_147 = vector.extract_strided_slice %get3A_3 {offsets = [13], sizes = [1], strides = [1]} : vector<16xf32> to vector<1xf32>
      %squeeze3A_148 = vector.extract %slice3A_147[0] : f32 from vector<1xf32>
      %mul3A_149 = vector.broadcast %squeeze3A_148 : f32 to vector<16xf32>
      %mul3A_150 = arith.mulf %mul3A_146, %mul3A_149 : vector<16xf32>
      %add3A_151 = arith.addf %add3A_141, %mul3A_150 : vector<16xf32>
      %broadcast_in_dim3A_152 = arith.constant 14 : i32
      %broadcast_in_dim3A_153 = vector.broadcast %broadcast_in_dim3A_152 : i32 to vector<16xi32>
      %gather3A_154 = tpu.vector_load_idx %arg6[%add3A_15, %broadcast_in_dim3A_153] : memref<512x16xf32, #tpu.memory_space<vmem>>[vector<16xi32>, vector<16xi32>], vector<16xf32>,
      %gather3A_155 = tpu.vector_load_idx %arg7[%add3A_15, %broadcast_in_dim3A_153] : memref<512x16xf32, #tpu.memory_space<vmem>>[vector<16xi32>, vector<16xi32>], vector<16xf32>,
      %mul3A_156 = arith.mulf %gather3A_154, %gather3A_155 : vector<16xf32>
      %slice3A_157 = vector.extract_strided_slice %get3A_3 {offsets = [14], sizes = [1], strides = [1]} : vector<16xf32> to vector<1xf32>
      %squeeze3A_158 = vector.extract %slice3A_157[0] : f32 from vector<1xf32>
      %mul3A_159 = vector.broadcast %squeeze3A_158 : f32 to vector<16xf32>
      %mul3A_160 = arith.mulf %mul3A_156, %mul3A_159 : vector<16xf32>
      %add3A_161 = arith.addf %add3A_151, %mul3A_160 : vector<16xf32>
      %broadcast_in_dim3A_162 = arith.constant 15 : i32
      %broadcast_in_dim3A_163 = vector.broadcast %broadcast_in_dim3A_162 : i32 to vector<16xi32>
      %gather3A_164 = tpu.vector_load_idx %arg6[%add3A_15, %broadcast_in_dim3A_163] : memref<512x16xf32, #tpu.memory_space<vmem>>[vector<16xi32>, vector<16xi32>], vector<16xf32>,
      %gather3A_165 = tpu.vector_load_idx %arg7[%add3A_15, %broadcast_in_dim3A_163] : memref<512x16xf32, #tpu.memory_space<vmem>>[vector<16xi32>, vector<16xi32>], vector<16xf32>,
      %mul3A_166 = arith.mulf %gather3A_164, %gather3A_165 : vector<16xf32>
      %slice3A_167 = vector.extract_strided_slice %get3A_3 {offsets = [15], sizes = [1], strides = [1]} : vector<16xf32> to vector<1xf32>
      %squeeze3A_168 = vector.extract %slice3A_167[0] : f32 from vector<1xf32>
      %mul3A_169 = vector.broadcast %squeeze3A_168 : f32 to vector<16xf32>
      %mul3A_170 = arith.mulf %mul3A_166, %mul3A_169 : vector<16xf32>
      %add3A_171 = arith.addf %add3A_161, %mul3A_170 : vector<16xf32>
      %neg3A = arith.constant 0.000000e+00 : f32
      %neg3A_172 = vector.broadcast %neg3A : f32 to vector<16xf32>
      %neg3A_173 = arith.subf %neg3A_172, %add3A_171 : vector<16xf32>
      %exp3A = math.exp %neg3A_173 : vector<16xf32>
      %add3A_174 = arith.constant 1.000000e+00 : f32
      %add3A_175 = vector.broadcast %add3A_174 : f32 to vector<16xf32>
      %add3A_176 = arith.addf %add3A_175, %exp3A : vector<16xf32>
      %div3A = arith.constant 1.000000e+00 : f32
      %div3A_177 = vector.broadcast %div3A : f32 to vector<16xf32>
      %div3A_178 = arith.divf %div3A_177, %add3A_176 : vector<16xf32>
      %mul3A_179 = arith.constant 16 : i32
      %mul3A_180 = arith.muli %scan3A_11, %mul3A_179 : i32
      %swap3A = arith.index_cast %mul3A_180 : i32 to index
      %swap3A_181 = tpu.vector_load %arg9[%swap3A] {strides = array<i32>} : memref<512xf32, #tpu.memory_space<vmem>>, vector<16xf32>,
      tpu.vector_store %arg9[%swap3A], %div3A_178 {strides = array<i32>} : memref<512xf32, #tpu.memory_space<vmem>>, vector<16xf32>,
    }
    %scan3A_10 = arith.constant 32 : i32
    "tpu.region"() ({
      %run_scoped3A = tpu.sem_alloc : memref<!tpu.dma_semaphore, #tpu.memory_space<semaphore_mem>>
      %dma_start3A = tpu.memref_slice %arg5[%mul3A_2] : memref<16384xf32, #tpu.memory_space<hbm>> -> memref<512xf32, #tpu.memory_space<hbm>>
      %dma_start3A_11 = tpu.memref_slice %arg5[%mul3A_2] : memref<16384xf32, #tpu.memory_space<hbm>> -> memref<512xf32, #tpu.memory_space<hbm>>
      tpu.enqueue_dma source(%arg9 : memref<512xf32, #tpu.memory_space<vmem>>) target(%dma_start3A_11 : memref<512xf32, #tpu.memory_space<hbm>>) target_semaphore(%run_scoped3A : memref<!tpu.dma_semaphore, #tpu.memory_space<semaphore_mem>>)
      %dma_wait3A = tpu.memref_slice %arg5[%mul3A_2] : memref<16384xf32, #tpu.memory_space<hbm>> -> memref<512xf32, #tpu.memory_space<hbm>>
      %dma_wait3A_12 = tpu.memref_slice %arg5[%mul3A_2] : memref<16384xf32, #tpu.memory_space<hbm>> -> memref<512xf32, #tpu.memory_space<hbm>>
      tpu.wait_dma2 semaphore(%run_scoped3A : memref<!tpu.dma_semaphore, #tpu.memory_space<semaphore_mem>>) src(%arg9 : memref<512xf32, #tpu.memory_space<vmem>>) dst(%dma_wait3A_12 : memref<512xf32, #tpu.memory_space<hbm>>)
      tpu.yield
    }) : () -> ()
    return
  }
}

#map = affine_map<(d0, d1) -> (0)>
#map1 = affine_map<(d0, d1) -> (0, 0)>
module attributes {stable_mosaic.version = 14 : i64} {
  func.func @extract_kernel(%arg0: i32, %arg1: i32, %arg2: memref<16384xi32, #tpu.memory_space<hbm>>, %arg3: memref<16384xi32, #tpu.memory_space<hbm>>, %arg4: memref<16x1000000xf32, #tpu.memory_space<hbm>>, %arg5: memref<16x1000000xf32, #tpu.memory_space<hbm>>, %arg6: memref<786432xf32, #tpu.memory_space<hbm>>, %arg7: memref<49152xi32, #tpu.memory_space<hbm>>, %arg8: memref<786432xf32, #tpu.memory_space<hbm>>, %arg9: memref<49152xi32, #tpu.memory_space<hbm>>, %arg10: memref<16384xi32, #tpu.memory_space<vmem>>, %arg11: memref<16x2048xf32, #tpu.memory_space<vmem>>, %arg12: memref<16x2048xf32, #tpu.memory_space<vmem>>, %arg13: memref<1600xi32, #tpu.memory_space<vmem>>, %arg14: memref<1600xi32, #tpu.memory_space<vmem>>, %arg15: memref<1600xi32, #tpu.memory_space<vmem>>, %arg16: memref<1600xi32, #tpu.memory_space<vmem>>, %arg17: memref<24576xf32, #tpu.memory_space<vmem>>, %arg18: memref<!tpu.dma_semaphore, #tpu.memory_space<semaphore_mem>>, %arg19: memref<!tpu.dma_semaphore, #tpu.memory_space<semaphore_mem>>) attributes {dimension_semantics = [#tpu.dimension_semantics<core_parallel>, #tpu.dimension_semantics<subcore_parallel>], iteration_bounds = array<i64: 2, 16>, scalar_prefetch = 0 : i64, scratch_operands = 10 : i64, tpu.core_type = #tpu.core_type<sc_vector_subcore>, window_params = [{transform_indices = #map}, {transform_indices = #map}, {transform_indices = #map1}, {transform_indices = #map1}, {transform_indices = #map}, {transform_indices = #map}, {transform_indices = #map}, {transform_indices = #map}]} {
    %mul3A = arith.constant 2 : i32
    %mul3A_0 = arith.muli %arg1, %mul3A : i32
    %add3A = arith.addi %mul3A_0, %arg0 : i32
    %mul3A_1 = arith.constant 244 : i32
    %mul3A_2 = arith.muli %add3A, %mul3A_1 : i32
    %eq3A = arith.constant 31 : i32
    %eq3A_3 = arith.cmpi eq, %add3A, %eq3A : i32
    %jit3A = arith.constant 249 : i32
    %jit3A_4 = arith.constant 244 : i32
    %select_n3A = arith.select %eq3A_3, %jit3A, %jit3A_4 : i32
    %add3A_5 = arith.addi %mul3A_2, %select_n3A : i32
    %mul3A_6 = arith.constant 128 : i32
    %mul3A_7 = arith.muli %mul3A_2, %mul3A_6 : i32
    %mul3A_8 = arith.constant 128 : i32
    %mul3A_9 = arith.muli %add3A_5, %mul3A_8 : i32
    %iota3A = tpu.iota {dimensions = array<i32: 0>} : vector<16xi32>
    %broadcast_in_dim3A = arith.constant 0 : i32
    %broadcast_in_dim3A_10 = vector.broadcast %broadcast_in_dim3A : i32 to vector<16xi32>
    %broadcast_in_dim3A_11 = arith.constant 1 : i32
    %broadcast_in_dim3A_12 = vector.broadcast %broadcast_in_dim3A_11 : i32 to vector<16xi32>
    %broadcast_in_dim3A_13 = arith.constant 2 : i32
    %broadcast_in_dim3A_14 = vector.broadcast %broadcast_in_dim3A_13 : i32 to vector<16xi32>
    %broadcast_in_dim3A_15 = arith.constant 3 : i32
    %broadcast_in_dim3A_16 = vector.broadcast %broadcast_in_dim3A_15 : i32 to vector<16xi32>
    %broadcast_in_dim3A_17 = arith.constant 4 : i32
    %broadcast_in_dim3A_18 = vector.broadcast %broadcast_in_dim3A_17 : i32 to vector<16xi32>
    %broadcast_in_dim3A_19 = arith.constant 5 : i32
    %broadcast_in_dim3A_20 = vector.broadcast %broadcast_in_dim3A_19 : i32 to vector<16xi32>
    %broadcast_in_dim3A_21 = arith.constant 6 : i32
    %broadcast_in_dim3A_22 = vector.broadcast %broadcast_in_dim3A_21 : i32 to vector<16xi32>
    %broadcast_in_dim3A_23 = arith.constant 7 : i32
    %broadcast_in_dim3A_24 = vector.broadcast %broadcast_in_dim3A_23 : i32 to vector<16xi32>
    %broadcast_in_dim3A_25 = arith.constant 8 : i32
    %broadcast_in_dim3A_26 = vector.broadcast %broadcast_in_dim3A_25 : i32 to vector<16xi32>
    %broadcast_in_dim3A_27 = arith.constant 9 : i32
    %broadcast_in_dim3A_28 = vector.broadcast %broadcast_in_dim3A_27 : i32 to vector<16xi32>
    %broadcast_in_dim3A_29 = arith.constant 10 : i32
    %broadcast_in_dim3A_30 = vector.broadcast %broadcast_in_dim3A_29 : i32 to vector<16xi32>
    %broadcast_in_dim3A_31 = arith.constant 11 : i32
    %broadcast_in_dim3A_32 = vector.broadcast %broadcast_in_dim3A_31 : i32 to vector<16xi32>
    %broadcast_in_dim3A_33 = arith.constant 12 : i32
    %broadcast_in_dim3A_34 = vector.broadcast %broadcast_in_dim3A_33 : i32 to vector<16xi32>
    %broadcast_in_dim3A_35 = arith.constant 13 : i32
    %broadcast_in_dim3A_36 = vector.broadcast %broadcast_in_dim3A_35 : i32 to vector<16xi32>
    %broadcast_in_dim3A_37 = arith.constant 14 : i32
    %broadcast_in_dim3A_38 = vector.broadcast %broadcast_in_dim3A_37 : i32 to vector<16xi32>
    %broadcast_in_dim3A_39 = arith.constant 15 : i32
    %broadcast_in_dim3A_40 = vector.broadcast %broadcast_in_dim3A_39 : i32 to vector<16xi32>
    %broadcast_in_dim3A_41 = arith.constant -1 : i32
    %broadcast_in_dim3A_42 = vector.broadcast %broadcast_in_dim3A_41 : i32 to vector<16xi32>
    %scan3A = arith.constant 0 : i32
    %scan3A_43 = arith.constant 0 : i32
    %scan3A_44 = arith.constant 100 : i32
    %scan3A_45 = arith.addi %scan3A_43, %scan3A_44 : i32
    %scan3A_46 = arith.constant 1 : i32
    scf.for %scan3A_208 = %scan3A_43 to %scan3A_45 step %scan3A_46  : i32 {
      %mul3A_209 = arith.constant 16 : i32
      %mul3A_210 = arith.muli %scan3A_208, %mul3A_209 : i32
      %swap3A = arith.index_cast %mul3A_210 : i32 to index
      %swap3A_211 = tpu.vector_load %arg14[%swap3A] {strides = array<i32>} : memref<1600xi32, #tpu.memory_space<vmem>>, vector<16xi32>,
      tpu.vector_store %arg14[%swap3A], %broadcast_in_dim3A_42 {strides = array<i32>} : memref<1600xi32, #tpu.memory_space<vmem>>, vector<16xi32>,
      %mul3A_212 = arith.constant 16 : i32
      %mul3A_213 = arith.muli %scan3A_208, %mul3A_212 : i32
      %swap3A_214 = arith.index_cast %mul3A_213 : i32 to index
      %swap3A_215 = tpu.vector_load %arg13[%swap3A_214] {strides = array<i32>} : memref<1600xi32, #tpu.memory_space<vmem>>, vector<16xi32>,
      tpu.vector_store %arg13[%swap3A_214], %broadcast_in_dim3A_42 {strides = array<i32>} : memref<1600xi32, #tpu.memory_space<vmem>>, vector<16xi32>,
    }
    %scan3A_47 = arith.constant 100 : i32
    "tpu.region"() ({
      %run_scoped3A = tpu.sem_alloc : memref<!tpu.dma_semaphore, #tpu.memory_space<semaphore_mem>>
      tpu.enqueue_dma source(%arg2 : memref<16384xi32, #tpu.memory_space<hbm>>) target(%arg10 : memref<16384xi32, #tpu.memory_space<vmem>>) target_semaphore(%run_scoped3A : memref<!tpu.dma_semaphore, #tpu.memory_space<semaphore_mem>>)
      tpu.wait_dma2 semaphore(%run_scoped3A : memref<!tpu.dma_semaphore, #tpu.memory_space<semaphore_mem>>) src(%arg2 : memref<16384xi32, #tpu.memory_space<hbm>>) dst(%arg10 : memref<16384xi32, #tpu.memory_space<vmem>>)
      tpu.yield
    }) : () -> ()
    %scan3A_48 = arith.constant 0 : i32
    %scan3A_49 = arith.constant 0 : i32
    %scan3A_50 = arith.constant 256 : i32
    %scan3A_51 = arith.addi %scan3A_49, %scan3A_50 : i32
    %scan3A_52 = arith.constant 1 : i32
    %scan3A_53 = scf.for %scan3A_208 = %scan3A_49 to %scan3A_51 step %scan3A_52 iter_args(%scan3A_209 = %scan3A_48) -> (i32)  : i32 {
      %mul3A_210 = arith.constant 4 : i32
      %mul3A_211 = arith.muli %scan3A_208, %mul3A_210 : i32
      %add3A_212 = arith.constant 0 : i32
      %add3A_213 = arith.addi %mul3A_211, %add3A_212 : i32
      %mul3A_214 = arith.constant 16 : i32
      %mul3A_215 = arith.muli %add3A_213, %mul3A_214 : i32
      %get3A = arith.index_cast %mul3A_215 : i32 to index
      %get3A_216 = tpu.vector_load %arg10[%get3A] {strides = array<i32>} : memref<16384xi32, #tpu.memory_space<vmem>>, vector<16xi32>,
      %ge3A = vector.broadcast %mul3A_7 : i32 to vector<16xi32>
      %ge3A_217 = arith.cmpi sge, %get3A_216, %ge3A : vector<16xi32>
      %lt3A = vector.broadcast %mul3A_9 : i32 to vector<16xi32>
      %lt3A_218 = arith.cmpi slt, %get3A_216, %lt3A : vector<16xi32>
      %and3A_219 = arith.andi %ge3A_217, %lt3A_218 : vector<16xi1>
      %all_reduce_population_count3A = tpu.all_reduce %and3A_219 {dim = 0 : i64, kind = #tpu.reduction_kind<sum>} : vector<16xi1> -> vector<16xi32>
      %slice3A = vector.extract_strided_slice %all_reduce_population_count3A {offsets = [0], sizes = [1], strides = [1]} : vector<16xi32> to vector<1xi32>
      %squeeze3A = vector.extract %slice3A[0] : i32 from vector<1xi32>
      %mul3A_220 = arith.constant 4 : i32
      %mul3A_221 = arith.muli %scan3A_208, %mul3A_220 : i32
      %add3A_222 = arith.constant 1 : i32
      %add3A_223 = arith.addi %mul3A_221, %add3A_222 : i32
      %mul3A_224 = arith.constant 16 : i32
      %mul3A_225 = arith.muli %add3A_223, %mul3A_224 : i32
      %get3A_226 = arith.index_cast %mul3A_225 : i32 to index
      %get3A_227 = tpu.vector_load %arg10[%get3A_226] {strides = array<i32>} : memref<16384xi32, #tpu.memory_space<vmem>>, vector<16xi32>,
      %ge3A_228 = vector.broadcast %mul3A_7 : i32 to vector<16xi32>
      %ge3A_229 = arith.cmpi sge, %get3A_227, %ge3A_228 : vector<16xi32>
      %lt3A_230 = vector.broadcast %mul3A_9 : i32 to vector<16xi32>
      %lt3A_231 = arith.cmpi slt, %get3A_227, %lt3A_230 : vector<16xi32>
      %and3A_232 = arith.andi %ge3A_229, %lt3A_231 : vector<16xi1>
      %all_reduce_population_count3A_233 = tpu.all_reduce %and3A_232 {dim = 0 : i64, kind = #tpu.reduction_kind<sum>} : vector<16xi1> -> vector<16xi32>
      %slice3A_234 = vector.extract_strided_slice %all_reduce_population_count3A_233 {offsets = [0], sizes = [1], strides = [1]} : vector<16xi32> to vector<1xi32>
      %squeeze3A_235 = vector.extract %slice3A_234[0] : i32 from vector<1xi32>
      %mul3A_236 = arith.constant 4 : i32
      %mul3A_237 = arith.muli %scan3A_208, %mul3A_236 : i32
      %add3A_238 = arith.constant 2 : i32
      %add3A_239 = arith.addi %mul3A_237, %add3A_238 : i32
      %mul3A_240 = arith.constant 16 : i32
      %mul3A_241 = arith.muli %add3A_239, %mul3A_240 : i32
      %get3A_242 = arith.index_cast %mul3A_241 : i32 to index
      %get3A_243 = tpu.vector_load %arg10[%get3A_242] {strides = array<i32>} : memref<16384xi32, #tpu.memory_space<vmem>>, vector<16xi32>,
      %ge3A_244 = vector.broadcast %mul3A_7 : i32 to vector<16xi32>
      %ge3A_245 = arith.cmpi sge, %get3A_243, %ge3A_244 : vector<16xi32>
      %lt3A_246 = vector.broadcast %mul3A_9 : i32 to vector<16xi32>
      %lt3A_247 = arith.cmpi slt, %get3A_243, %lt3A_246 : vector<16xi32>
      %and3A_248 = arith.andi %ge3A_245, %lt3A_247 : vector<16xi1>
      %all_reduce_population_count3A_249 = tpu.all_reduce %and3A_248 {dim = 0 : i64, kind = #tpu.reduction_kind<sum>} : vector<16xi1> -> vector<16xi32>
      %slice3A_250 = vector.extract_strided_slice %all_reduce_population_count3A_249 {offsets = [0], sizes = [1], strides = [1]} : vector<16xi32> to vector<1xi32>
      %squeeze3A_251 = vector.extract %slice3A_250[0] : i32 from vector<1xi32>
      %mul3A_252 = arith.constant 4 : i32
      %mul3A_253 = arith.muli %scan3A_208, %mul3A_252 : i32
      %add3A_254 = arith.constant 3 : i32
      %add3A_255 = arith.addi %mul3A_253, %add3A_254 : i32
      %mul3A_256 = arith.constant 16 : i32
      %mul3A_257 = arith.muli %add3A_255, %mul3A_256 : i32
      %get3A_258 = arith.index_cast %mul3A_257 : i32 to index
      %get3A_259 = tpu.vector_load %arg10[%get3A_258] {strides = array<i32>} : memref<16384xi32, #tpu.memory_space<vmem>>, vector<16xi32>,
      %ge3A_260 = vector.broadcast %mul3A_7 : i32 to vector<16xi32>
      %ge3A_261 = arith.cmpi sge, %get3A_259, %ge3A_260 : vector<16xi32>
      %lt3A_262 = vector.broadcast %mul3A_9 : i32 to vector<16xi32>
      %lt3A_263 = arith.cmpi slt, %get3A_259, %lt3A_262 : vector<16xi32>
      %and3A_264 = arith.andi %ge3A_261, %lt3A_263 : vector<16xi1>
      %all_reduce_population_count3A_265 = tpu.all_reduce %and3A_264 {dim = 0 : i64, kind = #tpu.reduction_kind<sum>} : vector<16xi1> -> vector<16xi32>
      %slice3A_266 = vector.extract_strided_slice %all_reduce_population_count3A_265 {offsets = [0], sizes = [1], strides = [1]} : vector<16xi32> to vector<1xi32>
      %squeeze3A_267 = vector.extract %slice3A_266[0] : i32 from vector<1xi32>
      %swap3A = arith.index_cast %scan3A_209 : i32 to index
      %swap3A_268 = tpu.vector_load %arg13[%swap3A] masked %and3A_219 {strides = array<i32>} : memref<1600xi32, #tpu.memory_space<vmem>>, vector<16xi32>, vector<16xi1>
      tpu.vector_store %arg13[%swap3A], %get3A_216 masked %and3A_219 {strides = array<i32>} : memref<1600xi32, #tpu.memory_space<vmem>>, vector<16xi32>, vector<16xi1>
      %mul3A_269 = arith.constant 4 : i32
      %mul3A_270 = arith.muli %scan3A_208, %mul3A_269 : i32
      %add3A_271 = arith.constant 0 : i32
      %add3A_272 = arith.addi %mul3A_270, %add3A_271 : i32
      %mul3A_273 = arith.constant 16 : i32
      %mul3A_274 = arith.muli %add3A_272, %mul3A_273 : i32
      %add3A_275 = vector.broadcast %mul3A_274 : i32 to vector<16xi32>
      %add3A_276 = arith.addi %add3A_275, %iota3A : vector<16xi32>
      %swap3A_277 = arith.index_cast %scan3A_209 : i32 to index
      %swap3A_278 = tpu.vector_load %arg14[%swap3A_277] masked %and3A_219 {strides = array<i32>} : memref<1600xi32, #tpu.memory_space<vmem>>, vector<16xi32>, vector<16xi1>
      tpu.vector_store %arg14[%swap3A_277], %add3A_276 masked %and3A_219 {strides = array<i32>} : memref<1600xi32, #tpu.memory_space<vmem>>, vector<16xi32>, vector<16xi1>
      %add3A_279 = arith.addi %scan3A_209, %squeeze3A : i32
      %swap3A_280 = arith.index_cast %add3A_279 : i32 to index
      %swap3A_281 = tpu.vector_load %arg13[%swap3A_280] masked %and3A_232 {strides = array<i32>} : memref<1600xi32, #tpu.memory_space<vmem>>, vector<16xi32>, vector<16xi1>
      tpu.vector_store %arg13[%swap3A_280], %get3A_227 masked %and3A_232 {strides = array<i32>} : memref<1600xi32, #tpu.memory_space<vmem>>, vector<16xi32>, vector<16xi1>
      %mul3A_282 = arith.constant 4 : i32
      %mul3A_283 = arith.muli %scan3A_208, %mul3A_282 : i32
      %add3A_284 = arith.constant 1 : i32
      %add3A_285 = arith.addi %mul3A_283, %add3A_284 : i32
      %mul3A_286 = arith.constant 16 : i32
      %mul3A_287 = arith.muli %add3A_285, %mul3A_286 : i32
      %add3A_288 = vector.broadcast %mul3A_287 : i32 to vector<16xi32>
      %add3A_289 = arith.addi %add3A_288, %iota3A : vector<16xi32>
      %swap3A_290 = arith.index_cast %add3A_279 : i32 to index
      %swap3A_291 = tpu.vector_load %arg14[%swap3A_290] masked %and3A_232 {strides = array<i32>} : memref<1600xi32, #tpu.memory_space<vmem>>, vector<16xi32>, vector<16xi1>
      tpu.vector_store %arg14[%swap3A_290], %add3A_289 masked %and3A_232 {strides = array<i32>} : memref<1600xi32, #tpu.memory_space<vmem>>, vector<16xi32>, vector<16xi1>
      %add3A_292 = arith.addi %add3A_279, %squeeze3A_235 : i32
      %swap3A_293 = arith.index_cast %add3A_292 : i32 to index
      %swap3A_294 = tpu.vector_load %arg13[%swap3A_293] masked %and3A_248 {strides = array<i32>} : memref<1600xi32, #tpu.memory_space<vmem>>, vector<16xi32>, vector<16xi1>
      tpu.vector_store %arg13[%swap3A_293], %get3A_243 masked %and3A_248 {strides = array<i32>} : memref<1600xi32, #tpu.memory_space<vmem>>, vector<16xi32>, vector<16xi1>
      %mul3A_295 = arith.constant 4 : i32
      %mul3A_296 = arith.muli %scan3A_208, %mul3A_295 : i32
      %add3A_297 = arith.constant 2 : i32
      %add3A_298 = arith.addi %mul3A_296, %add3A_297 : i32
      %mul3A_299 = arith.constant 16 : i32
      %mul3A_300 = arith.muli %add3A_298, %mul3A_299 : i32
      %add3A_301 = vector.broadcast %mul3A_300 : i32 to vector<16xi32>
      %add3A_302 = arith.addi %add3A_301, %iota3A : vector<16xi32>
      %swap3A_303 = arith.index_cast %add3A_292 : i32 to index
      %swap3A_304 = tpu.vector_load %arg14[%swap3A_303] masked %and3A_248 {strides = array<i32>} : memref<1600xi32, #tpu.memory_space<vmem>>, vector<16xi32>, vector<16xi1>
      tpu.vector_store %arg14[%swap3A_303], %add3A_302 masked %and3A_248 {strides = array<i32>} : memref<1600xi32, #tpu.memory_space<vmem>>, vector<16xi32>, vector<16xi1>
      %add3A_305 = arith.addi %add3A_292, %squeeze3A_251 : i32
      %swap3A_306 = arith.index_cast %add3A_305 : i32 to index
      %swap3A_307 = tpu.vector_load %arg13[%swap3A_306] masked %and3A_264 {strides = array<i32>} : memref<1600xi32, #tpu.memory_space<vmem>>, vector<16xi32>, vector<16xi1>
      tpu.vector_store %arg13[%swap3A_306], %get3A_259 masked %and3A_264 {strides = array<i32>} : memref<1600xi32, #tpu.memory_space<vmem>>, vector<16xi32>, vector<16xi1>
      %mul3A_308 = arith.constant 4 : i32
      %mul3A_309 = arith.muli %scan3A_208, %mul3A_308 : i32
      %add3A_310 = arith.constant 3 : i32
      %add3A_311 = arith.addi %mul3A_309, %add3A_310 : i32
      %mul3A_312 = arith.constant 16 : i32
      %mul3A_313 = arith.muli %add3A_311, %mul3A_312 : i32
      %add3A_314 = vector.broadcast %mul3A_313 : i32 to vector<16xi32>
      %add3A_315 = arith.addi %add3A_314, %iota3A : vector<16xi32>
      %swap3A_316 = arith.index_cast %add3A_305 : i32 to index
      %swap3A_317 = tpu.vector_load %arg14[%swap3A_316] masked %and3A_264 {strides = array<i32>} : memref<1600xi32, #tpu.memory_space<vmem>>, vector<16xi32>, vector<16xi1>
      tpu.vector_store %arg14[%swap3A_316], %add3A_315 masked %and3A_264 {strides = array<i32>} : memref<1600xi32, #tpu.memory_space<vmem>>, vector<16xi32>, vector<16xi1>
      %add3A_318 = arith.addi %add3A_305, %squeeze3A_267 : i32
      scf.yield %add3A_318 : i32
    }
    %scan3A_54 = arith.constant 256 : i32
    %add3A_55 = arith.constant 64 : i32
    %add3A_56 = arith.addi %scan3A_53, %add3A_55 : i32
    %sub3A = arith.constant 1 : i32
    %sub3A_57 = arith.subi %add3A_56, %sub3A : i32
    %jit3A_58 = arith.constant 64 : i32
    %div3A = arith.divsi %sub3A_57, %jit3A_58 : i32
    %sign3A = arith.constant 0 : i32
    %sign3A_59 = arith.cmpi sgt, %sub3A_57, %sign3A : i32
    %sign3A_60 = arith.extui %sign3A_59 : i1 to i32
    %sign3A_61 = arith.constant 0 : i32
    %sign3A_62 = arith.cmpi slt, %sub3A_57, %sign3A_61 : i32
    %sign3A_63 = arith.extui %sign3A_62 : i1 to i32
    %sign3A_64 = arith.subi %sign3A_60, %sign3A_63 : i32
    %sign3A_65 = arith.constant 0 : i32
    %sign3A_66 = arith.cmpi sgt, %jit3A_58, %sign3A_65 : i32
    %sign3A_67 = arith.extui %sign3A_66 : i1 to i32
    %sign3A_68 = arith.constant 0 : i32
    %sign3A_69 = arith.cmpi slt, %jit3A_58, %sign3A_68 : i32
    %sign3A_70 = arith.extui %sign3A_69 : i1 to i32
    %sign3A_71 = arith.subi %sign3A_67, %sign3A_70 : i32
    %ne3A = arith.cmpi ne, %sign3A_64, %sign3A_71 : i32
    %rem3A = arith.remsi %sub3A_57, %jit3A_58 : i32
    %ne3A_72 = arith.constant 0 : i32
    %ne3A_73 = arith.cmpi ne, %rem3A, %ne3A_72 : i32
    %and3A = arith.andi %ne3A, %ne3A_73 : i1
    %sub3A_74 = arith.constant 1 : i32
    %sub3A_75 = arith.subi %div3A, %sub3A_74 : i32
    %select_n3A_76 = arith.select %and3A, %sub3A_75, %div3A : i32
    %add3A_77 = arith.constant 0 : i32
    %add3A_78 = arith.addi %mul3A_2, %add3A_77 : i32
    %sub3A_79 = arith.constant 16 : i32
    %sub3A_80 = arith.subi %add3A_5, %sub3A_79 : i32
    %min3A = arith.minsi %add3A_78, %sub3A_80 : i32
    %mul3A_81 = arith.constant 128 : i32
    %mul3A_82 = arith.muli %min3A, %mul3A_81 : i32
    %multiple_of3A = tpu.assume_multiple %mul3A_82, 128 : i32
    %dma_start3A = arith.constant 0 : i32
    %dma_start3A_83 = arith.constant 0 : i32
    %dma_start3A_84 = tpu.memref_slice %arg11[%dma_start3A, %dma_start3A_83] : memref<16x2048xf32, #tpu.memory_space<vmem>> -> memref<8x2048xf32, #tpu.memory_space<vmem>>
    %dma_start3A_85 = arith.constant 0 : i32
    %dma_start3A_86 = tpu.memref_slice %arg4[%dma_start3A_85, %multiple_of3A] : memref<16x1000000xf32, #tpu.memory_space<hbm>> -> memref<8x2048xf32, #tpu.memory_space<hbm>>
    %dma_start3A_87 = arith.constant 0 : i32
    %dma_start3A_88 = arith.constant 0 : i32
    %dma_start3A_89 = tpu.memref_slice %arg11[%dma_start3A_87, %dma_start3A_88] : memref<16x2048xf32, #tpu.memory_space<vmem>> -> memref<8x2048xf32, #tpu.memory_space<vmem>>
    %dma_start3A_90 = arith.constant 0 : i32
    %dma_start3A_91 = tpu.memref_slice %arg4[%dma_start3A_90, %multiple_of3A] : memref<16x1000000xf32, #tpu.memory_space<hbm>> -> memref<8x2048xf32, #tpu.memory_space<hbm>>
    tpu.enqueue_dma source(%dma_start3A_91 : memref<8x2048xf32, #tpu.memory_space<hbm>>) target(%dma_start3A_89 : memref<8x2048xf32, #tpu.memory_space<vmem>>) target_semaphore(%arg18 : memref<!tpu.dma_semaphore, #tpu.memory_space<semaphore_mem>>)
    %dma_start3A_92 = arith.constant 8 : i32
    %dma_start3A_93 = arith.constant 0 : i32
    %dma_start3A_94 = tpu.memref_slice %arg11[%dma_start3A_92, %dma_start3A_93] : memref<16x2048xf32, #tpu.memory_space<vmem>> -> memref<8x2048xf32, #tpu.memory_space<vmem>>
    %dma_start3A_95 = arith.constant 8 : i32
    %dma_start3A_96 = tpu.memref_slice %arg4[%dma_start3A_95, %multiple_of3A] : memref<16x1000000xf32, #tpu.memory_space<hbm>> -> memref<8x2048xf32, #tpu.memory_space<hbm>>
    %dma_start3A_97 = arith.constant 8 : i32
    %dma_start3A_98 = arith.constant 0 : i32
    %dma_start3A_99 = tpu.memref_slice %arg11[%dma_start3A_97, %dma_start3A_98] : memref<16x2048xf32, #tpu.memory_space<vmem>> -> memref<8x2048xf32, #tpu.memory_space<vmem>>
    %dma_start3A_100 = arith.constant 8 : i32
    %dma_start3A_101 = tpu.memref_slice %arg4[%dma_start3A_100, %multiple_of3A] : memref<16x1000000xf32, #tpu.memory_space<hbm>> -> memref<8x2048xf32, #tpu.memory_space<hbm>>
    tpu.enqueue_dma source(%dma_start3A_101 : memref<8x2048xf32, #tpu.memory_space<hbm>>) target(%dma_start3A_99 : memref<8x2048xf32, #tpu.memory_space<vmem>>) target_semaphore(%arg18 : memref<!tpu.dma_semaphore, #tpu.memory_space<semaphore_mem>>)
    %scan3A_102 = arith.constant 0 : i32
    %scan3A_103 = arith.constant 0 : i32
    %scan3A_104 = arith.constant 8 : i32
    %scan3A_105 = arith.addi %scan3A_103, %scan3A_104 : i32
    %scan3A_106 = arith.constant 1 : i32
    scf.for %scan3A_208 = %scan3A_103 to %scan3A_105 step %scan3A_106  : i32 {
      %mul3A_209 = arith.constant 2 : i32
      %mul3A_210 = arith.muli %mul3A_209, %scan3A_208 : i32
      %add3A_211 = arith.constant 1 : i32
      %add3A_212 = arith.addi %mul3A_210, %add3A_211 : i32
      %mul3A_213 = arith.constant 16 : i32
      %mul3A_214 = arith.muli %add3A_212, %mul3A_213 : i32
      %add3A_215 = arith.addi %mul3A_2, %mul3A_214 : i32
      %sub3A_216 = arith.constant 16 : i32
      %sub3A_217 = arith.subi %add3A_5, %sub3A_216 : i32
      %min3A_218 = arith.minsi %add3A_215, %sub3A_217 : i32
      %mul3A_219 = arith.constant 128 : i32
      %mul3A_220 = arith.muli %min3A_218, %mul3A_219 : i32
      %multiple_of3A_221 = tpu.assume_multiple %mul3A_220, 128 : i32
      %dma_start3A_222 = arith.constant 0 : i32
      %dma_start3A_223 = arith.constant 0 : i32
      %dma_start3A_224 = tpu.memref_slice %arg12[%dma_start3A_222, %dma_start3A_223] : memref<16x2048xf32, #tpu.memory_space<vmem>> -> memref<8x2048xf32, #tpu.memory_space<vmem>>
      %dma_start3A_225 = arith.constant 0 : i32
      %dma_start3A_226 = tpu.memref_slice %arg4[%dma_start3A_225, %multiple_of3A_221] : memref<16x1000000xf32, #tpu.memory_space<hbm>> -> memref<8x2048xf32, #tpu.memory_space<hbm>>
      %dma_start3A_227 = arith.constant 0 : i32
      %dma_start3A_228 = arith.constant 0 : i32
      %dma_start3A_229 = tpu.memref_slice %arg12[%dma_start3A_227, %dma_start3A_228] : memref<16x2048xf32, #tpu.memory_space<vmem>> -> memref<8x2048xf32, #tpu.memory_space<vmem>>
      %dma_start3A_230 = arith.constant 0 : i32
      %dma_start3A_231 = tpu.memref_slice %arg4[%dma_start3A_230, %multiple_of3A_221] : memref<16x1000000xf32, #tpu.memory_space<hbm>> -> memref<8x2048xf32, #tpu.memory_space<hbm>>
      tpu.enqueue_dma source(%dma_start3A_231 : memref<8x2048xf32, #tpu.memory_space<hbm>>) target(%dma_start3A_229 : memref<8x2048xf32, #tpu.memory_space<vmem>>) target_semaphore(%arg19 : memref<!tpu.dma_semaphore, #tpu.memory_space<semaphore_mem>>)
      %dma_start3A_232 = arith.constant 8 : i32
      %dma_start3A_233 = arith.constant 0 : i32
      %dma_start3A_234 = tpu.memref_slice %arg12[%dma_start3A_232, %dma_start3A_233] : memref<16x2048xf32, #tpu.memory_space<vmem>> -> memref<8x2048xf32, #tpu.memory_space<vmem>>
      %dma_start3A_235 = arith.constant 8 : i32
      %dma_start3A_236 = tpu.memref_slice %arg4[%dma_start3A_235, %multiple_of3A_221] : memref<16x1000000xf32, #tpu.memory_space<hbm>> -> memref<8x2048xf32, #tpu.memory_space<hbm>>
      %dma_start3A_237 = arith.constant 8 : i32
      %dma_start3A_238 = arith.constant 0 : i32
      %dma_start3A_239 = tpu.memref_slice %arg12[%dma_start3A_237, %dma_start3A_238] : memref<16x2048xf32, #tpu.memory_space<vmem>> -> memref<8x2048xf32, #tpu.memory_space<vmem>>
      %dma_start3A_240 = arith.constant 8 : i32
      %dma_start3A_241 = tpu.memref_slice %arg4[%dma_start3A_240, %multiple_of3A_221] : memref<16x1000000xf32, #tpu.memory_space<hbm>> -> memref<8x2048xf32, #tpu.memory_space<hbm>>
      tpu.enqueue_dma source(%dma_start3A_241 : memref<8x2048xf32, #tpu.memory_space<hbm>>) target(%dma_start3A_239 : memref<8x2048xf32, #tpu.memory_space<vmem>>) target_semaphore(%arg19 : memref<!tpu.dma_semaphore, #tpu.memory_space<semaphore_mem>>)
      %dma_wait3A_242 = arith.constant 0 : i32
      %dma_wait3A_243 = arith.constant 0 : i32
      %dma_wait3A_244 = tpu.memref_slice %arg4[%dma_wait3A_242, %dma_wait3A_243] : memref<16x1000000xf32, #tpu.memory_space<hbm>> -> memref<16x2048xf32, #tpu.memory_space<hbm>>
      %dma_wait3A_245 = arith.constant 0 : i32
      %dma_wait3A_246 = arith.constant 0 : i32
      %dma_wait3A_247 = tpu.memref_slice %arg4[%dma_wait3A_245, %dma_wait3A_246] : memref<16x1000000xf32, #tpu.memory_space<hbm>> -> memref<16x2048xf32, #tpu.memory_space<hbm>>
      tpu.wait_dma2 semaphore(%arg18 : memref<!tpu.dma_semaphore, #tpu.memory_space<semaphore_mem>>) src(%dma_wait3A_247 : memref<16x2048xf32, #tpu.memory_space<hbm>>) dst(%arg11 : memref<16x2048xf32, #tpu.memory_space<vmem>>)
      %mul3A_248 = arith.constant 16 : i32
      %mul3A_249 = arith.muli %mul3A_210, %mul3A_248 : i32
      %add3A_250 = arith.addi %mul3A_2, %mul3A_249 : i32
      %sub3A_251 = arith.constant 16 : i32
      %sub3A_252 = arith.subi %add3A_5, %sub3A_251 : i32
      %min3A_253 = arith.minsi %add3A_250, %sub3A_252 : i32
      %mul3A_254 = arith.constant 128 : i32
      %mul3A_255 = arith.muli %min3A_253, %mul3A_254 : i32
      %while3A = arith.constant 0 : i32
      %while3A_256 = arith.constant 0 : i32
      %while3A_257 = arith.subi %select_n3A_76, %while3A : i32
      %while3A_258 = arith.addi %while3A, %while3A_257 : i32
      %while3A_259 = arith.constant 1 : i32
      %while3A_260 = arith.divsi %while3A_257, %while3A_259 : i32
      %while3A_261 = arith.muli %while3A_260, %while3A_259 : i32
      %while3A_262 = arith.addi %while3A, %while3A_261 : i32
      %while3A_263 = arith.constant 1 : i32
      %while3A_264 = scf.for %while3A_402 = %while3A to %while3A_262 step %while3A_263 iter_args(%while3A_403 = %while3A_256) -> (i32)  : i32 {
        %mul3A_404 = arith.constant 4 : i32
        %mul3A_405 = arith.muli %while3A_402, %mul3A_404 : i32
        %add3A_406 = arith.constant 0 : i32
        %add3A_407 = arith.addi %mul3A_405, %add3A_406 : i32
        %mul3A_408 = arith.constant 16 : i32
        %mul3A_409 = arith.muli %add3A_407, %mul3A_408 : i32
        %get3A = arith.index_cast %mul3A_409 : i32 to index
        %get3A_410 = tpu.vector_load %arg13[%get3A] {strides = array<i32>} : memref<1600xi32, #tpu.memory_space<vmem>>, vector<16xi32>,
        %ge3A = vector.broadcast %mul3A_255 : i32 to vector<16xi32>
        %ge3A_411 = arith.cmpi sge, %get3A_410, %ge3A : vector<16xi32>
        %add3A_412 = arith.constant 2048 : i32
        %add3A_413 = arith.addi %mul3A_255, %add3A_412 : i32
        %lt3A = vector.broadcast %add3A_413 : i32 to vector<16xi32>
        %lt3A_414 = arith.cmpi slt, %get3A_410, %lt3A : vector<16xi32>
        %and3A_415 = arith.andi %ge3A_411, %lt3A_414 : vector<16xi1>
        %sub3A_416 = vector.broadcast %mul3A_255 : i32 to vector<16xi32>
        %sub3A_417 = arith.subi %get3A_410, %sub3A_416 : vector<16xi32>
        %all_reduce_population_count3A = tpu.all_reduce %and3A_415 {dim = 0 : i64, kind = #tpu.reduction_kind<sum>} : vector<16xi1> -> vector<16xi32>
        %slice3A = vector.extract_strided_slice %all_reduce_population_count3A {offsets = [0], sizes = [1], strides = [1]} : vector<16xi32> to vector<1xi32>
        %squeeze3A = vector.extract %slice3A[0] : i32 from vector<1xi32>
        %mul3A_418 = arith.constant 4 : i32
        %mul3A_419 = arith.muli %while3A_402, %mul3A_418 : i32
        %add3A_420 = arith.constant 1 : i32
        %add3A_421 = arith.addi %mul3A_419, %add3A_420 : i32
        %mul3A_422 = arith.constant 16 : i32
        %mul3A_423 = arith.muli %add3A_421, %mul3A_422 : i32
        %get3A_424 = arith.index_cast %mul3A_423 : i32 to index
        %get3A_425 = tpu.vector_load %arg13[%get3A_424] {strides = array<i32>} : memref<1600xi32, #tpu.memory_space<vmem>>, vector<16xi32>,
        %ge3A_426 = vector.broadcast %mul3A_255 : i32 to vector<16xi32>
        %ge3A_427 = arith.cmpi sge, %get3A_425, %ge3A_426 : vector<16xi32>
        %add3A_428 = arith.constant 2048 : i32
        %add3A_429 = arith.addi %mul3A_255, %add3A_428 : i32
        %lt3A_430 = vector.broadcast %add3A_429 : i32 to vector<16xi32>
        %lt3A_431 = arith.cmpi slt, %get3A_425, %lt3A_430 : vector<16xi32>
        %and3A_432 = arith.andi %ge3A_427, %lt3A_431 : vector<16xi1>
        %sub3A_433 = vector.broadcast %mul3A_255 : i32 to vector<16xi32>
        %sub3A_434 = arith.subi %get3A_425, %sub3A_433 : vector<16xi32>
        %all_reduce_population_count3A_435 = tpu.all_reduce %and3A_432 {dim = 0 : i64, kind = #tpu.reduction_kind<sum>} : vector<16xi1> -> vector<16xi32>
        %slice3A_436 = vector.extract_strided_slice %all_reduce_population_count3A_435 {offsets = [0], sizes = [1], strides = [1]} : vector<16xi32> to vector<1xi32>
        %squeeze3A_437 = vector.extract %slice3A_436[0] : i32 from vector<1xi32>
        %mul3A_438 = arith.constant 4 : i32
        %mul3A_439 = arith.muli %while3A_402, %mul3A_438 : i32
        %add3A_440 = arith.constant 2 : i32
        %add3A_441 = arith.addi %mul3A_439, %add3A_440 : i32
        %mul3A_442 = arith.constant 16 : i32
        %mul3A_443 = arith.muli %add3A_441, %mul3A_442 : i32
        %get3A_444 = arith.index_cast %mul3A_443 : i32 to index
        %get3A_445 = tpu.vector_load %arg13[%get3A_444] {strides = array<i32>} : memref<1600xi32, #tpu.memory_space<vmem>>, vector<16xi32>,
        %ge3A_446 = vector.broadcast %mul3A_255 : i32 to vector<16xi32>
        %ge3A_447 = arith.cmpi sge, %get3A_445, %ge3A_446 : vector<16xi32>
        %add3A_448 = arith.constant 2048 : i32
        %add3A_449 = arith.addi %mul3A_255, %add3A_448 : i32
        %lt3A_450 = vector.broadcast %add3A_449 : i32 to vector<16xi32>
        %lt3A_451 = arith.cmpi slt, %get3A_445, %lt3A_450 : vector<16xi32>
        %and3A_452 = arith.andi %ge3A_447, %lt3A_451 : vector<16xi1>
        %sub3A_453 = vector.broadcast %mul3A_255 : i32 to vector<16xi32>
        %sub3A_454 = arith.subi %get3A_445, %sub3A_453 : vector<16xi32>
        %all_reduce_population_count3A_455 = tpu.all_reduce %and3A_452 {dim = 0 : i64, kind = #tpu.reduction_kind<sum>} : vector<16xi1> -> vector<16xi32>
        %slice3A_456 = vector.extract_strided_slice %all_reduce_population_count3A_455 {offsets = [0], sizes = [1], strides = [1]} : vector<16xi32> to vector<1xi32>
        %squeeze3A_457 = vector.extract %slice3A_456[0] : i32 from vector<1xi32>
        %mul3A_458 = arith.constant 4 : i32
        %mul3A_459 = arith.muli %while3A_402, %mul3A_458 : i32
        %add3A_460 = arith.constant 3 : i32
        %add3A_461 = arith.addi %mul3A_459, %add3A_460 : i32
        %mul3A_462 = arith.constant 16 : i32
        %mul3A_463 = arith.muli %add3A_461, %mul3A_462 : i32
        %get3A_464 = arith.index_cast %mul3A_463 : i32 to index
        %get3A_465 = tpu.vector_load %arg13[%get3A_464] {strides = array<i32>} : memref<1600xi32, #tpu.memory_space<vmem>>, vector<16xi32>,
        %ge3A_466 = vector.broadcast %mul3A_255 : i32 to vector<16xi32>
        %ge3A_467 = arith.cmpi sge, %get3A_465, %ge3A_466 : vector<16xi32>
        %add3A_468 = arith.constant 2048 : i32
        %add3A_469 = arith.addi %mul3A_255, %add3A_468 : i32
        %lt3A_470 = vector.broadcast %add3A_469 : i32 to vector<16xi32>
        %lt3A_471 = arith.cmpi slt, %get3A_465, %lt3A_470 : vector<16xi32>
        %and3A_472 = arith.andi %ge3A_467, %lt3A_471 : vector<16xi1>
        %sub3A_473 = vector.broadcast %mul3A_255 : i32 to vector<16xi32>
        %sub3A_474 = arith.subi %get3A_465, %sub3A_473 : vector<16xi32>
        %all_reduce_population_count3A_475 = tpu.all_reduce %and3A_472 {dim = 0 : i64, kind = #tpu.reduction_kind<sum>} : vector<16xi1> -> vector<16xi32>
        %slice3A_476 = vector.extract_strided_slice %all_reduce_population_count3A_475 {offsets = [0], sizes = [1], strides = [1]} : vector<16xi32> to vector<1xi32>
        %squeeze3A_477 = vector.extract %slice3A_476[0] : i32 from vector<1xi32>
        %swap3A = arith.index_cast %while3A_403 : i32 to index
        %swap3A_478 = tpu.vector_load %arg15[%swap3A] masked %and3A_415 {strides = array<i32>} : memref<1600xi32, #tpu.memory_space<vmem>>, vector<16xi32>, vector<16xi1>
        tpu.vector_store %arg15[%swap3A], %sub3A_417 masked %and3A_415 {strides = array<i32>} : memref<1600xi32, #tpu.memory_space<vmem>>, vector<16xi32>, vector<16xi1>
        %mul3A_479 = arith.constant 4 : i32
        %mul3A_480 = arith.muli %while3A_402, %mul3A_479 : i32
        %add3A_481 = arith.constant 0 : i32
        %add3A_482 = arith.addi %mul3A_480, %add3A_481 : i32
        %mul3A_483 = arith.constant 16 : i32
        %mul3A_484 = arith.muli %add3A_482, %mul3A_483 : i32
        %add3A_485 = vector.broadcast %mul3A_484 : i32 to vector<16xi32>
        %add3A_486 = arith.addi %add3A_485, %iota3A : vector<16xi32>
        %swap3A_487 = arith.index_cast %while3A_403 : i32 to index
        %swap3A_488 = tpu.vector_load %arg16[%swap3A_487] masked %and3A_415 {strides = array<i32>} : memref<1600xi32, #tpu.memory_space<vmem>>, vector<16xi32>, vector<16xi1>
        tpu.vector_store %arg16[%swap3A_487], %add3A_486 masked %and3A_415 {strides = array<i32>} : memref<1600xi32, #tpu.memory_space<vmem>>, vector<16xi32>, vector<16xi1>
        %add3A_489 = arith.addi %while3A_403, %squeeze3A : i32
        %swap3A_490 = arith.index_cast %add3A_489 : i32 to index
        %swap3A_491 = tpu.vector_load %arg15[%swap3A_490] masked %and3A_432 {strides = array<i32>} : memref<1600xi32, #tpu.memory_space<vmem>>, vector<16xi32>, vector<16xi1>
        tpu.vector_store %arg15[%swap3A_490], %sub3A_434 masked %and3A_432 {strides = array<i32>} : memref<1600xi32, #tpu.memory_space<vmem>>, vector<16xi32>, vector<16xi1>
        %mul3A_492 = arith.constant 4 : i32
        %mul3A_493 = arith.muli %while3A_402, %mul3A_492 : i32
        %add3A_494 = arith.constant 1 : i32
        %add3A_495 = arith.addi %mul3A_493, %add3A_494 : i32
        %mul3A_496 = arith.constant 16 : i32
        %mul3A_497 = arith.muli %add3A_495, %mul3A_496 : i32
        %add3A_498 = vector.broadcast %mul3A_497 : i32 to vector<16xi32>
        %add3A_499 = arith.addi %add3A_498, %iota3A : vector<16xi32>
        %swap3A_500 = arith.index_cast %add3A_489 : i32 to index
        %swap3A_501 = tpu.vector_load %arg16[%swap3A_500] masked %and3A_432 {strides = array<i32>} : memref<1600xi32, #tpu.memory_space<vmem>>, vector<16xi32>, vector<16xi1>
        tpu.vector_store %arg16[%swap3A_500], %add3A_499 masked %and3A_432 {strides = array<i32>} : memref<1600xi32, #tpu.memory_space<vmem>>, vector<16xi32>, vector<16xi1>
        %add3A_502 = arith.addi %add3A_489, %squeeze3A_437 : i32
        %swap3A_503 = arith.index_cast %add3A_502 : i32 to index
        %swap3A_504 = tpu.vector_load %arg15[%swap3A_503] masked %and3A_452 {strides = array<i32>} : memref<1600xi32, #tpu.memory_space<vmem>>, vector<16xi32>, vector<16xi1>
        tpu.vector_store %arg15[%swap3A_503], %sub3A_454 masked %and3A_452 {strides = array<i32>} : memref<1600xi32, #tpu.memory_space<vmem>>, vector<16xi32>, vector<16xi1>
        %mul3A_505 = arith.constant 4 : i32
        %mul3A_506 = arith.muli %while3A_402, %mul3A_505 : i32
        %add3A_507 = arith.constant 2 : i32
        %add3A_508 = arith.addi %mul3A_506, %add3A_507 : i32
        %mul3A_509 = arith.constant 16 : i32
        %mul3A_510 = arith.muli %add3A_508, %mul3A_509 : i32
        %add3A_511 = vector.broadcast %mul3A_510 : i32 to vector<16xi32>
        %add3A_512 = arith.addi %add3A_511, %iota3A : vector<16xi32>
        %swap3A_513 = arith.index_cast %add3A_502 : i32 to index
        %swap3A_514 = tpu.vector_load %arg16[%swap3A_513] masked %and3A_452 {strides = array<i32>} : memref<1600xi32, #tpu.memory_space<vmem>>, vector<16xi32>, vector<16xi1>
        tpu.vector_store %arg16[%swap3A_513], %add3A_512 masked %and3A_452 {strides = array<i32>} : memref<1600xi32, #tpu.memory_space<vmem>>, vector<16xi32>, vector<16xi1>
        %add3A_515 = arith.addi %add3A_502, %squeeze3A_457 : i32
        %swap3A_516 = arith.index_cast %add3A_515 : i32 to index
        %swap3A_517 = tpu.vector_load %arg15[%swap3A_516] masked %and3A_472 {strides = array<i32>} : memref<1600xi32, #tpu.memory_space<vmem>>, vector<16xi32>, vector<16xi1>
        tpu.vector_store %arg15[%swap3A_516], %sub3A_474 masked %and3A_472 {strides = array<i32>} : memref<1600xi32, #tpu.memory_space<vmem>>, vector<16xi32>, vector<16xi1>
        %mul3A_518 = arith.constant 4 : i32
        %mul3A_519 = arith.muli %while3A_402, %mul3A_518 : i32
        %add3A_520 = arith.constant 3 : i32
        %add3A_521 = arith.addi %mul3A_519, %add3A_520 : i32
        %mul3A_522 = arith.constant 16 : i32
        %mul3A_523 = arith.muli %add3A_521, %mul3A_522 : i32
        %add3A_524 = vector.broadcast %mul3A_523 : i32 to vector<16xi32>
        %add3A_525 = arith.addi %add3A_524, %iota3A : vector<16xi32>
        %swap3A_526 = arith.index_cast %add3A_515 : i32 to index
        %swap3A_527 = tpu.vector_load %arg16[%swap3A_526] masked %and3A_472 {strides = array<i32>} : memref<1600xi32, #tpu.memory_space<vmem>>, vector<16xi32>, vector<16xi1>
        tpu.vector_store %arg16[%swap3A_526], %add3A_525 masked %and3A_472 {strides = array<i32>} : memref<1600xi32, #tpu.memory_space<vmem>>, vector<16xi32>, vector<16xi1>
        %add3A_528 = arith.addi %add3A_515, %squeeze3A_477 : i32
        scf.yield %add3A_528 : i32
      }
      %while3A_265 = arith.constant 1 : i32
      %while3A_266 = scf.for %while3A_402 = %while3A_262 to %while3A_258 step %while3A_265 iter_args(%while3A_403 = %while3A_264) -> (i32)  : i32 {
        %mul3A_404 = arith.constant 4 : i32
        %mul3A_405 = arith.muli %while3A_402, %mul3A_404 : i32
        %add3A_406 = arith.constant 0 : i32
        %add3A_407 = arith.addi %mul3A_405, %add3A_406 : i32
        %mul3A_408 = arith.constant 16 : i32
        %mul3A_409 = arith.muli %add3A_407, %mul3A_408 : i32
        %get3A = arith.index_cast %mul3A_409 : i32 to index
        %get3A_410 = tpu.vector_load %arg13[%get3A] {strides = array<i32>} : memref<1600xi32, #tpu.memory_space<vmem>>, vector<16xi32>,
        %ge3A = vector.broadcast %mul3A_255 : i32 to vector<16xi32>
        %ge3A_411 = arith.cmpi sge, %get3A_410, %ge3A : vector<16xi32>
        %add3A_412 = arith.constant 2048 : i32
        %add3A_413 = arith.addi %mul3A_255, %add3A_412 : i32
        %lt3A = vector.broadcast %add3A_413 : i32 to vector<16xi32>
        %lt3A_414 = arith.cmpi slt, %get3A_410, %lt3A : vector<16xi32>
        %and3A_415 = arith.andi %ge3A_411, %lt3A_414 : vector<16xi1>
        %sub3A_416 = vector.broadcast %mul3A_255 : i32 to vector<16xi32>
        %sub3A_417 = arith.subi %get3A_410, %sub3A_416 : vector<16xi32>
        %all_reduce_population_count3A = tpu.all_reduce %and3A_415 {dim = 0 : i64, kind = #tpu.reduction_kind<sum>} : vector<16xi1> -> vector<16xi32>
        %slice3A = vector.extract_strided_slice %all_reduce_population_count3A {offsets = [0], sizes = [1], strides = [1]} : vector<16xi32> to vector<1xi32>
        %squeeze3A = vector.extract %slice3A[0] : i32 from vector<1xi32>
        %mul3A_418 = arith.constant 4 : i32
        %mul3A_419 = arith.muli %while3A_402, %mul3A_418 : i32
        %add3A_420 = arith.constant 1 : i32
        %add3A_421 = arith.addi %mul3A_419, %add3A_420 : i32
        %mul3A_422 = arith.constant 16 : i32
        %mul3A_423 = arith.muli %add3A_421, %mul3A_422 : i32
        %get3A_424 = arith.index_cast %mul3A_423 : i32 to index
        %get3A_425 = tpu.vector_load %arg13[%get3A_424] {strides = array<i32>} : memref<1600xi32, #tpu.memory_space<vmem>>, vector<16xi32>,
        %ge3A_426 = vector.broadcast %mul3A_255 : i32 to vector<16xi32>
        %ge3A_427 = arith.cmpi sge, %get3A_425, %ge3A_426 : vector<16xi32>
        %add3A_428 = arith.constant 2048 : i32
        %add3A_429 = arith.addi %mul3A_255, %add3A_428 : i32
        %lt3A_430 = vector.broadcast %add3A_429 : i32 to vector<16xi32>
        %lt3A_431 = arith.cmpi slt, %get3A_425, %lt3A_430 : vector<16xi32>
        %and3A_432 = arith.andi %ge3A_427, %lt3A_431 : vector<16xi1>
        %sub3A_433 = vector.broadcast %mul3A_255 : i32 to vector<16xi32>
        %sub3A_434 = arith.subi %get3A_425, %sub3A_433 : vector<16xi32>
        %all_reduce_population_count3A_435 = tpu.all_reduce %and3A_432 {dim = 0 : i64, kind = #tpu.reduction_kind<sum>} : vector<16xi1> -> vector<16xi32>
        %slice3A_436 = vector.extract_strided_slice %all_reduce_population_count3A_435 {offsets = [0], sizes = [1], strides = [1]} : vector<16xi32> to vector<1xi32>
        %squeeze3A_437 = vector.extract %slice3A_436[0] : i32 from vector<1xi32>
        %mul3A_438 = arith.constant 4 : i32
        %mul3A_439 = arith.muli %while3A_402, %mul3A_438 : i32
        %add3A_440 = arith.constant 2 : i32
        %add3A_441 = arith.addi %mul3A_439, %add3A_440 : i32
        %mul3A_442 = arith.constant 16 : i32
        %mul3A_443 = arith.muli %add3A_441, %mul3A_442 : i32
        %get3A_444 = arith.index_cast %mul3A_443 : i32 to index
        %get3A_445 = tpu.vector_load %arg13[%get3A_444] {strides = array<i32>} : memref<1600xi32, #tpu.memory_space<vmem>>, vector<16xi32>,
        %ge3A_446 = vector.broadcast %mul3A_255 : i32 to vector<16xi32>
        %ge3A_447 = arith.cmpi sge, %get3A_445, %ge3A_446 : vector<16xi32>
        %add3A_448 = arith.constant 2048 : i32
        %add3A_449 = arith.addi %mul3A_255, %add3A_448 : i32
        %lt3A_450 = vector.broadcast %add3A_449 : i32 to vector<16xi32>
        %lt3A_451 = arith.cmpi slt, %get3A_445, %lt3A_450 : vector<16xi32>
        %and3A_452 = arith.andi %ge3A_447, %lt3A_451 : vector<16xi1>
        %sub3A_453 = vector.broadcast %mul3A_255 : i32 to vector<16xi32>
        %sub3A_454 = arith.subi %get3A_445, %sub3A_453 : vector<16xi32>
        %all_reduce_population_count3A_455 = tpu.all_reduce %and3A_452 {dim = 0 : i64, kind = #tpu.reduction_kind<sum>} : vector<16xi1> -> vector<16xi32>
        %slice3A_456 = vector.extract_strided_slice %all_reduce_population_count3A_455 {offsets = [0], sizes = [1], strides = [1]} : vector<16xi32> to vector<1xi32>
        %squeeze3A_457 = vector.extract %slice3A_456[0] : i32 from vector<1xi32>
        %mul3A_458 = arith.constant 4 : i32
        %mul3A_459 = arith.muli %while3A_402, %mul3A_458 : i32
        %add3A_460 = arith.constant 3 : i32
        %add3A_461 = arith.addi %mul3A_459, %add3A_460 : i32
        %mul3A_462 = arith.constant 16 : i32
        %mul3A_463 = arith.muli %add3A_461, %mul3A_462 : i32
        %get3A_464 = arith.index_cast %mul3A_463 : i32 to index
        %get3A_465 = tpu.vector_load %arg13[%get3A_464] {strides = array<i32>} : memref<1600xi32, #tpu.memory_space<vmem>>, vector<16xi32>,
        %ge3A_466 = vector.broadcast %mul3A_255 : i32 to vector<16xi32>
        %ge3A_467 = arith.cmpi sge, %get3A_465, %ge3A_466 : vector<16xi32>
        %add3A_468 = arith.constant 2048 : i32
        %add3A_469 = arith.addi %mul3A_255, %add3A_468 : i32
        %lt3A_470 = vector.broadcast %add3A_469 : i32 to vector<16xi32>
        %lt3A_471 = arith.cmpi slt, %get3A_465, %lt3A_470 : vector<16xi32>
        %and3A_472 = arith.andi %ge3A_467, %lt3A_471 : vector<16xi1>
        %sub3A_473 = vector.broadcast %mul3A_255 : i32 to vector<16xi32>
        %sub3A_474 = arith.subi %get3A_465, %sub3A_473 : vector<16xi32>
        %all_reduce_population_count3A_475 = tpu.all_reduce %and3A_472 {dim = 0 : i64, kind = #tpu.reduction_kind<sum>} : vector<16xi1> -> vector<16xi32>
        %slice3A_476 = vector.extract_strided_slice %all_reduce_population_count3A_475 {offsets = [0], sizes = [1], strides = [1]} : vector<16xi32> to vector<1xi32>
        %squeeze3A_477 = vector.extract %slice3A_476[0] : i32 from vector<1xi32>
        %swap3A = arith.index_cast %while3A_403 : i32 to index
        %swap3A_478 = tpu.vector_load %arg15[%swap3A] masked %and3A_415 {strides = array<i32>} : memref<1600xi32, #tpu.memory_space<vmem>>, vector<16xi32>, vector<16xi1>
        tpu.vector_store %arg15[%swap3A], %sub3A_417 masked %and3A_415 {strides = array<i32>} : memref<1600xi32, #tpu.memory_space<vmem>>, vector<16xi32>, vector<16xi1>
        %mul3A_479 = arith.constant 4 : i32
        %mul3A_480 = arith.muli %while3A_402, %mul3A_479 : i32
        %add3A_481 = arith.constant 0 : i32
        %add3A_482 = arith.addi %mul3A_480, %add3A_481 : i32
        %mul3A_483 = arith.constant 16 : i32
        %mul3A_484 = arith.muli %add3A_482, %mul3A_483 : i32
        %add3A_485 = vector.broadcast %mul3A_484 : i32 to vector<16xi32>
        %add3A_486 = arith.addi %add3A_485, %iota3A : vector<16xi32>
        %swap3A_487 = arith.index_cast %while3A_403 : i32 to index
        %swap3A_488 = tpu.vector_load %arg16[%swap3A_487] masked %and3A_415 {strides = array<i32>} : memref<1600xi32, #tpu.memory_space<vmem>>, vector<16xi32>, vector<16xi1>
        tpu.vector_store %arg16[%swap3A_487], %add3A_486 masked %and3A_415 {strides = array<i32>} : memref<1600xi32, #tpu.memory_space<vmem>>, vector<16xi32>, vector<16xi1>
        %add3A_489 = arith.addi %while3A_403, %squeeze3A : i32
        %swap3A_490 = arith.index_cast %add3A_489 : i32 to index
        %swap3A_491 = tpu.vector_load %arg15[%swap3A_490] masked %and3A_432 {strides = array<i32>} : memref<1600xi32, #tpu.memory_space<vmem>>, vector<16xi32>, vector<16xi1>
        tpu.vector_store %arg15[%swap3A_490], %sub3A_434 masked %and3A_432 {strides = array<i32>} : memref<1600xi32, #tpu.memory_space<vmem>>, vector<16xi32>, vector<16xi1>
        %mul3A_492 = arith.constant 4 : i32
        %mul3A_493 = arith.muli %while3A_402, %mul3A_492 : i32
        %add3A_494 = arith.constant 1 : i32
        %add3A_495 = arith.addi %mul3A_493, %add3A_494 : i32
        %mul3A_496 = arith.constant 16 : i32
        %mul3A_497 = arith.muli %add3A_495, %mul3A_496 : i32
        %add3A_498 = vector.broadcast %mul3A_497 : i32 to vector<16xi32>
        %add3A_499 = arith.addi %add3A_498, %iota3A : vector<16xi32>
        %swap3A_500 = arith.index_cast %add3A_489 : i32 to index
        %swap3A_501 = tpu.vector_load %arg16[%swap3A_500] masked %and3A_432 {strides = array<i32>} : memref<1600xi32, #tpu.memory_space<vmem>>, vector<16xi32>, vector<16xi1>
        tpu.vector_store %arg16[%swap3A_500], %add3A_499 masked %and3A_432 {strides = array<i32>} : memref<1600xi32, #tpu.memory_space<vmem>>, vector<16xi32>, vector<16xi1>
        %add3A_502 = arith.addi %add3A_489, %squeeze3A_437 : i32
        %swap3A_503 = arith.index_cast %add3A_502 : i32 to index
        %swap3A_504 = tpu.vector_load %arg15[%swap3A_503] masked %and3A_452 {strides = array<i32>} : memref<1600xi32, #tpu.memory_space<vmem>>, vector<16xi32>, vector<16xi1>
        tpu.vector_store %arg15[%swap3A_503], %sub3A_454 masked %and3A_452 {strides = array<i32>} : memref<1600xi32, #tpu.memory_space<vmem>>, vector<16xi32>, vector<16xi1>
        %mul3A_505 = arith.constant 4 : i32
        %mul3A_506 = arith.muli %while3A_402, %mul3A_505 : i32
        %add3A_507 = arith.constant 2 : i32
        %add3A_508 = arith.addi %mul3A_506, %add3A_507 : i32
        %mul3A_509 = arith.constant 16 : i32
        %mul3A_510 = arith.muli %add3A_508, %mul3A_509 : i32
        %add3A_511 = vector.broadcast %mul3A_510 : i32 to vector<16xi32>
        %add3A_512 = arith.addi %add3A_511, %iota3A : vector<16xi32>
        %swap3A_513 = arith.index_cast %add3A_502 : i32 to index
        %swap3A_514 = tpu.vector_load %arg16[%swap3A_513] masked %and3A_452 {strides = array<i32>} : memref<1600xi32, #tpu.memory_space<vmem>>, vector<16xi32>, vector<16xi1>
        tpu.vector_store %arg16[%swap3A_513], %add3A_512 masked %and3A_452 {strides = array<i32>} : memref<1600xi32, #tpu.memory_space<vmem>>, vector<16xi32>, vector<16xi1>
        %add3A_515 = arith.addi %add3A_502, %squeeze3A_457 : i32
        %swap3A_516 = arith.index_cast %add3A_515 : i32 to index
        %swap3A_517 = tpu.vector_load %arg15[%swap3A_516] masked %and3A_472 {strides = array<i32>} : memref<1600xi32, #tpu.memory_space<vmem>>, vector<16xi32>, vector<16xi1>
        tpu.vector_store %arg15[%swap3A_516], %sub3A_474 masked %and3A_472 {strides = array<i32>} : memref<1600xi32, #tpu.memory_space<vmem>>, vector<16xi32>, vector<16xi1>
        %mul3A_518 = arith.constant 4 : i32
        %mul3A_519 = arith.muli %while3A_402, %mul3A_518 : i32
        %add3A_520 = arith.constant 3 : i32
        %add3A_521 = arith.addi %mul3A_519, %add3A_520 : i32
        %mul3A_522 = arith.constant 16 : i32
        %mul3A_523 = arith.muli %add3A_521, %mul3A_522 : i32
        %add3A_524 = vector.broadcast %mul3A_523 : i32 to vector<16xi32>
        %add3A_525 = arith.addi %add3A_524, %iota3A : vector<16xi32>
        %swap3A_526 = arith.index_cast %add3A_515 : i32 to index
        %swap3A_527 = tpu.vector_load %arg16[%swap3A_526] masked %and3A_472 {strides = array<i32>} : memref<1600xi32, #tpu.memory_space<vmem>>, vector<16xi32>, vector<16xi1>
        tpu.vector_store %arg16[%swap3A_526], %add3A_525 masked %and3A_472 {strides = array<i32>} : memref<1600xi32, #tpu.memory_space<vmem>>, vector<16xi32>, vector<16xi1>
        %add3A_528 = arith.addi %add3A_515, %squeeze3A_477 : i32
        scf.yield %add3A_528 : i32
      }
      %add3A_267 = arith.constant 16 : i32
      %add3A_268 = arith.addi %while3A_266, %add3A_267 : i32
      %sub3A_269 = arith.constant 1 : i32
      %sub3A_270 = arith.subi %add3A_268, %sub3A_269 : i32
      %jit3A_271 = arith.constant 16 : i32
      %div3A_272 = arith.divsi %sub3A_270, %jit3A_271 : i32
      %sign3A_273 = arith.constant 0 : i32
      %sign3A_274 = arith.cmpi sgt, %sub3A_270, %sign3A_273 : i32
      %sign3A_275 = arith.extui %sign3A_274 : i1 to i32
      %sign3A_276 = arith.constant 0 : i32
      %sign3A_277 = arith.cmpi slt, %sub3A_270, %sign3A_276 : i32
      %sign3A_278 = arith.extui %sign3A_277 : i1 to i32
      %sign3A_279 = arith.subi %sign3A_275, %sign3A_278 : i32
      %sign3A_280 = arith.constant 0 : i32
      %sign3A_281 = arith.cmpi sgt, %jit3A_271, %sign3A_280 : i32
      %sign3A_282 = arith.extui %sign3A_281 : i1 to i32
      %sign3A_283 = arith.constant 0 : i32
      %sign3A_284 = arith.cmpi slt, %jit3A_271, %sign3A_283 : i32
      %sign3A_285 = arith.extui %sign3A_284 : i1 to i32
      %sign3A_286 = arith.subi %sign3A_282, %sign3A_285 : i32
      %ne3A_287 = arith.cmpi ne, %sign3A_279, %sign3A_286 : i32
      %rem3A_288 = arith.remsi %sub3A_270, %jit3A_271 : i32
      %ne3A_289 = arith.constant 0 : i32
      %ne3A_290 = arith.cmpi ne, %rem3A_288, %ne3A_289 : i32
      %and3A_291 = arith.andi %ne3A_287, %ne3A_290 : i1
      %sub3A_292 = arith.constant 1 : i32
      %sub3A_293 = arith.subi %div3A_272, %sub3A_292 : i32
      %select_n3A_294 = arith.select %and3A_291, %sub3A_293, %div3A_272 : i32
      %while3A_295 = arith.constant 0 : i32
      %while3A_296 = arith.constant 0 : i32
      %while3A_297 = arith.subi %select_n3A_294, %while3A_296 : i32
      %while3A_298 = arith.addi %while3A_296, %while3A_297 : i32
      %while3A_299 = arith.constant 1 : i32
      %while3A_300 = arith.divsi %while3A_297, %while3A_299 : i32
      %while3A_301 = arith.muli %while3A_300, %while3A_299 : i32
      %while3A_302 = arith.addi %while3A_296, %while3A_301 : i32
      %while3A_303 = arith.constant 1 : i32
      scf.for %while3A_402 = %while3A_296 to %while3A_302 step %while3A_303  : i32 {
        %mul3A_403 = arith.constant 16 : i32
        %mul3A_404 = arith.muli %while3A_402, %mul3A_403 : i32
        %get3A = arith.index_cast %mul3A_404 : i32 to index
        %get3A_405 = tpu.vector_load %arg15[%get3A] {strides = array<i32>} : memref<1600xi32, #tpu.memory_space<vmem>>, vector<16xi32>,
        %mul3A_406 = arith.constant 16 : i32
        %mul3A_407 = arith.muli %while3A_402, %mul3A_406 : i32
        %get3A_408 = arith.index_cast %mul3A_407 : i32 to index
        %get3A_409 = tpu.vector_load %arg16[%get3A_408] {strides = array<i32>} : memref<1600xi32, #tpu.memory_space<vmem>>, vector<16xi32>,
        %mul3A_410 = arith.constant 16 : i32
        %mul3A_411 = arith.muli %while3A_402, %mul3A_410 : i32
        %add3A_412 = vector.broadcast %mul3A_411 : i32 to vector<16xi32>
        %add3A_413 = arith.addi %add3A_412, %iota3A : vector<16xi32>
        %lt3A = vector.broadcast %while3A_266 : i32 to vector<16xi32>
        %lt3A_414 = arith.cmpi slt, %add3A_413, %lt3A : vector<16xi32>
        %mul3A_415 = arith.constant 16 : i32
        %mul3A_416 = vector.broadcast %mul3A_415 : i32 to vector<16xi32>
        %mul3A_417 = arith.muli %get3A_409, %mul3A_416 : vector<16xi32>
        %gather3A = tpu.vector_load_idx %arg11[%broadcast_in_dim3A_10, %get3A_405] masked %lt3A_414 : memref<16x2048xf32, #tpu.memory_space<vmem>>[vector<16xi32>, vector<16xi32>], vector<16xf32>, vector<16xi1>
        %add3A_418 = arith.constant 0 : i32
        %add3A_419 = vector.broadcast %add3A_418 : i32 to vector<16xi32>
        %add3A_420 = arith.addi %mul3A_417, %add3A_419 : vector<16xi32>
        tpu.vector_store_idx %arg17[%add3A_420], %gather3A masked %lt3A_414 : memref<24576xf32, #tpu.memory_space<vmem>>[vector<16xi32>], vector<16xf32>, vector<16xi1>
        %gather3A_421 = tpu.vector_load_idx %arg11[%broadcast_in_dim3A_12, %get3A_405] masked %lt3A_414 : memref<16x2048xf32, #tpu.memory_space<vmem>>[vector<16xi32>, vector<16xi32>], vector<16xf32>, vector<16xi1>
        %add3A_422 = arith.constant 1 : i32
        %add3A_423 = vector.broadcast %add3A_422 : i32 to vector<16xi32>
        %add3A_424 = arith.addi %mul3A_417, %add3A_423 : vector<16xi32>
        tpu.vector_store_idx %arg17[%add3A_424], %gather3A_421 masked %lt3A_414 : memref<24576xf32, #tpu.memory_space<vmem>>[vector<16xi32>], vector<16xf32>, vector<16xi1>
        %gather3A_425 = tpu.vector_load_idx %arg11[%broadcast_in_dim3A_14, %get3A_405] masked %lt3A_414 : memref<16x2048xf32, #tpu.memory_space<vmem>>[vector<16xi32>, vector<16xi32>], vector<16xf32>, vector<16xi1>
        %add3A_426 = arith.constant 2 : i32
        %add3A_427 = vector.broadcast %add3A_426 : i32 to vector<16xi32>
        %add3A_428 = arith.addi %mul3A_417, %add3A_427 : vector<16xi32>
        tpu.vector_store_idx %arg17[%add3A_428], %gather3A_425 masked %lt3A_414 : memref<24576xf32, #tpu.memory_space<vmem>>[vector<16xi32>], vector<16xf32>, vector<16xi1>
        %gather3A_429 = tpu.vector_load_idx %arg11[%broadcast_in_dim3A_16, %get3A_405] masked %lt3A_414 : memref<16x2048xf32, #tpu.memory_space<vmem>>[vector<16xi32>, vector<16xi32>], vector<16xf32>, vector<16xi1>
        %add3A_430 = arith.constant 3 : i32
        %add3A_431 = vector.broadcast %add3A_430 : i32 to vector<16xi32>
        %add3A_432 = arith.addi %mul3A_417, %add3A_431 : vector<16xi32>
        tpu.vector_store_idx %arg17[%add3A_432], %gather3A_429 masked %lt3A_414 : memref<24576xf32, #tpu.memory_space<vmem>>[vector<16xi32>], vector<16xf32>, vector<16xi1>
        %gather3A_433 = tpu.vector_load_idx %arg11[%broadcast_in_dim3A_18, %get3A_405] masked %lt3A_414 : memref<16x2048xf32, #tpu.memory_space<vmem>>[vector<16xi32>, vector<16xi32>], vector<16xf32>, vector<16xi1>
        %add3A_434 = arith.constant 4 : i32
        %add3A_435 = vector.broadcast %add3A_434 : i32 to vector<16xi32>
        %add3A_436 = arith.addi %mul3A_417, %add3A_435 : vector<16xi32>
        tpu.vector_store_idx %arg17[%add3A_436], %gather3A_433 masked %lt3A_414 : memref<24576xf32, #tpu.memory_space<vmem>>[vector<16xi32>], vector<16xf32>, vector<16xi1>
        %gather3A_437 = tpu.vector_load_idx %arg11[%broadcast_in_dim3A_20, %get3A_405] masked %lt3A_414 : memref<16x2048xf32, #tpu.memory_space<vmem>>[vector<16xi32>, vector<16xi32>], vector<16xf32>, vector<16xi1>
        %add3A_438 = arith.constant 5 : i32
        %add3A_439 = vector.broadcast %add3A_438 : i32 to vector<16xi32>
        %add3A_440 = arith.addi %mul3A_417, %add3A_439 : vector<16xi32>
        tpu.vector_store_idx %arg17[%add3A_440], %gather3A_437 masked %lt3A_414 : memref<24576xf32, #tpu.memory_space<vmem>>[vector<16xi32>], vector<16xf32>, vector<16xi1>
        %gather3A_441 = tpu.vector_load_idx %arg11[%broadcast_in_dim3A_22, %get3A_405] masked %lt3A_414 : memref<16x2048xf32, #tpu.memory_space<vmem>>[vector<16xi32>, vector<16xi32>], vector<16xf32>, vector<16xi1>
        %add3A_442 = arith.constant 6 : i32
        %add3A_443 = vector.broadcast %add3A_442 : i32 to vector<16xi32>
        %add3A_444 = arith.addi %mul3A_417, %add3A_443 : vector<16xi32>
        tpu.vector_store_idx %arg17[%add3A_444], %gather3A_441 masked %lt3A_414 : memref<24576xf32, #tpu.memory_space<vmem>>[vector<16xi32>], vector<16xf32>, vector<16xi1>
        %gather3A_445 = tpu.vector_load_idx %arg11[%broadcast_in_dim3A_24, %get3A_405] masked %lt3A_414 : memref<16x2048xf32, #tpu.memory_space<vmem>>[vector<16xi32>, vector<16xi32>], vector<16xf32>, vector<16xi1>
        %add3A_446 = arith.constant 7 : i32
        %add3A_447 = vector.broadcast %add3A_446 : i32 to vector<16xi32>
        %add3A_448 = arith.addi %mul3A_417, %add3A_447 : vector<16xi32>
        tpu.vector_store_idx %arg17[%add3A_448], %gather3A_445 masked %lt3A_414 : memref<24576xf32, #tpu.memory_space<vmem>>[vector<16xi32>], vector<16xf32>, vector<16xi1>
        %gather3A_449 = tpu.vector_load_idx %arg11[%broadcast_in_dim3A_26, %get3A_405] masked %lt3A_414 : memref<16x2048xf32, #tpu.memory_space<vmem>>[vector<16xi32>, vector<16xi32>], vector<16xf32>, vector<16xi1>
        %add3A_450 = arith.constant 8 : i32
        %add3A_451 = vector.broadcast %add3A_450 : i32 to vector<16xi32>
        %add3A_452 = arith.addi %mul3A_417, %add3A_451 : vector<16xi32>
        tpu.vector_store_idx %arg17[%add3A_452], %gather3A_449 masked %lt3A_414 : memref<24576xf32, #tpu.memory_space<vmem>>[vector<16xi32>], vector<16xf32>, vector<16xi1>
        %gather3A_453 = tpu.vector_load_idx %arg11[%broadcast_in_dim3A_28, %get3A_405] masked %lt3A_414 : memref<16x2048xf32, #tpu.memory_space<vmem>>[vector<16xi32>, vector<16xi32>], vector<16xf32>, vector<16xi1>
        %add3A_454 = arith.constant 9 : i32
        %add3A_455 = vector.broadcast %add3A_454 : i32 to vector<16xi32>
        %add3A_456 = arith.addi %mul3A_417, %add3A_455 : vector<16xi32>
        tpu.vector_store_idx %arg17[%add3A_456], %gather3A_453 masked %lt3A_414 : memref<24576xf32, #tpu.memory_space<vmem>>[vector<16xi32>], vector<16xf32>, vector<16xi1>
        %gather3A_457 = tpu.vector_load_idx %arg11[%broadcast_in_dim3A_30, %get3A_405] masked %lt3A_414 : memref<16x2048xf32, #tpu.memory_space<vmem>>[vector<16xi32>, vector<16xi32>], vector<16xf32>, vector<16xi1>
        %add3A_458 = arith.constant 10 : i32
        %add3A_459 = vector.broadcast %add3A_458 : i32 to vector<16xi32>
        %add3A_460 = arith.addi %mul3A_417, %add3A_459 : vector<16xi32>
        tpu.vector_store_idx %arg17[%add3A_460], %gather3A_457 masked %lt3A_414 : memref<24576xf32, #tpu.memory_space<vmem>>[vector<16xi32>], vector<16xf32>, vector<16xi1>
        %gather3A_461 = tpu.vector_load_idx %arg11[%broadcast_in_dim3A_32, %get3A_405] masked %lt3A_414 : memref<16x2048xf32, #tpu.memory_space<vmem>>[vector<16xi32>, vector<16xi32>], vector<16xf32>, vector<16xi1>
        %add3A_462 = arith.constant 11 : i32
        %add3A_463 = vector.broadcast %add3A_462 : i32 to vector<16xi32>
        %add3A_464 = arith.addi %mul3A_417, %add3A_463 : vector<16xi32>
        tpu.vector_store_idx %arg17[%add3A_464], %gather3A_461 masked %lt3A_414 : memref<24576xf32, #tpu.memory_space<vmem>>[vector<16xi32>], vector<16xf32>, vector<16xi1>
        %gather3A_465 = tpu.vector_load_idx %arg11[%broadcast_in_dim3A_34, %get3A_405] masked %lt3A_414 : memref<16x2048xf32, #tpu.memory_space<vmem>>[vector<16xi32>, vector<16xi32>], vector<16xf32>, vector<16xi1>
        %add3A_466 = arith.constant 12 : i32
        %add3A_467 = vector.broadcast %add3A_466 : i32 to vector<16xi32>
        %add3A_468 = arith.addi %mul3A_417, %add3A_467 : vector<16xi32>
        tpu.vector_store_idx %arg17[%add3A_468], %gather3A_465 masked %lt3A_414 : memref<24576xf32, #tpu.memory_space<vmem>>[vector<16xi32>], vector<16xf32>, vector<16xi1>
        %gather3A_469 = tpu.vector_load_idx %arg11[%broadcast_in_dim3A_36, %get3A_405] masked %lt3A_414 : memref<16x2048xf32, #tpu.memory_space<vmem>>[vector<16xi32>, vector<16xi32>], vector<16xf32>, vector<16xi1>
        %add3A_470 = arith.constant 13 : i32
        %add3A_471 = vector.broadcast %add3A_470 : i32 to vector<16xi32>
        %add3A_472 = arith.addi %mul3A_417, %add3A_471 : vector<16xi32>
        tpu.vector_store_idx %arg17[%add3A_472], %gather3A_469 masked %lt3A_414 : memref<24576xf32, #tpu.memory_space<vmem>>[vector<16xi32>], vector<16xf32>, vector<16xi1>
        %gather3A_473 = tpu.vector_load_idx %arg11[%broadcast_in_dim3A_38, %get3A_405] masked %lt3A_414 : memref<16x2048xf32, #tpu.memory_space<vmem>>[vector<16xi32>, vector<16xi32>], vector<16xf32>, vector<16xi1>
        %add3A_474 = arith.constant 14 : i32
        %add3A_475 = vector.broadcast %add3A_474 : i32 to vector<16xi32>
        %add3A_476 = arith.addi %mul3A_417, %add3A_475 : vector<16xi32>
        tpu.vector_store_idx %arg17[%add3A_476], %gather3A_473 masked %lt3A_414 : memref<24576xf32, #tpu.memory_space<vmem>>[vector<16xi32>], vector<16xf32>, vector<16xi1>
        %gather3A_477 = tpu.vector_load_idx %arg11[%broadcast_in_dim3A_40, %get3A_405] masked %lt3A_414 : memref<16x2048xf32, #tpu.memory_space<vmem>>[vector<16xi32>, vector<16xi32>], vector<16xf32>, vector<16xi1>
        %add3A_478 = arith.constant 15 : i32
        %add3A_479 = vector.broadcast %add3A_478 : i32 to vector<16xi32>
        %add3A_480 = arith.addi %mul3A_417, %add3A_479 : vector<16xi32>
        tpu.vector_store_idx %arg17[%add3A_480], %gather3A_477 masked %lt3A_414 : memref<24576xf32, #tpu.memory_space<vmem>>[vector<16xi32>], vector<16xf32>, vector<16xi1>
      }
      %while3A_304 = arith.constant 1 : i32
      scf.for %while3A_402 = %while3A_302 to %while3A_298 step %while3A_304  : i32 {
        %mul3A_403 = arith.constant 16 : i32
        %mul3A_404 = arith.muli %while3A_402, %mul3A_403 : i32
        %get3A = arith.index_cast %mul3A_404 : i32 to index
        %get3A_405 = tpu.vector_load %arg15[%get3A] {strides = array<i32>} : memref<1600xi32, #tpu.memory_space<vmem>>, vector<16xi32>,
        %mul3A_406 = arith.constant 16 : i32
        %mul3A_407 = arith.muli %while3A_402, %mul3A_406 : i32
        %get3A_408 = arith.index_cast %mul3A_407 : i32 to index
        %get3A_409 = tpu.vector_load %arg16[%get3A_408] {strides = array<i32>} : memref<1600xi32, #tpu.memory_space<vmem>>, vector<16xi32>,
        %mul3A_410 = arith.constant 16 : i32
        %mul3A_411 = arith.muli %while3A_402, %mul3A_410 : i32
        %add3A_412 = vector.broadcast %mul3A_411 : i32 to vector<16xi32>
        %add3A_413 = arith.addi %add3A_412, %iota3A : vector<16xi32>
        %lt3A = vector.broadcast %while3A_266 : i32 to vector<16xi32>
        %lt3A_414 = arith.cmpi slt, %add3A_413, %lt3A : vector<16xi32>
        %mul3A_415 = arith.constant 16 : i32
        %mul3A_416 = vector.broadcast %mul3A_415 : i32 to vector<16xi32>
        %mul3A_417 = arith.muli %get3A_409, %mul3A_416 : vector<16xi32>
        %gather3A = tpu.vector_load_idx %arg11[%broadcast_in_dim3A_10, %get3A_405] masked %lt3A_414 : memref<16x2048xf32, #tpu.memory_space<vmem>>[vector<16xi32>, vector<16xi32>], vector<16xf32>, vector<16xi1>
        %add3A_418 = arith.constant 0 : i32
        %add3A_419 = vector.broadcast %add3A_418 : i32 to vector<16xi32>
        %add3A_420 = arith.addi %mul3A_417, %add3A_419 : vector<16xi32>
        tpu.vector_store_idx %arg17[%add3A_420], %gather3A masked %lt3A_414 : memref<24576xf32, #tpu.memory_space<vmem>>[vector<16xi32>], vector<16xf32>, vector<16xi1>
        %gather3A_421 = tpu.vector_load_idx %arg11[%broadcast_in_dim3A_12, %get3A_405] masked %lt3A_414 : memref<16x2048xf32, #tpu.memory_space<vmem>>[vector<16xi32>, vector<16xi32>], vector<16xf32>, vector<16xi1>
        %add3A_422 = arith.constant 1 : i32
        %add3A_423 = vector.broadcast %add3A_422 : i32 to vector<16xi32>
        %add3A_424 = arith.addi %mul3A_417, %add3A_423 : vector<16xi32>
        tpu.vector_store_idx %arg17[%add3A_424], %gather3A_421 masked %lt3A_414 : memref<24576xf32, #tpu.memory_space<vmem>>[vector<16xi32>], vector<16xf32>, vector<16xi1>
        %gather3A_425 = tpu.vector_load_idx %arg11[%broadcast_in_dim3A_14, %get3A_405] masked %lt3A_414 : memref<16x2048xf32, #tpu.memory_space<vmem>>[vector<16xi32>, vector<16xi32>], vector<16xf32>, vector<16xi1>
        %add3A_426 = arith.constant 2 : i32
        %add3A_427 = vector.broadcast %add3A_426 : i32 to vector<16xi32>
        %add3A_428 = arith.addi %mul3A_417, %add3A_427 : vector<16xi32>
        tpu.vector_store_idx %arg17[%add3A_428], %gather3A_425 masked %lt3A_414 : memref<24576xf32, #tpu.memory_space<vmem>>[vector<16xi32>], vector<16xf32>, vector<16xi1>
        %gather3A_429 = tpu.vector_load_idx %arg11[%broadcast_in_dim3A_16, %get3A_405] masked %lt3A_414 : memref<16x2048xf32, #tpu.memory_space<vmem>>[vector<16xi32>, vector<16xi32>], vector<16xf32>, vector<16xi1>
        %add3A_430 = arith.constant 3 : i32
        %add3A_431 = vector.broadcast %add3A_430 : i32 to vector<16xi32>
        %add3A_432 = arith.addi %mul3A_417, %add3A_431 : vector<16xi32>
        tpu.vector_store_idx %arg17[%add3A_432], %gather3A_429 masked %lt3A_414 : memref<24576xf32, #tpu.memory_space<vmem>>[vector<16xi32>], vector<16xf32>, vector<16xi1>
        %gather3A_433 = tpu.vector_load_idx %arg11[%broadcast_in_dim3A_18, %get3A_405] masked %lt3A_414 : memref<16x2048xf32, #tpu.memory_space<vmem>>[vector<16xi32>, vector<16xi32>], vector<16xf32>, vector<16xi1>
        %add3A_434 = arith.constant 4 : i32
        %add3A_435 = vector.broadcast %add3A_434 : i32 to vector<16xi32>
        %add3A_436 = arith.addi %mul3A_417, %add3A_435 : vector<16xi32>
        tpu.vector_store_idx %arg17[%add3A_436], %gather3A_433 masked %lt3A_414 : memref<24576xf32, #tpu.memory_space<vmem>>[vector<16xi32>], vector<16xf32>, vector<16xi1>
        %gather3A_437 = tpu.vector_load_idx %arg11[%broadcast_in_dim3A_20, %get3A_405] masked %lt3A_414 : memref<16x2048xf32, #tpu.memory_space<vmem>>[vector<16xi32>, vector<16xi32>], vector<16xf32>, vector<16xi1>
        %add3A_438 = arith.constant 5 : i32
        %add3A_439 = vector.broadcast %add3A_438 : i32 to vector<16xi32>
        %add3A_440 = arith.addi %mul3A_417, %add3A_439 : vector<16xi32>
        tpu.vector_store_idx %arg17[%add3A_440], %gather3A_437 masked %lt3A_414 : memref<24576xf32, #tpu.memory_space<vmem>>[vector<16xi32>], vector<16xf32>, vector<16xi1>
        %gather3A_441 = tpu.vector_load_idx %arg11[%broadcast_in_dim3A_22, %get3A_405] masked %lt3A_414 : memref<16x2048xf32, #tpu.memory_space<vmem>>[vector<16xi32>, vector<16xi32>], vector<16xf32>, vector<16xi1>
        %add3A_442 = arith.constant 6 : i32
        %add3A_443 = vector.broadcast %add3A_442 : i32 to vector<16xi32>
        %add3A_444 = arith.addi %mul3A_417, %add3A_443 : vector<16xi32>
        tpu.vector_store_idx %arg17[%add3A_444], %gather3A_441 masked %lt3A_414 : memref<24576xf32, #tpu.memory_space<vmem>>[vector<16xi32>], vector<16xf32>, vector<16xi1>
        %gather3A_445 = tpu.vector_load_idx %arg11[%broadcast_in_dim3A_24, %get3A_405] masked %lt3A_414 : memref<16x2048xf32, #tpu.memory_space<vmem>>[vector<16xi32>, vector<16xi32>], vector<16xf32>, vector<16xi1>
        %add3A_446 = arith.constant 7 : i32
        %add3A_447 = vector.broadcast %add3A_446 : i32 to vector<16xi32>
        %add3A_448 = arith.addi %mul3A_417, %add3A_447 : vector<16xi32>
        tpu.vector_store_idx %arg17[%add3A_448], %gather3A_445 masked %lt3A_414 : memref<24576xf32, #tpu.memory_space<vmem>>[vector<16xi32>], vector<16xf32>, vector<16xi1>
        %gather3A_449 = tpu.vector_load_idx %arg11[%broadcast_in_dim3A_26, %get3A_405] masked %lt3A_414 : memref<16x2048xf32, #tpu.memory_space<vmem>>[vector<16xi32>, vector<16xi32>], vector<16xf32>, vector<16xi1>
        %add3A_450 = arith.constant 8 : i32
        %add3A_451 = vector.broadcast %add3A_450 : i32 to vector<16xi32>
        %add3A_452 = arith.addi %mul3A_417, %add3A_451 : vector<16xi32>
        tpu.vector_store_idx %arg17[%add3A_452], %gather3A_449 masked %lt3A_414 : memref<24576xf32, #tpu.memory_space<vmem>>[vector<16xi32>], vector<16xf32>, vector<16xi1>
        %gather3A_453 = tpu.vector_load_idx %arg11[%broadcast_in_dim3A_28, %get3A_405] masked %lt3A_414 : memref<16x2048xf32, #tpu.memory_space<vmem>>[vector<16xi32>, vector<16xi32>], vector<16xf32>, vector<16xi1>
        %add3A_454 = arith.constant 9 : i32
        %add3A_455 = vector.broadcast %add3A_454 : i32 to vector<16xi32>
        %add3A_456 = arith.addi %mul3A_417, %add3A_455 : vector<16xi32>
        tpu.vector_store_idx %arg17[%add3A_456], %gather3A_453 masked %lt3A_414 : memref<24576xf32, #tpu.memory_space<vmem>>[vector<16xi32>], vector<16xf32>, vector<16xi1>
        %gather3A_457 = tpu.vector_load_idx %arg11[%broadcast_in_dim3A_30, %get3A_405] masked %lt3A_414 : memref<16x2048xf32, #tpu.memory_space<vmem>>[vector<16xi32>, vector<16xi32>], vector<16xf32>, vector<16xi1>
        %add3A_458 = arith.constant 10 : i32
        %add3A_459 = vector.broadcast %add3A_458 : i32 to vector<16xi32>
        %add3A_460 = arith.addi %mul3A_417, %add3A_459 : vector<16xi32>
        tpu.vector_store_idx %arg17[%add3A_460], %gather3A_457 masked %lt3A_414 : memref<24576xf32, #tpu.memory_space<vmem>>[vector<16xi32>], vector<16xf32>, vector<16xi1>
        %gather3A_461 = tpu.vector_load_idx %arg11[%broadcast_in_dim3A_32, %get3A_405] masked %lt3A_414 : memref<16x2048xf32, #tpu.memory_space<vmem>>[vector<16xi32>, vector<16xi32>], vector<16xf32>, vector<16xi1>
        %add3A_462 = arith.constant 11 : i32
        %add3A_463 = vector.broadcast %add3A_462 : i32 to vector<16xi32>
        %add3A_464 = arith.addi %mul3A_417, %add3A_463 : vector<16xi32>
        tpu.vector_store_idx %arg17[%add3A_464], %gather3A_461 masked %lt3A_414 : memref<24576xf32, #tpu.memory_space<vmem>>[vector<16xi32>], vector<16xf32>, vector<16xi1>
        %gather3A_465 = tpu.vector_load_idx %arg11[%broadcast_in_dim3A_34, %get3A_405] masked %lt3A_414 : memref<16x2048xf32, #tpu.memory_space<vmem>>[vector<16xi32>, vector<16xi32>], vector<16xf32>, vector<16xi1>
        %add3A_466 = arith.constant 12 : i32
        %add3A_467 = vector.broadcast %add3A_466 : i32 to vector<16xi32>
        %add3A_468 = arith.addi %mul3A_417, %add3A_467 : vector<16xi32>
        tpu.vector_store_idx %arg17[%add3A_468], %gather3A_465 masked %lt3A_414 : memref<24576xf32, #tpu.memory_space<vmem>>[vector<16xi32>], vector<16xf32>, vector<16xi1>
        %gather3A_469 = tpu.vector_load_idx %arg11[%broadcast_in_dim3A_36, %get3A_405] masked %lt3A_414 : memref<16x2048xf32, #tpu.memory_space<vmem>>[vector<16xi32>, vector<16xi32>], vector<16xf32>, vector<16xi1>
        %add3A_470 = arith.constant 13 : i32
        %add3A_471 = vector.broadcast %add3A_470 : i32 to vector<16xi32>
        %add3A_472 = arith.addi %mul3A_417, %add3A_471 : vector<16xi32>
        tpu.vector_store_idx %arg17[%add3A_472], %gather3A_469 masked %lt3A_414 : memref<24576xf32, #tpu.memory_space<vmem>>[vector<16xi32>], vector<16xf32>, vector<16xi1>
        %gather3A_473 = tpu.vector_load_idx %arg11[%broadcast_in_dim3A_38, %get3A_405] masked %lt3A_414 : memref<16x2048xf32, #tpu.memory_space<vmem>>[vector<16xi32>, vector<16xi32>], vector<16xf32>, vector<16xi1>
        %add3A_474 = arith.constant 14 : i32
        %add3A_475 = vector.broadcast %add3A_474 : i32 to vector<16xi32>
        %add3A_476 = arith.addi %mul3A_417, %add3A_475 : vector<16xi32>
        tpu.vector_store_idx %arg17[%add3A_476], %gather3A_473 masked %lt3A_414 : memref<24576xf32, #tpu.memory_space<vmem>>[vector<16xi32>], vector<16xf32>, vector<16xi1>
        %gather3A_477 = tpu.vector_load_idx %arg11[%broadcast_in_dim3A_40, %get3A_405] masked %lt3A_414 : memref<16x2048xf32, #tpu.memory_space<vmem>>[vector<16xi32>, vector<16xi32>], vector<16xf32>, vector<16xi1>
        %add3A_478 = arith.constant 15 : i32
        %add3A_479 = vector.broadcast %add3A_478 : i32 to vector<16xi32>
        %add3A_480 = arith.addi %mul3A_417, %add3A_479 : vector<16xi32>
        tpu.vector_store_idx %arg17[%add3A_480], %gather3A_477 masked %lt3A_414 : memref<24576xf32, #tpu.memory_space<vmem>>[vector<16xi32>], vector<16xf32>, vector<16xi1>
      }
      %add3A_305 = arith.constant 2 : i32
      %add3A_306 = arith.addi %mul3A_210, %add3A_305 : i32
      %mul3A_307 = arith.constant 16 : i32
      %mul3A_308 = arith.muli %add3A_306, %mul3A_307 : i32
      %add3A_309 = arith.addi %mul3A_2, %mul3A_308 : i32
      %sub3A_310 = arith.constant 16 : i32
      %sub3A_311 = arith.subi %add3A_5, %sub3A_310 : i32
      %min3A_312 = arith.minsi %add3A_309, %sub3A_311 : i32
      %mul3A_313 = arith.constant 128 : i32
      %mul3A_314 = arith.muli %min3A_312, %mul3A_313 : i32
      %multiple_of3A_315 = tpu.assume_multiple %mul3A_314, 128 : i32
      %dma_start3A_316 = arith.constant 0 : i32
      %dma_start3A_317 = arith.constant 0 : i32
      %dma_start3A_318 = tpu.memref_slice %arg11[%dma_start3A_316, %dma_start3A_317] : memref<16x2048xf32, #tpu.memory_space<vmem>> -> memref<8x2048xf32, #tpu.memory_space<vmem>>
      %dma_start3A_319 = arith.constant 0 : i32
      %dma_start3A_320 = tpu.memref_slice %arg4[%dma_start3A_319, %multiple_of3A_315] : memref<16x1000000xf32, #tpu.memory_space<hbm>> -> memref<8x2048xf32, #tpu.memory_space<hbm>>
      %dma_start3A_321 = arith.constant 0 : i32
      %dma_start3A_322 = arith.constant 0 : i32
      %dma_start3A_323 = tpu.memref_slice %arg11[%dma_start3A_321, %dma_start3A_322] : memref<16x2048xf32, #tpu.memory_space<vmem>> -> memref<8x2048xf32, #tpu.memory_space<vmem>>
      %dma_start3A_324 = arith.constant 0 : i32
      %dma_start3A_325 = tpu.memref_slice %arg4[%dma_start3A_324, %multiple_of3A_315] : memref<16x1000000xf32, #tpu.memory_space<hbm>> -> memref<8x2048xf32, #tpu.memory_space<hbm>>
      tpu.enqueue_dma source(%dma_start3A_325 : memref<8x2048xf32, #tpu.memory_space<hbm>>) target(%dma_start3A_323 : memref<8x2048xf32, #tpu.memory_space<vmem>>) target_semaphore(%arg18 : memref<!tpu.dma_semaphore, #tpu.memory_space<semaphore_mem>>)
      %dma_start3A_326 = arith.constant 8 : i32
      %dma_start3A_327 = arith.constant 0 : i32
      %dma_start3A_328 = tpu.memref_slice %arg11[%dma_start3A_326, %dma_start3A_327] : memref<16x2048xf32, #tpu.memory_space<vmem>> -> memref<8x2048xf32, #tpu.memory_space<vmem>>
      %dma_start3A_329 = arith.constant 8 : i32
      %dma_start3A_330 = tpu.memref_slice %arg4[%dma_start3A_329, %multiple_of3A_315] : memref<16x1000000xf32, #tpu.memory_space<hbm>> -> memref<8x2048xf32, #tpu.memory_space<hbm>>
      %dma_start3A_331 = arith.constant 8 : i32
      %dma_start3A_332 = arith.constant 0 : i32
      %dma_start3A_333 = tpu.memref_slice %arg11[%dma_start3A_331, %dma_start3A_332] : memref<16x2048xf32, #tpu.memory_space<vmem>> -> memref<8x2048xf32, #tpu.memory_space<vmem>>
      %dma_start3A_334 = arith.constant 8 : i32
      %dma_start3A_335 = tpu.memref_slice %arg4[%dma_start3A_334, %multiple_of3A_315] : memref<16x1000000xf32, #tpu.memory_space<hbm>> -> memref<8x2048xf32, #tpu.memory_space<hbm>>
      tpu.enqueue_dma source(%dma_start3A_335 : memref<8x2048xf32, #tpu.memory_space<hbm>>) target(%dma_start3A_333 : memref<8x2048xf32, #tpu.memory_space<vmem>>) target_semaphore(%arg18 : memref<!tpu.dma_semaphore, #tpu.memory_space<semaphore_mem>>)
      %dma_wait3A_336 = arith.constant 0 : i32
      %dma_wait3A_337 = arith.constant 0 : i32
      %dma_wait3A_338 = tpu.memref_slice %arg4[%dma_wait3A_336, %dma_wait3A_337] : memref<16x1000000xf32, #tpu.memory_space<hbm>> -> memref<16x2048xf32, #tpu.memory_space<hbm>>
      %dma_wait3A_339 = arith.constant 0 : i32
      %dma_wait3A_340 = arith.constant 0 : i32
      %dma_wait3A_341 = tpu.memref_slice %arg4[%dma_wait3A_339, %dma_wait3A_340] : memref<16x1000000xf32, #tpu.memory_space<hbm>> -> memref<16x2048xf32, #tpu.memory_space<hbm>>
      tpu.wait_dma2 semaphore(%arg19 : memref<!tpu.dma_semaphore, #tpu.memory_space<semaphore_mem>>) src(%dma_wait3A_341 : memref<16x2048xf32, #tpu.memory_space<hbm>>) dst(%arg12 : memref<16x2048xf32, #tpu.memory_space<vmem>>)
      %add3A_342 = arith.constant 1 : i32
      %add3A_343 = arith.addi %mul3A_210, %add3A_342 : i32
      %mul3A_344 = arith.constant 16 : i32
      %mul3A_345 = arith.muli %add3A_343, %mul3A_344 : i32
      %add3A_346 = arith.addi %mul3A_2, %mul3A_345 : i32
      %sub3A_347 = arith.constant 16 : i32
      %sub3A_348 = arith.subi %add3A_5, %sub3A_347 : i32
      %min3A_349 = arith.minsi %add3A_346, %sub3A_348 : i32
      %mul3A_350 = arith.constant 128 : i32
      %mul3A_351 = arith.muli %min3A_349, %mul3A_350 : i32
      %while3A_352 = arith.constant 0 : i32
      %while3A_353 = arith.constant 0 : i32
      %while3A_354 = arith.subi %select_n3A_76, %while3A_352 : i32
      %while3A_355 = arith.addi %while3A_352, %while3A_354 : i32
      %while3A_356 = arith.constant 1 : i32
      %while3A_357 = arith.divsi %while3A_354, %while3A_356 : i32
      %while3A_358 = arith.muli %while3A_357, %while3A_356 : i32
      %while3A_359 = arith.addi %while3A_352, %while3A_358 : i32
      %while3A_360 = arith.constant 1 : i32
      %while3A_361 = scf.for %while3A_402 = %while3A_352 to %while3A_359 step %while3A_360 iter_args(%while3A_403 = %while3A_353) -> (i32)  : i32 {
        %mul3A_404 = arith.constant 4 : i32
        %mul3A_405 = arith.muli %while3A_402, %mul3A_404 : i32
        %add3A_406 = arith.constant 0 : i32
        %add3A_407 = arith.addi %mul3A_405, %add3A_406 : i32
        %mul3A_408 = arith.constant 16 : i32
        %mul3A_409 = arith.muli %add3A_407, %mul3A_408 : i32
        %get3A = arith.index_cast %mul3A_409 : i32 to index
        %get3A_410 = tpu.vector_load %arg13[%get3A] {strides = array<i32>} : memref<1600xi32, #tpu.memory_space<vmem>>, vector<16xi32>,
        %ge3A = vector.broadcast %mul3A_351 : i32 to vector<16xi32>
        %ge3A_411 = arith.cmpi sge, %get3A_410, %ge3A : vector<16xi32>
        %add3A_412 = arith.constant 2048 : i32
        %add3A_413 = arith.addi %mul3A_351, %add3A_412 : i32
        %lt3A = vector.broadcast %add3A_413 : i32 to vector<16xi32>
        %lt3A_414 = arith.cmpi slt, %get3A_410, %lt3A : vector<16xi32>
        %and3A_415 = arith.andi %ge3A_411, %lt3A_414 : vector<16xi1>
        %sub3A_416 = vector.broadcast %mul3A_351 : i32 to vector<16xi32>
        %sub3A_417 = arith.subi %get3A_410, %sub3A_416 : vector<16xi32>
        %all_reduce_population_count3A = tpu.all_reduce %and3A_415 {dim = 0 : i64, kind = #tpu.reduction_kind<sum>} : vector<16xi1> -> vector<16xi32>
        %slice3A = vector.extract_strided_slice %all_reduce_population_count3A {offsets = [0], sizes = [1], strides = [1]} : vector<16xi32> to vector<1xi32>
        %squeeze3A = vector.extract %slice3A[0] : i32 from vector<1xi32>
        %mul3A_418 = arith.constant 4 : i32
        %mul3A_419 = arith.muli %while3A_402, %mul3A_418 : i32
        %add3A_420 = arith.constant 1 : i32
        %add3A_421 = arith.addi %mul3A_419, %add3A_420 : i32
        %mul3A_422 = arith.constant 16 : i32
        %mul3A_423 = arith.muli %add3A_421, %mul3A_422 : i32
        %get3A_424 = arith.index_cast %mul3A_423 : i32 to index
        %get3A_425 = tpu.vector_load %arg13[%get3A_424] {strides = array<i32>} : memref<1600xi32, #tpu.memory_space<vmem>>, vector<16xi32>,
        %ge3A_426 = vector.broadcast %mul3A_351 : i32 to vector<16xi32>
        %ge3A_427 = arith.cmpi sge, %get3A_425, %ge3A_426 : vector<16xi32>
        %add3A_428 = arith.constant 2048 : i32
        %add3A_429 = arith.addi %mul3A_351, %add3A_428 : i32
        %lt3A_430 = vector.broadcast %add3A_429 : i32 to vector<16xi32>
        %lt3A_431 = arith.cmpi slt, %get3A_425, %lt3A_430 : vector<16xi32>
        %and3A_432 = arith.andi %ge3A_427, %lt3A_431 : vector<16xi1>
        %sub3A_433 = vector.broadcast %mul3A_351 : i32 to vector<16xi32>
        %sub3A_434 = arith.subi %get3A_425, %sub3A_433 : vector<16xi32>
        %all_reduce_population_count3A_435 = tpu.all_reduce %and3A_432 {dim = 0 : i64, kind = #tpu.reduction_kind<sum>} : vector<16xi1> -> vector<16xi32>
        %slice3A_436 = vector.extract_strided_slice %all_reduce_population_count3A_435 {offsets = [0], sizes = [1], strides = [1]} : vector<16xi32> to vector<1xi32>
        %squeeze3A_437 = vector.extract %slice3A_436[0] : i32 from vector<1xi32>
        %mul3A_438 = arith.constant 4 : i32
        %mul3A_439 = arith.muli %while3A_402, %mul3A_438 : i32
        %add3A_440 = arith.constant 2 : i32
        %add3A_441 = arith.addi %mul3A_439, %add3A_440 : i32
        %mul3A_442 = arith.constant 16 : i32
        %mul3A_443 = arith.muli %add3A_441, %mul3A_442 : i32
        %get3A_444 = arith.index_cast %mul3A_443 : i32 to index
        %get3A_445 = tpu.vector_load %arg13[%get3A_444] {strides = array<i32>} : memref<1600xi32, #tpu.memory_space<vmem>>, vector<16xi32>,
        %ge3A_446 = vector.broadcast %mul3A_351 : i32 to vector<16xi32>
        %ge3A_447 = arith.cmpi sge, %get3A_445, %ge3A_446 : vector<16xi32>
        %add3A_448 = arith.constant 2048 : i32
        %add3A_449 = arith.addi %mul3A_351, %add3A_448 : i32
        %lt3A_450 = vector.broadcast %add3A_449 : i32 to vector<16xi32>
        %lt3A_451 = arith.cmpi slt, %get3A_445, %lt3A_450 : vector<16xi32>
        %and3A_452 = arith.andi %ge3A_447, %lt3A_451 : vector<16xi1>
        %sub3A_453 = vector.broadcast %mul3A_351 : i32 to vector<16xi32>
        %sub3A_454 = arith.subi %get3A_445, %sub3A_453 : vector<16xi32>
        %all_reduce_population_count3A_455 = tpu.all_reduce %and3A_452 {dim = 0 : i64, kind = #tpu.reduction_kind<sum>} : vector<16xi1> -> vector<16xi32>
        %slice3A_456 = vector.extract_strided_slice %all_reduce_population_count3A_455 {offsets = [0], sizes = [1], strides = [1]} : vector<16xi32> to vector<1xi32>
        %squeeze3A_457 = vector.extract %slice3A_456[0] : i32 from vector<1xi32>
        %mul3A_458 = arith.constant 4 : i32
        %mul3A_459 = arith.muli %while3A_402, %mul3A_458 : i32
        %add3A_460 = arith.constant 3 : i32
        %add3A_461 = arith.addi %mul3A_459, %add3A_460 : i32
        %mul3A_462 = arith.constant 16 : i32
        %mul3A_463 = arith.muli %add3A_461, %mul3A_462 : i32
        %get3A_464 = arith.index_cast %mul3A_463 : i32 to index
        %get3A_465 = tpu.vector_load %arg13[%get3A_464] {strides = array<i32>} : memref<1600xi32, #tpu.memory_space<vmem>>, vector<16xi32>,
        %ge3A_466 = vector.broadcast %mul3A_351 : i32 to vector<16xi32>
        %ge3A_467 = arith.cmpi sge, %get3A_465, %ge3A_466 : vector<16xi32>
        %add3A_468 = arith.constant 2048 : i32
        %add3A_469 = arith.addi %mul3A_351, %add3A_468 : i32
        %lt3A_470 = vector.broadcast %add3A_469 : i32 to vector<16xi32>
        %lt3A_471 = arith.cmpi slt, %get3A_465, %lt3A_470 : vector<16xi32>
        %and3A_472 = arith.andi %ge3A_467, %lt3A_471 : vector<16xi1>
        %sub3A_473 = vector.broadcast %mul3A_351 : i32 to vector<16xi32>
        %sub3A_474 = arith.subi %get3A_465, %sub3A_473 : vector<16xi32>
        %all_reduce_population_count3A_475 = tpu.all_reduce %and3A_472 {dim = 0 : i64, kind = #tpu.reduction_kind<sum>} : vector<16xi1> -> vector<16xi32>
        %slice3A_476 = vector.extract_strided_slice %all_reduce_population_count3A_475 {offsets = [0], sizes = [1], strides = [1]} : vector<16xi32> to vector<1xi32>
        %squeeze3A_477 = vector.extract %slice3A_476[0] : i32 from vector<1xi32>
        %swap3A = arith.index_cast %while3A_403 : i32 to index
        %swap3A_478 = tpu.vector_load %arg15[%swap3A] masked %and3A_415 {strides = array<i32>} : memref<1600xi32, #tpu.memory_space<vmem>>, vector<16xi32>, vector<16xi1>
        tpu.vector_store %arg15[%swap3A], %sub3A_417 masked %and3A_415 {strides = array<i32>} : memref<1600xi32, #tpu.memory_space<vmem>>, vector<16xi32>, vector<16xi1>
        %mul3A_479 = arith.constant 4 : i32
        %mul3A_480 = arith.muli %while3A_402, %mul3A_479 : i32
        %add3A_481 = arith.constant 0 : i32
        %add3A_482 = arith.addi %mul3A_480, %add3A_481 : i32
        %mul3A_483 = arith.constant 16 : i32
        %mul3A_484 = arith.muli %add3A_482, %mul3A_483 : i32
        %add3A_485 = vector.broadcast %mul3A_484 : i32 to vector<16xi32>
        %add3A_486 = arith.addi %add3A_485, %iota3A : vector<16xi32>
        %swap3A_487 = arith.index_cast %while3A_403 : i32 to index
        %swap3A_488 = tpu.vector_load %arg16[%swap3A_487] masked %and3A_415 {strides = array<i32>} : memref<1600xi32, #tpu.memory_space<vmem>>, vector<16xi32>, vector<16xi1>
        tpu.vector_store %arg16[%swap3A_487], %add3A_486 masked %and3A_415 {strides = array<i32>} : memref<1600xi32, #tpu.memory_space<vmem>>, vector<16xi32>, vector<16xi1>
        %add3A_489 = arith.addi %while3A_403, %squeeze3A : i32
        %swap3A_490 = arith.index_cast %add3A_489 : i32 to index
        %swap3A_491 = tpu.vector_load %arg15[%swap3A_490] masked %and3A_432 {strides = array<i32>} : memref<1600xi32, #tpu.memory_space<vmem>>, vector<16xi32>, vector<16xi1>
        tpu.vector_store %arg15[%swap3A_490], %sub3A_434 masked %and3A_432 {strides = array<i32>} : memref<1600xi32, #tpu.memory_space<vmem>>, vector<16xi32>, vector<16xi1>
        %mul3A_492 = arith.constant 4 : i32
        %mul3A_493 = arith.muli %while3A_402, %mul3A_492 : i32
        %add3A_494 = arith.constant 1 : i32
        %add3A_495 = arith.addi %mul3A_493, %add3A_494 : i32
        %mul3A_496 = arith.constant 16 : i32
        %mul3A_497 = arith.muli %add3A_495, %mul3A_496 : i32
        %add3A_498 = vector.broadcast %mul3A_497 : i32 to vector<16xi32>
        %add3A_499 = arith.addi %add3A_498, %iota3A : vector<16xi32>
        %swap3A_500 = arith.index_cast %add3A_489 : i32 to index
        %swap3A_501 = tpu.vector_load %arg16[%swap3A_500] masked %and3A_432 {strides = array<i32>} : memref<1600xi32, #tpu.memory_space<vmem>>, vector<16xi32>, vector<16xi1>
        tpu.vector_store %arg16[%swap3A_500], %add3A_499 masked %and3A_432 {strides = array<i32>} : memref<1600xi32, #tpu.memory_space<vmem>>, vector<16xi32>, vector<16xi1>
        %add3A_502 = arith.addi %add3A_489, %squeeze3A_437 : i32
        %swap3A_503 = arith.index_cast %add3A_502 : i32 to index
        %swap3A_504 = tpu.vector_load %arg15[%swap3A_503] masked %and3A_452 {strides = array<i32>} : memref<1600xi32, #tpu.memory_space<vmem>>, vector<16xi32>, vector<16xi1>
        tpu.vector_store %arg15[%swap3A_503], %sub3A_454 masked %and3A_452 {strides = array<i32>} : memref<1600xi32, #tpu.memory_space<vmem>>, vector<16xi32>, vector<16xi1>
        %mul3A_505 = arith.constant 4 : i32
        %mul3A_506 = arith.muli %while3A_402, %mul3A_505 : i32
        %add3A_507 = arith.constant 2 : i32
        %add3A_508 = arith.addi %mul3A_506, %add3A_507 : i32
        %mul3A_509 = arith.constant 16 : i32
        %mul3A_510 = arith.muli %add3A_508, %mul3A_509 : i32
        %add3A_511 = vector.broadcast %mul3A_510 : i32 to vector<16xi32>
        %add3A_512 = arith.addi %add3A_511, %iota3A : vector<16xi32>
        %swap3A_513 = arith.index_cast %add3A_502 : i32 to index
        %swap3A_514 = tpu.vector_load %arg16[%swap3A_513] masked %and3A_452 {strides = array<i32>} : memref<1600xi32, #tpu.memory_space<vmem>>, vector<16xi32>, vector<16xi1>
        tpu.vector_store %arg16[%swap3A_513], %add3A_512 masked %and3A_452 {strides = array<i32>} : memref<1600xi32, #tpu.memory_space<vmem>>, vector<16xi32>, vector<16xi1>
        %add3A_515 = arith.addi %add3A_502, %squeeze3A_457 : i32
        %swap3A_516 = arith.index_cast %add3A_515 : i32 to index
        %swap3A_517 = tpu.vector_load %arg15[%swap3A_516] masked %and3A_472 {strides = array<i32>} : memref<1600xi32, #tpu.memory_space<vmem>>, vector<16xi32>, vector<16xi1>
        tpu.vector_store %arg15[%swap3A_516], %sub3A_474 masked %and3A_472 {strides = array<i32>} : memref<1600xi32, #tpu.memory_space<vmem>>, vector<16xi32>, vector<16xi1>
        %mul3A_518 = arith.constant 4 : i32
        %mul3A_519 = arith.muli %while3A_402, %mul3A_518 : i32
        %add3A_520 = arith.constant 3 : i32
        %add3A_521 = arith.addi %mul3A_519, %add3A_520 : i32
        %mul3A_522 = arith.constant 16 : i32
        %mul3A_523 = arith.muli %add3A_521, %mul3A_522 : i32
        %add3A_524 = vector.broadcast %mul3A_523 : i32 to vector<16xi32>
        %add3A_525 = arith.addi %add3A_524, %iota3A : vector<16xi32>
        %swap3A_526 = arith.index_cast %add3A_515 : i32 to index
        %swap3A_527 = tpu.vector_load %arg16[%swap3A_526] masked %and3A_472 {strides = array<i32>} : memref<1600xi32, #tpu.memory_space<vmem>>, vector<16xi32>, vector<16xi1>
        tpu.vector_store %arg16[%swap3A_526], %add3A_525 masked %and3A_472 {strides = array<i32>} : memref<1600xi32, #tpu.memory_space<vmem>>, vector<16xi32>, vector<16xi1>
        %add3A_528 = arith.addi %add3A_515, %squeeze3A_477 : i32
        scf.yield %add3A_528 : i32
      }
      %while3A_362 = arith.constant 1 : i32
      %while3A_363 = scf.for %while3A_402 = %while3A_359 to %while3A_355 step %while3A_362 iter_args(%while3A_403 = %while3A_361) -> (i32)  : i32 {
        %mul3A_404 = arith.constant 4 : i32
        %mul3A_405 = arith.muli %while3A_402, %mul3A_404 : i32
        %add3A_406 = arith.constant 0 : i32
        %add3A_407 = arith.addi %mul3A_405, %add3A_406 : i32
        %mul3A_408 = arith.constant 16 : i32
        %mul3A_409 = arith.muli %add3A_407, %mul3A_408 : i32
        %get3A = arith.index_cast %mul3A_409 : i32 to index
        %get3A_410 = tpu.vector_load %arg13[%get3A] {strides = array<i32>} : memref<1600xi32, #tpu.memory_space<vmem>>, vector<16xi32>,
        %ge3A = vector.broadcast %mul3A_351 : i32 to vector<16xi32>
        %ge3A_411 = arith.cmpi sge, %get3A_410, %ge3A : vector<16xi32>
        %add3A_412 = arith.constant 2048 : i32
        %add3A_413 = arith.addi %mul3A_351, %add3A_412 : i32
        %lt3A = vector.broadcast %add3A_413 : i32 to vector<16xi32>
        %lt3A_414 = arith.cmpi slt, %get3A_410, %lt3A : vector<16xi32>
        %and3A_415 = arith.andi %ge3A_411, %lt3A_414 : vector<16xi1>
        %sub3A_416 = vector.broadcast %mul3A_351 : i32 to vector<16xi32>
        %sub3A_417 = arith.subi %get3A_410, %sub3A_416 : vector<16xi32>
        %all_reduce_population_count3A = tpu.all_reduce %and3A_415 {dim = 0 : i64, kind = #tpu.reduction_kind<sum>} : vector<16xi1> -> vector<16xi32>
        %slice3A = vector.extract_strided_slice %all_reduce_population_count3A {offsets = [0], sizes = [1], strides = [1]} : vector<16xi32> to vector<1xi32>
        %squeeze3A = vector.extract %slice3A[0] : i32 from vector<1xi32>
        %mul3A_418 = arith.constant 4 : i32
        %mul3A_419 = arith.muli %while3A_402, %mul3A_418 : i32
        %add3A_420 = arith.constant 1 : i32
        %add3A_421 = arith.addi %mul3A_419, %add3A_420 : i32
        %mul3A_422 = arith.constant 16 : i32
        %mul3A_423 = arith.muli %add3A_421, %mul3A_422 : i32
        %get3A_424 = arith.index_cast %mul3A_423 : i32 to index
        %get3A_425 = tpu.vector_load %arg13[%get3A_424] {strides = array<i32>} : memref<1600xi32, #tpu.memory_space<vmem>>, vector<16xi32>,
        %ge3A_426 = vector.broadcast %mul3A_351 : i32 to vector<16xi32>
        %ge3A_427 = arith.cmpi sge, %get3A_425, %ge3A_426 : vector<16xi32>
        %add3A_428 = arith.constant 2048 : i32
        %add3A_429 = arith.addi %mul3A_351, %add3A_428 : i32
        %lt3A_430 = vector.broadcast %add3A_429 : i32 to vector<16xi32>
        %lt3A_431 = arith.cmpi slt, %get3A_425, %lt3A_430 : vector<16xi32>
        %and3A_432 = arith.andi %ge3A_427, %lt3A_431 : vector<16xi1>
        %sub3A_433 = vector.broadcast %mul3A_351 : i32 to vector<16xi32>
        %sub3A_434 = arith.subi %get3A_425, %sub3A_433 : vector<16xi32>
        %all_reduce_population_count3A_435 = tpu.all_reduce %and3A_432 {dim = 0 : i64, kind = #tpu.reduction_kind<sum>} : vector<16xi1> -> vector<16xi32>
        %slice3A_436 = vector.extract_strided_slice %all_reduce_population_count3A_435 {offsets = [0], sizes = [1], strides = [1]} : vector<16xi32> to vector<1xi32>
        %squeeze3A_437 = vector.extract %slice3A_436[0] : i32 from vector<1xi32>
        %mul3A_438 = arith.constant 4 : i32
        %mul3A_439 = arith.muli %while3A_402, %mul3A_438 : i32
        %add3A_440 = arith.constant 2 : i32
        %add3A_441 = arith.addi %mul3A_439, %add3A_440 : i32
        %mul3A_442 = arith.constant 16 : i32
        %mul3A_443 = arith.muli %add3A_441, %mul3A_442 : i32
        %get3A_444 = arith.index_cast %mul3A_443 : i32 to index
        %get3A_445 = tpu.vector_load %arg13[%get3A_444] {strides = array<i32>} : memref<1600xi32, #tpu.memory_space<vmem>>, vector<16xi32>,
        %ge3A_446 = vector.broadcast %mul3A_351 : i32 to vector<16xi32>
        %ge3A_447 = arith.cmpi sge, %get3A_445, %ge3A_446 : vector<16xi32>
        %add3A_448 = arith.constant 2048 : i32
        %add3A_449 = arith.addi %mul3A_351, %add3A_448 : i32
        %lt3A_450 = vector.broadcast %add3A_449 : i32 to vector<16xi32>
        %lt3A_451 = arith.cmpi slt, %get3A_445, %lt3A_450 : vector<16xi32>
        %and3A_452 = arith.andi %ge3A_447, %lt3A_451 : vector<16xi1>
        %sub3A_453 = vector.broadcast %mul3A_351 : i32 to vector<16xi32>
        %sub3A_454 = arith.subi %get3A_445, %sub3A_453 : vector<16xi32>
        %all_reduce_population_count3A_455 = tpu.all_reduce %and3A_452 {dim = 0 : i64, kind = #tpu.reduction_kind<sum>} : vector<16xi1> -> vector<16xi32>
        %slice3A_456 = vector.extract_strided_slice %all_reduce_population_count3A_455 {offsets = [0], sizes = [1], strides = [1]} : vector<16xi32> to vector<1xi32>
        %squeeze3A_457 = vector.extract %slice3A_456[0] : i32 from vector<1xi32>
        %mul3A_458 = arith.constant 4 : i32
        %mul3A_459 = arith.muli %while3A_402, %mul3A_458 : i32
        %add3A_460 = arith.constant 3 : i32
        %add3A_461 = arith.addi %mul3A_459, %add3A_460 : i32
        %mul3A_462 = arith.constant 16 : i32
        %mul3A_463 = arith.muli %add3A_461, %mul3A_462 : i32
        %get3A_464 = arith.index_cast %mul3A_463 : i32 to index
        %get3A_465 = tpu.vector_load %arg13[%get3A_464] {strides = array<i32>} : memref<1600xi32, #tpu.memory_space<vmem>>, vector<16xi32>,
        %ge3A_466 = vector.broadcast %mul3A_351 : i32 to vector<16xi32>
        %ge3A_467 = arith.cmpi sge, %get3A_465, %ge3A_466 : vector<16xi32>
        %add3A_468 = arith.constant 2048 : i32
        %add3A_469 = arith.addi %mul3A_351, %add3A_468 : i32
        %lt3A_470 = vector.broadcast %add3A_469 : i32 to vector<16xi32>
        %lt3A_471 = arith.cmpi slt, %get3A_465, %lt3A_470 : vector<16xi32>
        %and3A_472 = arith.andi %ge3A_467, %lt3A_471 : vector<16xi1>
        %sub3A_473 = vector.broadcast %mul3A_351 : i32 to vector<16xi32>
        %sub3A_474 = arith.subi %get3A_465, %sub3A_473 : vector<16xi32>
        %all_reduce_population_count3A_475 = tpu.all_reduce %and3A_472 {dim = 0 : i64, kind = #tpu.reduction_kind<sum>} : vector<16xi1> -> vector<16xi32>
        %slice3A_476 = vector.extract_strided_slice %all_reduce_population_count3A_475 {offsets = [0], sizes = [1], strides = [1]} : vector<16xi32> to vector<1xi32>
        %squeeze3A_477 = vector.extract %slice3A_476[0] : i32 from vector<1xi32>
        %swap3A = arith.index_cast %while3A_403 : i32 to index
        %swap3A_478 = tpu.vector_load %arg15[%swap3A] masked %and3A_415 {strides = array<i32>} : memref<1600xi32, #tpu.memory_space<vmem>>, vector<16xi32>, vector<16xi1>
        tpu.vector_store %arg15[%swap3A], %sub3A_417 masked %and3A_415 {strides = array<i32>} : memref<1600xi32, #tpu.memory_space<vmem>>, vector<16xi32>, vector<16xi1>
        %mul3A_479 = arith.constant 4 : i32
        %mul3A_480 = arith.muli %while3A_402, %mul3A_479 : i32
        %add3A_481 = arith.constant 0 : i32
        %add3A_482 = arith.addi %mul3A_480, %add3A_481 : i32
        %mul3A_483 = arith.constant 16 : i32
        %mul3A_484 = arith.muli %add3A_482, %mul3A_483 : i32
        %add3A_485 = vector.broadcast %mul3A_484 : i32 to vector<16xi32>
        %add3A_486 = arith.addi %add3A_485, %iota3A : vector<16xi32>
        %swap3A_487 = arith.index_cast %while3A_403 : i32 to index
        %swap3A_488 = tpu.vector_load %arg16[%swap3A_487] masked %and3A_415 {strides = array<i32>} : memref<1600xi32, #tpu.memory_space<vmem>>, vector<16xi32>, vector<16xi1>
        tpu.vector_store %arg16[%swap3A_487], %add3A_486 masked %and3A_415 {strides = array<i32>} : memref<1600xi32, #tpu.memory_space<vmem>>, vector<16xi32>, vector<16xi1>
        %add3A_489 = arith.addi %while3A_403, %squeeze3A : i32
        %swap3A_490 = arith.index_cast %add3A_489 : i32 to index
        %swap3A_491 = tpu.vector_load %arg15[%swap3A_490] masked %and3A_432 {strides = array<i32>} : memref<1600xi32, #tpu.memory_space<vmem>>, vector<16xi32>, vector<16xi1>
        tpu.vector_store %arg15[%swap3A_490], %sub3A_434 masked %and3A_432 {strides = array<i32>} : memref<1600xi32, #tpu.memory_space<vmem>>, vector<16xi32>, vector<16xi1>
        %mul3A_492 = arith.constant 4 : i32
        %mul3A_493 = arith.muli %while3A_402, %mul3A_492 : i32
        %add3A_494 = arith.constant 1 : i32
        %add3A_495 = arith.addi %mul3A_493, %add3A_494 : i32
        %mul3A_496 = arith.constant 16 : i32
        %mul3A_497 = arith.muli %add3A_495, %mul3A_496 : i32
        %add3A_498 = vector.broadcast %mul3A_497 : i32 to vector<16xi32>
        %add3A_499 = arith.addi %add3A_498, %iota3A : vector<16xi32>
        %swap3A_500 = arith.index_cast %add3A_489 : i32 to index
        %swap3A_501 = tpu.vector_load %arg16[%swap3A_500] masked %and3A_432 {strides = array<i32>} : memref<1600xi32, #tpu.memory_space<vmem>>, vector<16xi32>, vector<16xi1>
        tpu.vector_store %arg16[%swap3A_500], %add3A_499 masked %and3A_432 {strides = array<i32>} : memref<1600xi32, #tpu.memory_space<vmem>>, vector<16xi32>, vector<16xi1>
        %add3A_502 = arith.addi %add3A_489, %squeeze3A_437 : i32
        %swap3A_503 = arith.index_cast %add3A_502 : i32 to index
        %swap3A_504 = tpu.vector_load %arg15[%swap3A_503] masked %and3A_452 {strides = array<i32>} : memref<1600xi32, #tpu.memory_space<vmem>>, vector<16xi32>, vector<16xi1>
        tpu.vector_store %arg15[%swap3A_503], %sub3A_454 masked %and3A_452 {strides = array<i32>} : memref<1600xi32, #tpu.memory_space<vmem>>, vector<16xi32>, vector<16xi1>
        %mul3A_505 = arith.constant 4 : i32
        %mul3A_506 = arith.muli %while3A_402, %mul3A_505 : i32
        %add3A_507 = arith.constant 2 : i32
        %add3A_508 = arith.addi %mul3A_506, %add3A_507 : i32
        %mul3A_509 = arith.constant 16 : i32
        %mul3A_510 = arith.muli %add3A_508, %mul3A_509 : i32
        %add3A_511 = vector.broadcast %mul3A_510 : i32 to vector<16xi32>
        %add3A_512 = arith.addi %add3A_511, %iota3A : vector<16xi32>
        %swap3A_513 = arith.index_cast %add3A_502 : i32 to index
        %swap3A_514 = tpu.vector_load %arg16[%swap3A_513] masked %and3A_452 {strides = array<i32>} : memref<1600xi32, #tpu.memory_space<vmem>>, vector<16xi32>, vector<16xi1>
        tpu.vector_store %arg16[%swap3A_513], %add3A_512 masked %and3A_452 {strides = array<i32>} : memref<1600xi32, #tpu.memory_space<vmem>>, vector<16xi32>, vector<16xi1>
        %add3A_515 = arith.addi %add3A_502, %squeeze3A_457 : i32
        %swap3A_516 = arith.index_cast %add3A_515 : i32 to index
        %swap3A_517 = tpu.vector_load %arg15[%swap3A_516] masked %and3A_472 {strides = array<i32>} : memref<1600xi32, #tpu.memory_space<vmem>>, vector<16xi32>, vector<16xi1>
        tpu.vector_store %arg15[%swap3A_516], %sub3A_474 masked %and3A_472 {strides = array<i32>} : memref<1600xi32, #tpu.memory_space<vmem>>, vector<16xi32>, vector<16xi1>
        %mul3A_518 = arith.constant 4 : i32
        %mul3A_519 = arith.muli %while3A_402, %mul3A_518 : i32
        %add3A_520 = arith.constant 3 : i32
        %add3A_521 = arith.addi %mul3A_519, %add3A_520 : i32
        %mul3A_522 = arith.constant 16 : i32
        %mul3A_523 = arith.muli %add3A_521, %mul3A_522 : i32
        %add3A_524 = vector.broadcast %mul3A_523 : i32 to vector<16xi32>
        %add3A_525 = arith.addi %add3A_524, %iota3A : vector<16xi32>
        %swap3A_526 = arith.index_cast %add3A_515 : i32 to index
        %swap3A_527 = tpu.vector_load %arg16[%swap3A_526] masked %and3A_472 {strides = array<i32>} : memref<1600xi32, #tpu.memory_space<vmem>>, vector<16xi32>, vector<16xi1>
        tpu.vector_store %arg16[%swap3A_526], %add3A_525 masked %and3A_472 {strides = array<i32>} : memref<1600xi32, #tpu.memory_space<vmem>>, vector<16xi32>, vector<16xi1>
        %add3A_528 = arith.addi %add3A_515, %squeeze3A_477 : i32
        scf.yield %add3A_528 : i32
      }
      %add3A_364 = arith.constant 16 : i32
      %add3A_365 = arith.addi %while3A_363, %add3A_364 : i32
      %sub3A_366 = arith.constant 1 : i32
      %sub3A_367 = arith.subi %add3A_365, %sub3A_366 : i32
      %jit3A_368 = arith.constant 16 : i32
      %div3A_369 = arith.divsi %sub3A_367, %jit3A_368 : i32
      %sign3A_370 = arith.constant 0 : i32
      %sign3A_371 = arith.cmpi sgt, %sub3A_367, %sign3A_370 : i32
      %sign3A_372 = arith.extui %sign3A_371 : i1 to i32
      %sign3A_373 = arith.constant 0 : i32
      %sign3A_374 = arith.cmpi slt, %sub3A_367, %sign3A_373 : i32
      %sign3A_375 = arith.extui %sign3A_374 : i1 to i32
      %sign3A_376 = arith.subi %sign3A_372, %sign3A_375 : i32
      %sign3A_377 = arith.constant 0 : i32
      %sign3A_378 = arith.cmpi sgt, %jit3A_368, %sign3A_377 : i32
      %sign3A_379 = arith.extui %sign3A_378 : i1 to i32
      %sign3A_380 = arith.constant 0 : i32
      %sign3A_381 = arith.cmpi slt, %jit3A_368, %sign3A_380 : i32
      %sign3A_382 = arith.extui %sign3A_381 : i1 to i32
      %sign3A_383 = arith.subi %sign3A_379, %sign3A_382 : i32
      %ne3A_384 = arith.cmpi ne, %sign3A_376, %sign3A_383 : i32
      %rem3A_385 = arith.remsi %sub3A_367, %jit3A_368 : i32
      %ne3A_386 = arith.constant 0 : i32
      %ne3A_387 = arith.cmpi ne, %rem3A_385, %ne3A_386 : i32
      %and3A_388 = arith.andi %ne3A_384, %ne3A_387 : i1
      %sub3A_389 = arith.constant 1 : i32
      %sub3A_390 = arith.subi %div3A_369, %sub3A_389 : i32
      %select_n3A_391 = arith.select %and3A_388, %sub3A_390, %div3A_369 : i32
      %while3A_392 = arith.constant 0 : i32
      %while3A_393 = arith.constant 0 : i32
      %while3A_394 = arith.subi %select_n3A_391, %while3A_393 : i32
      %while3A_395 = arith.addi %while3A_393, %while3A_394 : i32
      %while3A_396 = arith.constant 1 : i32
      %while3A_397 = arith.divsi %while3A_394, %while3A_396 : i32
      %while3A_398 = arith.muli %while3A_397, %while3A_396 : i32
      %while3A_399 = arith.addi %while3A_393, %while3A_398 : i32
      %while3A_400 = arith.constant 1 : i32
      scf.for %while3A_402 = %while3A_393 to %while3A_399 step %while3A_400  : i32 {
        %mul3A_403 = arith.constant 16 : i32
        %mul3A_404 = arith.muli %while3A_402, %mul3A_403 : i32
        %get3A = arith.index_cast %mul3A_404 : i32 to index
        %get3A_405 = tpu.vector_load %arg15[%get3A] {strides = array<i32>} : memref<1600xi32, #tpu.memory_space<vmem>>, vector<16xi32>,
        %mul3A_406 = arith.constant 16 : i32
        %mul3A_407 = arith.muli %while3A_402, %mul3A_406 : i32
        %get3A_408 = arith.index_cast %mul3A_407 : i32 to index
        %get3A_409 = tpu.vector_load %arg16[%get3A_408] {strides = array<i32>} : memref<1600xi32, #tpu.memory_space<vmem>>, vector<16xi32>,
        %mul3A_410 = arith.constant 16 : i32
        %mul3A_411 = arith.muli %while3A_402, %mul3A_410 : i32
        %add3A_412 = vector.broadcast %mul3A_411 : i32 to vector<16xi32>
        %add3A_413 = arith.addi %add3A_412, %iota3A : vector<16xi32>
        %lt3A = vector.broadcast %while3A_363 : i32 to vector<16xi32>
        %lt3A_414 = arith.cmpi slt, %add3A_413, %lt3A : vector<16xi32>
        %mul3A_415 = arith.constant 16 : i32
        %mul3A_416 = vector.broadcast %mul3A_415 : i32 to vector<16xi32>
        %mul3A_417 = arith.muli %get3A_409, %mul3A_416 : vector<16xi32>
        %gather3A = tpu.vector_load_idx %arg12[%broadcast_in_dim3A_10, %get3A_405] masked %lt3A_414 : memref<16x2048xf32, #tpu.memory_space<vmem>>[vector<16xi32>, vector<16xi32>], vector<16xf32>, vector<16xi1>
        %add3A_418 = arith.constant 0 : i32
        %add3A_419 = vector.broadcast %add3A_418 : i32 to vector<16xi32>
        %add3A_420 = arith.addi %mul3A_417, %add3A_419 : vector<16xi32>
        tpu.vector_store_idx %arg17[%add3A_420], %gather3A masked %lt3A_414 : memref<24576xf32, #tpu.memory_space<vmem>>[vector<16xi32>], vector<16xf32>, vector<16xi1>
        %gather3A_421 = tpu.vector_load_idx %arg12[%broadcast_in_dim3A_12, %get3A_405] masked %lt3A_414 : memref<16x2048xf32, #tpu.memory_space<vmem>>[vector<16xi32>, vector<16xi32>], vector<16xf32>, vector<16xi1>
        %add3A_422 = arith.constant 1 : i32
        %add3A_423 = vector.broadcast %add3A_422 : i32 to vector<16xi32>
        %add3A_424 = arith.addi %mul3A_417, %add3A_423 : vector<16xi32>
        tpu.vector_store_idx %arg17[%add3A_424], %gather3A_421 masked %lt3A_414 : memref<24576xf32, #tpu.memory_space<vmem>>[vector<16xi32>], vector<16xf32>, vector<16xi1>
        %gather3A_425 = tpu.vector_load_idx %arg12[%broadcast_in_dim3A_14, %get3A_405] masked %lt3A_414 : memref<16x2048xf32, #tpu.memory_space<vmem>>[vector<16xi32>, vector<16xi32>], vector<16xf32>, vector<16xi1>
        %add3A_426 = arith.constant 2 : i32
        %add3A_427 = vector.broadcast %add3A_426 : i32 to vector<16xi32>
        %add3A_428 = arith.addi %mul3A_417, %add3A_427 : vector<16xi32>
        tpu.vector_store_idx %arg17[%add3A_428], %gather3A_425 masked %lt3A_414 : memref<24576xf32, #tpu.memory_space<vmem>>[vector<16xi32>], vector<16xf32>, vector<16xi1>
        %gather3A_429 = tpu.vector_load_idx %arg12[%broadcast_in_dim3A_16, %get3A_405] masked %lt3A_414 : memref<16x2048xf32, #tpu.memory_space<vmem>>[vector<16xi32>, vector<16xi32>], vector<16xf32>, vector<16xi1>
        %add3A_430 = arith.constant 3 : i32
        %add3A_431 = vector.broadcast %add3A_430 : i32 to vector<16xi32>
        %add3A_432 = arith.addi %mul3A_417, %add3A_431 : vector<16xi32>
        tpu.vector_store_idx %arg17[%add3A_432], %gather3A_429 masked %lt3A_414 : memref<24576xf32, #tpu.memory_space<vmem>>[vector<16xi32>], vector<16xf32>, vector<16xi1>
        %gather3A_433 = tpu.vector_load_idx %arg12[%broadcast_in_dim3A_18, %get3A_405] masked %lt3A_414 : memref<16x2048xf32, #tpu.memory_space<vmem>>[vector<16xi32>, vector<16xi32>], vector<16xf32>, vector<16xi1>
        %add3A_434 = arith.constant 4 : i32
        %add3A_435 = vector.broadcast %add3A_434 : i32 to vector<16xi32>
        %add3A_436 = arith.addi %mul3A_417, %add3A_435 : vector<16xi32>
        tpu.vector_store_idx %arg17[%add3A_436], %gather3A_433 masked %lt3A_414 : memref<24576xf32, #tpu.memory_space<vmem>>[vector<16xi32>], vector<16xf32>, vector<16xi1>
        %gather3A_437 = tpu.vector_load_idx %arg12[%broadcast_in_dim3A_20, %get3A_405] masked %lt3A_414 : memref<16x2048xf32, #tpu.memory_space<vmem>>[vector<16xi32>, vector<16xi32>], vector<16xf32>, vector<16xi1>
        %add3A_438 = arith.constant 5 : i32
        %add3A_439 = vector.broadcast %add3A_438 : i32 to vector<16xi32>
        %add3A_440 = arith.addi %mul3A_417, %add3A_439 : vector<16xi32>
        tpu.vector_store_idx %arg17[%add3A_440], %gather3A_437 masked %lt3A_414 : memref<24576xf32, #tpu.memory_space<vmem>>[vector<16xi32>], vector<16xf32>, vector<16xi1>
        %gather3A_441 = tpu.vector_load_idx %arg12[%broadcast_in_dim3A_22, %get3A_405] masked %lt3A_414 : memref<16x2048xf32, #tpu.memory_space<vmem>>[vector<16xi32>, vector<16xi32>], vector<16xf32>, vector<16xi1>
        %add3A_442 = arith.constant 6 : i32
        %add3A_443 = vector.broadcast %add3A_442 : i32 to vector<16xi32>
        %add3A_444 = arith.addi %mul3A_417, %add3A_443 : vector<16xi32>
        tpu.vector_store_idx %arg17[%add3A_444], %gather3A_441 masked %lt3A_414 : memref<24576xf32, #tpu.memory_space<vmem>>[vector<16xi32>], vector<16xf32>, vector<16xi1>
        %gather3A_445 = tpu.vector_load_idx %arg12[%broadcast_in_dim3A_24, %get3A_405] masked %lt3A_414 : memref<16x2048xf32, #tpu.memory_space<vmem>>[vector<16xi32>, vector<16xi32>], vector<16xf32>, vector<16xi1>
        %add3A_446 = arith.constant 7 : i32
        %add3A_447 = vector.broadcast %add3A_446 : i32 to vector<16xi32>
        %add3A_448 = arith.addi %mul3A_417, %add3A_447 : vector<16xi32>
        tpu.vector_store_idx %arg17[%add3A_448], %gather3A_445 masked %lt3A_414 : memref<24576xf32, #tpu.memory_space<vmem>>[vector<16xi32>], vector<16xf32>, vector<16xi1>
        %gather3A_449 = tpu.vector_load_idx %arg12[%broadcast_in_dim3A_26, %get3A_405] masked %lt3A_414 : memref<16x2048xf32, #tpu.memory_space<vmem>>[vector<16xi32>, vector<16xi32>], vector<16xf32>, vector<16xi1>
        %add3A_450 = arith.constant 8 : i32
        %add3A_451 = vector.broadcast %add3A_450 : i32 to vector<16xi32>
        %add3A_452 = arith.addi %mul3A_417, %add3A_451 : vector<16xi32>
        tpu.vector_store_idx %arg17[%add3A_452], %gather3A_449 masked %lt3A_414 : memref<24576xf32, #tpu.memory_space<vmem>>[vector<16xi32>], vector<16xf32>, vector<16xi1>
        %gather3A_453 = tpu.vector_load_idx %arg12[%broadcast_in_dim3A_28, %get3A_405] masked %lt3A_414 : memref<16x2048xf32, #tpu.memory_space<vmem>>[vector<16xi32>, vector<16xi32>], vector<16xf32>, vector<16xi1>
        %add3A_454 = arith.constant 9 : i32
        %add3A_455 = vector.broadcast %add3A_454 : i32 to vector<16xi32>
        %add3A_456 = arith.addi %mul3A_417, %add3A_455 : vector<16xi32>
        tpu.vector_store_idx %arg17[%add3A_456], %gather3A_453 masked %lt3A_414 : memref<24576xf32, #tpu.memory_space<vmem>>[vector<16xi32>], vector<16xf32>, vector<16xi1>
        %gather3A_457 = tpu.vector_load_idx %arg12[%broadcast_in_dim3A_30, %get3A_405] masked %lt3A_414 : memref<16x2048xf32, #tpu.memory_space<vmem>>[vector<16xi32>, vector<16xi32>], vector<16xf32>, vector<16xi1>
        %add3A_458 = arith.constant 10 : i32
        %add3A_459 = vector.broadcast %add3A_458 : i32 to vector<16xi32>
        %add3A_460 = arith.addi %mul3A_417, %add3A_459 : vector<16xi32>
        tpu.vector_store_idx %arg17[%add3A_460], %gather3A_457 masked %lt3A_414 : memref<24576xf32, #tpu.memory_space<vmem>>[vector<16xi32>], vector<16xf32>, vector<16xi1>
        %gather3A_461 = tpu.vector_load_idx %arg12[%broadcast_in_dim3A_32, %get3A_405] masked %lt3A_414 : memref<16x2048xf32, #tpu.memory_space<vmem>>[vector<16xi32>, vector<16xi32>], vector<16xf32>, vector<16xi1>
        %add3A_462 = arith.constant 11 : i32
        %add3A_463 = vector.broadcast %add3A_462 : i32 to vector<16xi32>
        %add3A_464 = arith.addi %mul3A_417, %add3A_463 : vector<16xi32>
        tpu.vector_store_idx %arg17[%add3A_464], %gather3A_461 masked %lt3A_414 : memref<24576xf32, #tpu.memory_space<vmem>>[vector<16xi32>], vector<16xf32>, vector<16xi1>
        %gather3A_465 = tpu.vector_load_idx %arg12[%broadcast_in_dim3A_34, %get3A_405] masked %lt3A_414 : memref<16x2048xf32, #tpu.memory_space<vmem>>[vector<16xi32>, vector<16xi32>], vector<16xf32>, vector<16xi1>
        %add3A_466 = arith.constant 12 : i32
        %add3A_467 = vector.broadcast %add3A_466 : i32 to vector<16xi32>
        %add3A_468 = arith.addi %mul3A_417, %add3A_467 : vector<16xi32>
        tpu.vector_store_idx %arg17[%add3A_468], %gather3A_465 masked %lt3A_414 : memref<24576xf32, #tpu.memory_space<vmem>>[vector<16xi32>], vector<16xf32>, vector<16xi1>
        %gather3A_469 = tpu.vector_load_idx %arg12[%broadcast_in_dim3A_36, %get3A_405] masked %lt3A_414 : memref<16x2048xf32, #tpu.memory_space<vmem>>[vector<16xi32>, vector<16xi32>], vector<16xf32>, vector<16xi1>
        %add3A_470 = arith.constant 13 : i32
        %add3A_471 = vector.broadcast %add3A_470 : i32 to vector<16xi32>
        %add3A_472 = arith.addi %mul3A_417, %add3A_471 : vector<16xi32>
        tpu.vector_store_idx %arg17[%add3A_472], %gather3A_469 masked %lt3A_414 : memref<24576xf32, #tpu.memory_space<vmem>>[vector<16xi32>], vector<16xf32>, vector<16xi1>
        %gather3A_473 = tpu.vector_load_idx %arg12[%broadcast_in_dim3A_38, %get3A_405] masked %lt3A_414 : memref<16x2048xf32, #tpu.memory_space<vmem>>[vector<16xi32>, vector<16xi32>], vector<16xf32>, vector<16xi1>
        %add3A_474 = arith.constant 14 : i32
        %add3A_475 = vector.broadcast %add3A_474 : i32 to vector<16xi32>
        %add3A_476 = arith.addi %mul3A_417, %add3A_475 : vector<16xi32>
        tpu.vector_store_idx %arg17[%add3A_476], %gather3A_473 masked %lt3A_414 : memref<24576xf32, #tpu.memory_space<vmem>>[vector<16xi32>], vector<16xf32>, vector<16xi1>
        %gather3A_477 = tpu.vector_load_idx %arg12[%broadcast_in_dim3A_40, %get3A_405] masked %lt3A_414 : memref<16x2048xf32, #tpu.memory_space<vmem>>[vector<16xi32>, vector<16xi32>], vector<16xf32>, vector<16xi1>
        %add3A_478 = arith.constant 15 : i32
        %add3A_479 = vector.broadcast %add3A_478 : i32 to vector<16xi32>
        %add3A_480 = arith.addi %mul3A_417, %add3A_479 : vector<16xi32>
        tpu.vector_store_idx %arg17[%add3A_480], %gather3A_477 masked %lt3A_414 : memref<24576xf32, #tpu.memory_space<vmem>>[vector<16xi32>], vector<16xf32>, vector<16xi1>
      }
      %while3A_401 = arith.constant 1 : i32
      scf.for %while3A_402 = %while3A_399 to %while3A_395 step %while3A_401  : i32 {
        %mul3A_403 = arith.constant 16 : i32
        %mul3A_404 = arith.muli %while3A_402, %mul3A_403 : i32
        %get3A = arith.index_cast %mul3A_404 : i32 to index
        %get3A_405 = tpu.vector_load %arg15[%get3A] {strides = array<i32>} : memref<1600xi32, #tpu.memory_space<vmem>>, vector<16xi32>,
        %mul3A_406 = arith.constant 16 : i32
        %mul3A_407 = arith.muli %while3A_402, %mul3A_406 : i32
        %get3A_408 = arith.index_cast %mul3A_407 : i32 to index
        %get3A_409 = tpu.vector_load %arg16[%get3A_408] {strides = array<i32>} : memref<1600xi32, #tpu.memory_space<vmem>>, vector<16xi32>,
        %mul3A_410 = arith.constant 16 : i32
        %mul3A_411 = arith.muli %while3A_402, %mul3A_410 : i32
        %add3A_412 = vector.broadcast %mul3A_411 : i32 to vector<16xi32>
        %add3A_413 = arith.addi %add3A_412, %iota3A : vector<16xi32>
        %lt3A = vector.broadcast %while3A_363 : i32 to vector<16xi32>
        %lt3A_414 = arith.cmpi slt, %add3A_413, %lt3A : vector<16xi32>
        %mul3A_415 = arith.constant 16 : i32
        %mul3A_416 = vector.broadcast %mul3A_415 : i32 to vector<16xi32>
        %mul3A_417 = arith.muli %get3A_409, %mul3A_416 : vector<16xi32>
        %gather3A = tpu.vector_load_idx %arg12[%broadcast_in_dim3A_10, %get3A_405] masked %lt3A_414 : memref<16x2048xf32, #tpu.memory_space<vmem>>[vector<16xi32>, vector<16xi32>], vector<16xf32>, vector<16xi1>
        %add3A_418 = arith.constant 0 : i32
        %add3A_419 = vector.broadcast %add3A_418 : i32 to vector<16xi32>
        %add3A_420 = arith.addi %mul3A_417, %add3A_419 : vector<16xi32>
        tpu.vector_store_idx %arg17[%add3A_420], %gather3A masked %lt3A_414 : memref<24576xf32, #tpu.memory_space<vmem>>[vector<16xi32>], vector<16xf32>, vector<16xi1>
        %gather3A_421 = tpu.vector_load_idx %arg12[%broadcast_in_dim3A_12, %get3A_405] masked %lt3A_414 : memref<16x2048xf32, #tpu.memory_space<vmem>>[vector<16xi32>, vector<16xi32>], vector<16xf32>, vector<16xi1>
        %add3A_422 = arith.constant 1 : i32
        %add3A_423 = vector.broadcast %add3A_422 : i32 to vector<16xi32>
        %add3A_424 = arith.addi %mul3A_417, %add3A_423 : vector<16xi32>
        tpu.vector_store_idx %arg17[%add3A_424], %gather3A_421 masked %lt3A_414 : memref<24576xf32, #tpu.memory_space<vmem>>[vector<16xi32>], vector<16xf32>, vector<16xi1>
        %gather3A_425 = tpu.vector_load_idx %arg12[%broadcast_in_dim3A_14, %get3A_405] masked %lt3A_414 : memref<16x2048xf32, #tpu.memory_space<vmem>>[vector<16xi32>, vector<16xi32>], vector<16xf32>, vector<16xi1>
        %add3A_426 = arith.constant 2 : i32
        %add3A_427 = vector.broadcast %add3A_426 : i32 to vector<16xi32>
        %add3A_428 = arith.addi %mul3A_417, %add3A_427 : vector<16xi32>
        tpu.vector_store_idx %arg17[%add3A_428], %gather3A_425 masked %lt3A_414 : memref<24576xf32, #tpu.memory_space<vmem>>[vector<16xi32>], vector<16xf32>, vector<16xi1>
        %gather3A_429 = tpu.vector_load_idx %arg12[%broadcast_in_dim3A_16, %get3A_405] masked %lt3A_414 : memref<16x2048xf32, #tpu.memory_space<vmem>>[vector<16xi32>, vector<16xi32>], vector<16xf32>, vector<16xi1>
        %add3A_430 = arith.constant 3 : i32
        %add3A_431 = vector.broadcast %add3A_430 : i32 to vector<16xi32>
        %add3A_432 = arith.addi %mul3A_417, %add3A_431 : vector<16xi32>
        tpu.vector_store_idx %arg17[%add3A_432], %gather3A_429 masked %lt3A_414 : memref<24576xf32, #tpu.memory_space<vmem>>[vector<16xi32>], vector<16xf32>, vector<16xi1>
        %gather3A_433 = tpu.vector_load_idx %arg12[%broadcast_in_dim3A_18, %get3A_405] masked %lt3A_414 : memref<16x2048xf32, #tpu.memory_space<vmem>>[vector<16xi32>, vector<16xi32>], vector<16xf32>, vector<16xi1>
        %add3A_434 = arith.constant 4 : i32
        %add3A_435 = vector.broadcast %add3A_434 : i32 to vector<16xi32>
        %add3A_436 = arith.addi %mul3A_417, %add3A_435 : vector<16xi32>
        tpu.vector_store_idx %arg17[%add3A_436], %gather3A_433 masked %lt3A_414 : memref<24576xf32, #tpu.memory_space<vmem>>[vector<16xi32>], vector<16xf32>, vector<16xi1>
        %gather3A_437 = tpu.vector_load_idx %arg12[%broadcast_in_dim3A_20, %get3A_405] masked %lt3A_414 : memref<16x2048xf32, #tpu.memory_space<vmem>>[vector<16xi32>, vector<16xi32>], vector<16xf32>, vector<16xi1>
        %add3A_438 = arith.constant 5 : i32
        %add3A_439 = vector.broadcast %add3A_438 : i32 to vector<16xi32>
        %add3A_440 = arith.addi %mul3A_417, %add3A_439 : vector<16xi32>
        tpu.vector_store_idx %arg17[%add3A_440], %gather3A_437 masked %lt3A_414 : memref<24576xf32, #tpu.memory_space<vmem>>[vector<16xi32>], vector<16xf32>, vector<16xi1>
        %gather3A_441 = tpu.vector_load_idx %arg12[%broadcast_in_dim3A_22, %get3A_405] masked %lt3A_414 : memref<16x2048xf32, #tpu.memory_space<vmem>>[vector<16xi32>, vector<16xi32>], vector<16xf32>, vector<16xi1>
        %add3A_442 = arith.constant 6 : i32
        %add3A_443 = vector.broadcast %add3A_442 : i32 to vector<16xi32>
        %add3A_444 = arith.addi %mul3A_417, %add3A_443 : vector<16xi32>
        tpu.vector_store_idx %arg17[%add3A_444], %gather3A_441 masked %lt3A_414 : memref<24576xf32, #tpu.memory_space<vmem>>[vector<16xi32>], vector<16xf32>, vector<16xi1>
        %gather3A_445 = tpu.vector_load_idx %arg12[%broadcast_in_dim3A_24, %get3A_405] masked %lt3A_414 : memref<16x2048xf32, #tpu.memory_space<vmem>>[vector<16xi32>, vector<16xi32>], vector<16xf32>, vector<16xi1>
        %add3A_446 = arith.constant 7 : i32
        %add3A_447 = vector.broadcast %add3A_446 : i32 to vector<16xi32>
        %add3A_448 = arith.addi %mul3A_417, %add3A_447 : vector<16xi32>
        tpu.vector_store_idx %arg17[%add3A_448], %gather3A_445 masked %lt3A_414 : memref<24576xf32, #tpu.memory_space<vmem>>[vector<16xi32>], vector<16xf32>, vector<16xi1>
        %gather3A_449 = tpu.vector_load_idx %arg12[%broadcast_in_dim3A_26, %get3A_405] masked %lt3A_414 : memref<16x2048xf32, #tpu.memory_space<vmem>>[vector<16xi32>, vector<16xi32>], vector<16xf32>, vector<16xi1>
        %add3A_450 = arith.constant 8 : i32
        %add3A_451 = vector.broadcast %add3A_450 : i32 to vector<16xi32>
        %add3A_452 = arith.addi %mul3A_417, %add3A_451 : vector<16xi32>
        tpu.vector_store_idx %arg17[%add3A_452], %gather3A_449 masked %lt3A_414 : memref<24576xf32, #tpu.memory_space<vmem>>[vector<16xi32>], vector<16xf32>, vector<16xi1>
        %gather3A_453 = tpu.vector_load_idx %arg12[%broadcast_in_dim3A_28, %get3A_405] masked %lt3A_414 : memref<16x2048xf32, #tpu.memory_space<vmem>>[vector<16xi32>, vector<16xi32>], vector<16xf32>, vector<16xi1>
        %add3A_454 = arith.constant 9 : i32
        %add3A_455 = vector.broadcast %add3A_454 : i32 to vector<16xi32>
        %add3A_456 = arith.addi %mul3A_417, %add3A_455 : vector<16xi32>
        tpu.vector_store_idx %arg17[%add3A_456], %gather3A_453 masked %lt3A_414 : memref<24576xf32, #tpu.memory_space<vmem>>[vector<16xi32>], vector<16xf32>, vector<16xi1>
        %gather3A_457 = tpu.vector_load_idx %arg12[%broadcast_in_dim3A_30, %get3A_405] masked %lt3A_414 : memref<16x2048xf32, #tpu.memory_space<vmem>>[vector<16xi32>, vector<16xi32>], vector<16xf32>, vector<16xi1>
        %add3A_458 = arith.constant 10 : i32
        %add3A_459 = vector.broadcast %add3A_458 : i32 to vector<16xi32>
        %add3A_460 = arith.addi %mul3A_417, %add3A_459 : vector<16xi32>
        tpu.vector_store_idx %arg17[%add3A_460], %gather3A_457 masked %lt3A_414 : memref<24576xf32, #tpu.memory_space<vmem>>[vector<16xi32>], vector<16xf32>, vector<16xi1>
        %gather3A_461 = tpu.vector_load_idx %arg12[%broadcast_in_dim3A_32, %get3A_405] masked %lt3A_414 : memref<16x2048xf32, #tpu.memory_space<vmem>>[vector<16xi32>, vector<16xi32>], vector<16xf32>, vector<16xi1>
        %add3A_462 = arith.constant 11 : i32
        %add3A_463 = vector.broadcast %add3A_462 : i32 to vector<16xi32>
        %add3A_464 = arith.addi %mul3A_417, %add3A_463 : vector<16xi32>
        tpu.vector_store_idx %arg17[%add3A_464], %gather3A_461 masked %lt3A_414 : memref<24576xf32, #tpu.memory_space<vmem>>[vector<16xi32>], vector<16xf32>, vector<16xi1>
        %gather3A_465 = tpu.vector_load_idx %arg12[%broadcast_in_dim3A_34, %get3A_405] masked %lt3A_414 : memref<16x2048xf32, #tpu.memory_space<vmem>>[vector<16xi32>, vector<16xi32>], vector<16xf32>, vector<16xi1>
        %add3A_466 = arith.constant 12 : i32
        %add3A_467 = vector.broadcast %add3A_466 : i32 to vector<16xi32>
        %add3A_468 = arith.addi %mul3A_417, %add3A_467 : vector<16xi32>
        tpu.vector_store_idx %arg17[%add3A_468], %gather3A_465 masked %lt3A_414 : memref<24576xf32, #tpu.memory_space<vmem>>[vector<16xi32>], vector<16xf32>, vector<16xi1>
        %gather3A_469 = tpu.vector_load_idx %arg12[%broadcast_in_dim3A_36, %get3A_405] masked %lt3A_414 : memref<16x2048xf32, #tpu.memory_space<vmem>>[vector<16xi32>, vector<16xi32>], vector<16xf32>, vector<16xi1>
        %add3A_470 = arith.constant 13 : i32
        %add3A_471 = vector.broadcast %add3A_470 : i32 to vector<16xi32>
        %add3A_472 = arith.addi %mul3A_417, %add3A_471 : vector<16xi32>
        tpu.vector_store_idx %arg17[%add3A_472], %gather3A_469 masked %lt3A_414 : memref<24576xf32, #tpu.memory_space<vmem>>[vector<16xi32>], vector<16xf32>, vector<16xi1>
        %gather3A_473 = tpu.vector_load_idx %arg12[%broadcast_in_dim3A_38, %get3A_405] masked %lt3A_414 : memref<16x2048xf32, #tpu.memory_space<vmem>>[vector<16xi32>, vector<16xi32>], vector<16xf32>, vector<16xi1>
        %add3A_474 = arith.constant 14 : i32
        %add3A_475 = vector.broadcast %add3A_474 : i32 to vector<16xi32>
        %add3A_476 = arith.addi %mul3A_417, %add3A_475 : vector<16xi32>
        tpu.vector_store_idx %arg17[%add3A_476], %gather3A_473 masked %lt3A_414 : memref<24576xf32, #tpu.memory_space<vmem>>[vector<16xi32>], vector<16xf32>, vector<16xi1>
        %gather3A_477 = tpu.vector_load_idx %arg12[%broadcast_in_dim3A_40, %get3A_405] masked %lt3A_414 : memref<16x2048xf32, #tpu.memory_space<vmem>>[vector<16xi32>, vector<16xi32>], vector<16xf32>, vector<16xi1>
        %add3A_478 = arith.constant 15 : i32
        %add3A_479 = vector.broadcast %add3A_478 : i32 to vector<16xi32>
        %add3A_480 = arith.addi %mul3A_417, %add3A_479 : vector<16xi32>
        tpu.vector_store_idx %arg17[%add3A_480], %gather3A_477 masked %lt3A_414 : memref<24576xf32, #tpu.memory_space<vmem>>[vector<16xi32>], vector<16xf32>, vector<16xi1>
      }
    }
    %scan3A_107 = arith.constant 8 : i32
    %dma_wait3A = arith.constant 0 : i32
    %dma_wait3A_108 = arith.constant 0 : i32
    %dma_wait3A_109 = tpu.memref_slice %arg4[%dma_wait3A, %dma_wait3A_108] : memref<16x1000000xf32, #tpu.memory_space<hbm>> -> memref<16x2048xf32, #tpu.memory_space<hbm>>
    %dma_wait3A_110 = arith.constant 0 : i32
    %dma_wait3A_111 = arith.constant 0 : i32
    %dma_wait3A_112 = tpu.memref_slice %arg4[%dma_wait3A_110, %dma_wait3A_111] : memref<16x1000000xf32, #tpu.memory_space<hbm>> -> memref<16x2048xf32, #tpu.memory_space<hbm>>
    tpu.wait_dma2 semaphore(%arg18 : memref<!tpu.dma_semaphore, #tpu.memory_space<semaphore_mem>>) src(%dma_wait3A_112 : memref<16x2048xf32, #tpu.memory_space<hbm>>) dst(%arg11 : memref<16x2048xf32, #tpu.memory_space<vmem>>)
    %mul3A_113 = arith.constant 1536 : i32
    %mul3A_114 = arith.muli %add3A, %mul3A_113 : i32
    %mul3A_115 = arith.constant 16 : i32
    %mul3A_116 = arith.muli %mul3A_114, %mul3A_115 : i32
    "tpu.region"() ({
      %run_scoped3A = tpu.sem_alloc : memref<!tpu.dma_semaphore, #tpu.memory_space<semaphore_mem>>
      %dma_start3A_208 = tpu.memref_slice %arg6[%mul3A_116] : memref<786432xf32, #tpu.memory_space<hbm>> -> memref<24576xf32, #tpu.memory_space<hbm>>
      %dma_start3A_209 = tpu.memref_slice %arg6[%mul3A_116] : memref<786432xf32, #tpu.memory_space<hbm>> -> memref<24576xf32, #tpu.memory_space<hbm>>
      tpu.enqueue_dma source(%arg17 : memref<24576xf32, #tpu.memory_space<vmem>>) target(%dma_start3A_209 : memref<24576xf32, #tpu.memory_space<hbm>>) target_semaphore(%run_scoped3A : memref<!tpu.dma_semaphore, #tpu.memory_space<semaphore_mem>>)
      %dma_wait3A_210 = tpu.memref_slice %arg6[%mul3A_116] : memref<786432xf32, #tpu.memory_space<hbm>> -> memref<24576xf32, #tpu.memory_space<hbm>>
      %dma_wait3A_211 = tpu.memref_slice %arg6[%mul3A_116] : memref<786432xf32, #tpu.memory_space<hbm>> -> memref<24576xf32, #tpu.memory_space<hbm>>
      tpu.wait_dma2 semaphore(%run_scoped3A : memref<!tpu.dma_semaphore, #tpu.memory_space<semaphore_mem>>) src(%arg17 : memref<24576xf32, #tpu.memory_space<vmem>>) dst(%dma_wait3A_211 : memref<24576xf32, #tpu.memory_space<hbm>>)
      tpu.yield
    }) : () -> ()
    %mul3A_117 = arith.constant 1536 : i32
    %mul3A_118 = arith.muli %add3A, %mul3A_117 : i32
    "tpu.region"() ({
      %run_scoped3A = tpu.sem_alloc : memref<!tpu.dma_semaphore, #tpu.memory_space<semaphore_mem>>
      %dma_start3A_208 = arith.constant 0 : i32
      %dma_start3A_209 = tpu.memref_slice %arg14[%dma_start3A_208] : memref<1600xi32, #tpu.memory_space<vmem>> -> memref<1536xi32, #tpu.memory_space<vmem>>
      %dma_start3A_210 = tpu.memref_slice %arg7[%mul3A_118] : memref<49152xi32, #tpu.memory_space<hbm>> -> memref<1536xi32, #tpu.memory_space<hbm>>
      %dma_start3A_211 = tpu.memref_slice %arg7[%mul3A_118] : memref<49152xi32, #tpu.memory_space<hbm>> -> memref<1536xi32, #tpu.memory_space<hbm>>
      %dma_start3A_212 = arith.constant 0 : i32
      %dma_start3A_213 = tpu.memref_slice %arg14[%dma_start3A_212] : memref<1600xi32, #tpu.memory_space<vmem>> -> memref<1536xi32, #tpu.memory_space<vmem>>
      tpu.enqueue_dma source(%dma_start3A_213 : memref<1536xi32, #tpu.memory_space<vmem>>) target(%dma_start3A_211 : memref<1536xi32, #tpu.memory_space<hbm>>) target_semaphore(%run_scoped3A : memref<!tpu.dma_semaphore, #tpu.memory_space<semaphore_mem>>)
      %dma_wait3A_214 = arith.constant 0 : i32
      %dma_wait3A_215 = tpu.memref_slice %arg14[%dma_wait3A_214] : memref<1600xi32, #tpu.memory_space<vmem>> -> memref<1536xi32, #tpu.memory_space<vmem>>
      %dma_wait3A_216 = tpu.memref_slice %arg7[%mul3A_118] : memref<49152xi32, #tpu.memory_space<hbm>> -> memref<1536xi32, #tpu.memory_space<hbm>>
      %dma_wait3A_217 = tpu.memref_slice %arg7[%mul3A_118] : memref<49152xi32, #tpu.memory_space<hbm>> -> memref<1536xi32, #tpu.memory_space<hbm>>
      %dma_wait3A_218 = arith.constant 0 : i32
      %dma_wait3A_219 = tpu.memref_slice %arg14[%dma_wait3A_218] : memref<1600xi32, #tpu.memory_space<vmem>> -> memref<1536xi32, #tpu.memory_space<vmem>>
      tpu.wait_dma2 semaphore(%run_scoped3A : memref<!tpu.dma_semaphore, #tpu.memory_space<semaphore_mem>>) src(%dma_wait3A_219 : memref<1536xi32, #tpu.memory_space<vmem>>) dst(%dma_wait3A_217 : memref<1536xi32, #tpu.memory_space<hbm>>)
      tpu.yield
    }) : () -> ()
    %broadcast_in_dim3A_119 = arith.constant -1 : i32
    %broadcast_in_dim3A_120 = vector.broadcast %broadcast_in_dim3A_119 : i32 to vector<16xi32>
    %scan3A_121 = arith.constant 0 : i32
    %scan3A_122 = arith.constant 0 : i32
    %scan3A_123 = arith.constant 100 : i32
    %scan3A_124 = arith.addi %scan3A_122, %scan3A_123 : i32
    %scan3A_125 = arith.constant 1 : i32
    scf.for %scan3A_208 = %scan3A_122 to %scan3A_124 step %scan3A_125  : i32 {
      %mul3A_209 = arith.constant 16 : i32
      %mul3A_210 = arith.muli %scan3A_208, %mul3A_209 : i32
      %swap3A = arith.index_cast %mul3A_210 : i32 to index
      %swap3A_211 = tpu.vector_load %arg14[%swap3A] {strides = array<i32>} : memref<1600xi32, #tpu.memory_space<vmem>>, vector<16xi32>,
      tpu.vector_store %arg14[%swap3A], %broadcast_in_dim3A_120 {strides = array<i32>} : memref<1600xi32, #tpu.memory_space<vmem>>, vector<16xi32>,
      %mul3A_212 = arith.constant 16 : i32
      %mul3A_213 = arith.muli %scan3A_208, %mul3A_212 : i32
      %swap3A_214 = arith.index_cast %mul3A_213 : i32 to index
      %swap3A_215 = tpu.vector_load %arg13[%swap3A_214] {strides = array<i32>} : memref<1600xi32, #tpu.memory_space<vmem>>, vector<16xi32>,
      tpu.vector_store %arg13[%swap3A_214], %broadcast_in_dim3A_120 {strides = array<i32>} : memref<1600xi32, #tpu.memory_space<vmem>>, vector<16xi32>,
    }
    %scan3A_126 = arith.constant 100 : i32
    "tpu.region"() ({
      %run_scoped3A = tpu.sem_alloc : memref<!tpu.dma_semaphore, #tpu.memory_space<semaphore_mem>>
      tpu.enqueue_dma source(%arg3 : memref<16384xi32, #tpu.memory_space<hbm>>) target(%arg10 : memref<16384xi32, #tpu.memory_space<vmem>>) target_semaphore(%run_scoped3A : memref<!tpu.dma_semaphore, #tpu.memory_space<semaphore_mem>>)
      tpu.wait_dma2 semaphore(%run_scoped3A : memref<!tpu.dma_semaphore, #tpu.memory_space<semaphore_mem>>) src(%arg3 : memref<16384xi32, #tpu.memory_space<hbm>>) dst(%arg10 : memref<16384xi32, #tpu.memory_space<vmem>>)
      tpu.yield
    }) : () -> ()
    %scan3A_127 = arith.constant 0 : i32
    %scan3A_128 = arith.constant 0 : i32
    %scan3A_129 = arith.constant 256 : i32
    %scan3A_130 = arith.addi %scan3A_128, %scan3A_129 : i32
    %scan3A_131 = arith.constant 1 : i32
    %scan3A_132 = scf.for %scan3A_208 = %scan3A_128 to %scan3A_130 step %scan3A_131 iter_args(%scan3A_209 = %scan3A_127) -> (i32)  : i32 {
      %mul3A_210 = arith.constant 4 : i32
      %mul3A_211 = arith.muli %scan3A_208, %mul3A_210 : i32
      %add3A_212 = arith.constant 0 : i32
      %add3A_213 = arith.addi %mul3A_211, %add3A_212 : i32
      %mul3A_214 = arith.constant 16 : i32
      %mul3A_215 = arith.muli %add3A_213, %mul3A_214 : i32
      %get3A = arith.index_cast %mul3A_215 : i32 to index
      %get3A_216 = tpu.vector_load %arg10[%get3A] {strides = array<i32>} : memref<16384xi32, #tpu.memory_space<vmem>>, vector<16xi32>,
      %ge3A = vector.broadcast %mul3A_7 : i32 to vector<16xi32>
      %ge3A_217 = arith.cmpi sge, %get3A_216, %ge3A : vector<16xi32>
      %lt3A = vector.broadcast %mul3A_9 : i32 to vector<16xi32>
      %lt3A_218 = arith.cmpi slt, %get3A_216, %lt3A : vector<16xi32>
      %and3A_219 = arith.andi %ge3A_217, %lt3A_218 : vector<16xi1>
      %all_reduce_population_count3A = tpu.all_reduce %and3A_219 {dim = 0 : i64, kind = #tpu.reduction_kind<sum>} : vector<16xi1> -> vector<16xi32>
      %slice3A = vector.extract_strided_slice %all_reduce_population_count3A {offsets = [0], sizes = [1], strides = [1]} : vector<16xi32> to vector<1xi32>
      %squeeze3A = vector.extract %slice3A[0] : i32 from vector<1xi32>
      %mul3A_220 = arith.constant 4 : i32
      %mul3A_221 = arith.muli %scan3A_208, %mul3A_220 : i32
      %add3A_222 = arith.constant 1 : i32
      %add3A_223 = arith.addi %mul3A_221, %add3A_222 : i32
      %mul3A_224 = arith.constant 16 : i32
      %mul3A_225 = arith.muli %add3A_223, %mul3A_224 : i32
      %get3A_226 = arith.index_cast %mul3A_225 : i32 to index
      %get3A_227 = tpu.vector_load %arg10[%get3A_226] {strides = array<i32>} : memref<16384xi32, #tpu.memory_space<vmem>>, vector<16xi32>,
      %ge3A_228 = vector.broadcast %mul3A_7 : i32 to vector<16xi32>
      %ge3A_229 = arith.cmpi sge, %get3A_227, %ge3A_228 : vector<16xi32>
      %lt3A_230 = vector.broadcast %mul3A_9 : i32 to vector<16xi32>
      %lt3A_231 = arith.cmpi slt, %get3A_227, %lt3A_230 : vector<16xi32>
      %and3A_232 = arith.andi %ge3A_229, %lt3A_231 : vector<16xi1>
      %all_reduce_population_count3A_233 = tpu.all_reduce %and3A_232 {dim = 0 : i64, kind = #tpu.reduction_kind<sum>} : vector<16xi1> -> vector<16xi32>
      %slice3A_234 = vector.extract_strided_slice %all_reduce_population_count3A_233 {offsets = [0], sizes = [1], strides = [1]} : vector<16xi32> to vector<1xi32>
      %squeeze3A_235 = vector.extract %slice3A_234[0] : i32 from vector<1xi32>
      %mul3A_236 = arith.constant 4 : i32
      %mul3A_237 = arith.muli %scan3A_208, %mul3A_236 : i32
      %add3A_238 = arith.constant 2 : i32
      %add3A_239 = arith.addi %mul3A_237, %add3A_238 : i32
      %mul3A_240 = arith.constant 16 : i32
      %mul3A_241 = arith.muli %add3A_239, %mul3A_240 : i32
      %get3A_242 = arith.index_cast %mul3A_241 : i32 to index
      %get3A_243 = tpu.vector_load %arg10[%get3A_242] {strides = array<i32>} : memref<16384xi32, #tpu.memory_space<vmem>>, vector<16xi32>,
      %ge3A_244 = vector.broadcast %mul3A_7 : i32 to vector<16xi32>
      %ge3A_245 = arith.cmpi sge, %get3A_243, %ge3A_244 : vector<16xi32>
      %lt3A_246 = vector.broadcast %mul3A_9 : i32 to vector<16xi32>
      %lt3A_247 = arith.cmpi slt, %get3A_243, %lt3A_246 : vector<16xi32>
      %and3A_248 = arith.andi %ge3A_245, %lt3A_247 : vector<16xi1>
      %all_reduce_population_count3A_249 = tpu.all_reduce %and3A_248 {dim = 0 : i64, kind = #tpu.reduction_kind<sum>} : vector<16xi1> -> vector<16xi32>
      %slice3A_250 = vector.extract_strided_slice %all_reduce_population_count3A_249 {offsets = [0], sizes = [1], strides = [1]} : vector<16xi32> to vector<1xi32>
      %squeeze3A_251 = vector.extract %slice3A_250[0] : i32 from vector<1xi32>
      %mul3A_252 = arith.constant 4 : i32
      %mul3A_253 = arith.muli %scan3A_208, %mul3A_252 : i32
      %add3A_254 = arith.constant 3 : i32
      %add3A_255 = arith.addi %mul3A_253, %add3A_254 : i32
      %mul3A_256 = arith.constant 16 : i32
      %mul3A_257 = arith.muli %add3A_255, %mul3A_256 : i32
      %get3A_258 = arith.index_cast %mul3A_257 : i32 to index
      %get3A_259 = tpu.vector_load %arg10[%get3A_258] {strides = array<i32>} : memref<16384xi32, #tpu.memory_space<vmem>>, vector<16xi32>,
      %ge3A_260 = vector.broadcast %mul3A_7 : i32 to vector<16xi32>
      %ge3A_261 = arith.cmpi sge, %get3A_259, %ge3A_260 : vector<16xi32>
      %lt3A_262 = vector.broadcast %mul3A_9 : i32 to vector<16xi32>
      %lt3A_263 = arith.cmpi slt, %get3A_259, %lt3A_262 : vector<16xi32>
      %and3A_264 = arith.andi %ge3A_261, %lt3A_263 : vector<16xi1>
      %all_reduce_population_count3A_265 = tpu.all_reduce %and3A_264 {dim = 0 : i64, kind = #tpu.reduction_kind<sum>} : vector<16xi1> -> vector<16xi32>
      %slice3A_266 = vector.extract_strided_slice %all_reduce_population_count3A_265 {offsets = [0], sizes = [1], strides = [1]} : vector<16xi32> to vector<1xi32>
      %squeeze3A_267 = vector.extract %slice3A_266[0] : i32 from vector<1xi32>
      %swap3A = arith.index_cast %scan3A_209 : i32 to index
      %swap3A_268 = tpu.vector_load %arg13[%swap3A] masked %and3A_219 {strides = array<i32>} : memref<1600xi32, #tpu.memory_space<vmem>>, vector<16xi32>, vector<16xi1>
      tpu.vector_store %arg13[%swap3A], %get3A_216 masked %and3A_219 {strides = array<i32>} : memref<1600xi32, #tpu.memory_space<vmem>>, vector<16xi32>, vector<16xi1>
      %mul3A_269 = arith.constant 4 : i32
      %mul3A_270 = arith.muli %scan3A_208, %mul3A_269 : i32
      %add3A_271 = arith.constant 0 : i32
      %add3A_272 = arith.addi %mul3A_270, %add3A_271 : i32
      %mul3A_273 = arith.constant 16 : i32
      %mul3A_274 = arith.muli %add3A_272, %mul3A_273 : i32
      %add3A_275 = vector.broadcast %mul3A_274 : i32 to vector<16xi32>
      %add3A_276 = arith.addi %add3A_275, %iota3A : vector<16xi32>
      %swap3A_277 = arith.index_cast %scan3A_209 : i32 to index
      %swap3A_278 = tpu.vector_load %arg14[%swap3A_277] masked %and3A_219 {strides = array<i32>} : memref<1600xi32, #tpu.memory_space<vmem>>, vector<16xi32>, vector<16xi1>
      tpu.vector_store %arg14[%swap3A_277], %add3A_276 masked %and3A_219 {strides = array<i32>} : memref<1600xi32, #tpu.memory_space<vmem>>, vector<16xi32>, vector<16xi1>
      %add3A_279 = arith.addi %scan3A_209, %squeeze3A : i32
      %swap3A_280 = arith.index_cast %add3A_279 : i32 to index
      %swap3A_281 = tpu.vector_load %arg13[%swap3A_280] masked %and3A_232 {strides = array<i32>} : memref<1600xi32, #tpu.memory_space<vmem>>, vector<16xi32>, vector<16xi1>
      tpu.vector_store %arg13[%swap3A_280], %get3A_227 masked %and3A_232 {strides = array<i32>} : memref<1600xi32, #tpu.memory_space<vmem>>, vector<16xi32>, vector<16xi1>
      %mul3A_282 = arith.constant 4 : i32
      %mul3A_283 = arith.muli %scan3A_208, %mul3A_282 : i32
      %add3A_284 = arith.constant 1 : i32
      %add3A_285 = arith.addi %mul3A_283, %add3A_284 : i32
      %mul3A_286 = arith.constant 16 : i32
      %mul3A_287 = arith.muli %add3A_285, %mul3A_286 : i32
      %add3A_288 = vector.broadcast %mul3A_287 : i32 to vector<16xi32>
      %add3A_289 = arith.addi %add3A_288, %iota3A : vector<16xi32>
      %swap3A_290 = arith.index_cast %add3A_279 : i32 to index
      %swap3A_291 = tpu.vector_load %arg14[%swap3A_290] masked %and3A_232 {strides = array<i32>} : memref<1600xi32, #tpu.memory_space<vmem>>, vector<16xi32>, vector<16xi1>
      tpu.vector_store %arg14[%swap3A_290], %add3A_289 masked %and3A_232 {strides = array<i32>} : memref<1600xi32, #tpu.memory_space<vmem>>, vector<16xi32>, vector<16xi1>
      %add3A_292 = arith.addi %add3A_279, %squeeze3A_235 : i32
      %swap3A_293 = arith.index_cast %add3A_292 : i32 to index
      %swap3A_294 = tpu.vector_load %arg13[%swap3A_293] masked %and3A_248 {strides = array<i32>} : memref<1600xi32, #tpu.memory_space<vmem>>, vector<16xi32>, vector<16xi1>
      tpu.vector_store %arg13[%swap3A_293], %get3A_243 masked %and3A_248 {strides = array<i32>} : memref<1600xi32, #tpu.memory_space<vmem>>, vector<16xi32>, vector<16xi1>
      %mul3A_295 = arith.constant 4 : i32
      %mul3A_296 = arith.muli %scan3A_208, %mul3A_295 : i32
      %add3A_297 = arith.constant 2 : i32
      %add3A_298 = arith.addi %mul3A_296, %add3A_297 : i32
      %mul3A_299 = arith.constant 16 : i32
      %mul3A_300 = arith.muli %add3A_298, %mul3A_299 : i32
      %add3A_301 = vector.broadcast %mul3A_300 : i32 to vector<16xi32>
      %add3A_302 = arith.addi %add3A_301, %iota3A : vector<16xi32>
      %swap3A_303 = arith.index_cast %add3A_292 : i32 to index
      %swap3A_304 = tpu.vector_load %arg14[%swap3A_303] masked %and3A_248 {strides = array<i32>} : memref<1600xi32, #tpu.memory_space<vmem>>, vector<16xi32>, vector<16xi1>
      tpu.vector_store %arg14[%swap3A_303], %add3A_302 masked %and3A_248 {strides = array<i32>} : memref<1600xi32, #tpu.memory_space<vmem>>, vector<16xi32>, vector<16xi1>
      %add3A_305 = arith.addi %add3A_292, %squeeze3A_251 : i32
      %swap3A_306 = arith.index_cast %add3A_305 : i32 to index
      %swap3A_307 = tpu.vector_load %arg13[%swap3A_306] masked %and3A_264 {strides = array<i32>} : memref<1600xi32, #tpu.memory_space<vmem>>, vector<16xi32>, vector<16xi1>
      tpu.vector_store %arg13[%swap3A_306], %get3A_259 masked %and3A_264 {strides = array<i32>} : memref<1600xi32, #tpu.memory_space<vmem>>, vector<16xi32>, vector<16xi1>
      %mul3A_308 = arith.constant 4 : i32
      %mul3A_309 = arith.muli %scan3A_208, %mul3A_308 : i32
      %add3A_310 = arith.constant 3 : i32
      %add3A_311 = arith.addi %mul3A_309, %add3A_310 : i32
      %mul3A_312 = arith.constant 16 : i32
      %mul3A_313 = arith.muli %add3A_311, %mul3A_312 : i32
      %add3A_314 = vector.broadcast %mul3A_313 : i32 to vector<16xi32>
      %add3A_315 = arith.addi %add3A_314, %iota3A : vector<16xi32>
      %swap3A_316 = arith.index_cast %add3A_305 : i32 to index
      %swap3A_317 = tpu.vector_load %arg14[%swap3A_316] masked %and3A_264 {strides = array<i32>} : memref<1600xi32, #tpu.memory_space<vmem>>, vector<16xi32>, vector<16xi1>
      tpu.vector_store %arg14[%swap3A_316], %add3A_315 masked %and3A_264 {strides = array<i32>} : memref<1600xi32, #tpu.memory_space<vmem>>, vector<16xi32>, vector<16xi1>
      %add3A_318 = arith.addi %add3A_305, %squeeze3A_267 : i32
      scf.yield %add3A_318 : i32
    }
    %scan3A_133 = arith.constant 256 : i32
    %add3A_134 = arith.constant 64 : i32
    %add3A_135 = arith.addi %scan3A_132, %add3A_134 : i32
    %sub3A_136 = arith.constant 1 : i32
    %sub3A_137 = arith.subi %add3A_135, %sub3A_136 : i32
    %jit3A_138 = arith.constant 64 : i32
    %div3A_139 = arith.divsi %sub3A_137, %jit3A_138 : i32
    %sign3A_140 = arith.constant 0 : i32
    %sign3A_141 = arith.cmpi sgt, %sub3A_137, %sign3A_140 : i32
    %sign3A_142 = arith.extui %sign3A_141 : i1 to i32
    %sign3A_143 = arith.constant 0 : i32
    %sign3A_144 = arith.cmpi slt, %sub3A_137, %sign3A_143 : i32
    %sign3A_145 = arith.extui %sign3A_144 : i1 to i32
    %sign3A_146 = arith.subi %sign3A_142, %sign3A_145 : i32
    %sign3A_147 = arith.constant 0 : i32
    %sign3A_148 = arith.cmpi sgt, %jit3A_138, %sign3A_147 : i32
    %sign3A_149 = arith.extui %sign3A_148 : i1 to i32
    %sign3A_150 = arith.constant 0 : i32
    %sign3A_151 = arith.cmpi slt, %jit3A_138, %sign3A_150 : i32
    %sign3A_152 = arith.extui %sign3A_151 : i1 to i32
    %sign3A_153 = arith.subi %sign3A_149, %sign3A_152 : i32
    %ne3A_154 = arith.cmpi ne, %sign3A_146, %sign3A_153 : i32
    %rem3A_155 = arith.remsi %sub3A_137, %jit3A_138 : i32
    %ne3A_156 = arith.constant 0 : i32
    %ne3A_157 = arith.cmpi ne, %rem3A_155, %ne3A_156 : i32
    %and3A_158 = arith.andi %ne3A_154, %ne3A_157 : i1
    %sub3A_159 = arith.constant 1 : i32
    %sub3A_160 = arith.subi %div3A_139, %sub3A_159 : i32
    %select_n3A_161 = arith.select %and3A_158, %sub3A_160, %div3A_139 : i32
    %add3A_162 = arith.constant 0 : i32
    %add3A_163 = arith.addi %mul3A_2, %add3A_162 : i32
    %sub3A_164 = arith.constant 16 : i32
    %sub3A_165 = arith.subi %add3A_5, %sub3A_164 : i32
    %min3A_166 = arith.minsi %add3A_163, %sub3A_165 : i32
    %mul3A_167 = arith.constant 128 : i32
    %mul3A_168 = arith.muli %min3A_166, %mul3A_167 : i32
    %multiple_of3A_169 = tpu.assume_multiple %mul3A_168, 128 : i32
    %dma_start3A_170 = arith.constant 0 : i32
    %dma_start3A_171 = arith.constant 0 : i32
    %dma_start3A_172 = tpu.memref_slice %arg11[%dma_start3A_170, %dma_start3A_171] : memref<16x2048xf32, #tpu.memory_space<vmem>> -> memref<8x2048xf32, #tpu.memory_space<vmem>>
    %dma_start3A_173 = arith.constant 0 : i32
    %dma_start3A_174 = tpu.memref_slice %arg5[%dma_start3A_173, %multiple_of3A_169] : memref<16x1000000xf32, #tpu.memory_space<hbm>> -> memref<8x2048xf32, #tpu.memory_space<hbm>>
    %dma_start3A_175 = arith.constant 0 : i32
    %dma_start3A_176 = arith.constant 0 : i32
    %dma_start3A_177 = tpu.memref_slice %arg11[%dma_start3A_175, %dma_start3A_176] : memref<16x2048xf32, #tpu.memory_space<vmem>> -> memref<8x2048xf32, #tpu.memory_space<vmem>>
    %dma_start3A_178 = arith.constant 0 : i32
    %dma_start3A_179 = tpu.memref_slice %arg5[%dma_start3A_178, %multiple_of3A_169] : memref<16x1000000xf32, #tpu.memory_space<hbm>> -> memref<8x2048xf32, #tpu.memory_space<hbm>>
    tpu.enqueue_dma source(%dma_start3A_179 : memref<8x2048xf32, #tpu.memory_space<hbm>>) target(%dma_start3A_177 : memref<8x2048xf32, #tpu.memory_space<vmem>>) target_semaphore(%arg18 : memref<!tpu.dma_semaphore, #tpu.memory_space<semaphore_mem>>)
    %dma_start3A_180 = arith.constant 8 : i32
    %dma_start3A_181 = arith.constant 0 : i32
    %dma_start3A_182 = tpu.memref_slice %arg11[%dma_start3A_180, %dma_start3A_181] : memref<16x2048xf32, #tpu.memory_space<vmem>> -> memref<8x2048xf32, #tpu.memory_space<vmem>>
    %dma_start3A_183 = arith.constant 8 : i32
    %dma_start3A_184 = tpu.memref_slice %arg5[%dma_start3A_183, %multiple_of3A_169] : memref<16x1000000xf32, #tpu.memory_space<hbm>> -> memref<8x2048xf32, #tpu.memory_space<hbm>>
    %dma_start3A_185 = arith.constant 8 : i32
    %dma_start3A_186 = arith.constant 0 : i32
    %dma_start3A_187 = tpu.memref_slice %arg11[%dma_start3A_185, %dma_start3A_186] : memref<16x2048xf32, #tpu.memory_space<vmem>> -> memref<8x2048xf32, #tpu.memory_space<vmem>>
    %dma_start3A_188 = arith.constant 8 : i32
    %dma_start3A_189 = tpu.memref_slice %arg5[%dma_start3A_188, %multiple_of3A_169] : memref<16x1000000xf32, #tpu.memory_space<hbm>> -> memref<8x2048xf32, #tpu.memory_space<hbm>>
    tpu.enqueue_dma source(%dma_start3A_189 : memref<8x2048xf32, #tpu.memory_space<hbm>>) target(%dma_start3A_187 : memref<8x2048xf32, #tpu.memory_space<vmem>>) target_semaphore(%arg18 : memref<!tpu.dma_semaphore, #tpu.memory_space<semaphore_mem>>)
    %scan3A_190 = arith.constant 0 : i32
    %scan3A_191 = arith.constant 0 : i32
    %scan3A_192 = arith.constant 8 : i32
    %scan3A_193 = arith.addi %scan3A_191, %scan3A_192 : i32
    %scan3A_194 = arith.constant 1 : i32
    scf.for %scan3A_208 = %scan3A_191 to %scan3A_193 step %scan3A_194  : i32 {
      %mul3A_209 = arith.constant 2 : i32
      %mul3A_210 = arith.muli %mul3A_209, %scan3A_208 : i32
      %add3A_211 = arith.constant 1 : i32
      %add3A_212 = arith.addi %mul3A_210, %add3A_211 : i32
      %mul3A_213 = arith.constant 16 : i32
      %mul3A_214 = arith.muli %add3A_212, %mul3A_213 : i32
      %add3A_215 = arith.addi %mul3A_2, %mul3A_214 : i32
      %sub3A_216 = arith.constant 16 : i32
      %sub3A_217 = arith.subi %add3A_5, %sub3A_216 : i32
      %min3A_218 = arith.minsi %add3A_215, %sub3A_217 : i32
      %mul3A_219 = arith.constant 128 : i32
      %mul3A_220 = arith.muli %min3A_218, %mul3A_219 : i32
      %multiple_of3A_221 = tpu.assume_multiple %mul3A_220, 128 : i32
      %dma_start3A_222 = arith.constant 0 : i32
      %dma_start3A_223 = arith.constant 0 : i32
      %dma_start3A_224 = tpu.memref_slice %arg12[%dma_start3A_222, %dma_start3A_223] : memref<16x2048xf32, #tpu.memory_space<vmem>> -> memref<8x2048xf32, #tpu.memory_space<vmem>>
      %dma_start3A_225 = arith.constant 0 : i32
      %dma_start3A_226 = tpu.memref_slice %arg5[%dma_start3A_225, %multiple_of3A_221] : memref<16x1000000xf32, #tpu.memory_space<hbm>> -> memref<8x2048xf32, #tpu.memory_space<hbm>>
      %dma_start3A_227 = arith.constant 0 : i32
      %dma_start3A_228 = arith.constant 0 : i32
      %dma_start3A_229 = tpu.memref_slice %arg12[%dma_start3A_227, %dma_start3A_228] : memref<16x2048xf32, #tpu.memory_space<vmem>> -> memref<8x2048xf32, #tpu.memory_space<vmem>>
      %dma_start3A_230 = arith.constant 0 : i32
      %dma_start3A_231 = tpu.memref_slice %arg5[%dma_start3A_230, %multiple_of3A_221] : memref<16x1000000xf32, #tpu.memory_space<hbm>> -> memref<8x2048xf32, #tpu.memory_space<hbm>>
      tpu.enqueue_dma source(%dma_start3A_231 : memref<8x2048xf32, #tpu.memory_space<hbm>>) target(%dma_start3A_229 : memref<8x2048xf32, #tpu.memory_space<vmem>>) target_semaphore(%arg19 : memref<!tpu.dma_semaphore, #tpu.memory_space<semaphore_mem>>)
      %dma_start3A_232 = arith.constant 8 : i32
      %dma_start3A_233 = arith.constant 0 : i32
      %dma_start3A_234 = tpu.memref_slice %arg12[%dma_start3A_232, %dma_start3A_233] : memref<16x2048xf32, #tpu.memory_space<vmem>> -> memref<8x2048xf32, #tpu.memory_space<vmem>>
      %dma_start3A_235 = arith.constant 8 : i32
      %dma_start3A_236 = tpu.memref_slice %arg5[%dma_start3A_235, %multiple_of3A_221] : memref<16x1000000xf32, #tpu.memory_space<hbm>> -> memref<8x2048xf32, #tpu.memory_space<hbm>>
      %dma_start3A_237 = arith.constant 8 : i32
      %dma_start3A_238 = arith.constant 0 : i32
      %dma_start3A_239 = tpu.memref_slice %arg12[%dma_start3A_237, %dma_start3A_238] : memref<16x2048xf32, #tpu.memory_space<vmem>> -> memref<8x2048xf32, #tpu.memory_space<vmem>>
      %dma_start3A_240 = arith.constant 8 : i32
      %dma_start3A_241 = tpu.memref_slice %arg5[%dma_start3A_240, %multiple_of3A_221] : memref<16x1000000xf32, #tpu.memory_space<hbm>> -> memref<8x2048xf32, #tpu.memory_space<hbm>>
      tpu.enqueue_dma source(%dma_start3A_241 : memref<8x2048xf32, #tpu.memory_space<hbm>>) target(%dma_start3A_239 : memref<8x2048xf32, #tpu.memory_space<vmem>>) target_semaphore(%arg19 : memref<!tpu.dma_semaphore, #tpu.memory_space<semaphore_mem>>)
      %dma_wait3A_242 = arith.constant 0 : i32
      %dma_wait3A_243 = arith.constant 0 : i32
      %dma_wait3A_244 = tpu.memref_slice %arg5[%dma_wait3A_242, %dma_wait3A_243] : memref<16x1000000xf32, #tpu.memory_space<hbm>> -> memref<16x2048xf32, #tpu.memory_space<hbm>>
      %dma_wait3A_245 = arith.constant 0 : i32
      %dma_wait3A_246 = arith.constant 0 : i32
      %dma_wait3A_247 = tpu.memref_slice %arg5[%dma_wait3A_245, %dma_wait3A_246] : memref<16x1000000xf32, #tpu.memory_space<hbm>> -> memref<16x2048xf32, #tpu.memory_space<hbm>>
      tpu.wait_dma2 semaphore(%arg18 : memref<!tpu.dma_semaphore, #tpu.memory_space<semaphore_mem>>) src(%dma_wait3A_247 : memref<16x2048xf32, #tpu.memory_space<hbm>>) dst(%arg11 : memref<16x2048xf32, #tpu.memory_space<vmem>>)
      %mul3A_248 = arith.constant 16 : i32
      %mul3A_249 = arith.muli %mul3A_210, %mul3A_248 : i32
      %add3A_250 = arith.addi %mul3A_2, %mul3A_249 : i32
      %sub3A_251 = arith.constant 16 : i32
      %sub3A_252 = arith.subi %add3A_5, %sub3A_251 : i32
      %min3A_253 = arith.minsi %add3A_250, %sub3A_252 : i32
      %mul3A_254 = arith.constant 128 : i32
      %mul3A_255 = arith.muli %min3A_253, %mul3A_254 : i32
      %while3A = arith.constant 0 : i32
      %while3A_256 = arith.constant 0 : i32
      %while3A_257 = arith.subi %select_n3A_161, %while3A : i32
      %while3A_258 = arith.addi %while3A, %while3A_257 : i32
      %while3A_259 = arith.constant 1 : i32
      %while3A_260 = arith.divsi %while3A_257, %while3A_259 : i32
      %while3A_261 = arith.muli %while3A_260, %while3A_259 : i32
      %while3A_262 = arith.addi %while3A, %while3A_261 : i32
      %while3A_263 = arith.constant 1 : i32
      %while3A_264 = scf.for %while3A_402 = %while3A to %while3A_262 step %while3A_263 iter_args(%while3A_403 = %while3A_256) -> (i32)  : i32 {
        %mul3A_404 = arith.constant 4 : i32
        %mul3A_405 = arith.muli %while3A_402, %mul3A_404 : i32
        %add3A_406 = arith.constant 0 : i32
        %add3A_407 = arith.addi %mul3A_405, %add3A_406 : i32
        %mul3A_408 = arith.constant 16 : i32
        %mul3A_409 = arith.muli %add3A_407, %mul3A_408 : i32
        %get3A = arith.index_cast %mul3A_409 : i32 to index
        %get3A_410 = tpu.vector_load %arg13[%get3A] {strides = array<i32>} : memref<1600xi32, #tpu.memory_space<vmem>>, vector<16xi32>,
        %ge3A = vector.broadcast %mul3A_255 : i32 to vector<16xi32>
        %ge3A_411 = arith.cmpi sge, %get3A_410, %ge3A : vector<16xi32>
        %add3A_412 = arith.constant 2048 : i32
        %add3A_413 = arith.addi %mul3A_255, %add3A_412 : i32
        %lt3A = vector.broadcast %add3A_413 : i32 to vector<16xi32>
        %lt3A_414 = arith.cmpi slt, %get3A_410, %lt3A : vector<16xi32>
        %and3A_415 = arith.andi %ge3A_411, %lt3A_414 : vector<16xi1>
        %sub3A_416 = vector.broadcast %mul3A_255 : i32 to vector<16xi32>
        %sub3A_417 = arith.subi %get3A_410, %sub3A_416 : vector<16xi32>
        %all_reduce_population_count3A = tpu.all_reduce %and3A_415 {dim = 0 : i64, kind = #tpu.reduction_kind<sum>} : vector<16xi1> -> vector<16xi32>
        %slice3A = vector.extract_strided_slice %all_reduce_population_count3A {offsets = [0], sizes = [1], strides = [1]} : vector<16xi32> to vector<1xi32>
        %squeeze3A = vector.extract %slice3A[0] : i32 from vector<1xi32>
        %mul3A_418 = arith.constant 4 : i32
        %mul3A_419 = arith.muli %while3A_402, %mul3A_418 : i32
        %add3A_420 = arith.constant 1 : i32
        %add3A_421 = arith.addi %mul3A_419, %add3A_420 : i32
        %mul3A_422 = arith.constant 16 : i32
        %mul3A_423 = arith.muli %add3A_421, %mul3A_422 : i32
        %get3A_424 = arith.index_cast %mul3A_423 : i32 to index
        %get3A_425 = tpu.vector_load %arg13[%get3A_424] {strides = array<i32>} : memref<1600xi32, #tpu.memory_space<vmem>>, vector<16xi32>,
        %ge3A_426 = vector.broadcast %mul3A_255 : i32 to vector<16xi32>
        %ge3A_427 = arith.cmpi sge, %get3A_425, %ge3A_426 : vector<16xi32>
        %add3A_428 = arith.constant 2048 : i32
        %add3A_429 = arith.addi %mul3A_255, %add3A_428 : i32
        %lt3A_430 = vector.broadcast %add3A_429 : i32 to vector<16xi32>
        %lt3A_431 = arith.cmpi slt, %get3A_425, %lt3A_430 : vector<16xi32>
        %and3A_432 = arith.andi %ge3A_427, %lt3A_431 : vector<16xi1>
        %sub3A_433 = vector.broadcast %mul3A_255 : i32 to vector<16xi32>
        %sub3A_434 = arith.subi %get3A_425, %sub3A_433 : vector<16xi32>
        %all_reduce_population_count3A_435 = tpu.all_reduce %and3A_432 {dim = 0 : i64, kind = #tpu.reduction_kind<sum>} : vector<16xi1> -> vector<16xi32>
        %slice3A_436 = vector.extract_strided_slice %all_reduce_population_count3A_435 {offsets = [0], sizes = [1], strides = [1]} : vector<16xi32> to vector<1xi32>
        %squeeze3A_437 = vector.extract %slice3A_436[0] : i32 from vector<1xi32>
        %mul3A_438 = arith.constant 4 : i32
        %mul3A_439 = arith.muli %while3A_402, %mul3A_438 : i32
        %add3A_440 = arith.constant 2 : i32
        %add3A_441 = arith.addi %mul3A_439, %add3A_440 : i32
        %mul3A_442 = arith.constant 16 : i32
        %mul3A_443 = arith.muli %add3A_441, %mul3A_442 : i32
        %get3A_444 = arith.index_cast %mul3A_443 : i32 to index
        %get3A_445 = tpu.vector_load %arg13[%get3A_444] {strides = array<i32>} : memref<1600xi32, #tpu.memory_space<vmem>>, vector<16xi32>,
        %ge3A_446 = vector.broadcast %mul3A_255 : i32 to vector<16xi32>
        %ge3A_447 = arith.cmpi sge, %get3A_445, %ge3A_446 : vector<16xi32>
        %add3A_448 = arith.constant 2048 : i32
        %add3A_449 = arith.addi %mul3A_255, %add3A_448 : i32
        %lt3A_450 = vector.broadcast %add3A_449 : i32 to vector<16xi32>
        %lt3A_451 = arith.cmpi slt, %get3A_445, %lt3A_450 : vector<16xi32>
        %and3A_452 = arith.andi %ge3A_447, %lt3A_451 : vector<16xi1>
        %sub3A_453 = vector.broadcast %mul3A_255 : i32 to vector<16xi32>
        %sub3A_454 = arith.subi %get3A_445, %sub3A_453 : vector<16xi32>
        %all_reduce_population_count3A_455 = tpu.all_reduce %and3A_452 {dim = 0 : i64, kind = #tpu.reduction_kind<sum>} : vector<16xi1> -> vector<16xi32>
        %slice3A_456 = vector.extract_strided_slice %all_reduce_population_count3A_455 {offsets = [0], sizes = [1], strides = [1]} : vector<16xi32> to vector<1xi32>
        %squeeze3A_457 = vector.extract %slice3A_456[0] : i32 from vector<1xi32>
        %mul3A_458 = arith.constant 4 : i32
        %mul3A_459 = arith.muli %while3A_402, %mul3A_458 : i32
        %add3A_460 = arith.constant 3 : i32
        %add3A_461 = arith.addi %mul3A_459, %add3A_460 : i32
        %mul3A_462 = arith.constant 16 : i32
        %mul3A_463 = arith.muli %add3A_461, %mul3A_462 : i32
        %get3A_464 = arith.index_cast %mul3A_463 : i32 to index
        %get3A_465 = tpu.vector_load %arg13[%get3A_464] {strides = array<i32>} : memref<1600xi32, #tpu.memory_space<vmem>>, vector<16xi32>,
        %ge3A_466 = vector.broadcast %mul3A_255 : i32 to vector<16xi32>
        %ge3A_467 = arith.cmpi sge, %get3A_465, %ge3A_466 : vector<16xi32>
        %add3A_468 = arith.constant 2048 : i32
        %add3A_469 = arith.addi %mul3A_255, %add3A_468 : i32
        %lt3A_470 = vector.broadcast %add3A_469 : i32 to vector<16xi32>
        %lt3A_471 = arith.cmpi slt, %get3A_465, %lt3A_470 : vector<16xi32>
        %and3A_472 = arith.andi %ge3A_467, %lt3A_471 : vector<16xi1>
        %sub3A_473 = vector.broadcast %mul3A_255 : i32 to vector<16xi32>
        %sub3A_474 = arith.subi %get3A_465, %sub3A_473 : vector<16xi32>
        %all_reduce_population_count3A_475 = tpu.all_reduce %and3A_472 {dim = 0 : i64, kind = #tpu.reduction_kind<sum>} : vector<16xi1> -> vector<16xi32>
        %slice3A_476 = vector.extract_strided_slice %all_reduce_population_count3A_475 {offsets = [0], sizes = [1], strides = [1]} : vector<16xi32> to vector<1xi32>
        %squeeze3A_477 = vector.extract %slice3A_476[0] : i32 from vector<1xi32>
        %swap3A = arith.index_cast %while3A_403 : i32 to index
        %swap3A_478 = tpu.vector_load %arg15[%swap3A] masked %and3A_415 {strides = array<i32>} : memref<1600xi32, #tpu.memory_space<vmem>>, vector<16xi32>, vector<16xi1>
        tpu.vector_store %arg15[%swap3A], %sub3A_417 masked %and3A_415 {strides = array<i32>} : memref<1600xi32, #tpu.memory_space<vmem>>, vector<16xi32>, vector<16xi1>
        %mul3A_479 = arith.constant 4 : i32
        %mul3A_480 = arith.muli %while3A_402, %mul3A_479 : i32
        %add3A_481 = arith.constant 0 : i32
        %add3A_482 = arith.addi %mul3A_480, %add3A_481 : i32
        %mul3A_483 = arith.constant 16 : i32
        %mul3A_484 = arith.muli %add3A_482, %mul3A_483 : i32
        %add3A_485 = vector.broadcast %mul3A_484 : i32 to vector<16xi32>
        %add3A_486 = arith.addi %add3A_485, %iota3A : vector<16xi32>
        %swap3A_487 = arith.index_cast %while3A_403 : i32 to index
        %swap3A_488 = tpu.vector_load %arg16[%swap3A_487] masked %and3A_415 {strides = array<i32>} : memref<1600xi32, #tpu.memory_space<vmem>>, vector<16xi32>, vector<16xi1>
        tpu.vector_store %arg16[%swap3A_487], %add3A_486 masked %and3A_415 {strides = array<i32>} : memref<1600xi32, #tpu.memory_space<vmem>>, vector<16xi32>, vector<16xi1>
        %add3A_489 = arith.addi %while3A_403, %squeeze3A : i32
        %swap3A_490 = arith.index_cast %add3A_489 : i32 to index
        %swap3A_491 = tpu.vector_load %arg15[%swap3A_490] masked %and3A_432 {strides = array<i32>} : memref<1600xi32, #tpu.memory_space<vmem>>, vector<16xi32>, vector<16xi1>
        tpu.vector_store %arg15[%swap3A_490], %sub3A_434 masked %and3A_432 {strides = array<i32>} : memref<1600xi32, #tpu.memory_space<vmem>>, vector<16xi32>, vector<16xi1>
        %mul3A_492 = arith.constant 4 : i32
        %mul3A_493 = arith.muli %while3A_402, %mul3A_492 : i32
        %add3A_494 = arith.constant 1 : i32
        %add3A_495 = arith.addi %mul3A_493, %add3A_494 : i32
        %mul3A_496 = arith.constant 16 : i32
        %mul3A_497 = arith.muli %add3A_495, %mul3A_496 : i32
        %add3A_498 = vector.broadcast %mul3A_497 : i32 to vector<16xi32>
        %add3A_499 = arith.addi %add3A_498, %iota3A : vector<16xi32>
        %swap3A_500 = arith.index_cast %add3A_489 : i32 to index
        %swap3A_501 = tpu.vector_load %arg16[%swap3A_500] masked %and3A_432 {strides = array<i32>} : memref<1600xi32, #tpu.memory_space<vmem>>, vector<16xi32>, vector<16xi1>
        tpu.vector_store %arg16[%swap3A_500], %add3A_499 masked %and3A_432 {strides = array<i32>} : memref<1600xi32, #tpu.memory_space<vmem>>, vector<16xi32>, vector<16xi1>
        %add3A_502 = arith.addi %add3A_489, %squeeze3A_437 : i32
        %swap3A_503 = arith.index_cast %add3A_502 : i32 to index
        %swap3A_504 = tpu.vector_load %arg15[%swap3A_503] masked %and3A_452 {strides = array<i32>} : memref<1600xi32, #tpu.memory_space<vmem>>, vector<16xi32>, vector<16xi1>
        tpu.vector_store %arg15[%swap3A_503], %sub3A_454 masked %and3A_452 {strides = array<i32>} : memref<1600xi32, #tpu.memory_space<vmem>>, vector<16xi32>, vector<16xi1>
        %mul3A_505 = arith.constant 4 : i32
        %mul3A_506 = arith.muli %while3A_402, %mul3A_505 : i32
        %add3A_507 = arith.constant 2 : i32
        %add3A_508 = arith.addi %mul3A_506, %add3A_507 : i32
        %mul3A_509 = arith.constant 16 : i32
        %mul3A_510 = arith.muli %add3A_508, %mul3A_509 : i32
        %add3A_511 = vector.broadcast %mul3A_510 : i32 to vector<16xi32>
        %add3A_512 = arith.addi %add3A_511, %iota3A : vector<16xi32>
        %swap3A_513 = arith.index_cast %add3A_502 : i32 to index
        %swap3A_514 = tpu.vector_load %arg16[%swap3A_513] masked %and3A_452 {strides = array<i32>} : memref<1600xi32, #tpu.memory_space<vmem>>, vector<16xi32>, vector<16xi1>
        tpu.vector_store %arg16[%swap3A_513], %add3A_512 masked %and3A_452 {strides = array<i32>} : memref<1600xi32, #tpu.memory_space<vmem>>, vector<16xi32>, vector<16xi1>
        %add3A_515 = arith.addi %add3A_502, %squeeze3A_457 : i32
        %swap3A_516 = arith.index_cast %add3A_515 : i32 to index
        %swap3A_517 = tpu.vector_load %arg15[%swap3A_516] masked %and3A_472 {strides = array<i32>} : memref<1600xi32, #tpu.memory_space<vmem>>, vector<16xi32>, vector<16xi1>
        tpu.vector_store %arg15[%swap3A_516], %sub3A_474 masked %and3A_472 {strides = array<i32>} : memref<1600xi32, #tpu.memory_space<vmem>>, vector<16xi32>, vector<16xi1>
        %mul3A_518 = arith.constant 4 : i32
        %mul3A_519 = arith.muli %while3A_402, %mul3A_518 : i32
        %add3A_520 = arith.constant 3 : i32
        %add3A_521 = arith.addi %mul3A_519, %add3A_520 : i32
        %mul3A_522 = arith.constant 16 : i32
        %mul3A_523 = arith.muli %add3A_521, %mul3A_522 : i32
        %add3A_524 = vector.broadcast %mul3A_523 : i32 to vector<16xi32>
        %add3A_525 = arith.addi %add3A_524, %iota3A : vector<16xi32>
        %swap3A_526 = arith.index_cast %add3A_515 : i32 to index
        %swap3A_527 = tpu.vector_load %arg16[%swap3A_526] masked %and3A_472 {strides = array<i32>} : memref<1600xi32, #tpu.memory_space<vmem>>, vector<16xi32>, vector<16xi1>
        tpu.vector_store %arg16[%swap3A_526], %add3A_525 masked %and3A_472 {strides = array<i32>} : memref<1600xi32, #tpu.memory_space<vmem>>, vector<16xi32>, vector<16xi1>
        %add3A_528 = arith.addi %add3A_515, %squeeze3A_477 : i32
        scf.yield %add3A_528 : i32
      }
      %while3A_265 = arith.constant 1 : i32
      %while3A_266 = scf.for %while3A_402 = %while3A_262 to %while3A_258 step %while3A_265 iter_args(%while3A_403 = %while3A_264) -> (i32)  : i32 {
        %mul3A_404 = arith.constant 4 : i32
        %mul3A_405 = arith.muli %while3A_402, %mul3A_404 : i32
        %add3A_406 = arith.constant 0 : i32
        %add3A_407 = arith.addi %mul3A_405, %add3A_406 : i32
        %mul3A_408 = arith.constant 16 : i32
        %mul3A_409 = arith.muli %add3A_407, %mul3A_408 : i32
        %get3A = arith.index_cast %mul3A_409 : i32 to index
        %get3A_410 = tpu.vector_load %arg13[%get3A] {strides = array<i32>} : memref<1600xi32, #tpu.memory_space<vmem>>, vector<16xi32>,
        %ge3A = vector.broadcast %mul3A_255 : i32 to vector<16xi32>
        %ge3A_411 = arith.cmpi sge, %get3A_410, %ge3A : vector<16xi32>
        %add3A_412 = arith.constant 2048 : i32
        %add3A_413 = arith.addi %mul3A_255, %add3A_412 : i32
        %lt3A = vector.broadcast %add3A_413 : i32 to vector<16xi32>
        %lt3A_414 = arith.cmpi slt, %get3A_410, %lt3A : vector<16xi32>
        %and3A_415 = arith.andi %ge3A_411, %lt3A_414 : vector<16xi1>
        %sub3A_416 = vector.broadcast %mul3A_255 : i32 to vector<16xi32>
        %sub3A_417 = arith.subi %get3A_410, %sub3A_416 : vector<16xi32>
        %all_reduce_population_count3A = tpu.all_reduce %and3A_415 {dim = 0 : i64, kind = #tpu.reduction_kind<sum>} : vector<16xi1> -> vector<16xi32>
        %slice3A = vector.extract_strided_slice %all_reduce_population_count3A {offsets = [0], sizes = [1], strides = [1]} : vector<16xi32> to vector<1xi32>
        %squeeze3A = vector.extract %slice3A[0] : i32 from vector<1xi32>
        %mul3A_418 = arith.constant 4 : i32
        %mul3A_419 = arith.muli %while3A_402, %mul3A_418 : i32
        %add3A_420 = arith.constant 1 : i32
        %add3A_421 = arith.addi %mul3A_419, %add3A_420 : i32
        %mul3A_422 = arith.constant 16 : i32
        %mul3A_423 = arith.muli %add3A_421, %mul3A_422 : i32
        %get3A_424 = arith.index_cast %mul3A_423 : i32 to index
        %get3A_425 = tpu.vector_load %arg13[%get3A_424] {strides = array<i32>} : memref<1600xi32, #tpu.memory_space<vmem>>, vector<16xi32>,
        %ge3A_426 = vector.broadcast %mul3A_255 : i32 to vector<16xi32>
        %ge3A_427 = arith.cmpi sge, %get3A_425, %ge3A_426 : vector<16xi32>
        %add3A_428 = arith.constant 2048 : i32
        %add3A_429 = arith.addi %mul3A_255, %add3A_428 : i32
        %lt3A_430 = vector.broadcast %add3A_429 : i32 to vector<16xi32>
        %lt3A_431 = arith.cmpi slt, %get3A_425, %lt3A_430 : vector<16xi32>
        %and3A_432 = arith.andi %ge3A_427, %lt3A_431 : vector<16xi1>
        %sub3A_433 = vector.broadcast %mul3A_255 : i32 to vector<16xi32>
        %sub3A_434 = arith.subi %get3A_425, %sub3A_433 : vector<16xi32>
        %all_reduce_population_count3A_435 = tpu.all_reduce %and3A_432 {dim = 0 : i64, kind = #tpu.reduction_kind<sum>} : vector<16xi1> -> vector<16xi32>
        %slice3A_436 = vector.extract_strided_slice %all_reduce_population_count3A_435 {offsets = [0], sizes = [1], strides = [1]} : vector<16xi32> to vector<1xi32>
        %squeeze3A_437 = vector.extract %slice3A_436[0] : i32 from vector<1xi32>
        %mul3A_438 = arith.constant 4 : i32
        %mul3A_439 = arith.muli %while3A_402, %mul3A_438 : i32
        %add3A_440 = arith.constant 2 : i32
        %add3A_441 = arith.addi %mul3A_439, %add3A_440 : i32
        %mul3A_442 = arith.constant 16 : i32
        %mul3A_443 = arith.muli %add3A_441, %mul3A_442 : i32
        %get3A_444 = arith.index_cast %mul3A_443 : i32 to index
        %get3A_445 = tpu.vector_load %arg13[%get3A_444] {strides = array<i32>} : memref<1600xi32, #tpu.memory_space<vmem>>, vector<16xi32>,
        %ge3A_446 = vector.broadcast %mul3A_255 : i32 to vector<16xi32>
        %ge3A_447 = arith.cmpi sge, %get3A_445, %ge3A_446 : vector<16xi32>
        %add3A_448 = arith.constant 2048 : i32
        %add3A_449 = arith.addi %mul3A_255, %add3A_448 : i32
        %lt3A_450 = vector.broadcast %add3A_449 : i32 to vector<16xi32>
        %lt3A_451 = arith.cmpi slt, %get3A_445, %lt3A_450 : vector<16xi32>
        %and3A_452 = arith.andi %ge3A_447, %lt3A_451 : vector<16xi1>
        %sub3A_453 = vector.broadcast %mul3A_255 : i32 to vector<16xi32>
        %sub3A_454 = arith.subi %get3A_445, %sub3A_453 : vector<16xi32>
        %all_reduce_population_count3A_455 = tpu.all_reduce %and3A_452 {dim = 0 : i64, kind = #tpu.reduction_kind<sum>} : vector<16xi1> -> vector<16xi32>
        %slice3A_456 = vector.extract_strided_slice %all_reduce_population_count3A_455 {offsets = [0], sizes = [1], strides = [1]} : vector<16xi32> to vector<1xi32>
        %squeeze3A_457 = vector.extract %slice3A_456[0] : i32 from vector<1xi32>
        %mul3A_458 = arith.constant 4 : i32
        %mul3A_459 = arith.muli %while3A_402, %mul3A_458 : i32
        %add3A_460 = arith.constant 3 : i32
        %add3A_461 = arith.addi %mul3A_459, %add3A_460 : i32
        %mul3A_462 = arith.constant 16 : i32
        %mul3A_463 = arith.muli %add3A_461, %mul3A_462 : i32
        %get3A_464 = arith.index_cast %mul3A_463 : i32 to index
        %get3A_465 = tpu.vector_load %arg13[%get3A_464] {strides = array<i32>} : memref<1600xi32, #tpu.memory_space<vmem>>, vector<16xi32>,
        %ge3A_466 = vector.broadcast %mul3A_255 : i32 to vector<16xi32>
        %ge3A_467 = arith.cmpi sge, %get3A_465, %ge3A_466 : vector<16xi32>
        %add3A_468 = arith.constant 2048 : i32
        %add3A_469 = arith.addi %mul3A_255, %add3A_468 : i32
        %lt3A_470 = vector.broadcast %add3A_469 : i32 to vector<16xi32>
        %lt3A_471 = arith.cmpi slt, %get3A_465, %lt3A_470 : vector<16xi32>
        %and3A_472 = arith.andi %ge3A_467, %lt3A_471 : vector<16xi1>
        %sub3A_473 = vector.broadcast %mul3A_255 : i32 to vector<16xi32>
        %sub3A_474 = arith.subi %get3A_465, %sub3A_473 : vector<16xi32>
        %all_reduce_population_count3A_475 = tpu.all_reduce %and3A_472 {dim = 0 : i64, kind = #tpu.reduction_kind<sum>} : vector<16xi1> -> vector<16xi32>
        %slice3A_476 = vector.extract_strided_slice %all_reduce_population_count3A_475 {offsets = [0], sizes = [1], strides = [1]} : vector<16xi32> to vector<1xi32>
        %squeeze3A_477 = vector.extract %slice3A_476[0] : i32 from vector<1xi32>
        %swap3A = arith.index_cast %while3A_403 : i32 to index
        %swap3A_478 = tpu.vector_load %arg15[%swap3A] masked %and3A_415 {strides = array<i32>} : memref<1600xi32, #tpu.memory_space<vmem>>, vector<16xi32>, vector<16xi1>
        tpu.vector_store %arg15[%swap3A], %sub3A_417 masked %and3A_415 {strides = array<i32>} : memref<1600xi32, #tpu.memory_space<vmem>>, vector<16xi32>, vector<16xi1>
        %mul3A_479 = arith.constant 4 : i32
        %mul3A_480 = arith.muli %while3A_402, %mul3A_479 : i32
        %add3A_481 = arith.constant 0 : i32
        %add3A_482 = arith.addi %mul3A_480, %add3A_481 : i32
        %mul3A_483 = arith.constant 16 : i32
        %mul3A_484 = arith.muli %add3A_482, %mul3A_483 : i32
        %add3A_485 = vector.broadcast %mul3A_484 : i32 to vector<16xi32>
        %add3A_486 = arith.addi %add3A_485, %iota3A : vector<16xi32>
        %swap3A_487 = arith.index_cast %while3A_403 : i32 to index
        %swap3A_488 = tpu.vector_load %arg16[%swap3A_487] masked %and3A_415 {strides = array<i32>} : memref<1600xi32, #tpu.memory_space<vmem>>, vector<16xi32>, vector<16xi1>
        tpu.vector_store %arg16[%swap3A_487], %add3A_486 masked %and3A_415 {strides = array<i32>} : memref<1600xi32, #tpu.memory_space<vmem>>, vector<16xi32>, vector<16xi1>
        %add3A_489 = arith.addi %while3A_403, %squeeze3A : i32
        %swap3A_490 = arith.index_cast %add3A_489 : i32 to index
        %swap3A_491 = tpu.vector_load %arg15[%swap3A_490] masked %and3A_432 {strides = array<i32>} : memref<1600xi32, #tpu.memory_space<vmem>>, vector<16xi32>, vector<16xi1>
        tpu.vector_store %arg15[%swap3A_490], %sub3A_434 masked %and3A_432 {strides = array<i32>} : memref<1600xi32, #tpu.memory_space<vmem>>, vector<16xi32>, vector<16xi1>
        %mul3A_492 = arith.constant 4 : i32
        %mul3A_493 = arith.muli %while3A_402, %mul3A_492 : i32
        %add3A_494 = arith.constant 1 : i32
        %add3A_495 = arith.addi %mul3A_493, %add3A_494 : i32
        %mul3A_496 = arith.constant 16 : i32
        %mul3A_497 = arith.muli %add3A_495, %mul3A_496 : i32
        %add3A_498 = vector.broadcast %mul3A_497 : i32 to vector<16xi32>
        %add3A_499 = arith.addi %add3A_498, %iota3A : vector<16xi32>
        %swap3A_500 = arith.index_cast %add3A_489 : i32 to index
        %swap3A_501 = tpu.vector_load %arg16[%swap3A_500] masked %and3A_432 {strides = array<i32>} : memref<1600xi32, #tpu.memory_space<vmem>>, vector<16xi32>, vector<16xi1>
        tpu.vector_store %arg16[%swap3A_500], %add3A_499 masked %and3A_432 {strides = array<i32>} : memref<1600xi32, #tpu.memory_space<vmem>>, vector<16xi32>, vector<16xi1>
        %add3A_502 = arith.addi %add3A_489, %squeeze3A_437 : i32
        %swap3A_503 = arith.index_cast %add3A_502 : i32 to index
        %swap3A_504 = tpu.vector_load %arg15[%swap3A_503] masked %and3A_452 {strides = array<i32>} : memref<1600xi32, #tpu.memory_space<vmem>>, vector<16xi32>, vector<16xi1>
        tpu.vector_store %arg15[%swap3A_503], %sub3A_454 masked %and3A_452 {strides = array<i32>} : memref<1600xi32, #tpu.memory_space<vmem>>, vector<16xi32>, vector<16xi1>
        %mul3A_505 = arith.constant 4 : i32
        %mul3A_506 = arith.muli %while3A_402, %mul3A_505 : i32
        %add3A_507 = arith.constant 2 : i32
        %add3A_508 = arith.addi %mul3A_506, %add3A_507 : i32
        %mul3A_509 = arith.constant 16 : i32
        %mul3A_510 = arith.muli %add3A_508, %mul3A_509 : i32
        %add3A_511 = vector.broadcast %mul3A_510 : i32 to vector<16xi32>
        %add3A_512 = arith.addi %add3A_511, %iota3A : vector<16xi32>
        %swap3A_513 = arith.index_cast %add3A_502 : i32 to index
        %swap3A_514 = tpu.vector_load %arg16[%swap3A_513] masked %and3A_452 {strides = array<i32>} : memref<1600xi32, #tpu.memory_space<vmem>>, vector<16xi32>, vector<16xi1>
        tpu.vector_store %arg16[%swap3A_513], %add3A_512 masked %and3A_452 {strides = array<i32>} : memref<1600xi32, #tpu.memory_space<vmem>>, vector<16xi32>, vector<16xi1>
        %add3A_515 = arith.addi %add3A_502, %squeeze3A_457 : i32
        %swap3A_516 = arith.index_cast %add3A_515 : i32 to index
        %swap3A_517 = tpu.vector_load %arg15[%swap3A_516] masked %and3A_472 {strides = array<i32>} : memref<1600xi32, #tpu.memory_space<vmem>>, vector<16xi32>, vector<16xi1>
        tpu.vector_store %arg15[%swap3A_516], %sub3A_474 masked %and3A_472 {strides = array<i32>} : memref<1600xi32, #tpu.memory_space<vmem>>, vector<16xi32>, vector<16xi1>
        %mul3A_518 = arith.constant 4 : i32
        %mul3A_519 = arith.muli %while3A_402, %mul3A_518 : i32
        %add3A_520 = arith.constant 3 : i32
        %add3A_521 = arith.addi %mul3A_519, %add3A_520 : i32
        %mul3A_522 = arith.constant 16 : i32
        %mul3A_523 = arith.muli %add3A_521, %mul3A_522 : i32
        %add3A_524 = vector.broadcast %mul3A_523 : i32 to vector<16xi32>
        %add3A_525 = arith.addi %add3A_524, %iota3A : vector<16xi32>
        %swap3A_526 = arith.index_cast %add3A_515 : i32 to index
        %swap3A_527 = tpu.vector_load %arg16[%swap3A_526] masked %and3A_472 {strides = array<i32>} : memref<1600xi32, #tpu.memory_space<vmem>>, vector<16xi32>, vector<16xi1>
        tpu.vector_store %arg16[%swap3A_526], %add3A_525 masked %and3A_472 {strides = array<i32>} : memref<1600xi32, #tpu.memory_space<vmem>>, vector<16xi32>, vector<16xi1>
        %add3A_528 = arith.addi %add3A_515, %squeeze3A_477 : i32
        scf.yield %add3A_528 : i32
      }
      %add3A_267 = arith.constant 16 : i32
      %add3A_268 = arith.addi %while3A_266, %add3A_267 : i32
      %sub3A_269 = arith.constant 1 : i32
      %sub3A_270 = arith.subi %add3A_268, %sub3A_269 : i32
      %jit3A_271 = arith.constant 16 : i32
      %div3A_272 = arith.divsi %sub3A_270, %jit3A_271 : i32
      %sign3A_273 = arith.constant 0 : i32
      %sign3A_274 = arith.cmpi sgt, %sub3A_270, %sign3A_273 : i32
      %sign3A_275 = arith.extui %sign3A_274 : i1 to i32
      %sign3A_276 = arith.constant 0 : i32
      %sign3A_277 = arith.cmpi slt, %sub3A_270, %sign3A_276 : i32
      %sign3A_278 = arith.extui %sign3A_277 : i1 to i32
      %sign3A_279 = arith.subi %sign3A_275, %sign3A_278 : i32
      %sign3A_280 = arith.constant 0 : i32
      %sign3A_281 = arith.cmpi sgt, %jit3A_271, %sign3A_280 : i32
      %sign3A_282 = arith.extui %sign3A_281 : i1 to i32
      %sign3A_283 = arith.constant 0 : i32
      %sign3A_284 = arith.cmpi slt, %jit3A_271, %sign3A_283 : i32
      %sign3A_285 = arith.extui %sign3A_284 : i1 to i32
      %sign3A_286 = arith.subi %sign3A_282, %sign3A_285 : i32
      %ne3A_287 = arith.cmpi ne, %sign3A_279, %sign3A_286 : i32
      %rem3A_288 = arith.remsi %sub3A_270, %jit3A_271 : i32
      %ne3A_289 = arith.constant 0 : i32
      %ne3A_290 = arith.cmpi ne, %rem3A_288, %ne3A_289 : i32
      %and3A_291 = arith.andi %ne3A_287, %ne3A_290 : i1
      %sub3A_292 = arith.constant 1 : i32
      %sub3A_293 = arith.subi %div3A_272, %sub3A_292 : i32
      %select_n3A_294 = arith.select %and3A_291, %sub3A_293, %div3A_272 : i32
      %while3A_295 = arith.constant 0 : i32
      %while3A_296 = arith.constant 0 : i32
      %while3A_297 = arith.subi %select_n3A_294, %while3A_296 : i32
      %while3A_298 = arith.addi %while3A_296, %while3A_297 : i32
      %while3A_299 = arith.constant 1 : i32
      %while3A_300 = arith.divsi %while3A_297, %while3A_299 : i32
      %while3A_301 = arith.muli %while3A_300, %while3A_299 : i32
      %while3A_302 = arith.addi %while3A_296, %while3A_301 : i32
      %while3A_303 = arith.constant 1 : i32
      scf.for %while3A_402 = %while3A_296 to %while3A_302 step %while3A_303  : i32 {
        %mul3A_403 = arith.constant 16 : i32
        %mul3A_404 = arith.muli %while3A_402, %mul3A_403 : i32
        %get3A = arith.index_cast %mul3A_404 : i32 to index
        %get3A_405 = tpu.vector_load %arg15[%get3A] {strides = array<i32>} : memref<1600xi32, #tpu.memory_space<vmem>>, vector<16xi32>,
        %mul3A_406 = arith.constant 16 : i32
        %mul3A_407 = arith.muli %while3A_402, %mul3A_406 : i32
        %get3A_408 = arith.index_cast %mul3A_407 : i32 to index
        %get3A_409 = tpu.vector_load %arg16[%get3A_408] {strides = array<i32>} : memref<1600xi32, #tpu.memory_space<vmem>>, vector<16xi32>,
        %mul3A_410 = arith.constant 16 : i32
        %mul3A_411 = arith.muli %while3A_402, %mul3A_410 : i32
        %add3A_412 = vector.broadcast %mul3A_411 : i32 to vector<16xi32>
        %add3A_413 = arith.addi %add3A_412, %iota3A : vector<16xi32>
        %lt3A = vector.broadcast %while3A_266 : i32 to vector<16xi32>
        %lt3A_414 = arith.cmpi slt, %add3A_413, %lt3A : vector<16xi32>
        %mul3A_415 = arith.constant 16 : i32
        %mul3A_416 = vector.broadcast %mul3A_415 : i32 to vector<16xi32>
        %mul3A_417 = arith.muli %get3A_409, %mul3A_416 : vector<16xi32>
        %gather3A = tpu.vector_load_idx %arg11[%broadcast_in_dim3A_10, %get3A_405] masked %lt3A_414 : memref<16x2048xf32, #tpu.memory_space<vmem>>[vector<16xi32>, vector<16xi32>], vector<16xf32>, vector<16xi1>
        %add3A_418 = arith.constant 0 : i32
        %add3A_419 = vector.broadcast %add3A_418 : i32 to vector<16xi32>
        %add3A_420 = arith.addi %mul3A_417, %add3A_419 : vector<16xi32>
        tpu.vector_store_idx %arg17[%add3A_420], %gather3A masked %lt3A_414 : memref<24576xf32, #tpu.memory_space<vmem>>[vector<16xi32>], vector<16xf32>, vector<16xi1>
        %gather3A_421 = tpu.vector_load_idx %arg11[%broadcast_in_dim3A_12, %get3A_405] masked %lt3A_414 : memref<16x2048xf32, #tpu.memory_space<vmem>>[vector<16xi32>, vector<16xi32>], vector<16xf32>, vector<16xi1>
        %add3A_422 = arith.constant 1 : i32
        %add3A_423 = vector.broadcast %add3A_422 : i32 to vector<16xi32>
        %add3A_424 = arith.addi %mul3A_417, %add3A_423 : vector<16xi32>
        tpu.vector_store_idx %arg17[%add3A_424], %gather3A_421 masked %lt3A_414 : memref<24576xf32, #tpu.memory_space<vmem>>[vector<16xi32>], vector<16xf32>, vector<16xi1>
        %gather3A_425 = tpu.vector_load_idx %arg11[%broadcast_in_dim3A_14, %get3A_405] masked %lt3A_414 : memref<16x2048xf32, #tpu.memory_space<vmem>>[vector<16xi32>, vector<16xi32>], vector<16xf32>, vector<16xi1>
        %add3A_426 = arith.constant 2 : i32
        %add3A_427 = vector.broadcast %add3A_426 : i32 to vector<16xi32>
        %add3A_428 = arith.addi %mul3A_417, %add3A_427 : vector<16xi32>
        tpu.vector_store_idx %arg17[%add3A_428], %gather3A_425 masked %lt3A_414 : memref<24576xf32, #tpu.memory_space<vmem>>[vector<16xi32>], vector<16xf32>, vector<16xi1>
        %gather3A_429 = tpu.vector_load_idx %arg11[%broadcast_in_dim3A_16, %get3A_405] masked %lt3A_414 : memref<16x2048xf32, #tpu.memory_space<vmem>>[vector<16xi32>, vector<16xi32>], vector<16xf32>, vector<16xi1>
        %add3A_430 = arith.constant 3 : i32
        %add3A_431 = vector.broadcast %add3A_430 : i32 to vector<16xi32>
        %add3A_432 = arith.addi %mul3A_417, %add3A_431 : vector<16xi32>
        tpu.vector_store_idx %arg17[%add3A_432], %gather3A_429 masked %lt3A_414 : memref<24576xf32, #tpu.memory_space<vmem>>[vector<16xi32>], vector<16xf32>, vector<16xi1>
        %gather3A_433 = tpu.vector_load_idx %arg11[%broadcast_in_dim3A_18, %get3A_405] masked %lt3A_414 : memref<16x2048xf32, #tpu.memory_space<vmem>>[vector<16xi32>, vector<16xi32>], vector<16xf32>, vector<16xi1>
        %add3A_434 = arith.constant 4 : i32
        %add3A_435 = vector.broadcast %add3A_434 : i32 to vector<16xi32>
        %add3A_436 = arith.addi %mul3A_417, %add3A_435 : vector<16xi32>
        tpu.vector_store_idx %arg17[%add3A_436], %gather3A_433 masked %lt3A_414 : memref<24576xf32, #tpu.memory_space<vmem>>[vector<16xi32>], vector<16xf32>, vector<16xi1>
        %gather3A_437 = tpu.vector_load_idx %arg11[%broadcast_in_dim3A_20, %get3A_405] masked %lt3A_414 : memref<16x2048xf32, #tpu.memory_space<vmem>>[vector<16xi32>, vector<16xi32>], vector<16xf32>, vector<16xi1>
        %add3A_438 = arith.constant 5 : i32
        %add3A_439 = vector.broadcast %add3A_438 : i32 to vector<16xi32>
        %add3A_440 = arith.addi %mul3A_417, %add3A_439 : vector<16xi32>
        tpu.vector_store_idx %arg17[%add3A_440], %gather3A_437 masked %lt3A_414 : memref<24576xf32, #tpu.memory_space<vmem>>[vector<16xi32>], vector<16xf32>, vector<16xi1>
        %gather3A_441 = tpu.vector_load_idx %arg11[%broadcast_in_dim3A_22, %get3A_405] masked %lt3A_414 : memref<16x2048xf32, #tpu.memory_space<vmem>>[vector<16xi32>, vector<16xi32>], vector<16xf32>, vector<16xi1>
        %add3A_442 = arith.constant 6 : i32
        %add3A_443 = vector.broadcast %add3A_442 : i32 to vector<16xi32>
        %add3A_444 = arith.addi %mul3A_417, %add3A_443 : vector<16xi32>
        tpu.vector_store_idx %arg17[%add3A_444], %gather3A_441 masked %lt3A_414 : memref<24576xf32, #tpu.memory_space<vmem>>[vector<16xi32>], vector<16xf32>, vector<16xi1>
        %gather3A_445 = tpu.vector_load_idx %arg11[%broadcast_in_dim3A_24, %get3A_405] masked %lt3A_414 : memref<16x2048xf32, #tpu.memory_space<vmem>>[vector<16xi32>, vector<16xi32>], vector<16xf32>, vector<16xi1>
        %add3A_446 = arith.constant 7 : i32
        %add3A_447 = vector.broadcast %add3A_446 : i32 to vector<16xi32>
        %add3A_448 = arith.addi %mul3A_417, %add3A_447 : vector<16xi32>
        tpu.vector_store_idx %arg17[%add3A_448], %gather3A_445 masked %lt3A_414 : memref<24576xf32, #tpu.memory_space<vmem>>[vector<16xi32>], vector<16xf32>, vector<16xi1>
        %gather3A_449 = tpu.vector_load_idx %arg11[%broadcast_in_dim3A_26, %get3A_405] masked %lt3A_414 : memref<16x2048xf32, #tpu.memory_space<vmem>>[vector<16xi32>, vector<16xi32>], vector<16xf32>, vector<16xi1>
        %add3A_450 = arith.constant 8 : i32
        %add3A_451 = vector.broadcast %add3A_450 : i32 to vector<16xi32>
        %add3A_452 = arith.addi %mul3A_417, %add3A_451 : vector<16xi32>
        tpu.vector_store_idx %arg17[%add3A_452], %gather3A_449 masked %lt3A_414 : memref<24576xf32, #tpu.memory_space<vmem>>[vector<16xi32>], vector<16xf32>, vector<16xi1>
        %gather3A_453 = tpu.vector_load_idx %arg11[%broadcast_in_dim3A_28, %get3A_405] masked %lt3A_414 : memref<16x2048xf32, #tpu.memory_space<vmem>>[vector<16xi32>, vector<16xi32>], vector<16xf32>, vector<16xi1>
        %add3A_454 = arith.constant 9 : i32
        %add3A_455 = vector.broadcast %add3A_454 : i32 to vector<16xi32>
        %add3A_456 = arith.addi %mul3A_417, %add3A_455 : vector<16xi32>
        tpu.vector_store_idx %arg17[%add3A_456], %gather3A_453 masked %lt3A_414 : memref<24576xf32, #tpu.memory_space<vmem>>[vector<16xi32>], vector<16xf32>, vector<16xi1>
        %gather3A_457 = tpu.vector_load_idx %arg11[%broadcast_in_dim3A_30, %get3A_405] masked %lt3A_414 : memref<16x2048xf32, #tpu.memory_space<vmem>>[vector<16xi32>, vector<16xi32>], vector<16xf32>, vector<16xi1>
        %add3A_458 = arith.constant 10 : i32
        %add3A_459 = vector.broadcast %add3A_458 : i32 to vector<16xi32>
        %add3A_460 = arith.addi %mul3A_417, %add3A_459 : vector<16xi32>
        tpu.vector_store_idx %arg17[%add3A_460], %gather3A_457 masked %lt3A_414 : memref<24576xf32, #tpu.memory_space<vmem>>[vector<16xi32>], vector<16xf32>, vector<16xi1>
        %gather3A_461 = tpu.vector_load_idx %arg11[%broadcast_in_dim3A_32, %get3A_405] masked %lt3A_414 : memref<16x2048xf32, #tpu.memory_space<vmem>>[vector<16xi32>, vector<16xi32>], vector<16xf32>, vector<16xi1>
        %add3A_462 = arith.constant 11 : i32
        %add3A_463 = vector.broadcast %add3A_462 : i32 to vector<16xi32>
        %add3A_464 = arith.addi %mul3A_417, %add3A_463 : vector<16xi32>
        tpu.vector_store_idx %arg17[%add3A_464], %gather3A_461 masked %lt3A_414 : memref<24576xf32, #tpu.memory_space<vmem>>[vector<16xi32>], vector<16xf32>, vector<16xi1>
        %gather3A_465 = tpu.vector_load_idx %arg11[%broadcast_in_dim3A_34, %get3A_405] masked %lt3A_414 : memref<16x2048xf32, #tpu.memory_space<vmem>>[vector<16xi32>, vector<16xi32>], vector<16xf32>, vector<16xi1>
        %add3A_466 = arith.constant 12 : i32
        %add3A_467 = vector.broadcast %add3A_466 : i32 to vector<16xi32>
        %add3A_468 = arith.addi %mul3A_417, %add3A_467 : vector<16xi32>
        tpu.vector_store_idx %arg17[%add3A_468], %gather3A_465 masked %lt3A_414 : memref<24576xf32, #tpu.memory_space<vmem>>[vector<16xi32>], vector<16xf32>, vector<16xi1>
        %gather3A_469 = tpu.vector_load_idx %arg11[%broadcast_in_dim3A_36, %get3A_405] masked %lt3A_414 : memref<16x2048xf32, #tpu.memory_space<vmem>>[vector<16xi32>, vector<16xi32>], vector<16xf32>, vector<16xi1>
        %add3A_470 = arith.constant 13 : i32
        %add3A_471 = vector.broadcast %add3A_470 : i32 to vector<16xi32>
        %add3A_472 = arith.addi %mul3A_417, %add3A_471 : vector<16xi32>
        tpu.vector_store_idx %arg17[%add3A_472], %gather3A_469 masked %lt3A_414 : memref<24576xf32, #tpu.memory_space<vmem>>[vector<16xi32>], vector<16xf32>, vector<16xi1>
        %gather3A_473 = tpu.vector_load_idx %arg11[%broadcast_in_dim3A_38, %get3A_405] masked %lt3A_414 : memref<16x2048xf32, #tpu.memory_space<vmem>>[vector<16xi32>, vector<16xi32>], vector<16xf32>, vector<16xi1>
        %add3A_474 = arith.constant 14 : i32
        %add3A_475 = vector.broadcast %add3A_474 : i32 to vector<16xi32>
        %add3A_476 = arith.addi %mul3A_417, %add3A_475 : vector<16xi32>
        tpu.vector_store_idx %arg17[%add3A_476], %gather3A_473 masked %lt3A_414 : memref<24576xf32, #tpu.memory_space<vmem>>[vector<16xi32>], vector<16xf32>, vector<16xi1>
        %gather3A_477 = tpu.vector_load_idx %arg11[%broadcast_in_dim3A_40, %get3A_405] masked %lt3A_414 : memref<16x2048xf32, #tpu.memory_space<vmem>>[vector<16xi32>, vector<16xi32>], vector<16xf32>, vector<16xi1>
        %add3A_478 = arith.constant 15 : i32
        %add3A_479 = vector.broadcast %add3A_478 : i32 to vector<16xi32>
        %add3A_480 = arith.addi %mul3A_417, %add3A_479 : vector<16xi32>
        tpu.vector_store_idx %arg17[%add3A_480], %gather3A_477 masked %lt3A_414 : memref<24576xf32, #tpu.memory_space<vmem>>[vector<16xi32>], vector<16xf32>, vector<16xi1>
      }
      %while3A_304 = arith.constant 1 : i32
      scf.for %while3A_402 = %while3A_302 to %while3A_298 step %while3A_304  : i32 {
        %mul3A_403 = arith.constant 16 : i32
        %mul3A_404 = arith.muli %while3A_402, %mul3A_403 : i32
        %get3A = arith.index_cast %mul3A_404 : i32 to index
        %get3A_405 = tpu.vector_load %arg15[%get3A] {strides = array<i32>} : memref<1600xi32, #tpu.memory_space<vmem>>, vector<16xi32>,
        %mul3A_406 = arith.constant 16 : i32
        %mul3A_407 = arith.muli %while3A_402, %mul3A_406 : i32
        %get3A_408 = arith.index_cast %mul3A_407 : i32 to index
        %get3A_409 = tpu.vector_load %arg16[%get3A_408] {strides = array<i32>} : memref<1600xi32, #tpu.memory_space<vmem>>, vector<16xi32>,
        %mul3A_410 = arith.constant 16 : i32
        %mul3A_411 = arith.muli %while3A_402, %mul3A_410 : i32
        %add3A_412 = vector.broadcast %mul3A_411 : i32 to vector<16xi32>
        %add3A_413 = arith.addi %add3A_412, %iota3A : vector<16xi32>
        %lt3A = vector.broadcast %while3A_266 : i32 to vector<16xi32>
        %lt3A_414 = arith.cmpi slt, %add3A_413, %lt3A : vector<16xi32>
        %mul3A_415 = arith.constant 16 : i32
        %mul3A_416 = vector.broadcast %mul3A_415 : i32 to vector<16xi32>
        %mul3A_417 = arith.muli %get3A_409, %mul3A_416 : vector<16xi32>
        %gather3A = tpu.vector_load_idx %arg11[%broadcast_in_dim3A_10, %get3A_405] masked %lt3A_414 : memref<16x2048xf32, #tpu.memory_space<vmem>>[vector<16xi32>, vector<16xi32>], vector<16xf32>, vector<16xi1>
        %add3A_418 = arith.constant 0 : i32
        %add3A_419 = vector.broadcast %add3A_418 : i32 to vector<16xi32>
        %add3A_420 = arith.addi %mul3A_417, %add3A_419 : vector<16xi32>
        tpu.vector_store_idx %arg17[%add3A_420], %gather3A masked %lt3A_414 : memref<24576xf32, #tpu.memory_space<vmem>>[vector<16xi32>], vector<16xf32>, vector<16xi1>
        %gather3A_421 = tpu.vector_load_idx %arg11[%broadcast_in_dim3A_12, %get3A_405] masked %lt3A_414 : memref<16x2048xf32, #tpu.memory_space<vmem>>[vector<16xi32>, vector<16xi32>], vector<16xf32>, vector<16xi1>
        %add3A_422 = arith.constant 1 : i32
        %add3A_423 = vector.broadcast %add3A_422 : i32 to vector<16xi32>
        %add3A_424 = arith.addi %mul3A_417, %add3A_423 : vector<16xi32>
        tpu.vector_store_idx %arg17[%add3A_424], %gather3A_421 masked %lt3A_414 : memref<24576xf32, #tpu.memory_space<vmem>>[vector<16xi32>], vector<16xf32>, vector<16xi1>
        %gather3A_425 = tpu.vector_load_idx %arg11[%broadcast_in_dim3A_14, %get3A_405] masked %lt3A_414 : memref<16x2048xf32, #tpu.memory_space<vmem>>[vector<16xi32>, vector<16xi32>], vector<16xf32>, vector<16xi1>
        %add3A_426 = arith.constant 2 : i32
        %add3A_427 = vector.broadcast %add3A_426 : i32 to vector<16xi32>
        %add3A_428 = arith.addi %mul3A_417, %add3A_427 : vector<16xi32>
        tpu.vector_store_idx %arg17[%add3A_428], %gather3A_425 masked %lt3A_414 : memref<24576xf32, #tpu.memory_space<vmem>>[vector<16xi32>], vector<16xf32>, vector<16xi1>
        %gather3A_429 = tpu.vector_load_idx %arg11[%broadcast_in_dim3A_16, %get3A_405] masked %lt3A_414 : memref<16x2048xf32, #tpu.memory_space<vmem>>[vector<16xi32>, vector<16xi32>], vector<16xf32>, vector<16xi1>
        %add3A_430 = arith.constant 3 : i32
        %add3A_431 = vector.broadcast %add3A_430 : i32 to vector<16xi32>
        %add3A_432 = arith.addi %mul3A_417, %add3A_431 : vector<16xi32>
        tpu.vector_store_idx %arg17[%add3A_432], %gather3A_429 masked %lt3A_414 : memref<24576xf32, #tpu.memory_space<vmem>>[vector<16xi32>], vector<16xf32>, vector<16xi1>
        %gather3A_433 = tpu.vector_load_idx %arg11[%broadcast_in_dim3A_18, %get3A_405] masked %lt3A_414 : memref<16x2048xf32, #tpu.memory_space<vmem>>[vector<16xi32>, vector<16xi32>], vector<16xf32>, vector<16xi1>
        %add3A_434 = arith.constant 4 : i32
        %add3A_435 = vector.broadcast %add3A_434 : i32 to vector<16xi32>
        %add3A_436 = arith.addi %mul3A_417, %add3A_435 : vector<16xi32>
        tpu.vector_store_idx %arg17[%add3A_436], %gather3A_433 masked %lt3A_414 : memref<24576xf32, #tpu.memory_space<vmem>>[vector<16xi32>], vector<16xf32>, vector<16xi1>
        %gather3A_437 = tpu.vector_load_idx %arg11[%broadcast_in_dim3A_20, %get3A_405] masked %lt3A_414 : memref<16x2048xf32, #tpu.memory_space<vmem>>[vector<16xi32>, vector<16xi32>], vector<16xf32>, vector<16xi1>
        %add3A_438 = arith.constant 5 : i32
        %add3A_439 = vector.broadcast %add3A_438 : i32 to vector<16xi32>
        %add3A_440 = arith.addi %mul3A_417, %add3A_439 : vector<16xi32>
        tpu.vector_store_idx %arg17[%add3A_440], %gather3A_437 masked %lt3A_414 : memref<24576xf32, #tpu.memory_space<vmem>>[vector<16xi32>], vector<16xf32>, vector<16xi1>
        %gather3A_441 = tpu.vector_load_idx %arg11[%broadcast_in_dim3A_22, %get3A_405] masked %lt3A_414 : memref<16x2048xf32, #tpu.memory_space<vmem>>[vector<16xi32>, vector<16xi32>], vector<16xf32>, vector<16xi1>
        %add3A_442 = arith.constant 6 : i32
        %add3A_443 = vector.broadcast %add3A_442 : i32 to vector<16xi32>
        %add3A_444 = arith.addi %mul3A_417, %add3A_443 : vector<16xi32>
        tpu.vector_store_idx %arg17[%add3A_444], %gather3A_441 masked %lt3A_414 : memref<24576xf32, #tpu.memory_space<vmem>>[vector<16xi32>], vector<16xf32>, vector<16xi1>
        %gather3A_445 = tpu.vector_load_idx %arg11[%broadcast_in_dim3A_24, %get3A_405] masked %lt3A_414 : memref<16x2048xf32, #tpu.memory_space<vmem>>[vector<16xi32>, vector<16xi32>], vector<16xf32>, vector<16xi1>
        %add3A_446 = arith.constant 7 : i32
        %add3A_447 = vector.broadcast %add3A_446 : i32 to vector<16xi32>
        %add3A_448 = arith.addi %mul3A_417, %add3A_447 : vector<16xi32>
        tpu.vector_store_idx %arg17[%add3A_448], %gather3A_445 masked %lt3A_414 : memref<24576xf32, #tpu.memory_space<vmem>>[vector<16xi32>], vector<16xf32>, vector<16xi1>
        %gather3A_449 = tpu.vector_load_idx %arg11[%broadcast_in_dim3A_26, %get3A_405] masked %lt3A_414 : memref<16x2048xf32, #tpu.memory_space<vmem>>[vector<16xi32>, vector<16xi32>], vector<16xf32>, vector<16xi1>
        %add3A_450 = arith.constant 8 : i32
        %add3A_451 = vector.broadcast %add3A_450 : i32 to vector<16xi32>
        %add3A_452 = arith.addi %mul3A_417, %add3A_451 : vector<16xi32>
        tpu.vector_store_idx %arg17[%add3A_452], %gather3A_449 masked %lt3A_414 : memref<24576xf32, #tpu.memory_space<vmem>>[vector<16xi32>], vector<16xf32>, vector<16xi1>
        %gather3A_453 = tpu.vector_load_idx %arg11[%broadcast_in_dim3A_28, %get3A_405] masked %lt3A_414 : memref<16x2048xf32, #tpu.memory_space<vmem>>[vector<16xi32>, vector<16xi32>], vector<16xf32>, vector<16xi1>
        %add3A_454 = arith.constant 9 : i32
        %add3A_455 = vector.broadcast %add3A_454 : i32 to vector<16xi32>
        %add3A_456 = arith.addi %mul3A_417, %add3A_455 : vector<16xi32>
        tpu.vector_store_idx %arg17[%add3A_456], %gather3A_453 masked %lt3A_414 : memref<24576xf32, #tpu.memory_space<vmem>>[vector<16xi32>], vector<16xf32>, vector<16xi1>
        %gather3A_457 = tpu.vector_load_idx %arg11[%broadcast_in_dim3A_30, %get3A_405] masked %lt3A_414 : memref<16x2048xf32, #tpu.memory_space<vmem>>[vector<16xi32>, vector<16xi32>], vector<16xf32>, vector<16xi1>
        %add3A_458 = arith.constant 10 : i32
        %add3A_459 = vector.broadcast %add3A_458 : i32 to vector<16xi32>
        %add3A_460 = arith.addi %mul3A_417, %add3A_459 : vector<16xi32>
        tpu.vector_store_idx %arg17[%add3A_460], %gather3A_457 masked %lt3A_414 : memref<24576xf32, #tpu.memory_space<vmem>>[vector<16xi32>], vector<16xf32>, vector<16xi1>
        %gather3A_461 = tpu.vector_load_idx %arg11[%broadcast_in_dim3A_32, %get3A_405] masked %lt3A_414 : memref<16x2048xf32, #tpu.memory_space<vmem>>[vector<16xi32>, vector<16xi32>], vector<16xf32>, vector<16xi1>
        %add3A_462 = arith.constant 11 : i32
        %add3A_463 = vector.broadcast %add3A_462 : i32 to vector<16xi32>
        %add3A_464 = arith.addi %mul3A_417, %add3A_463 : vector<16xi32>
        tpu.vector_store_idx %arg17[%add3A_464], %gather3A_461 masked %lt3A_414 : memref<24576xf32, #tpu.memory_space<vmem>>[vector<16xi32>], vector<16xf32>, vector<16xi1>
        %gather3A_465 = tpu.vector_load_idx %arg11[%broadcast_in_dim3A_34, %get3A_405] masked %lt3A_414 : memref<16x2048xf32, #tpu.memory_space<vmem>>[vector<16xi32>, vector<16xi32>], vector<16xf32>, vector<16xi1>
        %add3A_466 = arith.constant 12 : i32
        %add3A_467 = vector.broadcast %add3A_466 : i32 to vector<16xi32>
        %add3A_468 = arith.addi %mul3A_417, %add3A_467 : vector<16xi32>
        tpu.vector_store_idx %arg17[%add3A_468], %gather3A_465 masked %lt3A_414 : memref<24576xf32, #tpu.memory_space<vmem>>[vector<16xi32>], vector<16xf32>, vector<16xi1>
        %gather3A_469 = tpu.vector_load_idx %arg11[%broadcast_in_dim3A_36, %get3A_405] masked %lt3A_414 : memref<16x2048xf32, #tpu.memory_space<vmem>>[vector<16xi32>, vector<16xi32>], vector<16xf32>, vector<16xi1>
        %add3A_470 = arith.constant 13 : i32
        %add3A_471 = vector.broadcast %add3A_470 : i32 to vector<16xi32>
        %add3A_472 = arith.addi %mul3A_417, %add3A_471 : vector<16xi32>
        tpu.vector_store_idx %arg17[%add3A_472], %gather3A_469 masked %lt3A_414 : memref<24576xf32, #tpu.memory_space<vmem>>[vector<16xi32>], vector<16xf32>, vector<16xi1>
        %gather3A_473 = tpu.vector_load_idx %arg11[%broadcast_in_dim3A_38, %get3A_405] masked %lt3A_414 : memref<16x2048xf32, #tpu.memory_space<vmem>>[vector<16xi32>, vector<16xi32>], vector<16xf32>, vector<16xi1>
        %add3A_474 = arith.constant 14 : i32
        %add3A_475 = vector.broadcast %add3A_474 : i32 to vector<16xi32>
        %add3A_476 = arith.addi %mul3A_417, %add3A_475 : vector<16xi32>
        tpu.vector_store_idx %arg17[%add3A_476], %gather3A_473 masked %lt3A_414 : memref<24576xf32, #tpu.memory_space<vmem>>[vector<16xi32>], vector<16xf32>, vector<16xi1>
        %gather3A_477 = tpu.vector_load_idx %arg11[%broadcast_in_dim3A_40, %get3A_405] masked %lt3A_414 : memref<16x2048xf32, #tpu.memory_space<vmem>>[vector<16xi32>, vector<16xi32>], vector<16xf32>, vector<16xi1>
        %add3A_478 = arith.constant 15 : i32
        %add3A_479 = vector.broadcast %add3A_478 : i32 to vector<16xi32>
        %add3A_480 = arith.addi %mul3A_417, %add3A_479 : vector<16xi32>
        tpu.vector_store_idx %arg17[%add3A_480], %gather3A_477 masked %lt3A_414 : memref<24576xf32, #tpu.memory_space<vmem>>[vector<16xi32>], vector<16xf32>, vector<16xi1>
      }
      %add3A_305 = arith.constant 2 : i32
      %add3A_306 = arith.addi %mul3A_210, %add3A_305 : i32
      %mul3A_307 = arith.constant 16 : i32
      %mul3A_308 = arith.muli %add3A_306, %mul3A_307 : i32
      %add3A_309 = arith.addi %mul3A_2, %mul3A_308 : i32
      %sub3A_310 = arith.constant 16 : i32
      %sub3A_311 = arith.subi %add3A_5, %sub3A_310 : i32
      %min3A_312 = arith.minsi %add3A_309, %sub3A_311 : i32
      %mul3A_313 = arith.constant 128 : i32
      %mul3A_314 = arith.muli %min3A_312, %mul3A_313 : i32
      %multiple_of3A_315 = tpu.assume_multiple %mul3A_314, 128 : i32
      %dma_start3A_316 = arith.constant 0 : i32
      %dma_start3A_317 = arith.constant 0 : i32
      %dma_start3A_318 = tpu.memref_slice %arg11[%dma_start3A_316, %dma_start3A_317] : memref<16x2048xf32, #tpu.memory_space<vmem>> -> memref<8x2048xf32, #tpu.memory_space<vmem>>
      %dma_start3A_319 = arith.constant 0 : i32
      %dma_start3A_320 = tpu.memref_slice %arg5[%dma_start3A_319, %multiple_of3A_315] : memref<16x1000000xf32, #tpu.memory_space<hbm>> -> memref<8x2048xf32, #tpu.memory_space<hbm>>
      %dma_start3A_321 = arith.constant 0 : i32
      %dma_start3A_322 = arith.constant 0 : i32
      %dma_start3A_323 = tpu.memref_slice %arg11[%dma_start3A_321, %dma_start3A_322] : memref<16x2048xf32, #tpu.memory_space<vmem>> -> memref<8x2048xf32, #tpu.memory_space<vmem>>
      %dma_start3A_324 = arith.constant 0 : i32
      %dma_start3A_325 = tpu.memref_slice %arg5[%dma_start3A_324, %multiple_of3A_315] : memref<16x1000000xf32, #tpu.memory_space<hbm>> -> memref<8x2048xf32, #tpu.memory_space<hbm>>
      tpu.enqueue_dma source(%dma_start3A_325 : memref<8x2048xf32, #tpu.memory_space<hbm>>) target(%dma_start3A_323 : memref<8x2048xf32, #tpu.memory_space<vmem>>) target_semaphore(%arg18 : memref<!tpu.dma_semaphore, #tpu.memory_space<semaphore_mem>>)
      %dma_start3A_326 = arith.constant 8 : i32
      %dma_start3A_327 = arith.constant 0 : i32
      %dma_start3A_328 = tpu.memref_slice %arg11[%dma_start3A_326, %dma_start3A_327] : memref<16x2048xf32, #tpu.memory_space<vmem>> -> memref<8x2048xf32, #tpu.memory_space<vmem>>
      %dma_start3A_329 = arith.constant 8 : i32
      %dma_start3A_330 = tpu.memref_slice %arg5[%dma_start3A_329, %multiple_of3A_315] : memref<16x1000000xf32, #tpu.memory_space<hbm>> -> memref<8x2048xf32, #tpu.memory_space<hbm>>
      %dma_start3A_331 = arith.constant 8 : i32
      %dma_start3A_332 = arith.constant 0 : i32
      %dma_start3A_333 = tpu.memref_slice %arg11[%dma_start3A_331, %dma_start3A_332] : memref<16x2048xf32, #tpu.memory_space<vmem>> -> memref<8x2048xf32, #tpu.memory_space<vmem>>
      %dma_start3A_334 = arith.constant 8 : i32
      %dma_start3A_335 = tpu.memref_slice %arg5[%dma_start3A_334, %multiple_of3A_315] : memref<16x1000000xf32, #tpu.memory_space<hbm>> -> memref<8x2048xf32, #tpu.memory_space<hbm>>
      tpu.enqueue_dma source(%dma_start3A_335 : memref<8x2048xf32, #tpu.memory_space<hbm>>) target(%dma_start3A_333 : memref<8x2048xf32, #tpu.memory_space<vmem>>) target_semaphore(%arg18 : memref<!tpu.dma_semaphore, #tpu.memory_space<semaphore_mem>>)
      %dma_wait3A_336 = arith.constant 0 : i32
      %dma_wait3A_337 = arith.constant 0 : i32
      %dma_wait3A_338 = tpu.memref_slice %arg5[%dma_wait3A_336, %dma_wait3A_337] : memref<16x1000000xf32, #tpu.memory_space<hbm>> -> memref<16x2048xf32, #tpu.memory_space<hbm>>
      %dma_wait3A_339 = arith.constant 0 : i32
      %dma_wait3A_340 = arith.constant 0 : i32
      %dma_wait3A_341 = tpu.memref_slice %arg5[%dma_wait3A_339, %dma_wait3A_340] : memref<16x1000000xf32, #tpu.memory_space<hbm>> -> memref<16x2048xf32, #tpu.memory_space<hbm>>
      tpu.wait_dma2 semaphore(%arg19 : memref<!tpu.dma_semaphore, #tpu.memory_space<semaphore_mem>>) src(%dma_wait3A_341 : memref<16x2048xf32, #tpu.memory_space<hbm>>) dst(%arg12 : memref<16x2048xf32, #tpu.memory_space<vmem>>)
      %add3A_342 = arith.constant 1 : i32
      %add3A_343 = arith.addi %mul3A_210, %add3A_342 : i32
      %mul3A_344 = arith.constant 16 : i32
      %mul3A_345 = arith.muli %add3A_343, %mul3A_344 : i32
      %add3A_346 = arith.addi %mul3A_2, %mul3A_345 : i32
      %sub3A_347 = arith.constant 16 : i32
      %sub3A_348 = arith.subi %add3A_5, %sub3A_347 : i32
      %min3A_349 = arith.minsi %add3A_346, %sub3A_348 : i32
      %mul3A_350 = arith.constant 128 : i32
      %mul3A_351 = arith.muli %min3A_349, %mul3A_350 : i32
      %while3A_352 = arith.constant 0 : i32
      %while3A_353 = arith.constant 0 : i32
      %while3A_354 = arith.subi %select_n3A_161, %while3A_352 : i32
      %while3A_355 = arith.addi %while3A_352, %while3A_354 : i32
      %while3A_356 = arith.constant 1 : i32
      %while3A_357 = arith.divsi %while3A_354, %while3A_356 : i32
      %while3A_358 = arith.muli %while3A_357, %while3A_356 : i32
      %while3A_359 = arith.addi %while3A_352, %while3A_358 : i32
      %while3A_360 = arith.constant 1 : i32
      %while3A_361 = scf.for %while3A_402 = %while3A_352 to %while3A_359 step %while3A_360 iter_args(%while3A_403 = %while3A_353) -> (i32)  : i32 {
        %mul3A_404 = arith.constant 4 : i32
        %mul3A_405 = arith.muli %while3A_402, %mul3A_404 : i32
        %add3A_406 = arith.constant 0 : i32
        %add3A_407 = arith.addi %mul3A_405, %add3A_406 : i32
        %mul3A_408 = arith.constant 16 : i32
        %mul3A_409 = arith.muli %add3A_407, %mul3A_408 : i32
        %get3A = arith.index_cast %mul3A_409 : i32 to index
        %get3A_410 = tpu.vector_load %arg13[%get3A] {strides = array<i32>} : memref<1600xi32, #tpu.memory_space<vmem>>, vector<16xi32>,
        %ge3A = vector.broadcast %mul3A_351 : i32 to vector<16xi32>
        %ge3A_411 = arith.cmpi sge, %get3A_410, %ge3A : vector<16xi32>
        %add3A_412 = arith.constant 2048 : i32
        %add3A_413 = arith.addi %mul3A_351, %add3A_412 : i32
        %lt3A = vector.broadcast %add3A_413 : i32 to vector<16xi32>
        %lt3A_414 = arith.cmpi slt, %get3A_410, %lt3A : vector<16xi32>
        %and3A_415 = arith.andi %ge3A_411, %lt3A_414 : vector<16xi1>
        %sub3A_416 = vector.broadcast %mul3A_351 : i32 to vector<16xi32>
        %sub3A_417 = arith.subi %get3A_410, %sub3A_416 : vector<16xi32>
        %all_reduce_population_count3A = tpu.all_reduce %and3A_415 {dim = 0 : i64, kind = #tpu.reduction_kind<sum>} : vector<16xi1> -> vector<16xi32>
        %slice3A = vector.extract_strided_slice %all_reduce_population_count3A {offsets = [0], sizes = [1], strides = [1]} : vector<16xi32> to vector<1xi32>
        %squeeze3A = vector.extract %slice3A[0] : i32 from vector<1xi32>
        %mul3A_418 = arith.constant 4 : i32
        %mul3A_419 = arith.muli %while3A_402, %mul3A_418 : i32
        %add3A_420 = arith.constant 1 : i32
        %add3A_421 = arith.addi %mul3A_419, %add3A_420 : i32
        %mul3A_422 = arith.constant 16 : i32
        %mul3A_423 = arith.muli %add3A_421, %mul3A_422 : i32
        %get3A_424 = arith.index_cast %mul3A_423 : i32 to index
        %get3A_425 = tpu.vector_load %arg13[%get3A_424] {strides = array<i32>} : memref<1600xi32, #tpu.memory_space<vmem>>, vector<16xi32>,
        %ge3A_426 = vector.broadcast %mul3A_351 : i32 to vector<16xi32>
        %ge3A_427 = arith.cmpi sge, %get3A_425, %ge3A_426 : vector<16xi32>
        %add3A_428 = arith.constant 2048 : i32
        %add3A_429 = arith.addi %mul3A_351, %add3A_428 : i32
        %lt3A_430 = vector.broadcast %add3A_429 : i32 to vector<16xi32>
        %lt3A_431 = arith.cmpi slt, %get3A_425, %lt3A_430 : vector<16xi32>
        %and3A_432 = arith.andi %ge3A_427, %lt3A_431 : vector<16xi1>
        %sub3A_433 = vector.broadcast %mul3A_351 : i32 to vector<16xi32>
        %sub3A_434 = arith.subi %get3A_425, %sub3A_433 : vector<16xi32>
        %all_reduce_population_count3A_435 = tpu.all_reduce %and3A_432 {dim = 0 : i64, kind = #tpu.reduction_kind<sum>} : vector<16xi1> -> vector<16xi32>
        %slice3A_436 = vector.extract_strided_slice %all_reduce_population_count3A_435 {offsets = [0], sizes = [1], strides = [1]} : vector<16xi32> to vector<1xi32>
        %squeeze3A_437 = vector.extract %slice3A_436[0] : i32 from vector<1xi32>
        %mul3A_438 = arith.constant 4 : i32
        %mul3A_439 = arith.muli %while3A_402, %mul3A_438 : i32
        %add3A_440 = arith.constant 2 : i32
        %add3A_441 = arith.addi %mul3A_439, %add3A_440 : i32
        %mul3A_442 = arith.constant 16 : i32
        %mul3A_443 = arith.muli %add3A_441, %mul3A_442 : i32
        %get3A_444 = arith.index_cast %mul3A_443 : i32 to index
        %get3A_445 = tpu.vector_load %arg13[%get3A_444] {strides = array<i32>} : memref<1600xi32, #tpu.memory_space<vmem>>, vector<16xi32>,
        %ge3A_446 = vector.broadcast %mul3A_351 : i32 to vector<16xi32>
        %ge3A_447 = arith.cmpi sge, %get3A_445, %ge3A_446 : vector<16xi32>
        %add3A_448 = arith.constant 2048 : i32
        %add3A_449 = arith.addi %mul3A_351, %add3A_448 : i32
        %lt3A_450 = vector.broadcast %add3A_449 : i32 to vector<16xi32>
        %lt3A_451 = arith.cmpi slt, %get3A_445, %lt3A_450 : vector<16xi32>
        %and3A_452 = arith.andi %ge3A_447, %lt3A_451 : vector<16xi1>
        %sub3A_453 = vector.broadcast %mul3A_351 : i32 to vector<16xi32>
        %sub3A_454 = arith.subi %get3A_445, %sub3A_453 : vector<16xi32>
        %all_reduce_population_count3A_455 = tpu.all_reduce %and3A_452 {dim = 0 : i64, kind = #tpu.reduction_kind<sum>} : vector<16xi1> -> vector<16xi32>
        %slice3A_456 = vector.extract_strided_slice %all_reduce_population_count3A_455 {offsets = [0], sizes = [1], strides = [1]} : vector<16xi32> to vector<1xi32>
        %squeeze3A_457 = vector.extract %slice3A_456[0] : i32 from vector<1xi32>
        %mul3A_458 = arith.constant 4 : i32
        %mul3A_459 = arith.muli %while3A_402, %mul3A_458 : i32
        %add3A_460 = arith.constant 3 : i32
        %add3A_461 = arith.addi %mul3A_459, %add3A_460 : i32
        %mul3A_462 = arith.constant 16 : i32
        %mul3A_463 = arith.muli %add3A_461, %mul3A_462 : i32
        %get3A_464 = arith.index_cast %mul3A_463 : i32 to index
        %get3A_465 = tpu.vector_load %arg13[%get3A_464] {strides = array<i32>} : memref<1600xi32, #tpu.memory_space<vmem>>, vector<16xi32>,
        %ge3A_466 = vector.broadcast %mul3A_351 : i32 to vector<16xi32>
        %ge3A_467 = arith.cmpi sge, %get3A_465, %ge3A_466 : vector<16xi32>
        %add3A_468 = arith.constant 2048 : i32
        %add3A_469 = arith.addi %mul3A_351, %add3A_468 : i32
        %lt3A_470 = vector.broadcast %add3A_469 : i32 to vector<16xi32>
        %lt3A_471 = arith.cmpi slt, %get3A_465, %lt3A_470 : vector<16xi32>
        %and3A_472 = arith.andi %ge3A_467, %lt3A_471 : vector<16xi1>
        %sub3A_473 = vector.broadcast %mul3A_351 : i32 to vector<16xi32>
        %sub3A_474 = arith.subi %get3A_465, %sub3A_473 : vector<16xi32>
        %all_reduce_population_count3A_475 = tpu.all_reduce %and3A_472 {dim = 0 : i64, kind = #tpu.reduction_kind<sum>} : vector<16xi1> -> vector<16xi32>
        %slice3A_476 = vector.extract_strided_slice %all_reduce_population_count3A_475 {offsets = [0], sizes = [1], strides = [1]} : vector<16xi32> to vector<1xi32>
        %squeeze3A_477 = vector.extract %slice3A_476[0] : i32 from vector<1xi32>
        %swap3A = arith.index_cast %while3A_403 : i32 to index
        %swap3A_478 = tpu.vector_load %arg15[%swap3A] masked %and3A_415 {strides = array<i32>} : memref<1600xi32, #tpu.memory_space<vmem>>, vector<16xi32>, vector<16xi1>
        tpu.vector_store %arg15[%swap3A], %sub3A_417 masked %and3A_415 {strides = array<i32>} : memref<1600xi32, #tpu.memory_space<vmem>>, vector<16xi32>, vector<16xi1>
        %mul3A_479 = arith.constant 4 : i32
        %mul3A_480 = arith.muli %while3A_402, %mul3A_479 : i32
        %add3A_481 = arith.constant 0 : i32
        %add3A_482 = arith.addi %mul3A_480, %add3A_481 : i32
        %mul3A_483 = arith.constant 16 : i32
        %mul3A_484 = arith.muli %add3A_482, %mul3A_483 : i32
        %add3A_485 = vector.broadcast %mul3A_484 : i32 to vector<16xi32>
        %add3A_486 = arith.addi %add3A_485, %iota3A : vector<16xi32>
        %swap3A_487 = arith.index_cast %while3A_403 : i32 to index
        %swap3A_488 = tpu.vector_load %arg16[%swap3A_487] masked %and3A_415 {strides = array<i32>} : memref<1600xi32, #tpu.memory_space<vmem>>, vector<16xi32>, vector<16xi1>
        tpu.vector_store %arg16[%swap3A_487], %add3A_486 masked %and3A_415 {strides = array<i32>} : memref<1600xi32, #tpu.memory_space<vmem>>, vector<16xi32>, vector<16xi1>
        %add3A_489 = arith.addi %while3A_403, %squeeze3A : i32
        %swap3A_490 = arith.index_cast %add3A_489 : i32 to index
        %swap3A_491 = tpu.vector_load %arg15[%swap3A_490] masked %and3A_432 {strides = array<i32>} : memref<1600xi32, #tpu.memory_space<vmem>>, vector<16xi32>, vector<16xi1>
        tpu.vector_store %arg15[%swap3A_490], %sub3A_434 masked %and3A_432 {strides = array<i32>} : memref<1600xi32, #tpu.memory_space<vmem>>, vector<16xi32>, vector<16xi1>
        %mul3A_492 = arith.constant 4 : i32
        %mul3A_493 = arith.muli %while3A_402, %mul3A_492 : i32
        %add3A_494 = arith.constant 1 : i32
        %add3A_495 = arith.addi %mul3A_493, %add3A_494 : i32
        %mul3A_496 = arith.constant 16 : i32
        %mul3A_497 = arith.muli %add3A_495, %mul3A_496 : i32
        %add3A_498 = vector.broadcast %mul3A_497 : i32 to vector<16xi32>
        %add3A_499 = arith.addi %add3A_498, %iota3A : vector<16xi32>
        %swap3A_500 = arith.index_cast %add3A_489 : i32 to index
        %swap3A_501 = tpu.vector_load %arg16[%swap3A_500] masked %and3A_432 {strides = array<i32>} : memref<1600xi32, #tpu.memory_space<vmem>>, vector<16xi32>, vector<16xi1>
        tpu.vector_store %arg16[%swap3A_500], %add3A_499 masked %and3A_432 {strides = array<i32>} : memref<1600xi32, #tpu.memory_space<vmem>>, vector<16xi32>, vector<16xi1>
        %add3A_502 = arith.addi %add3A_489, %squeeze3A_437 : i32
        %swap3A_503 = arith.index_cast %add3A_502 : i32 to index
        %swap3A_504 = tpu.vector_load %arg15[%swap3A_503] masked %and3A_452 {strides = array<i32>} : memref<1600xi32, #tpu.memory_space<vmem>>, vector<16xi32>, vector<16xi1>
        tpu.vector_store %arg15[%swap3A_503], %sub3A_454 masked %and3A_452 {strides = array<i32>} : memref<1600xi32, #tpu.memory_space<vmem>>, vector<16xi32>, vector<16xi1>
        %mul3A_505 = arith.constant 4 : i32
        %mul3A_506 = arith.muli %while3A_402, %mul3A_505 : i32
        %add3A_507 = arith.constant 2 : i32
        %add3A_508 = arith.addi %mul3A_506, %add3A_507 : i32
        %mul3A_509 = arith.constant 16 : i32
        %mul3A_510 = arith.muli %add3A_508, %mul3A_509 : i32
        %add3A_511 = vector.broadcast %mul3A_510 : i32 to vector<16xi32>
        %add3A_512 = arith.addi %add3A_511, %iota3A : vector<16xi32>
        %swap3A_513 = arith.index_cast %add3A_502 : i32 to index
        %swap3A_514 = tpu.vector_load %arg16[%swap3A_513] masked %and3A_452 {strides = array<i32>} : memref<1600xi32, #tpu.memory_space<vmem>>, vector<16xi32>, vector<16xi1>
        tpu.vector_store %arg16[%swap3A_513], %add3A_512 masked %and3A_452 {strides = array<i32>} : memref<1600xi32, #tpu.memory_space<vmem>>, vector<16xi32>, vector<16xi1>
        %add3A_515 = arith.addi %add3A_502, %squeeze3A_457 : i32
        %swap3A_516 = arith.index_cast %add3A_515 : i32 to index
        %swap3A_517 = tpu.vector_load %arg15[%swap3A_516] masked %and3A_472 {strides = array<i32>} : memref<1600xi32, #tpu.memory_space<vmem>>, vector<16xi32>, vector<16xi1>
        tpu.vector_store %arg15[%swap3A_516], %sub3A_474 masked %and3A_472 {strides = array<i32>} : memref<1600xi32, #tpu.memory_space<vmem>>, vector<16xi32>, vector<16xi1>
        %mul3A_518 = arith.constant 4 : i32
        %mul3A_519 = arith.muli %while3A_402, %mul3A_518 : i32
        %add3A_520 = arith.constant 3 : i32
        %add3A_521 = arith.addi %mul3A_519, %add3A_520 : i32
        %mul3A_522 = arith.constant 16 : i32
        %mul3A_523 = arith.muli %add3A_521, %mul3A_522 : i32
        %add3A_524 = vector.broadcast %mul3A_523 : i32 to vector<16xi32>
        %add3A_525 = arith.addi %add3A_524, %iota3A : vector<16xi32>
        %swap3A_526 = arith.index_cast %add3A_515 : i32 to index
        %swap3A_527 = tpu.vector_load %arg16[%swap3A_526] masked %and3A_472 {strides = array<i32>} : memref<1600xi32, #tpu.memory_space<vmem>>, vector<16xi32>, vector<16xi1>
        tpu.vector_store %arg16[%swap3A_526], %add3A_525 masked %and3A_472 {strides = array<i32>} : memref<1600xi32, #tpu.memory_space<vmem>>, vector<16xi32>, vector<16xi1>
        %add3A_528 = arith.addi %add3A_515, %squeeze3A_477 : i32
        scf.yield %add3A_528 : i32
      }
      %while3A_362 = arith.constant 1 : i32
      %while3A_363 = scf.for %while3A_402 = %while3A_359 to %while3A_355 step %while3A_362 iter_args(%while3A_403 = %while3A_361) -> (i32)  : i32 {
        %mul3A_404 = arith.constant 4 : i32
        %mul3A_405 = arith.muli %while3A_402, %mul3A_404 : i32
        %add3A_406 = arith.constant 0 : i32
        %add3A_407 = arith.addi %mul3A_405, %add3A_406 : i32
        %mul3A_408 = arith.constant 16 : i32
        %mul3A_409 = arith.muli %add3A_407, %mul3A_408 : i32
        %get3A = arith.index_cast %mul3A_409 : i32 to index
        %get3A_410 = tpu.vector_load %arg13[%get3A] {strides = array<i32>} : memref<1600xi32, #tpu.memory_space<vmem>>, vector<16xi32>,
        %ge3A = vector.broadcast %mul3A_351 : i32 to vector<16xi32>
        %ge3A_411 = arith.cmpi sge, %get3A_410, %ge3A : vector<16xi32>
        %add3A_412 = arith.constant 2048 : i32
        %add3A_413 = arith.addi %mul3A_351, %add3A_412 : i32
        %lt3A = vector.broadcast %add3A_413 : i32 to vector<16xi32>
        %lt3A_414 = arith.cmpi slt, %get3A_410, %lt3A : vector<16xi32>
        %and3A_415 = arith.andi %ge3A_411, %lt3A_414 : vector<16xi1>
        %sub3A_416 = vector.broadcast %mul3A_351 : i32 to vector<16xi32>
        %sub3A_417 = arith.subi %get3A_410, %sub3A_416 : vector<16xi32>
        %all_reduce_population_count3A = tpu.all_reduce %and3A_415 {dim = 0 : i64, kind = #tpu.reduction_kind<sum>} : vector<16xi1> -> vector<16xi32>
        %slice3A = vector.extract_strided_slice %all_reduce_population_count3A {offsets = [0], sizes = [1], strides = [1]} : vector<16xi32> to vector<1xi32>
        %squeeze3A = vector.extract %slice3A[0] : i32 from vector<1xi32>
        %mul3A_418 = arith.constant 4 : i32
        %mul3A_419 = arith.muli %while3A_402, %mul3A_418 : i32
        %add3A_420 = arith.constant 1 : i32
        %add3A_421 = arith.addi %mul3A_419, %add3A_420 : i32
        %mul3A_422 = arith.constant 16 : i32
        %mul3A_423 = arith.muli %add3A_421, %mul3A_422 : i32
        %get3A_424 = arith.index_cast %mul3A_423 : i32 to index
        %get3A_425 = tpu.vector_load %arg13[%get3A_424] {strides = array<i32>} : memref<1600xi32, #tpu.memory_space<vmem>>, vector<16xi32>,
        %ge3A_426 = vector.broadcast %mul3A_351 : i32 to vector<16xi32>
        %ge3A_427 = arith.cmpi sge, %get3A_425, %ge3A_426 : vector<16xi32>
        %add3A_428 = arith.constant 2048 : i32
        %add3A_429 = arith.addi %mul3A_351, %add3A_428 : i32
        %lt3A_430 = vector.broadcast %add3A_429 : i32 to vector<16xi32>
        %lt3A_431 = arith.cmpi slt, %get3A_425, %lt3A_430 : vector<16xi32>
        %and3A_432 = arith.andi %ge3A_427, %lt3A_431 : vector<16xi1>
        %sub3A_433 = vector.broadcast %mul3A_351 : i32 to vector<16xi32>
        %sub3A_434 = arith.subi %get3A_425, %sub3A_433 : vector<16xi32>
        %all_reduce_population_count3A_435 = tpu.all_reduce %and3A_432 {dim = 0 : i64, kind = #tpu.reduction_kind<sum>} : vector<16xi1> -> vector<16xi32>
        %slice3A_436 = vector.extract_strided_slice %all_reduce_population_count3A_435 {offsets = [0], sizes = [1], strides = [1]} : vector<16xi32> to vector<1xi32>
        %squeeze3A_437 = vector.extract %slice3A_436[0] : i32 from vector<1xi32>
        %mul3A_438 = arith.constant 4 : i32
        %mul3A_439 = arith.muli %while3A_402, %mul3A_438 : i32
        %add3A_440 = arith.constant 2 : i32
        %add3A_441 = arith.addi %mul3A_439, %add3A_440 : i32
        %mul3A_442 = arith.constant 16 : i32
        %mul3A_443 = arith.muli %add3A_441, %mul3A_442 : i32
        %get3A_444 = arith.index_cast %mul3A_443 : i32 to index
        %get3A_445 = tpu.vector_load %arg13[%get3A_444] {strides = array<i32>} : memref<1600xi32, #tpu.memory_space<vmem>>, vector<16xi32>,
        %ge3A_446 = vector.broadcast %mul3A_351 : i32 to vector<16xi32>
        %ge3A_447 = arith.cmpi sge, %get3A_445, %ge3A_446 : vector<16xi32>
        %add3A_448 = arith.constant 2048 : i32
        %add3A_449 = arith.addi %mul3A_351, %add3A_448 : i32
        %lt3A_450 = vector.broadcast %add3A_449 : i32 to vector<16xi32>
        %lt3A_451 = arith.cmpi slt, %get3A_445, %lt3A_450 : vector<16xi32>
        %and3A_452 = arith.andi %ge3A_447, %lt3A_451 : vector<16xi1>
        %sub3A_453 = vector.broadcast %mul3A_351 : i32 to vector<16xi32>
        %sub3A_454 = arith.subi %get3A_445, %sub3A_453 : vector<16xi32>
        %all_reduce_population_count3A_455 = tpu.all_reduce %and3A_452 {dim = 0 : i64, kind = #tpu.reduction_kind<sum>} : vector<16xi1> -> vector<16xi32>
        %slice3A_456 = vector.extract_strided_slice %all_reduce_population_count3A_455 {offsets = [0], sizes = [1], strides = [1]} : vector<16xi32> to vector<1xi32>
        %squeeze3A_457 = vector.extract %slice3A_456[0] : i32 from vector<1xi32>
        %mul3A_458 = arith.constant 4 : i32
        %mul3A_459 = arith.muli %while3A_402, %mul3A_458 : i32
        %add3A_460 = arith.constant 3 : i32
        %add3A_461 = arith.addi %mul3A_459, %add3A_460 : i32
        %mul3A_462 = arith.constant 16 : i32
        %mul3A_463 = arith.muli %add3A_461, %mul3A_462 : i32
        %get3A_464 = arith.index_cast %mul3A_463 : i32 to index
        %get3A_465 = tpu.vector_load %arg13[%get3A_464] {strides = array<i32>} : memref<1600xi32, #tpu.memory_space<vmem>>, vector<16xi32>,
        %ge3A_466 = vector.broadcast %mul3A_351 : i32 to vector<16xi32>
        %ge3A_467 = arith.cmpi sge, %get3A_465, %ge3A_466 : vector<16xi32>
        %add3A_468 = arith.constant 2048 : i32
        %add3A_469 = arith.addi %mul3A_351, %add3A_468 : i32
        %lt3A_470 = vector.broadcast %add3A_469 : i32 to vector<16xi32>
        %lt3A_471 = arith.cmpi slt, %get3A_465, %lt3A_470 : vector<16xi32>
        %and3A_472 = arith.andi %ge3A_467, %lt3A_471 : vector<16xi1>
        %sub3A_473 = vector.broadcast %mul3A_351 : i32 to vector<16xi32>
        %sub3A_474 = arith.subi %get3A_465, %sub3A_473 : vector<16xi32>
        %all_reduce_population_count3A_475 = tpu.all_reduce %and3A_472 {dim = 0 : i64, kind = #tpu.reduction_kind<sum>} : vector<16xi1> -> vector<16xi32>
        %slice3A_476 = vector.extract_strided_slice %all_reduce_population_count3A_475 {offsets = [0], sizes = [1], strides = [1]} : vector<16xi32> to vector<1xi32>
        %squeeze3A_477 = vector.extract %slice3A_476[0] : i32 from vector<1xi32>
        %swap3A = arith.index_cast %while3A_403 : i32 to index
        %swap3A_478 = tpu.vector_load %arg15[%swap3A] masked %and3A_415 {strides = array<i32>} : memref<1600xi32, #tpu.memory_space<vmem>>, vector<16xi32>, vector<16xi1>
        tpu.vector_store %arg15[%swap3A], %sub3A_417 masked %and3A_415 {strides = array<i32>} : memref<1600xi32, #tpu.memory_space<vmem>>, vector<16xi32>, vector<16xi1>
        %mul3A_479 = arith.constant 4 : i32
        %mul3A_480 = arith.muli %while3A_402, %mul3A_479 : i32
        %add3A_481 = arith.constant 0 : i32
        %add3A_482 = arith.addi %mul3A_480, %add3A_481 : i32
        %mul3A_483 = arith.constant 16 : i32
        %mul3A_484 = arith.muli %add3A_482, %mul3A_483 : i32
        %add3A_485 = vector.broadcast %mul3A_484 : i32 to vector<16xi32>
        %add3A_486 = arith.addi %add3A_485, %iota3A : vector<16xi32>
        %swap3A_487 = arith.index_cast %while3A_403 : i32 to index
        %swap3A_488 = tpu.vector_load %arg16[%swap3A_487] masked %and3A_415 {strides = array<i32>} : memref<1600xi32, #tpu.memory_space<vmem>>, vector<16xi32>, vector<16xi1>
        tpu.vector_store %arg16[%swap3A_487], %add3A_486 masked %and3A_415 {strides = array<i32>} : memref<1600xi32, #tpu.memory_space<vmem>>, vector<16xi32>, vector<16xi1>
        %add3A_489 = arith.addi %while3A_403, %squeeze3A : i32
        %swap3A_490 = arith.index_cast %add3A_489 : i32 to index
        %swap3A_491 = tpu.vector_load %arg15[%swap3A_490] masked %and3A_432 {strides = array<i32>} : memref<1600xi32, #tpu.memory_space<vmem>>, vector<16xi32>, vector<16xi1>
        tpu.vector_store %arg15[%swap3A_490], %sub3A_434 masked %and3A_432 {strides = array<i32>} : memref<1600xi32, #tpu.memory_space<vmem>>, vector<16xi32>, vector<16xi1>
        %mul3A_492 = arith.constant 4 : i32
        %mul3A_493 = arith.muli %while3A_402, %mul3A_492 : i32
        %add3A_494 = arith.constant 1 : i32
        %add3A_495 = arith.addi %mul3A_493, %add3A_494 : i32
        %mul3A_496 = arith.constant 16 : i32
        %mul3A_497 = arith.muli %add3A_495, %mul3A_496 : i32
        %add3A_498 = vector.broadcast %mul3A_497 : i32 to vector<16xi32>
        %add3A_499 = arith.addi %add3A_498, %iota3A : vector<16xi32>
        %swap3A_500 = arith.index_cast %add3A_489 : i32 to index
        %swap3A_501 = tpu.vector_load %arg16[%swap3A_500] masked %and3A_432 {strides = array<i32>} : memref<1600xi32, #tpu.memory_space<vmem>>, vector<16xi32>, vector<16xi1>
        tpu.vector_store %arg16[%swap3A_500], %add3A_499 masked %and3A_432 {strides = array<i32>} : memref<1600xi32, #tpu.memory_space<vmem>>, vector<16xi32>, vector<16xi1>
        %add3A_502 = arith.addi %add3A_489, %squeeze3A_437 : i32
        %swap3A_503 = arith.index_cast %add3A_502 : i32 to index
        %swap3A_504 = tpu.vector_load %arg15[%swap3A_503] masked %and3A_452 {strides = array<i32>} : memref<1600xi32, #tpu.memory_space<vmem>>, vector<16xi32>, vector<16xi1>
        tpu.vector_store %arg15[%swap3A_503], %sub3A_454 masked %and3A_452 {strides = array<i32>} : memref<1600xi32, #tpu.memory_space<vmem>>, vector<16xi32>, vector<16xi1>
        %mul3A_505 = arith.constant 4 : i32
        %mul3A_506 = arith.muli %while3A_402, %mul3A_505 : i32
        %add3A_507 = arith.constant 2 : i32
        %add3A_508 = arith.addi %mul3A_506, %add3A_507 : i32
        %mul3A_509 = arith.constant 16 : i32
        %mul3A_510 = arith.muli %add3A_508, %mul3A_509 : i32
        %add3A_511 = vector.broadcast %mul3A_510 : i32 to vector<16xi32>
        %add3A_512 = arith.addi %add3A_511, %iota3A : vector<16xi32>
        %swap3A_513 = arith.index_cast %add3A_502 : i32 to index
        %swap3A_514 = tpu.vector_load %arg16[%swap3A_513] masked %and3A_452 {strides = array<i32>} : memref<1600xi32, #tpu.memory_space<vmem>>, vector<16xi32>, vector<16xi1>
        tpu.vector_store %arg16[%swap3A_513], %add3A_512 masked %and3A_452 {strides = array<i32>} : memref<1600xi32, #tpu.memory_space<vmem>>, vector<16xi32>, vector<16xi1>
        %add3A_515 = arith.addi %add3A_502, %squeeze3A_457 : i32
        %swap3A_516 = arith.index_cast %add3A_515 : i32 to index
        %swap3A_517 = tpu.vector_load %arg15[%swap3A_516] masked %and3A_472 {strides = array<i32>} : memref<1600xi32, #tpu.memory_space<vmem>>, vector<16xi32>, vector<16xi1>
        tpu.vector_store %arg15[%swap3A_516], %sub3A_474 masked %and3A_472 {strides = array<i32>} : memref<1600xi32, #tpu.memory_space<vmem>>, vector<16xi32>, vector<16xi1>
        %mul3A_518 = arith.constant 4 : i32
        %mul3A_519 = arith.muli %while3A_402, %mul3A_518 : i32
        %add3A_520 = arith.constant 3 : i32
        %add3A_521 = arith.addi %mul3A_519, %add3A_520 : i32
        %mul3A_522 = arith.constant 16 : i32
        %mul3A_523 = arith.muli %add3A_521, %mul3A_522 : i32
        %add3A_524 = vector.broadcast %mul3A_523 : i32 to vector<16xi32>
        %add3A_525 = arith.addi %add3A_524, %iota3A : vector<16xi32>
        %swap3A_526 = arith.index_cast %add3A_515 : i32 to index
        %swap3A_527 = tpu.vector_load %arg16[%swap3A_526] masked %and3A_472 {strides = array<i32>} : memref<1600xi32, #tpu.memory_space<vmem>>, vector<16xi32>, vector<16xi1>
        tpu.vector_store %arg16[%swap3A_526], %add3A_525 masked %and3A_472 {strides = array<i32>} : memref<1600xi32, #tpu.memory_space<vmem>>, vector<16xi32>, vector<16xi1>
        %add3A_528 = arith.addi %add3A_515, %squeeze3A_477 : i32
        scf.yield %add3A_528 : i32
      }
      %add3A_364 = arith.constant 16 : i32
      %add3A_365 = arith.addi %while3A_363, %add3A_364 : i32
      %sub3A_366 = arith.constant 1 : i32
      %sub3A_367 = arith.subi %add3A_365, %sub3A_366 : i32
      %jit3A_368 = arith.constant 16 : i32
      %div3A_369 = arith.divsi %sub3A_367, %jit3A_368 : i32
      %sign3A_370 = arith.constant 0 : i32
      %sign3A_371 = arith.cmpi sgt, %sub3A_367, %sign3A_370 : i32
      %sign3A_372 = arith.extui %sign3A_371 : i1 to i32
      %sign3A_373 = arith.constant 0 : i32
      %sign3A_374 = arith.cmpi slt, %sub3A_367, %sign3A_373 : i32
      %sign3A_375 = arith.extui %sign3A_374 : i1 to i32
      %sign3A_376 = arith.subi %sign3A_372, %sign3A_375 : i32
      %sign3A_377 = arith.constant 0 : i32
      %sign3A_378 = arith.cmpi sgt, %jit3A_368, %sign3A_377 : i32
      %sign3A_379 = arith.extui %sign3A_378 : i1 to i32
      %sign3A_380 = arith.constant 0 : i32
      %sign3A_381 = arith.cmpi slt, %jit3A_368, %sign3A_380 : i32
      %sign3A_382 = arith.extui %sign3A_381 : i1 to i32
      %sign3A_383 = arith.subi %sign3A_379, %sign3A_382 : i32
      %ne3A_384 = arith.cmpi ne, %sign3A_376, %sign3A_383 : i32
      %rem3A_385 = arith.remsi %sub3A_367, %jit3A_368 : i32
      %ne3A_386 = arith.constant 0 : i32
      %ne3A_387 = arith.cmpi ne, %rem3A_385, %ne3A_386 : i32
      %and3A_388 = arith.andi %ne3A_384, %ne3A_387 : i1
      %sub3A_389 = arith.constant 1 : i32
      %sub3A_390 = arith.subi %div3A_369, %sub3A_389 : i32
      %select_n3A_391 = arith.select %and3A_388, %sub3A_390, %div3A_369 : i32
      %while3A_392 = arith.constant 0 : i32
      %while3A_393 = arith.constant 0 : i32
      %while3A_394 = arith.subi %select_n3A_391, %while3A_393 : i32
      %while3A_395 = arith.addi %while3A_393, %while3A_394 : i32
      %while3A_396 = arith.constant 1 : i32
      %while3A_397 = arith.divsi %while3A_394, %while3A_396 : i32
      %while3A_398 = arith.muli %while3A_397, %while3A_396 : i32
      %while3A_399 = arith.addi %while3A_393, %while3A_398 : i32
      %while3A_400 = arith.constant 1 : i32
      scf.for %while3A_402 = %while3A_393 to %while3A_399 step %while3A_400  : i32 {
        %mul3A_403 = arith.constant 16 : i32
        %mul3A_404 = arith.muli %while3A_402, %mul3A_403 : i32
        %get3A = arith.index_cast %mul3A_404 : i32 to index
        %get3A_405 = tpu.vector_load %arg15[%get3A] {strides = array<i32>} : memref<1600xi32, #tpu.memory_space<vmem>>, vector<16xi32>,
        %mul3A_406 = arith.constant 16 : i32
        %mul3A_407 = arith.muli %while3A_402, %mul3A_406 : i32
        %get3A_408 = arith.index_cast %mul3A_407 : i32 to index
        %get3A_409 = tpu.vector_load %arg16[%get3A_408] {strides = array<i32>} : memref<1600xi32, #tpu.memory_space<vmem>>, vector<16xi32>,
        %mul3A_410 = arith.constant 16 : i32
        %mul3A_411 = arith.muli %while3A_402, %mul3A_410 : i32
        %add3A_412 = vector.broadcast %mul3A_411 : i32 to vector<16xi32>
        %add3A_413 = arith.addi %add3A_412, %iota3A : vector<16xi32>
        %lt3A = vector.broadcast %while3A_363 : i32 to vector<16xi32>
        %lt3A_414 = arith.cmpi slt, %add3A_413, %lt3A : vector<16xi32>
        %mul3A_415 = arith.constant 16 : i32
        %mul3A_416 = vector.broadcast %mul3A_415 : i32 to vector<16xi32>
        %mul3A_417 = arith.muli %get3A_409, %mul3A_416 : vector<16xi32>
        %gather3A = tpu.vector_load_idx %arg12[%broadcast_in_dim3A_10, %get3A_405] masked %lt3A_414 : memref<16x2048xf32, #tpu.memory_space<vmem>>[vector<16xi32>, vector<16xi32>], vector<16xf32>, vector<16xi1>
        %add3A_418 = arith.constant 0 : i32
        %add3A_419 = vector.broadcast %add3A_418 : i32 to vector<16xi32>
        %add3A_420 = arith.addi %mul3A_417, %add3A_419 : vector<16xi32>
        tpu.vector_store_idx %arg17[%add3A_420], %gather3A masked %lt3A_414 : memref<24576xf32, #tpu.memory_space<vmem>>[vector<16xi32>], vector<16xf32>, vector<16xi1>
        %gather3A_421 = tpu.vector_load_idx %arg12[%broadcast_in_dim3A_12, %get3A_405] masked %lt3A_414 : memref<16x2048xf32, #tpu.memory_space<vmem>>[vector<16xi32>, vector<16xi32>], vector<16xf32>, vector<16xi1>
        %add3A_422 = arith.constant 1 : i32
        %add3A_423 = vector.broadcast %add3A_422 : i32 to vector<16xi32>
        %add3A_424 = arith.addi %mul3A_417, %add3A_423 : vector<16xi32>
        tpu.vector_store_idx %arg17[%add3A_424], %gather3A_421 masked %lt3A_414 : memref<24576xf32, #tpu.memory_space<vmem>>[vector<16xi32>], vector<16xf32>, vector<16xi1>
        %gather3A_425 = tpu.vector_load_idx %arg12[%broadcast_in_dim3A_14, %get3A_405] masked %lt3A_414 : memref<16x2048xf32, #tpu.memory_space<vmem>>[vector<16xi32>, vector<16xi32>], vector<16xf32>, vector<16xi1>
        %add3A_426 = arith.constant 2 : i32
        %add3A_427 = vector.broadcast %add3A_426 : i32 to vector<16xi32>
        %add3A_428 = arith.addi %mul3A_417, %add3A_427 : vector<16xi32>
        tpu.vector_store_idx %arg17[%add3A_428], %gather3A_425 masked %lt3A_414 : memref<24576xf32, #tpu.memory_space<vmem>>[vector<16xi32>], vector<16xf32>, vector<16xi1>
        %gather3A_429 = tpu.vector_load_idx %arg12[%broadcast_in_dim3A_16, %get3A_405] masked %lt3A_414 : memref<16x2048xf32, #tpu.memory_space<vmem>>[vector<16xi32>, vector<16xi32>], vector<16xf32>, vector<16xi1>
        %add3A_430 = arith.constant 3 : i32
        %add3A_431 = vector.broadcast %add3A_430 : i32 to vector<16xi32>
        %add3A_432 = arith.addi %mul3A_417, %add3A_431 : vector<16xi32>
        tpu.vector_store_idx %arg17[%add3A_432], %gather3A_429 masked %lt3A_414 : memref<24576xf32, #tpu.memory_space<vmem>>[vector<16xi32>], vector<16xf32>, vector<16xi1>
        %gather3A_433 = tpu.vector_load_idx %arg12[%broadcast_in_dim3A_18, %get3A_405] masked %lt3A_414 : memref<16x2048xf32, #tpu.memory_space<vmem>>[vector<16xi32>, vector<16xi32>], vector<16xf32>, vector<16xi1>
        %add3A_434 = arith.constant 4 : i32
        %add3A_435 = vector.broadcast %add3A_434 : i32 to vector<16xi32>
        %add3A_436 = arith.addi %mul3A_417, %add3A_435 : vector<16xi32>
        tpu.vector_store_idx %arg17[%add3A_436], %gather3A_433 masked %lt3A_414 : memref<24576xf32, #tpu.memory_space<vmem>>[vector<16xi32>], vector<16xf32>, vector<16xi1>
        %gather3A_437 = tpu.vector_load_idx %arg12[%broadcast_in_dim3A_20, %get3A_405] masked %lt3A_414 : memref<16x2048xf32, #tpu.memory_space<vmem>>[vector<16xi32>, vector<16xi32>], vector<16xf32>, vector<16xi1>
        %add3A_438 = arith.constant 5 : i32
        %add3A_439 = vector.broadcast %add3A_438 : i32 to vector<16xi32>
        %add3A_440 = arith.addi %mul3A_417, %add3A_439 : vector<16xi32>
        tpu.vector_store_idx %arg17[%add3A_440], %gather3A_437 masked %lt3A_414 : memref<24576xf32, #tpu.memory_space<vmem>>[vector<16xi32>], vector<16xf32>, vector<16xi1>
        %gather3A_441 = tpu.vector_load_idx %arg12[%broadcast_in_dim3A_22, %get3A_405] masked %lt3A_414 : memref<16x2048xf32, #tpu.memory_space<vmem>>[vector<16xi32>, vector<16xi32>], vector<16xf32>, vector<16xi1>
        %add3A_442 = arith.constant 6 : i32
        %add3A_443 = vector.broadcast %add3A_442 : i32 to vector<16xi32>
        %add3A_444 = arith.addi %mul3A_417, %add3A_443 : vector<16xi32>
        tpu.vector_store_idx %arg17[%add3A_444], %gather3A_441 masked %lt3A_414 : memref<24576xf32, #tpu.memory_space<vmem>>[vector<16xi32>], vector<16xf32>, vector<16xi1>
        %gather3A_445 = tpu.vector_load_idx %arg12[%broadcast_in_dim3A_24, %get3A_405] masked %lt3A_414 : memref<16x2048xf32, #tpu.memory_space<vmem>>[vector<16xi32>, vector<16xi32>], vector<16xf32>, vector<16xi1>
        %add3A_446 = arith.constant 7 : i32
        %add3A_447 = vector.broadcast %add3A_446 : i32 to vector<16xi32>
        %add3A_448 = arith.addi %mul3A_417, %add3A_447 : vector<16xi32>
        tpu.vector_store_idx %arg17[%add3A_448], %gather3A_445 masked %lt3A_414 : memref<24576xf32, #tpu.memory_space<vmem>>[vector<16xi32>], vector<16xf32>, vector<16xi1>
        %gather3A_449 = tpu.vector_load_idx %arg12[%broadcast_in_dim3A_26, %get3A_405] masked %lt3A_414 : memref<16x2048xf32, #tpu.memory_space<vmem>>[vector<16xi32>, vector<16xi32>], vector<16xf32>, vector<16xi1>
        %add3A_450 = arith.constant 8 : i32
        %add3A_451 = vector.broadcast %add3A_450 : i32 to vector<16xi32>
        %add3A_452 = arith.addi %mul3A_417, %add3A_451 : vector<16xi32>
        tpu.vector_store_idx %arg17[%add3A_452], %gather3A_449 masked %lt3A_414 : memref<24576xf32, #tpu.memory_space<vmem>>[vector<16xi32>], vector<16xf32>, vector<16xi1>
        %gather3A_453 = tpu.vector_load_idx %arg12[%broadcast_in_dim3A_28, %get3A_405] masked %lt3A_414 : memref<16x2048xf32, #tpu.memory_space<vmem>>[vector<16xi32>, vector<16xi32>], vector<16xf32>, vector<16xi1>
        %add3A_454 = arith.constant 9 : i32
        %add3A_455 = vector.broadcast %add3A_454 : i32 to vector<16xi32>
        %add3A_456 = arith.addi %mul3A_417, %add3A_455 : vector<16xi32>
        tpu.vector_store_idx %arg17[%add3A_456], %gather3A_453 masked %lt3A_414 : memref<24576xf32, #tpu.memory_space<vmem>>[vector<16xi32>], vector<16xf32>, vector<16xi1>
        %gather3A_457 = tpu.vector_load_idx %arg12[%broadcast_in_dim3A_30, %get3A_405] masked %lt3A_414 : memref<16x2048xf32, #tpu.memory_space<vmem>>[vector<16xi32>, vector<16xi32>], vector<16xf32>, vector<16xi1>
        %add3A_458 = arith.constant 10 : i32
        %add3A_459 = vector.broadcast %add3A_458 : i32 to vector<16xi32>
        %add3A_460 = arith.addi %mul3A_417, %add3A_459 : vector<16xi32>
        tpu.vector_store_idx %arg17[%add3A_460], %gather3A_457 masked %lt3A_414 : memref<24576xf32, #tpu.memory_space<vmem>>[vector<16xi32>], vector<16xf32>, vector<16xi1>
        %gather3A_461 = tpu.vector_load_idx %arg12[%broadcast_in_dim3A_32, %get3A_405] masked %lt3A_414 : memref<16x2048xf32, #tpu.memory_space<vmem>>[vector<16xi32>, vector<16xi32>], vector<16xf32>, vector<16xi1>
        %add3A_462 = arith.constant 11 : i32
        %add3A_463 = vector.broadcast %add3A_462 : i32 to vector<16xi32>
        %add3A_464 = arith.addi %mul3A_417, %add3A_463 : vector<16xi32>
        tpu.vector_store_idx %arg17[%add3A_464], %gather3A_461 masked %lt3A_414 : memref<24576xf32, #tpu.memory_space<vmem>>[vector<16xi32>], vector<16xf32>, vector<16xi1>
        %gather3A_465 = tpu.vector_load_idx %arg12[%broadcast_in_dim3A_34, %get3A_405] masked %lt3A_414 : memref<16x2048xf32, #tpu.memory_space<vmem>>[vector<16xi32>, vector<16xi32>], vector<16xf32>, vector<16xi1>
        %add3A_466 = arith.constant 12 : i32
        %add3A_467 = vector.broadcast %add3A_466 : i32 to vector<16xi32>
        %add3A_468 = arith.addi %mul3A_417, %add3A_467 : vector<16xi32>
        tpu.vector_store_idx %arg17[%add3A_468], %gather3A_465 masked %lt3A_414 : memref<24576xf32, #tpu.memory_space<vmem>>[vector<16xi32>], vector<16xf32>, vector<16xi1>
        %gather3A_469 = tpu.vector_load_idx %arg12[%broadcast_in_dim3A_36, %get3A_405] masked %lt3A_414 : memref<16x2048xf32, #tpu.memory_space<vmem>>[vector<16xi32>, vector<16xi32>], vector<16xf32>, vector<16xi1>
        %add3A_470 = arith.constant 13 : i32
        %add3A_471 = vector.broadcast %add3A_470 : i32 to vector<16xi32>
        %add3A_472 = arith.addi %mul3A_417, %add3A_471 : vector<16xi32>
        tpu.vector_store_idx %arg17[%add3A_472], %gather3A_469 masked %lt3A_414 : memref<24576xf32, #tpu.memory_space<vmem>>[vector<16xi32>], vector<16xf32>, vector<16xi1>
        %gather3A_473 = tpu.vector_load_idx %arg12[%broadcast_in_dim3A_38, %get3A_405] masked %lt3A_414 : memref<16x2048xf32, #tpu.memory_space<vmem>>[vector<16xi32>, vector<16xi32>], vector<16xf32>, vector<16xi1>
        %add3A_474 = arith.constant 14 : i32
        %add3A_475 = vector.broadcast %add3A_474 : i32 to vector<16xi32>
        %add3A_476 = arith.addi %mul3A_417, %add3A_475 : vector<16xi32>
        tpu.vector_store_idx %arg17[%add3A_476], %gather3A_473 masked %lt3A_414 : memref<24576xf32, #tpu.memory_space<vmem>>[vector<16xi32>], vector<16xf32>, vector<16xi1>
        %gather3A_477 = tpu.vector_load_idx %arg12[%broadcast_in_dim3A_40, %get3A_405] masked %lt3A_414 : memref<16x2048xf32, #tpu.memory_space<vmem>>[vector<16xi32>, vector<16xi32>], vector<16xf32>, vector<16xi1>
        %add3A_478 = arith.constant 15 : i32
        %add3A_479 = vector.broadcast %add3A_478 : i32 to vector<16xi32>
        %add3A_480 = arith.addi %mul3A_417, %add3A_479 : vector<16xi32>
        tpu.vector_store_idx %arg17[%add3A_480], %gather3A_477 masked %lt3A_414 : memref<24576xf32, #tpu.memory_space<vmem>>[vector<16xi32>], vector<16xf32>, vector<16xi1>
      }
      %while3A_401 = arith.constant 1 : i32
      scf.for %while3A_402 = %while3A_399 to %while3A_395 step %while3A_401  : i32 {
        %mul3A_403 = arith.constant 16 : i32
        %mul3A_404 = arith.muli %while3A_402, %mul3A_403 : i32
        %get3A = arith.index_cast %mul3A_404 : i32 to index
        %get3A_405 = tpu.vector_load %arg15[%get3A] {strides = array<i32>} : memref<1600xi32, #tpu.memory_space<vmem>>, vector<16xi32>,
        %mul3A_406 = arith.constant 16 : i32
        %mul3A_407 = arith.muli %while3A_402, %mul3A_406 : i32
        %get3A_408 = arith.index_cast %mul3A_407 : i32 to index
        %get3A_409 = tpu.vector_load %arg16[%get3A_408] {strides = array<i32>} : memref<1600xi32, #tpu.memory_space<vmem>>, vector<16xi32>,
        %mul3A_410 = arith.constant 16 : i32
        %mul3A_411 = arith.muli %while3A_402, %mul3A_410 : i32
        %add3A_412 = vector.broadcast %mul3A_411 : i32 to vector<16xi32>
        %add3A_413 = arith.addi %add3A_412, %iota3A : vector<16xi32>
        %lt3A = vector.broadcast %while3A_363 : i32 to vector<16xi32>
        %lt3A_414 = arith.cmpi slt, %add3A_413, %lt3A : vector<16xi32>
        %mul3A_415 = arith.constant 16 : i32
        %mul3A_416 = vector.broadcast %mul3A_415 : i32 to vector<16xi32>
        %mul3A_417 = arith.muli %get3A_409, %mul3A_416 : vector<16xi32>
        %gather3A = tpu.vector_load_idx %arg12[%broadcast_in_dim3A_10, %get3A_405] masked %lt3A_414 : memref<16x2048xf32, #tpu.memory_space<vmem>>[vector<16xi32>, vector<16xi32>], vector<16xf32>, vector<16xi1>
        %add3A_418 = arith.constant 0 : i32
        %add3A_419 = vector.broadcast %add3A_418 : i32 to vector<16xi32>
        %add3A_420 = arith.addi %mul3A_417, %add3A_419 : vector<16xi32>
        tpu.vector_store_idx %arg17[%add3A_420], %gather3A masked %lt3A_414 : memref<24576xf32, #tpu.memory_space<vmem>>[vector<16xi32>], vector<16xf32>, vector<16xi1>
        %gather3A_421 = tpu.vector_load_idx %arg12[%broadcast_in_dim3A_12, %get3A_405] masked %lt3A_414 : memref<16x2048xf32, #tpu.memory_space<vmem>>[vector<16xi32>, vector<16xi32>], vector<16xf32>, vector<16xi1>
        %add3A_422 = arith.constant 1 : i32
        %add3A_423 = vector.broadcast %add3A_422 : i32 to vector<16xi32>
        %add3A_424 = arith.addi %mul3A_417, %add3A_423 : vector<16xi32>
        tpu.vector_store_idx %arg17[%add3A_424], %gather3A_421 masked %lt3A_414 : memref<24576xf32, #tpu.memory_space<vmem>>[vector<16xi32>], vector<16xf32>, vector<16xi1>
        %gather3A_425 = tpu.vector_load_idx %arg12[%broadcast_in_dim3A_14, %get3A_405] masked %lt3A_414 : memref<16x2048xf32, #tpu.memory_space<vmem>>[vector<16xi32>, vector<16xi32>], vector<16xf32>, vector<16xi1>
        %add3A_426 = arith.constant 2 : i32
        %add3A_427 = vector.broadcast %add3A_426 : i32 to vector<16xi32>
        %add3A_428 = arith.addi %mul3A_417, %add3A_427 : vector<16xi32>
        tpu.vector_store_idx %arg17[%add3A_428], %gather3A_425 masked %lt3A_414 : memref<24576xf32, #tpu.memory_space<vmem>>[vector<16xi32>], vector<16xf32>, vector<16xi1>
        %gather3A_429 = tpu.vector_load_idx %arg12[%broadcast_in_dim3A_16, %get3A_405] masked %lt3A_414 : memref<16x2048xf32, #tpu.memory_space<vmem>>[vector<16xi32>, vector<16xi32>], vector<16xf32>, vector<16xi1>
        %add3A_430 = arith.constant 3 : i32
        %add3A_431 = vector.broadcast %add3A_430 : i32 to vector<16xi32>
        %add3A_432 = arith.addi %mul3A_417, %add3A_431 : vector<16xi32>
        tpu.vector_store_idx %arg17[%add3A_432], %gather3A_429 masked %lt3A_414 : memref<24576xf32, #tpu.memory_space<vmem>>[vector<16xi32>], vector<16xf32>, vector<16xi1>
        %gather3A_433 = tpu.vector_load_idx %arg12[%broadcast_in_dim3A_18, %get3A_405] masked %lt3A_414 : memref<16x2048xf32, #tpu.memory_space<vmem>>[vector<16xi32>, vector<16xi32>], vector<16xf32>, vector<16xi1>
        %add3A_434 = arith.constant 4 : i32
        %add3A_435 = vector.broadcast %add3A_434 : i32 to vector<16xi32>
        %add3A_436 = arith.addi %mul3A_417, %add3A_435 : vector<16xi32>
        tpu.vector_store_idx %arg17[%add3A_436], %gather3A_433 masked %lt3A_414 : memref<24576xf32, #tpu.memory_space<vmem>>[vector<16xi32>], vector<16xf32>, vector<16xi1>
        %gather3A_437 = tpu.vector_load_idx %arg12[%broadcast_in_dim3A_20, %get3A_405] masked %lt3A_414 : memref<16x2048xf32, #tpu.memory_space<vmem>>[vector<16xi32>, vector<16xi32>], vector<16xf32>, vector<16xi1>
        %add3A_438 = arith.constant 5 : i32
        %add3A_439 = vector.broadcast %add3A_438 : i32 to vector<16xi32>
        %add3A_440 = arith.addi %mul3A_417, %add3A_439 : vector<16xi32>
        tpu.vector_store_idx %arg17[%add3A_440], %gather3A_437 masked %lt3A_414 : memref<24576xf32, #tpu.memory_space<vmem>>[vector<16xi32>], vector<16xf32>, vector<16xi1>
        %gather3A_441 = tpu.vector_load_idx %arg12[%broadcast_in_dim3A_22, %get3A_405] masked %lt3A_414 : memref<16x2048xf32, #tpu.memory_space<vmem>>[vector<16xi32>, vector<16xi32>], vector<16xf32>, vector<16xi1>
        %add3A_442 = arith.constant 6 : i32
        %add3A_443 = vector.broadcast %add3A_442 : i32 to vector<16xi32>
        %add3A_444 = arith.addi %mul3A_417, %add3A_443 : vector<16xi32>
        tpu.vector_store_idx %arg17[%add3A_444], %gather3A_441 masked %lt3A_414 : memref<24576xf32, #tpu.memory_space<vmem>>[vector<16xi32>], vector<16xf32>, vector<16xi1>
        %gather3A_445 = tpu.vector_load_idx %arg12[%broadcast_in_dim3A_24, %get3A_405] masked %lt3A_414 : memref<16x2048xf32, #tpu.memory_space<vmem>>[vector<16xi32>, vector<16xi32>], vector<16xf32>, vector<16xi1>
        %add3A_446 = arith.constant 7 : i32
        %add3A_447 = vector.broadcast %add3A_446 : i32 to vector<16xi32>
        %add3A_448 = arith.addi %mul3A_417, %add3A_447 : vector<16xi32>
        tpu.vector_store_idx %arg17[%add3A_448], %gather3A_445 masked %lt3A_414 : memref<24576xf32, #tpu.memory_space<vmem>>[vector<16xi32>], vector<16xf32>, vector<16xi1>
        %gather3A_449 = tpu.vector_load_idx %arg12[%broadcast_in_dim3A_26, %get3A_405] masked %lt3A_414 : memref<16x2048xf32, #tpu.memory_space<vmem>>[vector<16xi32>, vector<16xi32>], vector<16xf32>, vector<16xi1>
        %add3A_450 = arith.constant 8 : i32
        %add3A_451 = vector.broadcast %add3A_450 : i32 to vector<16xi32>
        %add3A_452 = arith.addi %mul3A_417, %add3A_451 : vector<16xi32>
        tpu.vector_store_idx %arg17[%add3A_452], %gather3A_449 masked %lt3A_414 : memref<24576xf32, #tpu.memory_space<vmem>>[vector<16xi32>], vector<16xf32>, vector<16xi1>
        %gather3A_453 = tpu.vector_load_idx %arg12[%broadcast_in_dim3A_28, %get3A_405] masked %lt3A_414 : memref<16x2048xf32, #tpu.memory_space<vmem>>[vector<16xi32>, vector<16xi32>], vector<16xf32>, vector<16xi1>
        %add3A_454 = arith.constant 9 : i32
        %add3A_455 = vector.broadcast %add3A_454 : i32 to vector<16xi32>
        %add3A_456 = arith.addi %mul3A_417, %add3A_455 : vector<16xi32>
        tpu.vector_store_idx %arg17[%add3A_456], %gather3A_453 masked %lt3A_414 : memref<24576xf32, #tpu.memory_space<vmem>>[vector<16xi32>], vector<16xf32>, vector<16xi1>
        %gather3A_457 = tpu.vector_load_idx %arg12[%broadcast_in_dim3A_30, %get3A_405] masked %lt3A_414 : memref<16x2048xf32, #tpu.memory_space<vmem>>[vector<16xi32>, vector<16xi32>], vector<16xf32>, vector<16xi1>
        %add3A_458 = arith.constant 10 : i32
        %add3A_459 = vector.broadcast %add3A_458 : i32 to vector<16xi32>
        %add3A_460 = arith.addi %mul3A_417, %add3A_459 : vector<16xi32>
        tpu.vector_store_idx %arg17[%add3A_460], %gather3A_457 masked %lt3A_414 : memref<24576xf32, #tpu.memory_space<vmem>>[vector<16xi32>], vector<16xf32>, vector<16xi1>
        %gather3A_461 = tpu.vector_load_idx %arg12[%broadcast_in_dim3A_32, %get3A_405] masked %lt3A_414 : memref<16x2048xf32, #tpu.memory_space<vmem>>[vector<16xi32>, vector<16xi32>], vector<16xf32>, vector<16xi1>
        %add3A_462 = arith.constant 11 : i32
        %add3A_463 = vector.broadcast %add3A_462 : i32 to vector<16xi32>
        %add3A_464 = arith.addi %mul3A_417, %add3A_463 : vector<16xi32>
        tpu.vector_store_idx %arg17[%add3A_464], %gather3A_461 masked %lt3A_414 : memref<24576xf32, #tpu.memory_space<vmem>>[vector<16xi32>], vector<16xf32>, vector<16xi1>
        %gather3A_465 = tpu.vector_load_idx %arg12[%broadcast_in_dim3A_34, %get3A_405] masked %lt3A_414 : memref<16x2048xf32, #tpu.memory_space<vmem>>[vector<16xi32>, vector<16xi32>], vector<16xf32>, vector<16xi1>
        %add3A_466 = arith.constant 12 : i32
        %add3A_467 = vector.broadcast %add3A_466 : i32 to vector<16xi32>
        %add3A_468 = arith.addi %mul3A_417, %add3A_467 : vector<16xi32>
        tpu.vector_store_idx %arg17[%add3A_468], %gather3A_465 masked %lt3A_414 : memref<24576xf32, #tpu.memory_space<vmem>>[vector<16xi32>], vector<16xf32>, vector<16xi1>
        %gather3A_469 = tpu.vector_load_idx %arg12[%broadcast_in_dim3A_36, %get3A_405] masked %lt3A_414 : memref<16x2048xf32, #tpu.memory_space<vmem>>[vector<16xi32>, vector<16xi32>], vector<16xf32>, vector<16xi1>
        %add3A_470 = arith.constant 13 : i32
        %add3A_471 = vector.broadcast %add3A_470 : i32 to vector<16xi32>
        %add3A_472 = arith.addi %mul3A_417, %add3A_471 : vector<16xi32>
        tpu.vector_store_idx %arg17[%add3A_472], %gather3A_469 masked %lt3A_414 : memref<24576xf32, #tpu.memory_space<vmem>>[vector<16xi32>], vector<16xf32>, vector<16xi1>
        %gather3A_473 = tpu.vector_load_idx %arg12[%broadcast_in_dim3A_38, %get3A_405] masked %lt3A_414 : memref<16x2048xf32, #tpu.memory_space<vmem>>[vector<16xi32>, vector<16xi32>], vector<16xf32>, vector<16xi1>
        %add3A_474 = arith.constant 14 : i32
        %add3A_475 = vector.broadcast %add3A_474 : i32 to vector<16xi32>
        %add3A_476 = arith.addi %mul3A_417, %add3A_475 : vector<16xi32>
        tpu.vector_store_idx %arg17[%add3A_476], %gather3A_473 masked %lt3A_414 : memref<24576xf32, #tpu.memory_space<vmem>>[vector<16xi32>], vector<16xf32>, vector<16xi1>
        %gather3A_477 = tpu.vector_load_idx %arg12[%broadcast_in_dim3A_40, %get3A_405] masked %lt3A_414 : memref<16x2048xf32, #tpu.memory_space<vmem>>[vector<16xi32>, vector<16xi32>], vector<16xf32>, vector<16xi1>
        %add3A_478 = arith.constant 15 : i32
        %add3A_479 = vector.broadcast %add3A_478 : i32 to vector<16xi32>
        %add3A_480 = arith.addi %mul3A_417, %add3A_479 : vector<16xi32>
        tpu.vector_store_idx %arg17[%add3A_480], %gather3A_477 masked %lt3A_414 : memref<24576xf32, #tpu.memory_space<vmem>>[vector<16xi32>], vector<16xf32>, vector<16xi1>
      }
    }
    %scan3A_195 = arith.constant 8 : i32
    %dma_wait3A_196 = arith.constant 0 : i32
    %dma_wait3A_197 = arith.constant 0 : i32
    %dma_wait3A_198 = tpu.memref_slice %arg5[%dma_wait3A_196, %dma_wait3A_197] : memref<16x1000000xf32, #tpu.memory_space<hbm>> -> memref<16x2048xf32, #tpu.memory_space<hbm>>
    %dma_wait3A_199 = arith.constant 0 : i32
    %dma_wait3A_200 = arith.constant 0 : i32
    %dma_wait3A_201 = tpu.memref_slice %arg5[%dma_wait3A_199, %dma_wait3A_200] : memref<16x1000000xf32, #tpu.memory_space<hbm>> -> memref<16x2048xf32, #tpu.memory_space<hbm>>
    tpu.wait_dma2 semaphore(%arg18 : memref<!tpu.dma_semaphore, #tpu.memory_space<semaphore_mem>>) src(%dma_wait3A_201 : memref<16x2048xf32, #tpu.memory_space<hbm>>) dst(%arg11 : memref<16x2048xf32, #tpu.memory_space<vmem>>)
    %mul3A_202 = arith.constant 1536 : i32
    %mul3A_203 = arith.muli %add3A, %mul3A_202 : i32
    %mul3A_204 = arith.constant 16 : i32
    %mul3A_205 = arith.muli %mul3A_203, %mul3A_204 : i32
    "tpu.region"() ({
      %run_scoped3A = tpu.sem_alloc : memref<!tpu.dma_semaphore, #tpu.memory_space<semaphore_mem>>
      %dma_start3A_208 = tpu.memref_slice %arg8[%mul3A_205] : memref<786432xf32, #tpu.memory_space<hbm>> -> memref<24576xf32, #tpu.memory_space<hbm>>
      %dma_start3A_209 = tpu.memref_slice %arg8[%mul3A_205] : memref<786432xf32, #tpu.memory_space<hbm>> -> memref<24576xf32, #tpu.memory_space<hbm>>
      tpu.enqueue_dma source(%arg17 : memref<24576xf32, #tpu.memory_space<vmem>>) target(%dma_start3A_209 : memref<24576xf32, #tpu.memory_space<hbm>>) target_semaphore(%run_scoped3A : memref<!tpu.dma_semaphore, #tpu.memory_space<semaphore_mem>>)
      %dma_wait3A_210 = tpu.memref_slice %arg8[%mul3A_205] : memref<786432xf32, #tpu.memory_space<hbm>> -> memref<24576xf32, #tpu.memory_space<hbm>>
      %dma_wait3A_211 = tpu.memref_slice %arg8[%mul3A_205] : memref<786432xf32, #tpu.memory_space<hbm>> -> memref<24576xf32, #tpu.memory_space<hbm>>
      tpu.wait_dma2 semaphore(%run_scoped3A : memref<!tpu.dma_semaphore, #tpu.memory_space<semaphore_mem>>) src(%arg17 : memref<24576xf32, #tpu.memory_space<vmem>>) dst(%dma_wait3A_211 : memref<24576xf32, #tpu.memory_space<hbm>>)
      tpu.yield
    }) : () -> ()
    %mul3A_206 = arith.constant 1536 : i32
    %mul3A_207 = arith.muli %add3A, %mul3A_206 : i32
    "tpu.region"() ({
      %run_scoped3A = tpu.sem_alloc : memref<!tpu.dma_semaphore, #tpu.memory_space<semaphore_mem>>
      %dma_start3A_208 = arith.constant 0 : i32
      %dma_start3A_209 = tpu.memref_slice %arg14[%dma_start3A_208] : memref<1600xi32, #tpu.memory_space<vmem>> -> memref<1536xi32, #tpu.memory_space<vmem>>
      %dma_start3A_210 = tpu.memref_slice %arg9[%mul3A_207] : memref<49152xi32, #tpu.memory_space<hbm>> -> memref<1536xi32, #tpu.memory_space<hbm>>
      %dma_start3A_211 = tpu.memref_slice %arg9[%mul3A_207] : memref<49152xi32, #tpu.memory_space<hbm>> -> memref<1536xi32, #tpu.memory_space<hbm>>
      %dma_start3A_212 = arith.constant 0 : i32
      %dma_start3A_213 = tpu.memref_slice %arg14[%dma_start3A_212] : memref<1600xi32, #tpu.memory_space<vmem>> -> memref<1536xi32, #tpu.memory_space<vmem>>
      tpu.enqueue_dma source(%dma_start3A_213 : memref<1536xi32, #tpu.memory_space<vmem>>) target(%dma_start3A_211 : memref<1536xi32, #tpu.memory_space<hbm>>) target_semaphore(%run_scoped3A : memref<!tpu.dma_semaphore, #tpu.memory_space<semaphore_mem>>)
      %dma_wait3A_214 = arith.constant 0 : i32
      %dma_wait3A_215 = tpu.memref_slice %arg14[%dma_wait3A_214] : memref<1600xi32, #tpu.memory_space<vmem>> -> memref<1536xi32, #tpu.memory_space<vmem>>
      %dma_wait3A_216 = tpu.memref_slice %arg9[%mul3A_207] : memref<49152xi32, #tpu.memory_space<hbm>> -> memref<1536xi32, #tpu.memory_space<hbm>>
      %dma_wait3A_217 = tpu.memref_slice %arg9[%mul3A_207] : memref<49152xi32, #tpu.memory_space<hbm>> -> memref<1536xi32, #tpu.memory_space<hbm>>
      %dma_wait3A_218 = arith.constant 0 : i32
      %dma_wait3A_219 = tpu.memref_slice %arg14[%dma_wait3A_218] : memref<1600xi32, #tpu.memory_space<vmem>> -> memref<1536xi32, #tpu.memory_space<vmem>>
      tpu.wait_dma2 semaphore(%run_scoped3A : memref<!tpu.dma_semaphore, #tpu.memory_space<semaphore_mem>>) src(%dma_wait3A_219 : memref<1536xi32, #tpu.memory_space<vmem>>) dst(%dma_wait3A_217 : memref<1536xi32, #tpu.memory_space<hbm>>)
      tpu.yield
    }) : () -> ()
    return
  }
}

#map = affine_map<(d0, d1) -> (0, 0)>
#map1 = affine_map<(d0, d1) -> (0)>
module attributes {stable_mosaic.version = 14 : i64} {
  func.func @scatter_kernel(%arg0: i32, %arg1: i32, %arg2: memref<49152x16xf32, #tpu.memory_space<hbm>>, %arg3: memref<49152xi32, #tpu.memory_space<hbm>>, %arg4: memref<49152x16xf32, #tpu.memory_space<hbm>>, %arg5: memref<49152xi32, #tpu.memory_space<hbm>>, %arg6: memref<16384x16xf32, #tpu.memory_space<hbm>>, %arg7: memref<16384x16xf32, #tpu.memory_space<hbm>>, %arg8: memref<1536x16xf32, #tpu.memory_space<vmem>>, %arg9: memref<1536xi32, #tpu.memory_space<vmem>>, %arg10: memref<!tpu.dma_semaphore, #tpu.memory_space<semaphore_mem>>) attributes {dimension_semantics = [#tpu.dimension_semantics<core_parallel>, #tpu.dimension_semantics<subcore_parallel>], iteration_bounds = array<i64: 2, 16>, scalar_prefetch = 0 : i64, scratch_operands = 3 : i64, tpu.core_type = #tpu.core_type<sc_vector_subcore>, window_params = [{transform_indices = #map}, {transform_indices = #map1}, {transform_indices = #map}, {transform_indices = #map1}, {transform_indices = #map}, {transform_indices = #map}]} {
    %mul3A = arith.constant 2 : i32
    %mul3A_0 = arith.muli %arg1, %mul3A : i32
    %add3A = arith.addi %mul3A_0, %arg0 : i32
    %mul3A_1 = arith.constant 1536 : i32
    %mul3A_2 = arith.muli %add3A, %mul3A_1 : i32
    "tpu.region"() ({
      %run_scoped3A = tpu.sem_alloc : memref<!tpu.dma_semaphore, #tpu.memory_space<semaphore_mem>>
      %dma_start3A_21 = arith.constant 0 : i32
      %dma_start3A_22 = tpu.memref_slice %arg2[%mul3A_2, %dma_start3A_21] : memref<49152x16xf32, #tpu.memory_space<hbm>> -> memref<1536x16xf32, #tpu.memory_space<hbm>>
      %dma_start3A_23 = arith.constant 0 : i32
      %dma_start3A_24 = tpu.memref_slice %arg2[%mul3A_2, %dma_start3A_23] : memref<49152x16xf32, #tpu.memory_space<hbm>> -> memref<1536x16xf32, #tpu.memory_space<hbm>>
      tpu.enqueue_dma source(%dma_start3A_24 : memref<1536x16xf32, #tpu.memory_space<hbm>>) target(%arg8 : memref<1536x16xf32, #tpu.memory_space<vmem>>) target_semaphore(%run_scoped3A : memref<!tpu.dma_semaphore, #tpu.memory_space<semaphore_mem>>)
      %dma_wait3A_25 = arith.constant 0 : i32
      %dma_wait3A_26 = tpu.memref_slice %arg2[%mul3A_2, %dma_wait3A_25] : memref<49152x16xf32, #tpu.memory_space<hbm>> -> memref<1536x16xf32, #tpu.memory_space<hbm>>
      %dma_wait3A_27 = arith.constant 0 : i32
      %dma_wait3A_28 = tpu.memref_slice %arg2[%mul3A_2, %dma_wait3A_27] : memref<49152x16xf32, #tpu.memory_space<hbm>> -> memref<1536x16xf32, #tpu.memory_space<hbm>>
      tpu.wait_dma2 semaphore(%run_scoped3A : memref<!tpu.dma_semaphore, #tpu.memory_space<semaphore_mem>>) src(%dma_wait3A_28 : memref<1536x16xf32, #tpu.memory_space<hbm>>) dst(%arg8 : memref<1536x16xf32, #tpu.memory_space<vmem>>)
      tpu.yield
    }) : () -> ()
    %mul3A_3 = arith.constant 1536 : i32
    %mul3A_4 = arith.muli %add3A, %mul3A_3 : i32
    "tpu.region"() ({
      %run_scoped3A = tpu.sem_alloc : memref<!tpu.dma_semaphore, #tpu.memory_space<semaphore_mem>>
      %dma_start3A_21 = tpu.memref_slice %arg3[%mul3A_4] : memref<49152xi32, #tpu.memory_space<hbm>> -> memref<1536xi32, #tpu.memory_space<hbm>>
      %dma_start3A_22 = tpu.memref_slice %arg3[%mul3A_4] : memref<49152xi32, #tpu.memory_space<hbm>> -> memref<1536xi32, #tpu.memory_space<hbm>>
      tpu.enqueue_dma source(%dma_start3A_22 : memref<1536xi32, #tpu.memory_space<hbm>>) target(%arg9 : memref<1536xi32, #tpu.memory_space<vmem>>) target_semaphore(%run_scoped3A : memref<!tpu.dma_semaphore, #tpu.memory_space<semaphore_mem>>)
      %dma_wait3A_23 = tpu.memref_slice %arg3[%mul3A_4] : memref<49152xi32, #tpu.memory_space<hbm>> -> memref<1536xi32, #tpu.memory_space<hbm>>
      %dma_wait3A_24 = tpu.memref_slice %arg3[%mul3A_4] : memref<49152xi32, #tpu.memory_space<hbm>> -> memref<1536xi32, #tpu.memory_space<hbm>>
      tpu.wait_dma2 semaphore(%run_scoped3A : memref<!tpu.dma_semaphore, #tpu.memory_space<semaphore_mem>>) src(%dma_wait3A_24 : memref<1536xi32, #tpu.memory_space<hbm>>) dst(%arg9 : memref<1536xi32, #tpu.memory_space<vmem>>)
      tpu.yield
    }) : () -> ()
    %dma_start3A = arith.constant 0 : i32
    %dma_start3A_5 = arith.constant 0 : i32
    %dma_start3A_6 = tpu.memref_slice %arg6[%dma_start3A, %dma_start3A_5] : memref<16384x16xf32, #tpu.memory_space<hbm>> -> memref<16384x16xf32, #tpu.memory_space<hbm>>
    %dma_start3A_7 = arith.constant -1 : i32
    tpu.enqueue_indirect_dma source(%arg8 : memref<1536x16xf32, #tpu.memory_space<vmem>>) target(%dma_start3A_6 : memref<16384x16xf32, #tpu.memory_space<hbm>>) offsets(%arg9 : memref<1536xi32, #tpu.memory_space<vmem>>) offset_filter(%dma_start3A_7) semaphore(%arg10 : memref<!tpu.dma_semaphore, #tpu.memory_space<semaphore_mem>>)
    %dma_wait3A = arith.constant 0 : i32
    %dma_wait3A_8 = arith.constant 0 : i32
    %dma_wait3A_9 = tpu.memref_slice %arg6[%dma_wait3A, %dma_wait3A_8] : memref<16384x16xf32, #tpu.memory_space<hbm>> -> memref<16384x16xf32, #tpu.memory_space<hbm>>
    tpu.wait_indirect_dma semaphore(%arg10 : memref<!tpu.dma_semaphore, #tpu.memory_space<semaphore_mem>>) src(%arg8 : memref<1536x16xf32, #tpu.memory_space<vmem>>) dst(%dma_wait3A_9 : memref<16384x16xf32, #tpu.memory_space<hbm>>)
    %mul3A_10 = arith.constant 1536 : i32
    %mul3A_11 = arith.muli %add3A, %mul3A_10 : i32
    "tpu.region"() ({
      %run_scoped3A = tpu.sem_alloc : memref<!tpu.dma_semaphore, #tpu.memory_space<semaphore_mem>>
      %dma_start3A_21 = arith.constant 0 : i32
      %dma_start3A_22 = tpu.memref_slice %arg4[%mul3A_11, %dma_start3A_21] : memref<49152x16xf32, #tpu.memory_space<hbm>> -> memref<1536x16xf32, #tpu.memory_space<hbm>>
      %dma_start3A_23 = arith.constant 0 : i32
      %dma_start3A_24 = tpu.memref_slice %arg4[%mul3A_11, %dma_start3A_23] : memref<49152x16xf32, #tpu.memory_space<hbm>> -> memref<1536x16xf32, #tpu.memory_space<hbm>>
      tpu.enqueue_dma source(%dma_start3A_24 : memref<1536x16xf32, #tpu.memory_space<hbm>>) target(%arg8 : memref<1536x16xf32, #tpu.memory_space<vmem>>) target_semaphore(%run_scoped3A : memref<!tpu.dma_semaphore, #tpu.memory_space<semaphore_mem>>)
      %dma_wait3A_25 = arith.constant 0 : i32
      %dma_wait3A_26 = tpu.memref_slice %arg4[%mul3A_11, %dma_wait3A_25] : memref<49152x16xf32, #tpu.memory_space<hbm>> -> memref<1536x16xf32, #tpu.memory_space<hbm>>
      %dma_wait3A_27 = arith.constant 0 : i32
      %dma_wait3A_28 = tpu.memref_slice %arg4[%mul3A_11, %dma_wait3A_27] : memref<49152x16xf32, #tpu.memory_space<hbm>> -> memref<1536x16xf32, #tpu.memory_space<hbm>>
      tpu.wait_dma2 semaphore(%run_scoped3A : memref<!tpu.dma_semaphore, #tpu.memory_space<semaphore_mem>>) src(%dma_wait3A_28 : memref<1536x16xf32, #tpu.memory_space<hbm>>) dst(%arg8 : memref<1536x16xf32, #tpu.memory_space<vmem>>)
      tpu.yield
    }) : () -> ()
    %mul3A_12 = arith.constant 1536 : i32
    %mul3A_13 = arith.muli %add3A, %mul3A_12 : i32
    "tpu.region"() ({
      %run_scoped3A = tpu.sem_alloc : memref<!tpu.dma_semaphore, #tpu.memory_space<semaphore_mem>>
      %dma_start3A_21 = tpu.memref_slice %arg5[%mul3A_13] : memref<49152xi32, #tpu.memory_space<hbm>> -> memref<1536xi32, #tpu.memory_space<hbm>>
      %dma_start3A_22 = tpu.memref_slice %arg5[%mul3A_13] : memref<49152xi32, #tpu.memory_space<hbm>> -> memref<1536xi32, #tpu.memory_space<hbm>>
      tpu.enqueue_dma source(%dma_start3A_22 : memref<1536xi32, #tpu.memory_space<hbm>>) target(%arg9 : memref<1536xi32, #tpu.memory_space<vmem>>) target_semaphore(%run_scoped3A : memref<!tpu.dma_semaphore, #tpu.memory_space<semaphore_mem>>)
      %dma_wait3A_23 = tpu.memref_slice %arg5[%mul3A_13] : memref<49152xi32, #tpu.memory_space<hbm>> -> memref<1536xi32, #tpu.memory_space<hbm>>
      %dma_wait3A_24 = tpu.memref_slice %arg5[%mul3A_13] : memref<49152xi32, #tpu.memory_space<hbm>> -> memref<1536xi32, #tpu.memory_space<hbm>>
      tpu.wait_dma2 semaphore(%run_scoped3A : memref<!tpu.dma_semaphore, #tpu.memory_space<semaphore_mem>>) src(%dma_wait3A_24 : memref<1536xi32, #tpu.memory_space<hbm>>) dst(%arg9 : memref<1536xi32, #tpu.memory_space<vmem>>)
      tpu.yield
    }) : () -> ()
    %dma_start3A_14 = arith.constant 0 : i32
    %dma_start3A_15 = arith.constant 0 : i32
    %dma_start3A_16 = tpu.memref_slice %arg7[%dma_start3A_14, %dma_start3A_15] : memref<16384x16xf32, #tpu.memory_space<hbm>> -> memref<16384x16xf32, #tpu.memory_space<hbm>>
    %dma_start3A_17 = arith.constant -1 : i32
    tpu.enqueue_indirect_dma source(%arg8 : memref<1536x16xf32, #tpu.memory_space<vmem>>) target(%dma_start3A_16 : memref<16384x16xf32, #tpu.memory_space<hbm>>) offsets(%arg9 : memref<1536xi32, #tpu.memory_space<vmem>>) offset_filter(%dma_start3A_17) semaphore(%arg10 : memref<!tpu.dma_semaphore, #tpu.memory_space<semaphore_mem>>)
    %dma_wait3A_18 = arith.constant 0 : i32
    %dma_wait3A_19 = arith.constant 0 : i32
    %dma_wait3A_20 = tpu.memref_slice %arg7[%dma_wait3A_18, %dma_wait3A_19] : memref<16384x16xf32, #tpu.memory_space<hbm>> -> memref<16384x16xf32, #tpu.memory_space<hbm>>
    tpu.wait_indirect_dma semaphore(%arg10 : memref<!tpu.dma_semaphore, #tpu.memory_space<semaphore_mem>>) src(%arg8 : memref<1536x16xf32, #tpu.memory_space<vmem>>) dst(%dma_wait3A_20 : memref<16384x16xf32, #tpu.memory_space<hbm>>)
    return
  }
}

</mosaic_0001>

<sc_bundles>
// kernel: kernel.11.cloned.1.call-start
scs
__scs_entry_jumppad:
0x0: {  	(pc) =	sbr.rel $0x88, $3  }
0x1: {  	(tag) =	ssettag $0x0;
	lr =	simm.s32 $0x1  }
0x2: {  	[smem:$0x3F9B] =	sst lr;
	_ =	strace $0xD0000000  }
0x3: {  	_ = 	snop  }
0x4: {  	_ = 	snop  }
0x5: {  	_ = 	snop  }
0x6: {  	_ = 	snop  }
0x7: {  	_ = 	snop  }
__scs_overlays_trampoline_lowered:
0x8: {  	[smem:$0x3FAA] =	sst s0  }
0x9: {  	[smem:$0x3FAB] =	sst s1  }
0xa: {  	[smem:$0x3FAC] =	sst s2  }
0xb: {  	[smem:$0x3FAD] =	sst s3  }
0xc: {  	[smem:$0x3FAE] =	sst s4  }
0xd: {  	[smem:$0x3FAF] =	sst s5  }
0xe: {  	[smem:$0x3FB0] =	sst s6  }
0xf: {  	[smem:$0x3FB1] =	sst s7  }
0x10: {  	[smem:$0x3FB2] =	sst s8  }
0x11: {  	[smem:$0x3FB3] =	sst s9;
	s0 =	simm.s32 @!p0 $0x0  }
0x12: {  	s1 =	sld [smem:$0x3F99];
	s0 =	simm.s32 @p0 $0x1  }
0x13: {  	[smem:$0x3FB4] =	sst s0;
	s0 =	simm.s32 @!p1 $0x0  }
0x14: {  	s2 =	sld [smem:$0x3F98];
	s0 =	simm.s32 @p1 $0x1  }
0x15: {  	[smem:$0x3FB5] =	sst s0;
	s0 =	simm.s32 @!p2 $0x0  }
0x16: {  	s3 =	sld [smem:$0x3FDB];
	s0 =	simm.s32 @p2 $0x1  }
0x17: {  	s4 =	simm.s32 $0x1BF5;
	[smem:$0x3FB7] =	sst s0  }
0x18: {  	s0 =	sld [smem:$0x3F9A];
	_ =	swait.ge [sflag:s4], $0x0  }
0x19: {  	s7 =	sld [smem:$0x3F9B]  }
0x1a: {  	s8 =	sadd.s32 $0xFFFFE003, lr  }
0x1b: {  	s9 =	sadd.s32 $0xFFFFFEF7, lr;
	s5 =	simm.s32 $0xFFFFFFFF;
	p2 =	slt.u32 s8, $0xFFFFF086  }
0x1c: {  	p1 =	slt.u32 s9, $0xF7A;
	s5 =	simm.s32 @!p2 $0x0  }
0x1d: {  	s5 =	simm.s32 @p1 $0x1;
	p0 =	seq.s32 s7, s2  }
0x1e: {  	s7 =	smul.u32 @!p0 $0xF7A, s2;
	p2 =	seq.s32 @!p0 s5, $0x0  }
0x1f: {  	s9 =	smul.u32 $0xF7A, s1;
	s8 =	simm.s32 @!p0 $0x1BF5;
	p2 =	por !p2, p0  }
0x20: {  	[sflag:s8] =	ssyncset.s32 @!p0 $0xFFFFF086;
	s6 =	sadd.s32 @!p0 s3, s7;
	s7 =	simm.s32 @!p0 $0x108  }
0x21: {  	s3 =	sadd.s32 s3, s9;
	s6 =	sadd.s32 @!p0 $0x88, s6;
	s7 =	simm.s32 @p2 $0x1082  }
0x22: {  	[simem:s7], [sflag:s8] =	dma.local @!p0 [hbm:s6], $0xF7A  }
0x23: {  	s9 =	sor.u32 $0xD0000000, s2;
	s6 =	simm.s32 $0x108;
	_ =	swait.ge @!p0 [sflag:s8], $0x0  }
0x24: {  	s3 =	sadd.s32 $0x88, s3;
	s6 =	simm.s32 @!p1 $0x1082;
	[sflag:s4] =	ssyncset.s32 $0xFFFFF086  }
0x25: {  	[simem:s6], [sflag:s4] =	dma.local [hbm:s3], $0xF7A  }
0x26: {  	[smem:$0x3F9B] =	sst s1;
	(tag) =	ssettag s2;
	_ =	strace s9  }
0x27: {  	s1 =	sld [smem:$0x3FAB]  }
0x28: {  	s2 =	sld [smem:$0x3FAC]  }
0x29: {  	s4 =	sld [smem:$0x3FAE]  }
0x2a: {  	p0 =	seq.s32 s5, $0x0;
	s5 =	sld [smem:$0x3FAF]  }
0x2b: {  	s6 =	sld [smem:$0x3FB0]  }
0x2c: {  	s7 =	sld [smem:$0x3FB1]  }
0x2d: {  	s3 =	simm.s32 $0x108;
	s8 =	sld [smem:$0x3FB2]  }
0x2e: {  	s3 =	simm.s32 @!p0 $0x1082;
	s9 =	sld [smem:$0x3FB3]  }
0x2f: {  	lr =	sadd.s32 s0, s3;
	s0 =	sld [smem:$0x3FAA]  }
0x30: {  	s3 =	sld [smem:$0x3FAD]  }
0x31: {  	[smem:$0x3FB6] =	sst s10  }
0x32: {  	s10 =	sld [smem:$0x3FB4];
	_ =	sdelay $0x3  }
0x33: {  	p0 =	seq.s32 s10, $0x1;
	s10 =	sld [smem:$0x3FB6];
	_ =	sdelay $0x3  }
0x34: {  	[smem:$0x3FB6] =	sst s10  }
0x35: {  	s10 =	sld [smem:$0x3FB5];
	_ =	sdelay $0x3  }
0x36: {  	p1 =	seq.s32 s10, $0x1;
	s10 =	sld [smem:$0x3FB6];
	_ =	sdelay $0x3  }
0x37: {  	[smem:$0x3FB6] =	sst s10  }
0x38: {  	s10 =	sld [smem:$0x3FB7]  }
0x39: {  	_ = 	snop;
	(pc) =	sbr.ind lr, $3  }
0x3a: {  	_ = 	snop  }
0x3b: {  	_ = 	snop  }
0x3c: {  	p2 =	seq.s32 s10, $0x1;
	s10 =	sld [smem:$0x3FB6]  }
0x3d: {  	_ =	shalt  }
0x3e: {  	_ =	shalt  }
0x3f: {  	_ =	shalt  }
0x40: {  	_ =	shalt  }
0x41: {  	_ =	shalt  }
0x42: {  	_ =	shalt  }
0x43: {  	_ =	shalt  }
0x44: {  	_ =	shalt  }
0x45: {  	_ =	shalt  }
0x46: {  	_ =	shalt  }
0x47: {  	_ =	shalt  }
0x48: {  	_ =	shalt  }
0x49: {  	_ =	shalt  }
0x4a: {  	_ =	shalt  }
0x4b: {  	_ =	shalt  }
0x4c: {  	_ =	shalt  }
0x4d: {  	_ =	shalt  }
0x4e: {  	_ =	shalt  }
0x4f: {  	_ =	shalt  }
0x50: {  	_ =	shalt  }
0x51: {  	_ =	shalt  }
0x52: {  	_ =	shalt  }
0x53: {  	_ =	shalt  }
0x54: {  	_ =	shalt  }
0x55: {  	_ =	shalt  }
0x56: {  	_ =	shalt  }
0x57: {  	_ =	shalt  }
0x58: {  	_ =	shalt  }
0x59: {  	_ =	shalt  }
0x5a: {  	_ =	shalt  }
0x5b: {  	_ =	shalt  }
0x5c: {  	_ =	shalt  }
0x5d: {  	_ =	shalt  }
0x5e: {  	_ =	shalt  }
0x5f: {  	_ =	shalt  }
0x60: {  	_ =	shalt  }
0x61: {  	_ =	shalt  }
0x62: {  	_ =	shalt  }
0x63: {  	_ =	shalt  }
0x64: {  	_ =	shalt  }
0x65: {  	_ =	shalt  }
0x66: {  	_ =	shalt  }
0x67: {  	_ =	shalt  }
0x68: {  	_ =	shalt  }
0x69: {  	_ =	shalt  }
0x6a: {  	_ =	shalt  }
0x6b: {  	_ =	shalt  }
0x6c: {  	_ =	shalt  }
0x6d: {  	_ =	shalt  }
0x6e: {  	_ =	shalt  }
0x6f: {  	_ =	shalt  }
0x70: {  	_ =	shalt  }
0x71: {  	_ =	shalt  }
0x72: {  	_ =	shalt  }
0x73: {  	_ =	shalt  }
0x74: {  	_ =	shalt  }
0x75: {  	_ =	shalt  }
0x76: {  	_ =	shalt  }
0x77: {  	_ =	shalt  }
0x78: {  	_ =	shalt  }
0x79: {  	_ =	shalt  }
0x7a: {  	_ =	shalt  }
0x7b: {  	_ =	shalt  }
0x7c: {  	_ =	shalt  }
0x7d: {  	_ =	shalt  }
0x7e: {  	_ =	shalt  }
0x7f: {  	_ =	shalt  }
0x80: {  	_ =	shalt  }
0x81: {  	_ =	shalt  }
0x82: {  	_ =	shalt  }
0x83: {  	_ =	shalt  }
0x84: {  	_ =	shalt  }
0x85: {  	_ =	shalt  }
0x86: {  	_ =	shalt  }
0x87: {  	_ =	shalt  }
.Lfunc_end0:
.L_simem_size_0:
called_computation.2_lowered:
.L_overlay_start_0:
0x88: {  	s2 =	sld [smem:$0x3FD9]  }
0x89: {  	s3 =	sld [smem:$0x3FFE];
	_ =	sdelay $0x1  }
0x8a: {  	s1 =	srdreg.scid  }
0x8b: {  	s0 =	sand.u32 $0x1, s1  }
0x8c: {  	s17 =	sshll.u32 s0, $0xA;
	s2 =	sadd.s32 s3, s2  }
0x8d: {  	s2 =	sadd.s32 s2, s17  }
0x8e: {  	[smem:$0x3FC2] =	sst s2  }
0x8f: {  	_ = 	snop  }
0x90: {  	s2 =	sld [smem:$0x3FD0];
	(tm) =	ssettm $0x1  }
0x91: {  	s18 =	sld [smem:$0x3FFB];
	_ =	sdelay $0x3  }
0x92: {  	_ =	strace s18  }
0x93: {  	s3 =	sld [smem:$0x3FFC];
	_ =	sdelay $0x3  }
0x94: {  	_ =	strace s3  }
0x95: {  	s3 =	sld [smem:$0x3FFD];
	_ =	sdelay $0x3  }
0x96: {  	_ =	strace s3  }
0x97: {  	_ =	strace $0x8FFFFFFF  }
0x98: {  	s19 =	sld [smem:$0x3FDB];
	_ =	sdelay $0x1  }
0x99: {  	s4 =	simm.s32 $_scs_section_size  }
0x9a: {  	s5 =	simm.s32 $_size__tile_overlayer_lowered;
	s6 =	simm.s32 $_tile_overlayer_lowered  }
0x9b: {  	s22 =	simm.s32 $0x1BFF;
	s21 =	sshll.u32 s6, $0x1;
	s3 =	sadd.s32 s4, s19  }
0x9c: {  	s7 =	simm.s32 $0x0;
	s20 =	sshll.u32 s5, $0x1;
	s5 =	sadd.s32 s21, s3  }
0x9d: {  	[timem:s7], [sflag:s22] =	dma.local [hbm:s5], s20  }
0x9e: {  	_ =	swait.ge [sflag:s22], s20  }
0x9f: {  	s4 =	ssub.s32 $0x0, s20;
	[sflag:s22] =	ssyncset.done $0x0  }
0xa0: {  	[sflag:s22] =	ssyncadd.s32 s4;
	_ =	sdelay $0x1  }
0xa1: {  	s23 =	simm.s32 $0x1B8B  }
0xa2: {  	_ =	swait.ge [sflag:s23], $0x1  }
0xa3: {  	[sflag:s23] =	ssyncset.done $0x0  }
0xa4: {  	s25 =	simm.s32 $0x1B8E;
	s24 =	sld [smem:$0x3FFE];
	[sflag:s23] =	ssyncadd.s32 $0xFFFFFFFF  }
0xa5: {  	s26 =	simm.s32 $execute0_lowered;
	[smem:$0x3FD2] =	sst s25  }
0xa6: {  	s5 =	sshll.u32 s26, $0x1;
	_ =	strace $0x8000004C;
	[dreg:$0x1] =	wrdreg $0xFFFFFFFF  }
0xa7: {  	s28 =	simm.s32 $_size_execute0_lowered;
	s3 =	sadd.s32 s3, s5;
	[dreg:$0x0] =	wrdreg $0x0  }
0xa8: {  	s5 =	sshll.u32 s28, $0x1;
	[dreg:$0x2] =	wrdreg s3  }
0xa9: {  	[dreg:$0x3] =	wrdreg s5  }
0xaa: {  	[dreg:$0x4] =	wrdreg $0xC0  }
0xab: {  	_ =	task [dreg:s7], $0x5FFFF  }
0xac: {  	[dreg:$0x1] =	wrdreg $0xFFFFFFFF  }
0xad: {  	[dreg:$0x0] =	wrdreg $0x60  }
0xae: {  	[dreg:$0x2] =	wrdreg s24  }
0xaf: {  	[dreg:$0x3] =	wrdreg s2  }
0xb0: {  	[dreg:$0x4] =	wrdreg $0x9  }
0xb1: {  	_ =	task.clear_ibuf [dreg:s7], $0x5FFFF;
	_ =	strace $0x9000004C  }
0xb2: {  	s29 =	simm.s32 $0x9;
	_ =	strace $0x8000004E  }
0xb3: {  	_ =	swait.ge [sflag:s29], $0x1  }
0xb4: {  	[sflag:s29] =	ssyncadd.s32 $0xFFFFFFFF  }
0xb5: {  	_ =	strace $0x9000004E  }
0xb6: {  	_ =	sfence  }
0xb7: {  	s30 =	sld [smem:$0x0];
	_ =	sdelay $0x2  }
0xb8: {  	s31 =	sshll.u32 s1, $0xD;
	s1 =	sshrl.u32 s1, $0x2  }
0xb9: {  	s3 =	sand.u32 $0x4000, s31;
	s1 =	sadd.s32 s1, s30  }
0xba: {  	s0 =	sor.u32 s3, s0;
	s1 =	sshll.u32 s1, $0x11  }
0xbb: {  	s0 =	sor.u32 s1, s0  }
0xbc: {  	s0 =	sadd.s32 $0x8F2B, s0  }
0xbd: {  	[sflag:s0] =	ssyncadd.remote.s32 $0x1  }
0xbe: {  	_ =	sfence.sel $0xFFFF  }
0xbf: {  	[dreg:$0x0] =	wrdreg $0xFFFFFFFF;
	(pc) =	sbr.abs _section_cstart, $3  }
0xc0: {  	[dreg:$0x1] =	wrdreg $0xFFFFFFFF  }
0xc1: {  	_ =	task.clear_ibuf [dreg:s7], $0x2FFFF;
	_ =	strace $0x9FFFFFFF  }
0xc2: {  	(tm) =	ssettm $0x7FFFFFFF  }
0xc3: {  	_ =	shalt  }
tec
execute0_lowered:
.L_overlay_start_1:
0x0: {  	(tag) =	ssettag $0x1  }
0x1: {  	s1 =	srdreg.scid;
	s3 =	rddreg [dreg:$0x0]  }
0x2: {  	s0 =	stileid.u32;
	s6 =	rddreg [dreg:$0x1]  }
0x3: {  	s2 =	simm.s32 $0x0;
	s10 =	simm.s32 $0x4000;
	s11 =	simm.s32 $0x4020  }
0x4: {  	s12 =	simm.s32 $0x0;
	s4 =	sand.u32 $0x1, s1;
	s5 =	sshll.u32 s0, $0xA  }
0x5: {  	s1 =	rddreg [dreg:$0x2];
	s7 =	sshll.u32 s4, $0x9;
	s4 =	ssub.s32 $0x2, s4  }
0x6: {  	[smem:$0x7FF] =	sst s2;
	s5 =	sor.u32 s7, s5;
	s8 =	sshrl.u32 s4, $0x1  }
0x7: {  	_ =	strace $0x8000004D;
	s7 =	sshll.u32 s5, $0x1;
	s8 =	ssub.s32 s4, s8  }
0x8: {  	v0 =	vlaneseq.u32;
	s9 =	sshrl.u32 s5, $0x3;
	s7 =	sadd.s32 s7, s3;
	s3 =	sadd.s32 $0x44600, s3  }
0x9: {  	v0 =	vmul.u32 $0x10, v0;
	s6 =	sadd.s32 s6, s9;
	s9 =	simm.s32 $0x2000;
	s4 =	sadd.s32 $0x34600, s7  }
0xa: {  	s5 =	sadd.s32 $0x3C600, s7;
	s7 =	smax.u32 s8, $0x1;
	s8 =	simm.s32 $0x1  }
.LBB2_1:
0xb: {  	[tilespmem:s2], [sflag:$0x1] =	stream.linear.gather [hbm4b:s4+s2], $0x2000, $0x38;
	[tilespmem:$0x4220] =	vst v63  }
0xc: {  	_ =	swait.ge [sflag:s8], $0x2000  }
0xd: {  	[sflag:s8] =	ssyncset.done $0x0  }
0xe: {  	[sflag:s8] =	ssyncadd.s32 $0xFFFFE000  }
0xf: {  	[tilespmem:s9], [sflag:$0x1] =	stream.linear.gather [hbm4b:s5+s2], $0x2000, $0x38;
	[tilespmem:$0x4220] =	vst v63  }
0x10: {  	_ =	swait.ge [sflag:s8], $0x2000  }
0x11: {  	[sflag:s8] =	ssyncset.done $0x0  }
0x12: {  	v1 =	vmov s2;
	[sflag:s8] =	ssyncadd.s32 $0xFFFFE000  }
0x13: {  	v1 =	vshll.u32 v1, $0x4;
	[tilespmem:s10], [sflag:$0x1] =	stream.linear.gather [hbm4b:s3+s2], $0x20, $0x38;
	[tilespmem:$0x4220] =	vst v63  }
0x14: {  	v13 =	vor.u32 v0, v1;
	_ =	swait.ge [sflag:s8], $0x20  }
0x15: {  	[sflag:s8] =	ssyncset.done $0x0  }
0x16: {  	v2 =	vor.u32 $0x1, v13;
	[sflag:s8] =	ssyncadd.s32 $0xFFFFFFE0  }
0x17: {  	v17 =	vld [tilespmem:$0x4000]  }
0x18: {  	v3 =	vor.u32 $0x2, v13;
	v1 =	vld [tilespmem:$0x4010]  }
0x19: {  	v4 =	vld.idx.msk [tilespmem:v13+s9+$0x0], $0xffff  }
0x1a: {  	v7 =	vor.u32 $0x3, v13;
	v5 =	vld.idx.msk [tilespmem:v13+s2+$0x0], $0xffff  }
0x1b: {  	v14 =	vor.u32 $0x5, v13;
	v8 =	vld.idx.msk [tilespmem:v2+s2+$0x0], $0xffff  }
0x1c: {  	v9 =	vld.idx.msk [tilespmem:v2+s9+$0x0], $0xffff  }
0x1d: {  	v11 =	vld.idx.msk [tilespmem:v3+s2+$0x0], $0xffff  }
0x1e: {  	v10 =	vor.u32 $0x4, v13;
	v12 =	vld.idx.msk [tilespmem:v3+s9+$0x0], $0xffff  }
0x1f: {  	v15 =	vld.idx.msk [tilespmem:v7+s2+$0x0], $0xffff  }
0x20: {  	v18 =	vld.idx.msk [tilespmem:v14+s2+$0x0], $0xffff  }
0x21: {  	v14 =	vld.idx.msk [tilespmem:v14+s9+$0x0], $0xffff  }
0x22: {  	v6 =	vbroadcast v17, $0x0;
	v3 =	vmul.f32 v4, v5;
	v5 =	vld.idx.msk [tilespmem:v7+s9+$0x0], $0xffff;
	v7 =	vor.u32 $0x6, v13  }
0x23: {  	v16 =	vld.idx.msk [tilespmem:v10+s2+$0x0], $0xffff;
	v2 =	vbroadcast v17, $0x1  }
0x24: {  	v8 =	vmul.f32 v9, v8;
	v9 =	vld.idx.msk [tilespmem:v10+s9+$0x0], $0xffff;
	v10 =	vor.u32 $0x7, v13;
	v4 =	vmul.f32 v3, v6  }
0x25: {  	v11 =	vmul.f32 v12, v11;
	v12 =	vor.u32 $0x8, v13  }
0x26: {  	v3 =	vbroadcast v17, $0x2;
	v8 =	vmul.f32 v8, v2;
	v19 =	vadd.f32 v4, v1  }
0x27: {  	v14 =	vmul.f32 v14, v18;
	v18 =	vor.u32 $0xB, v13;
	v4 =	vbroadcast v17, $0x3;
	v20 =	vld.idx.msk [tilespmem:v7+s2+$0x0], $0xffff  }
0x28: {  	v11 =	vmul.f32 v11, v3;
	v15 =	vmul.f32 v5, v15;
	v21 =	vld.idx.msk [tilespmem:v7+s9+$0x0], $0xffff;
	v8 =	vadd.f32 v8, v19  }
0x29: {  	v5 =	vbroadcast v17, $0x4;
	v22 =	vld.idx.msk [tilespmem:v10+s2+$0x0], $0xffff;
	v19 =	vor.u32 $0x9, v13  }
0x2a: {  	v9 =	vmul.f32 v9, v16;
	v10 =	vld.idx.msk [tilespmem:v10+s9+$0x0], $0xffff;
	v8 =	vadd.f32 v11, v8;
	v11 =	vmul.f32 v15, v4  }
0x2b: {  	v7 =	vbroadcast v17, $0x5;
	v16 =	vld.idx.msk [tilespmem:v12+s2+$0x0], $0xffff;
	v15 =	vor.u32 $0xA, v13  }
0x2c: {  	v12 =	vld.idx.msk [tilespmem:v12+s9+$0x0], $0xffff;
	v9 =	vmul.f32 v9, v5;
	v11 =	vadd.f32 v11, v8  }
0x2d: {  	v25 =	vld.idx.msk [tilespmem:v18+s2+$0x0], $0xffff;
	v14 =	vmul.f32 v14, v7  }
0x2e: {  	v8 =	vbroadcast v17, $0x6;
	v20 =	vmul.f32 v21, v20;
	v23 =	vld.idx.msk [tilespmem:v19+s2+$0x0], $0xffff;
	v11 =	vadd.f32 v9, v11  }
0x2f: {  	v47 =	vor.u32 $0xC, v13;
	v19 =	vld.idx.msk [tilespmem:v19+s9+$0x0], $0xffff;
	v9 =	vbroadcast v17, $0x7  }
0x30: {  	v24 =	vld.idx.msk [tilespmem:v15+s2+$0x0], $0xffff;
	v11 =	vadd.f32 v14, v11;
	v14 =	vmul.f32 v20, v8;
	v20 =	vmul.f32 v10, v22  }
0x31: {  	v48 =	vor.u32 $0xD, v13;
	v12 =	vmul.f32 v12, v16;
	v15 =	vld.idx.msk [tilespmem:v15+s9+$0x0], $0xffff  }
0x32: {  	v18 =	vld.idx.msk [tilespmem:v18+s9+$0x0], $0xffff;
	v10 =	vbroadcast v17, $0x8;
	v14 =	vadd.f32 v14, v11;
	v20 =	vmul.f32 v20, v9  }
0x33: {  	v16 =	vor.u32 $0xE, v13;
	v11 =	vbroadcast v17, $0x9  }
0x34: {  	v26 =	vld.idx.msk [tilespmem:v47+s2+$0x0], $0xffff;
	v19 =	vmul.f32 v19, v23;
	v14 =	vadd.f32 v20, v14;
	v20 =	vmul.f32 v12, v10  }
0x35: {  	v49 =	vor.u32 $0xF, v13;
	v21 =	vld.idx.msk [tilespmem:v47+s9+$0x0], $0xffff;
	v12 =	vbroadcast v17, $0xA  }
0x36: {  	v27 =	vld.idx.msk [tilespmem:v48+s2+$0x0], $0xffff;
	v19 =	vmul.f32 v19, v11;
	v15 =	vmul.f32 v15, v24;
	v14 =	vadd.f32 v20, v14  }
0x37: {  	v13 =	vbroadcast v17, $0xB;
	v18 =	vmul.f32 v18, v25;
	v20 =	vld.idx.msk [tilespmem:v48+s9+$0x0], $0xffff  }
0x38: {  	v50 =	vld.idx.msk [tilespmem:v16+s2+$0x0], $0xffff;
	v15 =	vmul.f32 v15, v12;
	v19 =	vadd.f32 v19, v14  }
0x39: {  	v18 =	vmul.f32 v18, v13;
	v51 =	vld.idx.msk [tilespmem:v16+s9+$0x0], $0xffff  }
0x3a: {  	v52 =	vld.idx.msk [tilespmem:v49+s2+$0x0], $0xffff;
	v14 =	vbroadcast v17, $0xC;
	v16 =	vadd.f32 v15, v19;
	v19 =	vmul.f32 v21, v26  }
0x3b: {  	v53 =	vld.idx.msk [tilespmem:v49+s9+$0x0], $0xffff;
	v15 =	vbroadcast v17, $0xD  }
0x3c: {  	v20 =	vmul.f32 v20, v27;
	v18 =	vadd.f32 v18, v16;
	v19 =	vmul.f32 v19, v14  }
0x3d: {  	v16 =	vbroadcast v17, $0xE  }
0x3e: {  	v18 =	vadd.f32 v19, v18;
	v19 =	vmul.f32 v20, v15;
	v20 =	vmul.f32 v51, v50  }
0x3f: {  	v17 =	vbroadcast v17, $0xF  }
0x40: {  	v18 =	vadd.f32 v19, v18;
	v19 =	vmul.f32 v20, v16;
	v20 =	vmul.f32 v53, v52;
	_ =	sdelay $0x1  }
0x41: {  	v18 =	vadd.f32 v19, v18;
	v19 =	vmul.f32 v20, v17;
	_ =	sdelay $0x1  }
0x42: {  	v18 =	vadd.f32 v19, v18;
	_ =	sdelay $0x1  }
0x43: {  	v18 =	vsub.f32 $0.0e+00, v18;
	_ =	sdelay $0x1  }
0x44: {  	v18 =	vmul.f32 $1.442695020e+00, v18;
	_ =	sdelay $0x1  }
0x45: {  	(erf) = vpow2.f32 v18;
	_ =	sdelay $0x8  }
0x46: {  	v18 =	vpop (erf)  }
0x47: {  	v18 =	vadd.f32 $1.000000000e+00, v18;
	_ =	sdelay $0x1  }
0x48: {  	(erf) = vrcp.f32 v18;
	_ =	sdelay $0x2  }
0x49: {  	s13 =	simm.s32 $0x10  }
0x4a: {  	v18 =	vmov s13  }
0x4b: {  	v18 =	vshll.u32 v18, $0x4  }
0x4c: {  	v18 =	vor.u32 v0, v18;
	_ =	sdelay $0x1  }
0x4d: {  	v19 =	vor.u32 $0x1, v18  }
0x4e: {  	v20 =	vpop (erf)  }
0x4f: {  	v54 =	vor.u32 $0x2, v18;
	[tilespmem:s11+$0x0] =	vst v20  }
0x50: {  	v20 =	vld.idx.msk [tilespmem:v18+s9+$0x0], $0xffff  }
0x51: {  	v56 =	vor.u32 $0x3, v18;
	v55 =	vld.idx.msk [tilespmem:v18+s2+$0x0], $0xffff  }
0x52: {  	v57 =	vld.idx.msk [tilespmem:v19+s2+$0x0], $0xffff  }
0x53: {  	v58 =	vor.u32 $0x4, v18;
	v19 =	vld.idx.msk [tilespmem:v19+s9+$0x0], $0xffff  }
0x54: {  	v59 =	vld.idx.msk [tilespmem:v54+s2+$0x0], $0xffff  }
0x55: {  	v60 =	vor.u32 $0x5, v18;
	v21 =	vld.idx.msk [tilespmem:v54+s9+$0x0], $0xffff  }
0x56: {  	v28 =	vld.idx.msk [tilespmem:v56+s2+$0x0], $0xffff;
	v20 =	vmul.f32 v20, v55  }
0x57: {  	v62 =	vor.u32 $0x6, v18;
	v61 =	vld.idx.msk [tilespmem:v56+s9+$0x0], $0xffff  }
0x58: {  	v29 =	vld.idx.msk [tilespmem:v58+s2+$0x0], $0xffff;
	v19 =	vmul.f32 v19, v57;
	v20 =	vmul.f32 v20, v6  }
0x59: {  	v33 =	vor.u32 $0x7, v18;
	v63 =	vld.idx.msk [tilespmem:v58+s9+$0x0], $0xffff  }
0x5a: {  	v30 =	vld.idx.msk [tilespmem:v60+s2+$0x0], $0xffff;
	v21 =	vmul.f32 v21, v59;
	v19 =	vmul.f32 v19, v2;
	v20 =	vadd.f32 v20, v1  }
0x5b: {  	v34 =	vor.u32 $0x8, v18;
	v27 =	vld.idx.msk [tilespmem:v60+s9+$0x0], $0xffff  }
0x5c: {  	v31 =	vld.idx.msk [tilespmem:v62+s2+$0x0], $0xffff;
	v35 =	vmul.f32 v61, v28;
	v19 =	vadd.f32 v19, v20;
	v20 =	vmul.f32 v21, v3  }
0x5d: {  	v36 =	vor.u32 $0x9, v18;
	v23 =	vld.idx.msk [tilespmem:v62+s9+$0x0], $0xffff  }
0x5e: {  	v37 =	vld.idx.msk [tilespmem:v33+s2+$0x0], $0xffff;
	v38 =	vmul.f32 v63, v29;
	v19 =	vadd.f32 v20, v19;
	v20 =	vmul.f32 v35, v4  }
0x5f: {  	v39 =	vor.u32 $0xA, v18;
	v25 =	vld.idx.msk [tilespmem:v33+s9+$0x0], $0xffff  }
0x60: {  	v40 =	vld.idx.msk [tilespmem:v34+s2+$0x0], $0xffff;
	v41 =	vmul.f32 v27, v30;
	v19 =	vadd.f32 v20, v19;
	v20 =	vmul.f32 v38, v5  }
0x61: {  	v42 =	vor.u32 $0xB, v18;
	v26 =	vld.idx.msk [tilespmem:v34+s9+$0x0], $0xffff  }
0x62: {  	v43 =	vld.idx.msk [tilespmem:v36+s2+$0x0], $0xffff;
	v44 =	vmul.f32 v23, v31;
	v19 =	vadd.f32 v20, v19;
	v20 =	vmul.f32 v41, v7  }
0x63: {  	v45 =	vor.u32 $0xC, v18;
	v22 =	vld.idx.msk [tilespmem:v36+s9+$0x0], $0xffff  }
0x64: {  	v46 =	vld.idx.msk [tilespmem:v39+s2+$0x0], $0xffff;
	v47 =	vmul.f32 v25, v37;
	v19 =	vadd.f32 v20, v19;
	v20 =	vmul.f32 v44, v8  }
0x65: {  	v48 =	vor.u32 $0xD, v18;
	v24 =	vld.idx.msk [tilespmem:v39+s9+$0x0], $0xffff  }
0x66: {  	v49 =	vld.idx.msk [tilespmem:v42+s2+$0x0], $0xffff;
	v50 =	vmul.f32 v26, v40;
	v19 =	vadd.f32 v20, v19;
	v20 =	vmul.f32 v47, v9  }
0x67: {  	v51 =	vor.u32 $0xE, v18;
	v27 =	vld.idx.msk [tilespmem:v42+s9+$0x0], $0xffff  }
0x68: {  	v52 =	vld.idx.msk [tilespmem:v45+s2+$0x0], $0xffff;
	v53 =	vmul.f32 v22, v43;
	v19 =	vadd.f32 v20, v19;
	v20 =	vmul.f32 v50, v10  }
0x69: {  	v18 =	vor.u32 $0xF, v18;
	v54 =	vld.idx.msk [tilespmem:v45+s9+$0x0], $0xffff  }
0x6a: {  	v55 =	vld.idx.msk [tilespmem:v48+s2+$0x0], $0xffff;
	v56 =	vmul.f32 v24, v46;
	v19 =	vadd.f32 v20, v19;
	v20 =	vmul.f32 v53, v11  }
0x6b: {  	v57 =	vld.idx.msk [tilespmem:v48+s9+$0x0], $0xffff  }
0x6c: {  	v58 =	vld.idx.msk [tilespmem:v51+s2+$0x0], $0xffff;
	v59 =	vmul.f32 v27, v49;
	v19 =	vadd.f32 v20, v19;
	v20 =	vmul.f32 v56, v12  }
0x6d: {  	v26 =	vld.idx.msk [tilespmem:v51+s9+$0x0], $0xffff  }
0x6e: {  	v60 =	vld.idx.msk [tilespmem:v18+s2+$0x0], $0xffff;
	v61 =	vmul.f32 v54, v52;
	v19 =	vadd.f32 v20, v19;
	v20 =	vmul.f32 v59, v13  }
0x6f: {  	v18 =	vld.idx.msk [tilespmem:v18+s9+$0x0], $0xffff  }
0x70: {  	v62 =	vmul.f32 v57, v55;
	v19 =	vadd.f32 v20, v19;
	v20 =	vmul.f32 v61, v14;
	_ =	sdelay $0x1  }
0x71: {  	v63 =	vmul.f32 v26, v58;
	v19 =	vadd.f32 v20, v19;
	v20 =	vmul.f32 v62, v15;
	_ =	sdelay $0x1  }
0x72: {  	v18 =	vmul.f32 v18, v60;
	v19 =	vadd.f32 v20, v19;
	v20 =	vmul.f32 v63, v16;
	_ =	sdelay $0x1  }
0x73: {  	v18 =	vmul.f32 v18, v17;
	v19 =	vadd.f32 v20, v19;
	_ =	sdelay $0x1  }
0x74: {  	v18 =	vadd.f32 v18, v19;
	_ =	sdelay $0x1  }
0x75: {  	v18 =	vsub.f32 $0.0e+00, v18;
	_ =	sdelay $0x1  }
0x76: {  	v18 =	vmul.f32 $1.442695020e+00, v18;
	_ =	sdelay $0x1  }
0x77: {  	(erf) = vpow2.f32 v18;
	_ =	sdelay $0x8  }
0x78: {  	v18 =	vpop (erf)  }
0x79: {  	v18 =	vadd.f32 $1.000000000e+00, v18;
	_ =	sdelay $0x1  }
0x7a: {  	(erf) = vrcp.f32 v18;
	_ =	sdelay $0x2  }
0x7b: {  	s31 =	simm.s32 $0x20  }
0x7c: {  	v19 =	vmov s31  }
0x7d: {  	s14 =	simm.s32 $0x30;
	s13 =	simm.s32 $0x4020;
	v18 =	vshll.u32 v19, $0x4  }
.LBB2_2:
0x7e: {  	p0 =	sne.s32 s14, $0x1F0;
	v18 =	vor.u32 v0, v18;
	_ =	sdelay $0x1  }
0x7f: {  	v19 =	vor.u32 $0x1, v18  }
0x80: {  	s13 =	sadd.s32 $0x10, s13;
	v20 =	vpop (erf)  }
0x81: {  	v21 =	vor.u32 $0x2, v18;
	[tilespmem:s13+$0x0] =	vst v20  }
0x82: {  	v20 =	vld.idx.msk [tilespmem:v18+s9+$0x0], $0xffff  }
0x83: {  	v23 =	vor.u32 $0x3, v18;
	v22 =	vld.idx.msk [tilespmem:v18+s2+$0x0], $0xffff  }
0x84: {  	v24 =	vld.idx.msk [tilespmem:v19+s2+$0x0], $0xffff  }
0x85: {  	v25 =	vor.u32 $0x4, v18;
	v19 =	vld.idx.msk [tilespmem:v19+s9+$0x0], $0xffff  }
0x86: {  	v26 =	vld.idx.msk [tilespmem:v21+s2+$0x0], $0xffff  }
0x87: {  	v27 =	vor.u32 $0x5, v18;
	v21 =	vld.idx.msk [tilespmem:v21+s9+$0x0], $0xffff  }
0x88: {  	v28 =	vld.idx.msk [tilespmem:v23+s2+$0x0], $0xffff  }
0x89: {  	v20 =	vmul.f32 v20, v22;
	v22 =	vld.idx.msk [tilespmem:v23+s9+$0x0], $0xffff;
	v23 =	vor.u32 $0x6, v18  }
0x8a: {  	v29 =	vld.idx.msk [tilespmem:v25+s2+$0x0], $0xffff  }
0x8b: {  	v20 =	vmul.f32 v20, v6;
	v19 =	vmul.f32 v19, v24;
	v24 =	vld.idx.msk [tilespmem:v25+s9+$0x0], $0xffff;
	v25 =	vor.u32 $0x7, v18  }
0x8c: {  	v31 =	vor.u32 $0x8, v18;
	v30 =	vld.idx.msk [tilespmem:v27+s2+$0x0], $0xffff  }
0x8d: {  	v20 =	vadd.f32 v20, v1;
	v19 =	vmul.f32 v19, v2;
	v21 =	vmul.f32 v21, v26;
	v26 =	vld.idx.msk [tilespmem:v27+s9+$0x0], $0xffff  }
0x8e: {  	v32 =	vor.u32 $0x9, v18;
	v27 =	vld.idx.msk [tilespmem:v23+s2+$0x0], $0xffff  }
0x8f: {  	v19 =	vadd.f32 v19, v20;
	v20 =	vmul.f32 v21, v3;
	v21 =	vmul.f32 v22, v28;
	v22 =	vld.idx.msk [tilespmem:v23+s9+$0x0], $0xffff  }
0x90: {  	v28 =	vor.u32 $0xA, v18;
	v23 =	vld.idx.msk [tilespmem:v25+s2+$0x0], $0xffff  }
0x91: {  	v19 =	vadd.f32 v20, v19;
	v20 =	vmul.f32 v21, v4;
	v21 =	vmul.f32 v24, v29;
	v24 =	vld.idx.msk [tilespmem:v25+s9+$0x0], $0xffff  }
0x92: {  	v29 =	vor.u32 $0xB, v18;
	v25 =	vld.idx.msk [tilespmem:v31+s2+$0x0], $0xffff  }
0x93: {  	v19 =	vadd.f32 v20, v19;
	v20 =	vmul.f32 v21, v5;
	v21 =	vmul.f32 v26, v30;
	v26 =	vld.idx.msk [tilespmem:v31+s9+$0x0], $0xffff  }
0x94: {  	v31 =	vor.u32 $0xC, v18;
	v30 =	vld.idx.msk [tilespmem:v32+s2+$0x0], $0xffff  }
0x95: {  	v19 =	vadd.f32 v20, v19;
	v20 =	vmul.f32 v21, v7;
	v21 =	vmul.f32 v22, v27;
	v22 =	vld.idx.msk [tilespmem:v32+s9+$0x0], $0xffff  }
0x96: {  	v32 =	vor.u32 $0xD, v18;
	v27 =	vld.idx.msk [tilespmem:v28+s2+$0x0], $0xffff  }
0x97: {  	v19 =	vadd.f32 v20, v19;
	v20 =	vmul.f32 v21, v8;
	v21 =	vmul.f32 v24, v23;
	v23 =	vld.idx.msk [tilespmem:v28+s9+$0x0], $0xffff  }
0x98: {  	v28 =	vor.u32 $0xE, v18;
	v24 =	vld.idx.msk [tilespmem:v29+s2+$0x0], $0xffff  }
0x99: {  	v19 =	vadd.f32 v20, v19;
	v20 =	vmul.f32 v21, v9;
	v21 =	vmul.f32 v26, v25;
	v25 =	vld.idx.msk [tilespmem:v29+s9+$0x0], $0xffff  }
0x9a: {  	v18 =	vor.u32 $0xF, v18;
	v26 =	vld.idx.msk [tilespmem:v31+s2+$0x0], $0xffff  }
0x9b: {  	v19 =	vadd.f32 v20, v19;
	v20 =	vmul.f32 v21, v10;
	v21 =	vmul.f32 v22, v30;
	v22 =	vld.idx.msk [tilespmem:v31+s9+$0x0], $0xffff  }
0x9c: {  	v29 =	vld.idx.msk [tilespmem:v32+s2+$0x0], $0xffff  }
0x9d: {  	v19 =	vadd.f32 v20, v19;
	v20 =	vmul.f32 v21, v11;
	v21 =	vmul.f32 v23, v27;
	v23 =	vld.idx.msk [tilespmem:v32+s9+$0x0], $0xffff  }
0x9e: {  	v27 =	vld.idx.msk [tilespmem:v28+s2+$0x0], $0xffff  }
0x9f: {  	v19 =	vadd.f32 v20, v19;
	v20 =	vmul.f32 v21, v12;
	v21 =	vmul.f32 v25, v24;
	v24 =	vld.idx.msk [tilespmem:v28+s9+$0x0], $0xffff  }
0xa0: {  	v25 =	vld.idx.msk [tilespmem:v18+s2+$0x0], $0xffff  }
0xa1: {  	v19 =	vadd.f32 v20, v19;
	v20 =	vmul.f32 v21, v13;
	v21 =	vmul.f32 v22, v26;
	v18 =	vld.idx.msk [tilespmem:v18+s9+$0x0], $0xffff;
	_ =	sdelay $0x1  }
0xa2: {  	v19 =	vadd.f32 v20, v19;
	v20 =	vmul.f32 v21, v14;
	v21 =	vmul.f32 v23, v29;
	_ =	sdelay $0x1  }
0xa3: {  	v19 =	vadd.f32 v20, v19;
	v20 =	vmul.f32 v21, v15;
	v21 =	vmul.f32 v24, v27;
	_ =	sdelay $0x1  }
0xa4: {  	v19 =	vadd.f32 v20, v19;
	v20 =	vmul.f32 v21, v16;
	v18 =	vmul.f32 v18, v25;
	_ =	sdelay $0x1  }
0xa5: {  	v19 =	vadd.f32 v20, v19;
	v18 =	vmul.f32 v18, v17;
	_ =	sdelay $0x1  }
0xa6: {  	v18 =	vadd.f32 v18, v19;
	_ =	sdelay $0x1  }
0xa7: {  	v18 =	vsub.f32 $0.0e+00, v18;
	_ =	sdelay $0x1  }
0xa8: {  	v18 =	vmul.f32 $1.442695020e+00, v18;
	_ =	sdelay $0x1  }
0xa9: {  	(erf) = vpow2.f32 v18;
	_ =	sdelay $0x8  }
0xaa: {  	v18 =	vpop (erf)  }
0xab: {  	v18 =	vadd.f32 $1.000000000e+00, v18;
	_ =	sdelay $0x1  }
0xac: {  	(erf) = vrcp.f32 v18  }
.Ltmp0:
0xad: {  	(pc) =	sbr.rel @p0 .LBB2_2-.Ltmp0, $3  }
0xae: {  	_ =	sdelay $0x1  }
0xaf: {  	v18 =	vmov s14  }
0xb0: {  	s14 =	sadd.s32 $0x10, s14;
	v18 =	vshll.u32 v18, $0x4  }
0xb1: {  	v18 =	vor.u32 v0, v18;
	_ =	sdelay $0x1  }
0xb2: {  	v19 =	vor.u32 $0x1, v18  }
0xb3: {  	s13 =	sadd.s32 $0x10, s13;
	v20 =	vpop (erf)  }
0xb4: {  	v21 =	vor.u32 $0x2, v18;
	[tilespmem:s13+$0x0] =	vst v20  }
0xb5: {  	v20 =	vld.idx.msk [tilespmem:v18+s9+$0x0], $0xffff  }
0xb6: {  	v23 =	vor.u32 $0x3, v18;
	v22 =	vld.idx.msk [tilespmem:v18+s2+$0x0], $0xffff  }
0xb7: {  	v24 =	vld.idx.msk [tilespmem:v19+s2+$0x0], $0xffff  }
0xb8: {  	v25 =	vor.u32 $0x4, v18;
	v19 =	vld.idx.msk [tilespmem:v19+s9+$0x0], $0xffff  }
0xb9: {  	v26 =	vld.idx.msk [tilespmem:v21+s2+$0x0], $0xffff  }
0xba: {  	v27 =	vor.u32 $0x5, v18;
	v21 =	vld.idx.msk [tilespmem:v21+s9+$0x0], $0xffff  }
0xbb: {  	v28 =	vld.idx.msk [tilespmem:v23+s2+$0x0], $0xffff;
	v20 =	vmul.f32 v20, v22  }
0xbc: {  	v36 =	vor.u32 $0x6, v18;
	v35 =	vld.idx.msk [tilespmem:v23+s9+$0x0], $0xffff  }
0xbd: {  	v29 =	vld.idx.msk [tilespmem:v25+s2+$0x0], $0xffff;
	v19 =	vmul.f32 v19, v24;
	v6 =	vmul.f32 v20, v6  }
0xbe: {  	v38 =	vor.u32 $0x7, v18;
	v37 =	vld.idx.msk [tilespmem:v25+s9+$0x0], $0xffff  }
0xbf: {  	v39 =	vld.idx.msk [tilespmem:v27+s2+$0x0], $0xffff;
	v40 =	vmul.f32 v21, v26;
	v2 =	vmul.f32 v19, v2;
	v1 =	vadd.f32 v6, v1  }
0xc0: {  	v41 =	vor.u32 $0x8, v18;
	v42 =	vld.idx.msk [tilespmem:v27+s9+$0x0], $0xffff  }
0xc1: {  	v43 =	vld.idx.msk [tilespmem:v36+s2+$0x0], $0xffff;
	v1 =	vadd.f32 v2, v1;
	v2 =	vmul.f32 v40, v3;
	v3 =	vmul.f32 v35, v28  }
0xc2: {  	v44 =	vor.u32 $0x9, v18;
	v45 =	vld.idx.msk [tilespmem:v36+s9+$0x0], $0xffff  }
0xc3: {  	v46 =	vld.idx.msk [tilespmem:v38+s2+$0x0], $0xffff;
	v1 =	vadd.f32 v2, v1;
	v2 =	vmul.f32 v3, v4;
	v3 =	vmul.f32 v37, v29  }
0xc4: {  	v47 =	vor.u32 $0xA, v18;
	v48 =	vld.idx.msk [tilespmem:v38+s9+$0x0], $0xffff  }
0xc5: {  	v49 =	vld.idx.msk [tilespmem:v41+s2+$0x0], $0xffff;
	v1 =	vadd.f32 v2, v1;
	v2 =	vmul.f32 v3, v5;
	v3 =	vmul.f32 v42, v39  }
0xc6: {  	v50 =	vor.u32 $0xB, v18;
	v19 =	vld.idx.msk [tilespmem:v41+s9+$0x0], $0xffff  }
0xc7: {  	v51 =	vld.idx.msk [tilespmem:v44+s2+$0x0], $0xffff;
	v1 =	vadd.f32 v2, v1;
	v2 =	vmul.f32 v3, v7;
	v3 =	vmul.f32 v45, v43  }
0xc8: {  	v52 =	vor.u32 $0xC, v18;
	v6 =	vld.idx.msk [tilespmem:v44+s9+$0x0], $0xffff  }
0xc9: {  	v53 =	vld.idx.msk [tilespmem:v47+s2+$0x0], $0xffff;
	v1 =	vadd.f32 v2, v1;
	v2 =	vmul.f32 v3, v8;
	v3 =	vmul.f32 v48, v46  }
0xca: {  	v54 =	vor.u32 $0xD, v18;
	v4 =	vld.idx.msk [tilespmem:v47+s9+$0x0], $0xffff  }
0xcb: {  	v55 =	vld.idx.msk [tilespmem:v50+s2+$0x0], $0xffff;
	v1 =	vadd.f32 v2, v1;
	v2 =	vmul.f32 v3, v9;
	v3 =	vmul.f32 v19, v49  }
0xcc: {  	v56 =	vor.u32 $0xE, v18;
	v5 =	vld.idx.msk [tilespmem:v50+s9+$0x0], $0xffff  }
0xcd: {  	v57 =	vld.idx.msk [tilespmem:v52+s2+$0x0], $0xffff;
	v1 =	vadd.f32 v2, v1;
	v2 =	vmul.f32 v3, v10;
	v3 =	vmul.f32 v6, v51  }
0xce: {  	v58 =	vor.u32 $0xF, v18;
	v7 =	vld.idx.msk [tilespmem:v52+s9+$0x0], $0xffff  }
0xcf: {  	v59 =	vld.idx.msk [tilespmem:v54+s2+$0x0], $0xffff;
	v1 =	vadd.f32 v2, v1;
	v2 =	vmul.f32 v3, v11;
	v3 =	vmul.f32 v4, v53  }
0xd0: {  	v60 =	vld.idx.msk [tilespmem:v54+s9+$0x0], $0xffff  }
0xd1: {  	v61 =	vld.idx.msk [tilespmem:v56+s2+$0x0], $0xffff;
	v1 =	vadd.f32 v2, v1;
	v2 =	vmul.f32 v3, v12;
	v3 =	vmul.f32 v5, v55  }
0xd2: {  	v62 =	vld.idx.msk [tilespmem:v56+s9+$0x0], $0xffff  }
0xd3: {  	v63 =	vld.idx.msk [tilespmem:v58+s2+$0x0], $0xffff;
	v1 =	vadd.f32 v2, v1;
	v2 =	vmul.f32 v3, v13;
	v3 =	vmul.f32 v7, v57  }
0xd4: {  	v6 =	vld.idx.msk [tilespmem:v58+s9+$0x0], $0xffff  }
0xd5: {  	v1 =	vadd.f32 v2, v1;
	v2 =	vmul.f32 v3, v14;
	v3 =	vmul.f32 v60, v59;
	_ =	sdelay $0x1  }
0xd6: {  	v1 =	vadd.f32 v2, v1;
	v2 =	vmul.f32 v3, v15;
	v3 =	vmul.f32 v62, v61;
	_ =	sdelay $0x1  }
0xd7: {  	v1 =	vadd.f32 v2, v1;
	v2 =	vmul.f32 v3, v16;
	v3 =	vmul.f32 v6, v63;
	_ =	sdelay $0x1  }
0xd8: {  	v1 =	vadd.f32 v2, v1;
	v2 =	vmul.f32 v3, v17;
	_ =	sdelay $0x1  }
0xd9: {  	v1 =	vadd.f32 v2, v1;
	_ =	sdelay $0x1  }
0xda: {  	v1 =	vsub.f32 $0.0e+00, v1;
	_ =	sdelay $0x1  }
0xdb: {  	v1 =	vmul.f32 $1.442695020e+00, v1;
	_ =	sdelay $0x1  }
0xdc: {  	(erf) = vpow2.f32 v1;
	_ =	sdelay $0x8  }
0xdd: {  	v1 =	vpop (erf)  }
0xde: {  	v1 =	vadd.f32 $1.000000000e+00, v1;
	_ =	sdelay $0x1  }
0xdf: {  	(erf) = vrcp.f32 v1;
	_ =	sdelay $0x7  }
0xe0: {  	s12 =	sadd.s32 $0x1, s12  }
0xe1: {  	p0 =	sne.s32 s12, s7;
	s13 =	sadd.s32 $0x10, s13;
	v1 =	vpop (erf)  }
.Ltmp1:
0xe2: {  	[tilespmem:s13+$0x0] =	vst v1;
	(pc) =	sbr.rel @p0 .LBB2_1-.Ltmp1, $4  }
0xe3: {  	[hbm4b:s6+s2] =	stream.linear.scatter [tilespmem:s11], [sflag:$0x1], $0x200, $0x38;
	[tilespmem:$0x4220] =	vst v63  }
0xe4: {  	_ =	swait.ge [sflag:s8], $0x200  }
0xe5: {  	[sflag:s8] =	ssyncset.done $0x0  }
0xe6: {  	[sflag:s8] =	ssyncadd.s32 $0xFFFFFE00  }
0xe7: {  	_ =	sfence.sel $0x180000  }
0xe8: {  	[bflag:$0x0] =	sbarrier.arrive $0xFFFF  }
0xe9: {  	p0 =	sne.s32 s0, $0x0;
	_ =	strace $0x9000004D  }
0xea: {  	s0 =	sadd.s32 @!p0 $0x100000, s1;
	[bflag:$0x2] =	sbarrier.arrive $0xFFFF  }
0xeb: {  	[sflag:s0] =	ssyncadd.tile.s32 @!p0 $0x1;
	_ =	shalt  }
.Lfunc_end2:
_tile_overlayer_lowered:
.L_overlay_start_2:
0xec: {  	(tag) =	ssettag $0x2  }
0xed: {  	s0 =	rddreg [dreg:$0x0];
	s2 =	stileid.u32  }
0xee: {  	s1 =	rddreg [dreg:$0x1];
	p0 =	sne.s32 s2, $0x0  }
0xef: {  	s3 =	rddreg [dreg:$0x2];
	[bflag:$0x3] =	sbarrier.arrive $0xFFFF;
	s2 =	simm.s32 @!p0 $0x1C01  }
0xf0: {  	[timem:s3], [sflag:s2] =	dma.local @!p0 [hbm:s0], s1  }
0xf1: {  	s0 =	simm.s32 @!p0 $0x1  }
0xf2: {  	_ =	swait.ge @!p0 [sflag:s0], s1  }
0xf3: {  	s1 =	ssub.s32 @!p0 $0x0, s1;
	[sflag:s0] =	ssyncset.done @!p0 $0x0  }
0xf4: {  	[sflag:s0] =	ssyncadd.s32 @!p0 s1  }
0xf5: {  	[bflag:$0x3] =	sbarrier.arrive $0xFFFF  }
0xf6: {  	_ =	shalt  }

// kernel: kernel.5.cloned.1.call-start
scs
__scs_entry_jumppad:
0x0: {  	(pc) =	sbr.rel $0x88, $3  }
0x1: {  	(tag) =	ssettag $0x0;
	lr =	simm.s32 $0x1  }
0x2: {  	[smem:$0x3F9B] =	sst lr;
	_ =	strace $0xD0000000  }
0x3: {  	_ = 	snop  }
0x4: {  	_ = 	snop  }
0x5: {  	_ = 	snop  }
0x6: {  	_ = 	snop  }
0x7: {  	_ = 	snop  }
__scs_overlays_trampoline_lowered:
0x8: {  	[smem:$0x3FAA] =	sst s0  }
0x9: {  	[smem:$0x3FAB] =	sst s1  }
0xa: {  	[smem:$0x3FAC] =	sst s2  }
0xb: {  	[smem:$0x3FAD] =	sst s3  }
0xc: {  	[smem:$0x3FAE] =	sst s4  }
0xd: {  	[smem:$0x3FAF] =	sst s5  }
0xe: {  	[smem:$0x3FB0] =	sst s6  }
0xf: {  	[smem:$0x3FB1] =	sst s7  }
0x10: {  	[smem:$0x3FB2] =	sst s8  }
0x11: {  	[smem:$0x3FB3] =	sst s9;
	s0 =	simm.s32 @!p0 $0x0  }
0x12: {  	s1 =	sld [smem:$0x3F99];
	s0 =	simm.s32 @p0 $0x1  }
0x13: {  	[smem:$0x3FB4] =	sst s0;
	s0 =	simm.s32 @!p1 $0x0  }
0x14: {  	s2 =	sld [smem:$0x3F98];
	s0 =	simm.s32 @p1 $0x1  }
0x15: {  	[smem:$0x3FB5] =	sst s0;
	s0 =	simm.s32 @!p2 $0x0  }
0x16: {  	s3 =	sld [smem:$0x3FDB];
	s0 =	simm.s32 @p2 $0x1  }
0x17: {  	s4 =	simm.s32 $0x1BF5;
	[smem:$0x3FB7] =	sst s0  }
0x18: {  	s0 =	sld [smem:$0x3F9A];
	_ =	swait.ge [sflag:s4], $0x0  }
0x19: {  	s7 =	sld [smem:$0x3F9B]  }
0x1a: {  	s8 =	sadd.s32 $0xFFFFE003, lr  }
0x1b: {  	s9 =	sadd.s32 $0xFFFFFEF7, lr;
	s5 =	simm.s32 $0xFFFFFFFF;
	p2 =	slt.u32 s8, $0xFFFFF086  }
0x1c: {  	p1 =	slt.u32 s9, $0xF7A;
	s5 =	simm.s32 @!p2 $0x0  }
0x1d: {  	s5 =	simm.s32 @p1 $0x1;
	p0 =	seq.s32 s7, s2  }
0x1e: {  	s7 =	smul.u32 @!p0 $0xF7A, s2;
	p2 =	seq.s32 @!p0 s5, $0x0  }
0x1f: {  	s9 =	smul.u32 $0xF7A, s1;
	s8 =	simm.s32 @!p0 $0x1BF5;
	p2 =	por !p2, p0  }
0x20: {  	[sflag:s8] =	ssyncset.s32 @!p0 $0xFFFFF086;
	s6 =	sadd.s32 @!p0 s3, s7;
	s7 =	simm.s32 @!p0 $0x108  }
0x21: {  	s3 =	sadd.s32 s3, s9;
	s6 =	sadd.s32 @!p0 $0x88, s6;
	s7 =	simm.s32 @p2 $0x1082  }
0x22: {  	[simem:s7], [sflag:s8] =	dma.local @!p0 [hbm:s6], $0xF7A  }
0x23: {  	s9 =	sor.u32 $0xD0000000, s2;
	s6 =	simm.s32 $0x108;
	_ =	swait.ge @!p0 [sflag:s8], $0x0  }
0x24: {  	s3 =	sadd.s32 $0x88, s3;
	s6 =	simm.s32 @!p1 $0x1082;
	[sflag:s4] =	ssyncset.s32 $0xFFFFF086  }
0x25: {  	[simem:s6], [sflag:s4] =	dma.local [hbm:s3], $0xF7A  }
0x26: {  	[smem:$0x3F9B] =	sst s1;
	(tag) =	ssettag s2;
	_ =	strace s9  }
0x27: {  	s1 =	sld [smem:$0x3FAB]  }
0x28: {  	s2 =	sld [smem:$0x3FAC]  }
0x29: {  	s4 =	sld [smem:$0x3FAE]  }
0x2a: {  	p0 =	seq.s32 s5, $0x0;
	s5 =	sld [smem:$0x3FAF]  }
0x2b: {  	s6 =	sld [smem:$0x3FB0]  }
0x2c: {  	s7 =	sld [smem:$0x3FB1]  }
0x2d: {  	s3 =	simm.s32 $0x108;
	s8 =	sld [smem:$0x3FB2]  }
0x2e: {  	s3 =	simm.s32 @!p0 $0x1082;
	s9 =	sld [smem:$0x3FB3]  }
0x2f: {  	lr =	sadd.s32 s0, s3;
	s0 =	sld [smem:$0x3FAA]  }
0x30: {  	s3 =	sld [smem:$0x3FAD]  }
0x31: {  	[smem:$0x3FB6] =	sst s10  }
0x32: {  	s10 =	sld [smem:$0x3FB4];
	_ =	sdelay $0x3  }
0x33: {  	p0 =	seq.s32 s10, $0x1;
	s10 =	sld [smem:$0x3FB6];
	_ =	sdelay $0x3  }
0x34: {  	[smem:$0x3FB6] =	sst s10  }
0x35: {  	s10 =	sld [smem:$0x3FB5];
	_ =	sdelay $0x3  }
0x36: {  	p1 =	seq.s32 s10, $0x1;
	s10 =	sld [smem:$0x3FB6];
	_ =	sdelay $0x3  }
0x37: {  	[smem:$0x3FB6] =	sst s10  }
0x38: {  	s10 =	sld [smem:$0x3FB7]  }
0x39: {  	_ = 	snop;
	(pc) =	sbr.ind lr, $3  }
0x3a: {  	_ = 	snop  }
0x3b: {  	_ = 	snop  }
0x3c: {  	p2 =	seq.s32 s10, $0x1;
	s10 =	sld [smem:$0x3FB6]  }
0x3d: {  	_ =	shalt  }
0x3e: {  	_ =	shalt  }
0x3f: {  	_ =	shalt  }
0x40: {  	_ =	shalt  }
0x41: {  	_ =	shalt  }
0x42: {  	_ =	shalt  }
0x43: {  	_ =	shalt  }
0x44: {  	_ =	shalt  }
0x45: {  	_ =	shalt  }
0x46: {  	_ =	shalt  }
0x47: {  	_ =	shalt  }
0x48: {  	_ =	shalt  }
0x49: {  	_ =	shalt  }
0x4a: {  	_ =	shalt  }
0x4b: {  	_ =	shalt  }
0x4c: {  	_ =	shalt  }
0x4d: {  	_ =	shalt  }
0x4e: {  	_ =	shalt  }
0x4f: {  	_ =	shalt  }
0x50: {  	_ =	shalt  }
0x51: {  	_ =	shalt  }
0x52: {  	_ =	shalt  }
0x53: {  	_ =	shalt  }
0x54: {  	_ =	shalt  }
0x55: {  	_ =	shalt  }
0x56: {  	_ =	shalt  }
0x57: {  	_ =	shalt  }
0x58: {  	_ =	shalt  }
0x59: {  	_ =	shalt  }
0x5a: {  	_ =	shalt  }
0x5b: {  	_ =	shalt  }
0x5c: {  	_ =	shalt  }
0x5d: {  	_ =	shalt  }
0x5e: {  	_ =	shalt  }
0x5f: {  	_ =	shalt  }
0x60: {  	_ =	shalt  }
0x61: {  	_ =	shalt  }
0x62: {  	_ =	shalt  }
0x63: {  	_ =	shalt  }
0x64: {  	_ =	shalt  }
0x65: {  	_ =	shalt  }
0x66: {  	_ =	shalt  }
0x67: {  	_ =	shalt  }
0x68: {  	_ =	shalt  }
0x69: {  	_ =	shalt  }
0x6a: {  	_ =	shalt  }
0x6b: {  	_ =	shalt  }
0x6c: {  	_ =	shalt  }
0x6d: {  	_ =	shalt  }
0x6e: {  	_ =	shalt  }
0x6f: {  	_ =	shalt  }
0x70: {  	_ =	shalt  }
0x71: {  	_ =	shalt  }
0x72: {  	_ =	shalt  }
0x73: {  	_ =	shalt  }
0x74: {  	_ =	shalt  }
0x75: {  	_ =	shalt  }
0x76: {  	_ =	shalt  }
0x77: {  	_ =	shalt  }
0x78: {  	_ =	shalt  }
0x79: {  	_ =	shalt  }
0x7a: {  	_ =	shalt  }
0x7b: {  	_ =	shalt  }
0x7c: {  	_ =	shalt  }
0x7d: {  	_ =	shalt  }
0x7e: {  	_ =	shalt  }
0x7f: {  	_ =	shalt  }
0x80: {  	_ =	shalt  }
0x81: {  	_ =	shalt  }
0x82: {  	_ =	shalt  }
0x83: {  	_ =	shalt  }
0x84: {  	_ =	shalt  }
0x85: {  	_ =	shalt  }
0x86: {  	_ =	shalt  }
0x87: {  	_ =	shalt  }
.Lfunc_end0:
.L_simem_size_0:
called_computation_lowered:
.L_overlay_start_0:
0x88: {  	s2 =	sld [smem:$0x3FD9]  }
0x89: {  	s3 =	sld [smem:$0x3FFE];
	_ =	sdelay $0x1  }
0x8a: {  	s1 =	srdreg.scid  }
0x8b: {  	s0 =	sand.u32 $0x1, s1  }
0x8c: {  	s17 =	sshll.u32 s0, $0xA;
	s2 =	sadd.s32 s3, s2  }
0x8d: {  	s2 =	sadd.s32 s2, s17  }
0x8e: {  	[smem:$0x3FC2] =	sst s2  }
0x8f: {  	_ = 	snop  }
0x90: {  	s2 =	sld [smem:$0x3FC9]  }
0x91: {  	s18 =	sld [smem:$0x3FC8]  }
0x92: {  	s4 =	sld [smem:$0x3FC7]  }
0x93: {  	s5 =	sld [smem:$0x3FC6];
	(tm) =	ssettm $0x1  }
0x94: {  	s6 =	sld [smem:$0x3FFB];
	_ =	sdelay $0x3  }
0x95: {  	_ =	strace s6  }
0x96: {  	s6 =	sld [smem:$0x3FFC];
	_ =	sdelay $0x3  }
0x97: {  	_ =	strace s6  }
0x98: {  	s6 =	sld [smem:$0x3FFD];
	_ =	sdelay $0x3  }
0x99: {  	_ =	strace s6  }
0x9a: {  	_ =	strace $0x8FFFFFFF  }
0x9b: {  	s19 =	sld [smem:$0x3FDB];
	_ =	sdelay $0x1  }
0x9c: {  	s7 =	simm.s32 $_scs_section_size  }
0x9d: {  	s8 =	simm.s32 $_size__tile_overlayer_lowered;
	s9 =	simm.s32 $_tile_overlayer_lowered  }
0x9e: {  	s22 =	simm.s32 $0x1BFF;
	s21 =	sshll.u32 s9, $0x1;
	s6 =	sadd.s32 s7, s19  }
0x9f: {  	s10 =	simm.s32 $0x0;
	s20 =	sshll.u32 s8, $0x1;
	s8 =	sadd.s32 s21, s6  }
0xa0: {  	[timem:s10], [sflag:s22] =	dma.local [hbm:s8], s20  }
0xa1: {  	_ =	swait.ge [sflag:s22], s20  }
0xa2: {  	s7 =	ssub.s32 $0x0, s20;
	[sflag:s22] =	ssyncset.done $0x0  }
0xa3: {  	[sflag:s22] =	ssyncadd.s32 s7;
	_ =	sdelay $0x1  }
0xa4: {  	s23 =	simm.s32 $0x1B8B  }
0xa5: {  	_ =	swait.ge [sflag:s23], $0x1  }
0xa6: {  	[sflag:s23] =	ssyncset.done $0x0  }
0xa7: {  	s25 =	simm.s32 $0x1B8E;
	s24 =	sld [smem:$0x3FFE];
	[sflag:s23] =	ssyncadd.s32 $0xFFFFFFFF  }
0xa8: {  	s26 =	simm.s32 $execute0_lowered;
	[smem:$0x3FD2] =	sst s25  }
0xa9: {  	s8 =	sshll.u32 s26, $0x1;
	_ =	strace $0x80000046;
	[dreg:$0x1] =	wrdreg $0xFFFFFFFF  }
0xaa: {  	s28 =	simm.s32 $_size_execute0_lowered;
	s6 =	sadd.s32 s6, s8;
	[dreg:$0x0] =	wrdreg $0x0  }
0xab: {  	s8 =	sshll.u32 s28, $0x1;
	[dreg:$0x2] =	wrdreg s6  }
0xac: {  	[dreg:$0x3] =	wrdreg s8  }
0xad: {  	[dreg:$0x4] =	wrdreg $0xC0  }
0xae: {  	_ =	task [dreg:s10], $0x5FFFF  }
0xaf: {  	[dreg:$0x1] =	wrdreg $0xFFFFFFFF  }
0xb0: {  	[dreg:$0x0] =	wrdreg $0x60  }
0xb1: {  	[dreg:$0x2] =	wrdreg s2  }
0xb2: {  	[dreg:$0x3] =	wrdreg s18  }
0xb3: {  	[dreg:$0x4] =	wrdreg s4  }
0xb4: {  	[dreg:$0x5] =	wrdreg s5  }
0xb5: {  	[dreg:$0x6] =	wrdreg s24  }
0xb6: {  	[dreg:$0x7] =	wrdreg $0x9  }
0xb7: {  	_ =	task.clear_ibuf [dreg:s10], $0x8FFFF;
	_ =	strace $0x90000046  }
0xb8: {  	s29 =	simm.s32 $0x9;
	_ =	strace $0x80000048  }
0xb9: {  	_ =	swait.ge [sflag:s29], $0x1  }
0xba: {  	[sflag:s29] =	ssyncadd.s32 $0xFFFFFFFF  }
0xbb: {  	_ =	strace $0x90000048  }
0xbc: {  	_ =	sfence  }
0xbd: {  	s30 =	sld [smem:$0x0];
	_ =	sdelay $0x2  }
0xbe: {  	s31 =	sshll.u32 s1, $0xD;
	s1 =	sshrl.u32 s1, $0x2  }
0xbf: {  	s3 =	sand.u32 $0x4000, s31;
	s1 =	sadd.s32 s1, s30  }
0xc0: {  	s0 =	sor.u32 s3, s0;
	s1 =	sshll.u32 s1, $0x11  }
0xc1: {  	s0 =	sor.u32 s1, s0  }
0xc2: {  	s0 =	sadd.s32 $0x8F2B, s0  }
0xc3: {  	[sflag:s0] =	ssyncadd.remote.s32 $0x1  }
0xc4: {  	_ =	sfence.sel $0xFFFF  }
0xc5: {  	[dreg:$0x0] =	wrdreg $0xFFFFFFFF;
	(pc) =	sbr.abs _section_cstart, $3  }
0xc6: {  	[dreg:$0x1] =	wrdreg $0xFFFFFFFF  }
0xc7: {  	_ =	task.clear_ibuf [dreg:s10], $0x2FFFF;
	_ =	strace $0x9FFFFFFF  }
0xc8: {  	(tm) =	ssettm $0x7FFFFFFF  }
0xc9: {  	_ =	shalt  }
tec
execute0_lowered:
.L_overlay_start_1:
0x0: {  	(tag) =	ssettag $0x1  }
0x1: {  	s3 =	rddreg [dreg:$0x2]  }
0x2: {  	s5 =	rddreg [dreg:$0x3];
	s0 =	srdreg.scid  }
0x3: {  	s2 =	stileid.u32;
	s1 =	rddreg [dreg:$0x4];
	s6 =	simm.s32 $0x0  }
0x4: {  	s4 =	simm.s32 $0xF9;
	s20 =	simm.s32 $0x3;
	s21 =	simm.s32 $0x1  }
0x5: {  	s22 =	simm.s32 $0x4000;
	s0 =	sand.u32 $0x1, s0;
	s2 =	sshll.u32 s2, $0x1  }
0x6: {  	s28 =	simm.s32 $0x2;
	[smem:$0x7FF] =	sst s6;
	s2 =	sor.u32 s0, s2  }
0x7: {  	s30 =	simm.s32 $0x0;
	_ =	strace $0x80000047;
	s7 =	smul.u32 $0xF4, s2  }
0x8: {  	s9 =	ssub.s32 $0x2, s0;
	p0 =	seq.s32 s2, $0x1F;
	s23 =	smul.u32 $0xC00, s2  }
0x9: {  	s8 =	smul.u32 $0xC0, s2;
	s10 =	sshrl.u32 s9, $0x1;
	s4 =	simm.s32 @!p0 $0xF4  }
0xa: {  	s2 =	smul.u32 $0x7A00, s2;
	s24 =	ssub.s32 s9, s10;
	s4 =	sadd.s32 s7, s4  }
0xb: {  	s6 =	sadd.s32 s23, s1;
	s1 =	sadd.s32 s8, s1;
	s12 =	sadd.s32 $0x20, s7  }
0xc: {  	s19 =	smax.u32 s24, $0x1;
	s23 =	simm.s32 $0x8000;
	s24 =	simm.s32 $0xC000  }
0xd: {  	s0 =	sadd.s32 $0xFFFFFFF0, s4;
	s4 =	sshll.u32 s4, $0x7;
	s13 =	sadd.s32 $0x1600, s6  }
0xe: {  	s31 =	sadd.s32 $0x19600, s1;
	s17 =	sadd.s32 $0x1AE00, s6;
	s11 =	smin.u32 s7, s0  }
.Ltmp0:
0xf: {  	[dreg:$0x8] =	wrdreg s13;
	s25 =	sshll.u32 s11, $0x7;
	(pc) =	sbr.rel .LBB2_1-.Ltmp0, $4  }
0x10: {  	s18 =	sadd.s32 $0x32E00, s1;
	[dreg:$0x9] =	wrdreg s31;
	s26 =	sadd.s32 $0xF4280, s25  }
0x11: {  	s11 =	sadd.s32 s3, s25;
	s15 =	sadd.s32 s5, s25;
	s25 =	simm.s32 $0x10000  }
0x12: {  	v2 =	vimm.s32 $0xFFFFFFFF;
	[dreg:$0x6] =	wrdreg s11;
	s29 =	sadd.s32 s3, s26;
	s11 =	sadd.s32 $0x10, s7  }
0x13: {  	v3 =	vlaneseq.u32;
	v0 =	vmov s2;
	v1 =	vmov s4;
	s16 =	sadd.s32 s5, s26;
	s26 =	simm.s32 $0x15A00;
	[dreg:$0x7] =	wrdreg s29  }
.LBB2_45:
0x14: {  	_ =	swait.ge [sflag:s21], $0x8000  }
0x15: {  	[sflag:s21] =	ssyncset.done $0x0  }
0x16: {  	s1 =	simm.s32 $0x0;
	[sflag:s21] =	ssyncadd.s32 $0xFFFF8000  }
0x17: {  	[hbm4b:s17+s1] =	stream.linear.scatter [tilespmem:s26], [sflag:$0x3], $0x6000, $0x38;
	[tilespmem:$0x1BA00] =	vst v63  }
0x18: {  	s30 =	sadd.s32 $0x1, s30;
	_ =	swait.ge [sflag:s20], $0x6000  }
0x19: {  	p0 =	sne.s32 s30, s19;
	[sflag:s20] =	ssyncset.done $0x0  }
.Ltmp1:
0x1a: {  	s2 =	simm.s32 $0x14680;
	[sflag:s20] =	ssyncadd.s32 $0xFFFFA000;
	(pc) =	sbr.rel @!p0 .LBB2_46-.Ltmp1, $4  }
0x1b: {  	[hbm4b:s18+s1] =	stream.linear.scatter [tilespmem:s2], [sflag:$0x3], $0x600, $0x38;
	[tilespmem:$0x1BA00] =	vst v63  }
0x1c: {  	_ =	swait.ge [sflag:s20], $0x600  }
0x1d: {  	[sflag:s20] =	ssyncset.done $0x0  }
0x1e: {  	[sflag:s20] =	ssyncadd.s32 $0xFFFFFA00  }
.LBB2_1:
0x1f: {  	s1 =	simm.s32 $0x40;
	s2 =	simm.s32 $0x0  }
.LBB2_2:
0x20: {  	p0 =	sne.s32 s1, $0x18C0;
	[tilespmem:s2+$0x14680] =	vst v2;
	s4 =	smov.u32 s1;
	s1 =	sadd.s32 $0x40, s1  }
.Ltmp2:
0x21: {  	[tilespmem:s2+$0x14000] =	vst v2;
	(pc) =	sbr.rel @p0 .LBB2_2-.Ltmp2, $2  }
0x22: {  	_ =	sdelay $0x2  }
0x23: {  	s2 =	sshra.s32 s4, $0x2  }
0x24: {  	[tilespmem:s2+$0x14680] =	vst v2  }
0x25: {  	[tilespmem:s2+$0x14000] =	vst v2;
	s13 =	simm.s32 $0x0;
	s1 =	rddreg [dreg:$0x0]  }
0x26: {  	[tilespmem:s13], [sflag:$0x3] =	stream.linear.gather [hbm4b:s1+s13], $0x4000, $0x38;
	[tilespmem:$0x1BA00] =	vst v63  }
0x27: {  	_ =	swait.ge [sflag:s20], $0x4000  }
0x28: {  	[sflag:s20] =	ssyncset.done $0x0  }
0x29: {  	s1 =	simm.s32 $0x20;
	[sflag:s20] =	ssyncadd.s32 $0xFFFFC000  }
0x2a: {  	v5 =	vld [tilespmem:s1+$0xFFFFFFE0];
	_ =	sdelay $0x4  }
0x2b: {  	vm0 =	vge.s32 v5, v0;
	vm1 =	vlt.s32 v5, v1  }
0x2c: {  	vm0 =	vmand vm0, vm1  }
0x2d: {  	v4 =	vmpcnt.ones.xlane vm0;
	_ =	sdelay $0x1  }
0x2e: {  	v6 =	vld [tilespmem:s1+$0xFFFFFFF0];
	(v2sf) =	vpush v4, $0x0  }
0x2f: {  	v7 =	vld [tilespmem:s1+$0x0];
	_ =	sdelay $0x3  }
0x30: {  	vm2 =	vlt.s32 v6, v1;
	vm1 =	vge.s32 v6, v0  }
0x31: {  	vm3 =	vlt.s32 v7, v1;
	vm1 =	vmand vm1, vm2;
	vm2 =	vge.s32 v7, v0  }
0x32: {  	v8 =	vmpcnt.ones.xlane vm1;
	vm2 =	vmand vm2, vm3  }
0x33: {  	v4 =	vmpcnt.ones.xlane vm2  }
0x34: {  	(v2sf) =	vpush v8, $0x0  }
0x35: {  	(v2sf) =	vpush v4, $0x0;
	v4 =	vld [tilespmem:s1+$0x10];
	_ =	sdelay $0x4  }
0x36: {  	[tilespmem:s13+$0x14000] =	vst.msk vm0, v5;
	v5 =	vor.u32 s13, v3;
	vm3 =	vge.s32 v4, v0;
	vm4 =	vlt.s32 v4, v1;
	s4 =	spop (v2sf)  }
0x37: {  	[tilespmem:s13+$0x14680] =	vst.msk vm0, v5;
	vm0 =	vmand vm3, vm4;
	s14 =	sadd.s32 $0x0, s4  }
0x38: {  	[tilespmem:s14+$0x14000] =	vst.msk vm1, v6;
	v6 =	vmpcnt.ones.xlane vm0;
	_ =	sdelay $0x1  }
0x39: {  	(v2sf) =	vpush v6, $0x0;
	_ =	sdelay $0x9  }
0x3a: {  	s6 =	simm.s32 $0x10  }
0x3b: {  	v5 =	vor.u32 s6, v3;
	s29 =	spop (v2sf)  }
0x3c: {  	s31 =	simm.s32 $0x20;
	s4 =	sadd.s32 s14, s29;
	[tilespmem:s14+$0x14680] =	vst.msk vm1, v5  }
0x3d: {  	s8 =	spop (v2sf);
	v5 =	vor.u32 s31, v3;
	[tilespmem:s4+$0x14000] =	vst.msk vm2, v7  }
0x3e: {  	s2 =	simm.s32 $0x40;
	s6 =	simm.s32 $0x30;
	[tilespmem:s4+$0x14680] =	vst.msk vm2, v5;
	s4 =	sadd.s32 s4, s8  }
.LBB2_4:
0x3f: {  	p0 =	sne.s32 s2, $0x3FC0;
	[tilespmem:s4+$0x14000] =	vst.msk vm0, v4;
	v4 =	vor.u32 s6, v3;
	s1 =	sadd.s32 $0x40, s1;
	s6 =	spop (v2sf)  }
0x40: {  	[tilespmem:s4+$0x14680] =	vst.msk vm0, v4;
	s6 =	sadd.s32 s4, s6;
	s4 =	smov.u32 s2;
	s2 =	sadd.s32 $0x40, s2  }
0x41: {  	v5 =	vld [tilespmem:s1+$0xFFFFFFE0]  }
0x42: {  	v6 =	vld [tilespmem:s1+$0xFFFFFFF0];
	_ =	sdelay $0x1  }
0x43: {  	v7 =	vld [tilespmem:s1+$0x0];
	_ =	sdelay $0x1  }
0x44: {  	vm0 =	vge.s32 v5, v0;
	vm1 =	vlt.s32 v5, v1;
	v4 =	vld [tilespmem:s1+$0x10]  }
0x45: {  	vm3 =	vmand vm0, vm1;
	vm0 =	vge.s32 v6, v0;
	vm1 =	vlt.s32 v6, v1  }
0x46: {  	v8 =	vmpcnt.ones.xlane vm3;
	vm1 =	vmand vm0, vm1  }
0x47: {  	v9 =	vmpcnt.ones.xlane vm1;
	vm0 =	vge.s32 v7, v0  }
0x48: {  	vm2 =	vlt.s32 v7, v1;
	(v2sf) =	vpush v8, $0x0  }
0x49: {  	vm2 =	vmand vm0, vm2;
	vm0 =	vge.s32 v4, v0;
	(v2sf) =	vpush v9, $0x0  }
0x4a: {  	v8 =	vmpcnt.ones.xlane vm2;
	vm4 =	vlt.s32 v4, v1  }
0x4b: {  	vm0 =	vmand vm0, vm4  }
0x4c: {  	v9 =	vmpcnt.ones.xlane vm0;
	(v2sf) =	vpush v8, $0x0;
	_ =	sdelay $0x1  }
0x4d: {  	(v2sf) =	vpush v9, $0x0;
	_ =	sdelay $0x8  }
0x4e: {  	s8 =	sadd.s32 $0x10, s4;
	[tilespmem:s6+$0x14000] =	vst.msk vm3, v5;
	v5 =	vor.u32 s4, v3;
	s9 =	spop (v2sf)  }
.Ltmp3:
0x4f: {  	[tilespmem:s6+$0x14680] =	vst.msk vm3, v5;
	s6 =	sadd.s32 s6, s9;
	v5 =	vor.u32 s8, v3;
	s8 =	spop (v2sf);
	(pc) =	sbr.rel @p0 .LBB2_4-.Ltmp3, $4  }
0x50: {  	[tilespmem:s6+$0x14000] =	vst.msk vm1, v6;
	s8 =	sadd.s32 s6, s8  }
0x51: {  	s9 =	sadd.s32 $0x20, s4;
	[tilespmem:s6+$0x14680] =	vst.msk vm1, v5  }
0x52: {  	v5 =	vor.u32 s9, v3;
	[tilespmem:s8+$0x14000] =	vst.msk vm2, v7;
	s9 =	spop (v2sf)  }
0x53: {  	s6 =	sadd.s32 $0x30, s4;
	[tilespmem:s8+$0x14680] =	vst.msk vm2, v5;
	s4 =	sadd.s32 s8, s9  }
0x54: {  	s1 =	spop (v2sf)  }
0x55: {  	v5 =	vor.u32 s6, v3;
	[tilespmem:s4+$0x14000] =	vst.msk vm0, v4;
	s1 =	sadd.s32 s4, s1  }
0x56: {  	s31 =	simm.s32 $0x0;
	s14 =	rddreg [dreg:$0x6];
	[tilespmem:s4+$0x14680] =	vst.msk vm0, v5;
	s1 =	sadd.s32 $0x3F, s1  }
0x57: {  	[tilespmem:s22], [sflag:$0x1] =	stream.linear.gather [hbm4b:s14+s31], $0x4000, $0x38;
	[tilespmem:$0x1BA00] =	vst v63  }
0x58: {  	s29 =	rddreg [dreg:$0x7];
	s8 =	sand.u32 $0x3F, s1  }
0x59: {  	s2 =	sshra.s32 s1, $0x1F;
	p1 =	slt.s32 s1, $0x1;
	p0 =	sne.s32 s8, $0x0  }
0x5a: {  	[tilespmem:s23], [sflag:$0x1] =	stream.linear.gather [hbm4b:s29+s31], $0x4000, $0x38;
	[tilespmem:$0x1BA00] =	vst v63  }
.Ltmp4:
0x5b: {  	s2 =	sshrl.u32 s2, $0x1A;
	p0 =	por !p1, !p0;
	(pc) =	sbr.rel .LBB2_6-.Ltmp4, $4  }
0x5c: {  	s1 =	sadd.s32 s2, s1;
	s2 =	simm.s32 $0x1;
	p0 =	por !p0, !p0  }
0x5d: {  	s1 =	sshra.s32 s1, $0x6;
	s2 =	simm.s32 @!p0 $0x0  }
0x5e: {  	s4 =	ssub.s32 s1, s2  }
0x5f: {  	s1 =	simm.s32 $0x0;
	p0 =	slt.s32 s4, $0x1  }
.LBB2_21:
0x60: {  	_ =	sdelay $0x4  }
0x61: {  	[tilespmem:v5+s26+$0x0] =	vst.idx.msk vm0, v6  }
.LBB2_22:
0x62: {  	s1 =	sadd.s32 $0x1, s1  }
0x63: {  	p1 =	sne.s32 s1, $0x8  }
.Ltmp5:
0x64: {  	_ = 	snop;
	(pc) =	sbr.rel @!p1 .LBB2_23-.Ltmp5, $1  }
0x65: {  	_ =	sdelay $0x3  }
.LBB2_6:
0x66: {  	s2 =	sshll.u32 s1, $0x5  }
0x67: {  	s6 =	sadd.s32 s2, s11  }
0x68: {  	s8 =	smov.u32 s0;
	p1 =	slt.s32 s6, s0  }
0x69: {  	s8 =	smov.u32 @p1 s6  }
0x6a: {  	s6 =	sshll.u32 s8, $0xA  }
0x6b: {  	s9 =	sshrl.u32 s6, $0x3;
	s6 =	sadd.s32 $0x7A1400, s6  }
0x6c: {  	s9 =	sadd.s32 s3, s9;
	s6 =	sshrl.u32 s6, $0x3  }
0x6d: {  	[tilespmem:s24], [sflag:$0x2] =	stream.linear.gather [hbm4b:s9+s31], $0x4000, $0x38;
	[tilespmem:$0x1BA00] =	vst v63  }
.Ltmp6:
0x6e: {  	s6 =	sadd.s32 s3, s6;
	(pc) =	sbr.rel @p0 .LBB2_10-.Ltmp6, $4  }
0x6f: {  	[tilespmem:s25], [sflag:$0x2] =	stream.linear.gather [hbm4b:s6+s31], $0x4000, $0x38;
	[tilespmem:$0x1BA00] =	vst v63  }
0x70: {  	_ =	swait.ge [sflag:s21], $0x8000  }
0x71: {  	[sflag:s21] =	ssyncset.done $0x0  }
0x72: {  	s9 =	simm.s32 $0x0;
	[sflag:s21] =	ssyncadd.s32 $0xFFFF8000  }
0x73: {  	s9 =	sadd.s32 s7, s2;
	s6 =	simm.s32 $0x14020  }
0x74: {  	s10 =	smov.u32 s0;
	p1 =	slt.s32 s9, s0;
	v6 =	vld [tilespmem:s6+$0xFFFFFFE0]  }
0x75: {  	s10 =	smov.u32 @p1 s9  }
0x76: {  	s9 =	sshll.u32 s10, $0x7  }
0x77: {  	s10 =	sadd.s32 $0x800, s9  }
0x78: {  	v4 =	vmov s9;
	v5 =	vmov s10  }
0x79: {  	vm0 =	vge.s32 v6, v4;
	vm1 =	vlt.s32 v6, v5  }
0x7a: {  	vm0 =	vmand vm0, vm1  }
0x7b: {  	v9 =	vmpcnt.ones.xlane vm0;
	_ =	sdelay $0x1  }
0x7c: {  	(v2sf) =	vpush v9, $0x0;
	_ =	sdelay $0x5  }
0x7d: {  	v7 =	vld [tilespmem:s6+$0xFFFFFFF0]  }
0x7e: {  	v8 =	vld [tilespmem:s6+$0x0];
	_ =	sdelay $0x1  }
0x7f: {  	v63 =	vld [tilespmem:s6+$0x10];
	_ =	sdelay $0x1  }
0x80: {  	vm2 =	vlt.s32 v7, v5;
	vm1 =	vge.s32 v7, v4  }
0x81: {  	vm3 =	vlt.s32 v8, v5;
	vm2 =	vmand vm1, vm2  }
0x82: {  	s9 =	simm.s32 $0x0;
	v6 =	vsub.s32 v6, v4;
	vm1 =	vge.s32 v8, v4;
	v10 =	vmpcnt.ones.xlane vm2  }
0x83: {  	vm4 =	vlt.s32 v63, v5;
	[tilespmem:s9+$0x14D00] =	vst.msk vm0, v6;
	v6 =	vor.u32 s9, v3;
	vm1 =	vmand vm1, vm3  }
0x84: {  	vm3 =	vge.s32 v63, v4;
	v62 =	vmpcnt.ones.xlane vm1;
	(v2sf) =	vpush v10, $0x0;
	s14 =	spop (v2sf)  }
0x85: {  	v7 =	vsub.s32 v7, v4;
	[tilespmem:s9+$0x15380] =	vst.msk vm0, v6;
	vm0 =	vmand vm3, vm4;
	s10 =	sadd.s32 $0x0, s14  }
0x86: {  	(v2sf) =	vpush v62, $0x0;
	[tilespmem:s10+$0x14D00] =	vst.msk vm2, v7;
	v7 =	vmpcnt.ones.xlane vm0;
	_ =	sdelay $0x1  }
0x87: {  	(v2sf) =	vpush v7, $0x0;
	_ =	sdelay $0x8  }
0x88: {  	p1 =	sne.s32 s4, $0x1  }
.Ltmp7:
0x89: {  	s13 =	simm.s32 $0x10;
	(pc) =	sbr.rel @!p1 .LBB2_9-.Ltmp7, $4  }
0x8a: {  	v6 =	vor.u32 s13, v3;
	s14 =	spop (v2sf)  }
0x8b: {  	v8 =	vsub.s32 v8, v4;
	s29 =	sadd.s32 s10, s14;
	s14 =	simm.s32 $0x20;
	[tilespmem:s10+$0x15380] =	vst.msk vm2, v6  }
0x8c: {  	[tilespmem:s29+$0x14D00] =	vst.msk vm1, v8;
	v8 =	vor.u32 s14, v3;
	s14 =	spop (v2sf)  }
0x8d: {  	s13 =	simm.s32 $0x30;
	s10 =	sadd.s32 $0xFFFFFFFF, s4;
	v6 =	vsub.s32 v63, v4;
	[tilespmem:s29+$0x15380] =	vst.msk vm1, v8;
	s29 =	sadd.s32 s29, s14  }
.LBB2_8:
0x8e: {  	[tilespmem:s29+$0x14D00] =	vst.msk vm0, v6;
	v6 =	vor.u32 s13, v3;
	s9 =	sadd.s32 $0x40, s9;
	s6 =	sadd.s32 $0x40, s6;
	s13 =	spop (v2sf)  }
0x8f: {  	p1 =	sne.s32 s10, $0x1;
	s10 =	sadd.s32 $0xFFFFFFFF, s10;
	[tilespmem:s29+$0x15380] =	vst.msk vm0, v6;
	s13 =	sadd.s32 s29, s13  }
0x90: {  	v6 =	vld [tilespmem:s6+$0xFFFFFFE0]  }
0x91: {  	v7 =	vld [tilespmem:s6+$0xFFFFFFF0];
	_ =	sdelay $0x1  }
0x92: {  	v8 =	vld [tilespmem:s6+$0x0];
	_ =	sdelay $0x1  }
0x93: {  	vm0 =	vge.s32 v6, v4;
	vm1 =	vlt.s32 v6, v5;
	v9 =	vld [tilespmem:s6+$0x10]  }
0x94: {  	vm3 =	vmand vm0, vm1;
	vm0 =	vge.s32 v7, v4;
	vm1 =	vlt.s32 v7, v5  }
0x95: {  	v10 =	vmpcnt.ones.xlane vm3;
	vm1 =	vmand vm0, vm1  }
0x96: {  	v11 =	vmpcnt.ones.xlane vm1;
	vm0 =	vge.s32 v8, v4  }
0x97: {  	vm2 =	vlt.s32 v8, v5;
	(v2sf) =	vpush v10, $0x0  }
0x98: {  	vm2 =	vmand vm0, vm2;
	vm0 =	vge.s32 v9, v4;
	(v2sf) =	vpush v11, $0x0  }
0x99: {  	v10 =	vmpcnt.ones.xlane vm2;
	vm4 =	vlt.s32 v9, v5  }
0x9a: {  	vm0 =	vmand vm0, vm4  }
0x9b: {  	v11 =	vmpcnt.ones.xlane vm0;
	(v2sf) =	vpush v10, $0x0;
	_ =	sdelay $0x1  }
0x9c: {  	(v2sf) =	vpush v11, $0x0;
	_ =	sdelay $0x7  }
0x9d: {  	v6 =	vsub.s32 v6, v4  }
0x9e: {  	s14 =	sadd.s32 $0x10, s9;
	v7 =	vsub.s32 v7, v4;
	[tilespmem:s13+$0x14D00] =	vst.msk vm3, v6;
	v6 =	vor.u32 s9, v3;
	s29 =	spop (v2sf)  }
.Ltmp8:
0x9f: {  	[tilespmem:s13+$0x15380] =	vst.msk vm3, v6;
	s13 =	sadd.s32 s13, s29;
	v6 =	vor.u32 s14, v3;
	s14 =	spop (v2sf);
	(pc) =	sbr.rel @p1 .LBB2_8-.Ltmp8, $4  }
0xa0: {  	[tilespmem:s13+$0x14D00] =	vst.msk vm1, v7;
	s14 =	sadd.s32 s13, s14  }
0xa1: {  	s29 =	sadd.s32 $0x20, s9;
	v7 =	vsub.s32 v8, v4;
	[tilespmem:s13+$0x15380] =	vst.msk vm1, v6  }
0xa2: {  	[tilespmem:s14+$0x14D00] =	vst.msk vm2, v7;
	v7 =	vor.u32 s29, v3;
	s29 =	spop (v2sf)  }
0xa3: {  	s13 =	sadd.s32 $0x30, s9;
	v6 =	vsub.s32 v9, v4;
	[tilespmem:s14+$0x15380] =	vst.msk vm2, v7;
	s29 =	sadd.s32 s14, s29  }
.LBB2_9:
0xa4: {  	[tilespmem:s29+$0x14D00] =	vst.msk vm0, v6;
	v4 =	vor.u32 s13, v3;
	s6 =	spop (v2sf)  }
0xa5: {  	[tilespmem:s29+$0x15380] =	vst.msk vm0, v4;
	s9 =	sadd.s32 s29, s6  }
.LBB2_10:
0xa6: {  	s6 =	sadd.s32 $0xF, s9  }
0xa7: {  	s10 =	sand.u32 $0xF, s6  }
0xa8: {  	s13 =	sshra.s32 s6, $0x1F;
	p1 =	slt.s32 s6, $0x1;
	p2 =	sne.s32 s10, $0x0  }
0xa9: {  	s29 =	sshrl.u32 s13, $0x1C;
	p1 =	por !p1, !p2  }
0xaa: {  	s10 =	simm.s32 $0x1;
	s6 =	sadd.s32 s29, s6;
	p1 =	por !p1, !p1  }
0xab: {  	s6 =	sshra.s32 s6, $0x4;
	s10 =	simm.s32 @!p1 $0x0  }
0xac: {  	s10 =	ssub.s32 s6, s10  }
0xad: {  	p1 =	slt.s32 s10, $0x1  }
.Ltmp9:
0xae: {  	_ = 	snop;
	(pc) =	sbr.rel @p1 .LBB2_14-.Ltmp9, $1  }
0xaf: {  	_ =	sdelay $0x3  }
0xb0: {  	s6 =	simm.s32 $0x14D00  }
0xb1: {  	v5 =	vld [tilespmem:s6+$0x0];
	_ =	sdelay $0x3  }
0xb2: {  	s29 =	simm.s32 $0x0  }
0xb3: {  	v4 =	vmov s9;
	v6 =	vor.u32 s29, v3;
	v7 =	vshll.u32 v5, $0x3  }
0xb4: {  	s9 =	simm.s32 $0x15380;
	vm0 =	vlt.s32 v6, v4;
	v5 =	vand.u32 $0x7F, v5;
	v6 =	vand.u32 $0xFFFFFC00, v7  }
0xb5: {  	v5 =	vor.u32 v5, v6;
	v6 =	vld [tilespmem:s9+$0x0];
	_ =	sdelay $0x4  }
0xb6: {  	v7 =	vld.idx.msk [tilespmem:v5+s22+$0x0], vm0;
	v8 =	vshll.u32 v6, $0x4  }
0xb7: {  	v6 =	vor.u32 $0x80, v5;
	_ =	sdelay $0x3  }
0xb8: {  	[tilespmem:v8+s26+$0x0] =	vst.idx.msk vm0, v7  }
0xb9: {  	v7 =	vor.u32 $0x1, v8;
	v6 =	vld.idx.msk [tilespmem:v6+s22+$0x0], vm0  }
0xba: {  	v9 =	vor.u32 $0x100, v5;
	_ =	sdelay $0x3  }
0xbb: {  	[tilespmem:v7+s26+$0x0] =	vst.idx.msk vm0, v6  }
0xbc: {  	v7 =	vor.u32 $0x2, v8;
	v6 =	vld.idx.msk [tilespmem:v9+s22+$0x0], vm0  }
0xbd: {  	v52 =	vor.u32 $0x180, v5;
	_ =	sdelay $0x3  }
0xbe: {  	[tilespmem:v7+s26+$0x0] =	vst.idx.msk vm0, v6  }
0xbf: {  	v7 =	vor.u32 $0x3, v8;
	v6 =	vld.idx.msk [tilespmem:v52+s22+$0x0], vm0  }
0xc0: {  	v53 =	vor.u32 $0x200, v5;
	_ =	sdelay $0x3  }
0xc1: {  	[tilespmem:v7+s26+$0x0] =	vst.idx.msk vm0, v6  }
0xc2: {  	v7 =	vor.u32 $0x4, v8;
	v6 =	vld.idx.msk [tilespmem:v53+s22+$0x0], vm0  }
0xc3: {  	v54 =	vor.u32 $0x280, v5;
	_ =	sdelay $0x3  }
0xc4: {  	[tilespmem:v7+s26+$0x0] =	vst.idx.msk vm0, v6  }
0xc5: {  	v7 =	vor.u32 $0x5, v8;
	v6 =	vld.idx.msk [tilespmem:v54+s22+$0x0], vm0  }
0xc6: {  	v55 =	vor.u32 $0x300, v5;
	_ =	sdelay $0x3  }
0xc7: {  	[tilespmem:v7+s26+$0x0] =	vst.idx.msk vm0, v6  }
0xc8: {  	v7 =	vor.u32 $0x6, v8;
	v6 =	vld.idx.msk [tilespmem:v55+s22+$0x0], vm0  }
0xc9: {  	v56 =	vor.u32 $0x380, v5;
	_ =	sdelay $0x3  }
0xca: {  	[tilespmem:v7+s26+$0x0] =	vst.idx.msk vm0, v6  }
0xcb: {  	v7 =	vor.u32 $0x7, v8;
	v6 =	vld.idx.msk [tilespmem:v56+s22+$0x0], vm0  }
0xcc: {  	v57 =	vadd.s32 $0x4000, v5;
	_ =	sdelay $0x3  }
0xcd: {  	[tilespmem:v7+s26+$0x0] =	vst.idx.msk vm0, v6  }
0xce: {  	v7 =	vor.u32 $0x8, v8;
	v6 =	vld.idx.msk [tilespmem:v57+s22+$0x0], vm0  }
0xcf: {  	v58 =	vadd.s32 $0x4080, v5;
	_ =	sdelay $0x3  }
0xd0: {  	[tilespmem:v7+s26+$0x0] =	vst.idx.msk vm0, v6  }
0xd1: {  	v7 =	vor.u32 $0x9, v8;
	v6 =	vld.idx.msk [tilespmem:v58+s22+$0x0], vm0  }
0xd2: {  	v59 =	vadd.s32 $0x4100, v5;
	_ =	sdelay $0x3  }
0xd3: {  	[tilespmem:v7+s26+$0x0] =	vst.idx.msk vm0, v6  }
0xd4: {  	v7 =	vor.u32 $0xA, v8;
	v6 =	vld.idx.msk [tilespmem:v59+s22+$0x0], vm0  }
0xd5: {  	v60 =	vadd.s32 $0x4180, v5;
	_ =	sdelay $0x3  }
0xd6: {  	[tilespmem:v7+s26+$0x0] =	vst.idx.msk vm0, v6  }
0xd7: {  	v7 =	vor.u32 $0xB, v8;
	v6 =	vld.idx.msk [tilespmem:v60+s22+$0x0], vm0  }
0xd8: {  	v61 =	vadd.s32 $0x4200, v5;
	_ =	sdelay $0x3  }
0xd9: {  	[tilespmem:v7+s26+$0x0] =	vst.idx.msk vm0, v6  }
0xda: {  	v7 =	vor.u32 $0xC, v8;
	v6 =	vld.idx.msk [tilespmem:v61+s22+$0x0], vm0  }
0xdb: {  	v62 =	vadd.s32 $0x4280, v5;
	_ =	sdelay $0x3  }
0xdc: {  	[tilespmem:v7+s26+$0x0] =	vst.idx.msk vm0, v6  }
0xdd: {  	v7 =	vor.u32 $0xD, v8;
	v6 =	vld.idx.msk [tilespmem:v62+s22+$0x0], vm0  }
0xde: {  	v63 =	vadd.s32 $0x4300, v5;
	_ =	sdelay $0x3  }
0xdf: {  	[tilespmem:v7+s26+$0x0] =	vst.idx.msk vm0, v6  }
0xe0: {  	v7 =	vor.u32 $0xE, v8;
	v6 =	vld.idx.msk [tilespmem:v63+s22+$0x0], vm0  }
0xe1: {  	p1 =	sne.s32 s10, $0x1;
	v5 =	vadd.s32 $0x4380, v5  }
.Ltmp10:
0xe2: {  	_ = 	snop;
	(pc) =	sbr.rel @!p1 .LBB2_13-.Ltmp10, $3  }
0xe3: {  	_ =	sdelay $0x1  }
0xe4: {  	[tilespmem:v7+s26+$0x0] =	vst.idx.msk vm0, v6  }
0xe5: {  	s10 =	sadd.s32 $0xFFFFFFFF, s10;
	v6 =	vld.idx.msk [tilespmem:v5+s22+$0x0], vm0;
	v5 =	vor.u32 $0xF, v8  }
.LBB2_12:
0xe6: {  	_ =	sdelay $0x3  }
0xe7: {  	s6 =	sadd.s32 $0x10, s6;
	s9 =	sadd.s32 $0x10, s9;
	s29 =	sadd.s32 $0x10, s29;
	[tilespmem:v5+s26+$0x0] =	vst.idx.msk vm0, v6  }
0xe8: {  	p1 =	sne.s32 s10, $0x1;
	s10 =	sadd.s32 $0xFFFFFFFF, s10;
	v5 =	vld [tilespmem:s6+$0x0];
	_ =	sdelay $0x4  }
0xe9: {  	v6 =	vor.u32 s29, v3;
	v7 =	vshll.u32 v5, $0x3  }
0xea: {  	vm0 =	vlt.s32 v6, v4;
	v5 =	vand.u32 $0x7F, v5;
	v6 =	vand.u32 $0xFFFFFC00, v7  }
0xeb: {  	v6 =	vor.u32 v5, v6  }
0xec: {  	v5 =	vld [tilespmem:s9+$0x0];
	_ =	sdelay $0x3  }
0xed: {  	v7 =	vld.idx.msk [tilespmem:v6+s22+$0x0], vm0  }
0xee: {  	v5 =	vshll.u32 v5, $0x4  }
0xef: {  	v8 =	vor.u32 $0x80, v6;
	_ =	sdelay $0x3  }
0xf0: {  	[tilespmem:v5+s26+$0x0] =	vst.idx.msk vm0, v7  }
0xf1: {  	v7 =	vld.idx.msk [tilespmem:v8+s22+$0x0], vm0  }
0xf2: {  	v8 =	vor.u32 $0x1, v5  }
0xf3: {  	v9 =	vor.u32 $0x100, v6;
	_ =	sdelay $0x3  }
0xf4: {  	[tilespmem:v8+s26+$0x0] =	vst.idx.msk vm0, v7  }
0xf5: {  	v7 =	vld.idx.msk [tilespmem:v9+s22+$0x0], vm0  }
0xf6: {  	v8 =	vor.u32 $0x2, v5  }
0xf7: {  	v9 =	vor.u32 $0x180, v6;
	_ =	sdelay $0x3  }
0xf8: {  	[tilespmem:v8+s26+$0x0] =	vst.idx.msk vm0, v7  }
0xf9: {  	v7 =	vld.idx.msk [tilespmem:v9+s22+$0x0], vm0  }
0xfa: {  	v8 =	vor.u32 $0x3, v5  }
0xfb: {  	v9 =	vor.u32 $0x200, v6;
	_ =	sdelay $0x3  }
0xfc: {  	[tilespmem:v8+s26+$0x0] =	vst.idx.msk vm0, v7  }
0xfd: {  	v7 =	vld.idx.msk [tilespmem:v9+s22+$0x0], vm0  }
0xfe: {  	v8 =	vor.u32 $0x4, v5  }
0xff: {  	v9 =	vor.u32 $0x280, v6;
	_ =	sdelay $0x3  }
0x100: {  	[tilespmem:v8+s26+$0x0] =	vst.idx.msk vm0, v7  }
0x101: {  	v7 =	vld.idx.msk [tilespmem:v9+s22+$0x0], vm0  }
0x102: {  	v8 =	vor.u32 $0x5, v5  }
0x103: {  	v9 =	vor.u32 $0x300, v6;
	_ =	sdelay $0x3  }
0x104: {  	[tilespmem:v8+s26+$0x0] =	vst.idx.msk vm0, v7  }
0x105: {  	v7 =	vld.idx.msk [tilespmem:v9+s22+$0x0], vm0  }
0x106: {  	v8 =	vor.u32 $0x6, v5  }
0x107: {  	v9 =	vor.u32 $0x380, v6;
	_ =	sdelay $0x3  }
0x108: {  	[tilespmem:v8+s26+$0x0] =	vst.idx.msk vm0, v7  }
0x109: {  	v7 =	vld.idx.msk [tilespmem:v9+s22+$0x0], vm0  }
0x10a: {  	v8 =	vor.u32 $0x7, v5  }
0x10b: {  	v9 =	vadd.s32 $0x4000, v6;
	_ =	sdelay $0x3  }
0x10c: {  	[tilespmem:v8+s26+$0x0] =	vst.idx.msk vm0, v7  }
0x10d: {  	v7 =	vld.idx.msk [tilespmem:v9+s22+$0x0], vm0  }
0x10e: {  	v8 =	vor.u32 $0x8, v5  }
0x10f: {  	v9 =	vadd.s32 $0x4080, v6;
	_ =	sdelay $0x3  }
0x110: {  	[tilespmem:v8+s26+$0x0] =	vst.idx.msk vm0, v7  }
0x111: {  	v7 =	vld.idx.msk [tilespmem:v9+s22+$0x0], vm0  }
0x112: {  	v8 =	vor.u32 $0x9, v5  }
0x113: {  	v9 =	vadd.s32 $0x4100, v6;
	_ =	sdelay $0x3  }
0x114: {  	[tilespmem:v8+s26+$0x0] =	vst.idx.msk vm0, v7  }
0x115: {  	v7 =	vld.idx.msk [tilespmem:v9+s22+$0x0], vm0  }
0x116: {  	v8 =	vor.u32 $0xA, v5  }
0x117: {  	v9 =	vadd.s32 $0x4180, v6;
	_ =	sdelay $0x3  }
0x118: {  	[tilespmem:v8+s26+$0x0] =	vst.idx.msk vm0, v7  }
0x119: {  	v7 =	vld.idx.msk [tilespmem:v9+s22+$0x0], vm0  }
0x11a: {  	v8 =	vor.u32 $0xB, v5  }
0x11b: {  	v9 =	vadd.s32 $0x4200, v6;
	_ =	sdelay $0x3  }
0x11c: {  	[tilespmem:v8+s26+$0x0] =	vst.idx.msk vm0, v7  }
0x11d: {  	v7 =	vld.idx.msk [tilespmem:v9+s22+$0x0], vm0  }
0x11e: {  	v8 =	vor.u32 $0xC, v5  }
0x11f: {  	v9 =	vadd.s32 $0x4280, v6;
	_ =	sdelay $0x3  }
0x120: {  	[tilespmem:v8+s26+$0x0] =	vst.idx.msk vm0, v7  }
0x121: {  	v7 =	vld.idx.msk [tilespmem:v9+s22+$0x0], vm0  }
0x122: {  	v8 =	vor.u32 $0xD, v5  }
0x123: {  	v9 =	vadd.s32 $0x4300, v6;
	_ =	sdelay $0x3  }
0x124: {  	[tilespmem:v8+s26+$0x0] =	vst.idx.msk vm0, v7  }
0x125: {  	v7 =	vld.idx.msk [tilespmem:v9+s22+$0x0], vm0  }
0x126: {  	v8 =	vor.u32 $0xE, v5  }
0x127: {  	v6 =	vadd.s32 $0x4380, v6;
	_ =	sdelay $0x1  }
.Ltmp11:
0x128: {  	(pc) =	sbr.rel @p1 .LBB2_12-.Ltmp11, $4  }
0x129: {  	_ = 	snop  }
0x12a: {  	[tilespmem:v8+s26+$0x0] =	vst.idx.msk vm0, v7  }
0x12b: {  	v6 =	vld.idx.msk [tilespmem:v6+s22+$0x0], vm0  }
0x12c: {  	v5 =	vor.u32 $0xF, v5  }
.LBB2_13:
0x12d: {  	_ =	sdelay $0x4  }
0x12e: {  	[tilespmem:v5+s26+$0x0] =	vst.idx.msk vm0, v6  }
.LBB2_14:
0x12f: {  	s2 =	sadd.s32 s2, s12  }
0x130: {  	s6 =	smov.u32 s0;
	p1 =	slt.s32 s2, s0  }
0x131: {  	s6 =	smov.u32 @p1 s2  }
0x132: {  	s2 =	sshll.u32 s6, $0xA  }
0x133: {  	s6 =	sshrl.u32 s2, $0x3;
	s2 =	sadd.s32 $0x7A1400, s2  }
0x134: {  	s10 =	simm.s32 $0x0;
	s6 =	sadd.s32 s3, s6;
	s2 =	sshrl.u32 s2, $0x3  }
0x135: {  	[tilespmem:s22], [sflag:$0x1] =	stream.linear.gather [hbm4b:s6+s10], $0x4000, $0x38;
	[tilespmem:$0x1BA00] =	vst v63  }
.Ltmp12:
0x136: {  	s2 =	sadd.s32 s3, s2;
	(pc) =	sbr.rel @p0 .LBB2_18-.Ltmp12, $4  }
0x137: {  	[tilespmem:s23], [sflag:$0x1] =	stream.linear.gather [hbm4b:s2+s10], $0x4000, $0x38;
	[tilespmem:$0x1BA00] =	vst v63  }
0x138: {  	_ =	swait.ge [sflag:s28], $0x8000  }
0x139: {  	[sflag:s28] =	ssyncset.done $0x0  }
0x13a: {  	[sflag:s28] =	ssyncadd.s32 $0xFFFF8000  }
0x13b: {  	s2 =	simm.s32 $0x14020  }
0x13c: {  	v6 =	vld [tilespmem:s2+$0xFFFFFFE0];
	_ =	sdelay $0x1  }
0x13d: {  	s6 =	sshll.u32 s8, $0x7  }
0x13e: {  	s8 =	sadd.s32 $0x800, s6  }
0x13f: {  	v4 =	vmov s6;
	v5 =	vmov s8  }
0x140: {  	vm0 =	vge.s32 v6, v4;
	vm1 =	vlt.s32 v6, v5  }
0x141: {  	vm0 =	vmand vm0, vm1  }
0x142: {  	v9 =	vmpcnt.ones.xlane vm0;
	_ =	sdelay $0x1  }
0x143: {  	(v2sf) =	vpush v9, $0x0;
	_ =	sdelay $0x5  }
0x144: {  	v7 =	vld [tilespmem:s2+$0xFFFFFFF0]  }
0x145: {  	v8 =	vld [tilespmem:s2+$0x0];
	_ =	sdelay $0x1  }
0x146: {  	v63 =	vld [tilespmem:s2+$0x10];
	_ =	sdelay $0x1  }
0x147: {  	vm2 =	vlt.s32 v7, v5;
	vm1 =	vge.s32 v7, v4  }
0x148: {  	vm3 =	vlt.s32 v8, v5;
	vm2 =	vmand vm1, vm2  }
0x149: {  	s6 =	simm.s32 $0x0;
	v6 =	vsub.s32 v6, v4;
	vm1 =	vge.s32 v8, v4;
	v10 =	vmpcnt.ones.xlane vm2  }
0x14a: {  	vm4 =	vlt.s32 v63, v5;
	[tilespmem:s6+$0x14D00] =	vst.msk vm0, v6;
	v6 =	vor.u32 s6, v3;
	vm1 =	vmand vm1, vm3  }
0x14b: {  	vm3 =	vge.s32 v63, v4;
	v62 =	vmpcnt.ones.xlane vm1;
	(v2sf) =	vpush v10, $0x0;
	s14 =	spop (v2sf)  }
0x14c: {  	v7 =	vsub.s32 v7, v4;
	[tilespmem:s6+$0x15380] =	vst.msk vm0, v6;
	vm0 =	vmand vm3, vm4;
	s8 =	sadd.s32 $0x0, s14  }
0x14d: {  	(v2sf) =	vpush v62, $0x0;
	[tilespmem:s8+$0x14D00] =	vst.msk vm2, v7;
	v7 =	vmpcnt.ones.xlane vm0;
	_ =	sdelay $0x1  }
0x14e: {  	(v2sf) =	vpush v7, $0x0;
	_ =	sdelay $0x8  }
0x14f: {  	p1 =	sne.s32 s4, $0x1  }
.Ltmp13:
0x150: {  	s9 =	simm.s32 $0x10;
	(pc) =	sbr.rel @!p1 .LBB2_17-.Ltmp13, $4  }
0x151: {  	v6 =	vor.u32 s9, v3;
	s29 =	spop (v2sf)  }
0x152: {  	s10 =	simm.s32 $0x20;
	v8 =	vsub.s32 v8, v4;
	s9 =	sadd.s32 s8, s29;
	[tilespmem:s8+$0x15380] =	vst.msk vm2, v6  }
0x153: {  	s13 =	spop (v2sf);
	[tilespmem:s9+$0x14D00] =	vst.msk vm1, v8;
	v8 =	vor.u32 s10, v3  }
0x154: {  	s8 =	sadd.s32 $0xFFFFFFFF, s4;
	v6 =	vsub.s32 v63, v4;
	s10 =	simm.s32 $0x30;
	[tilespmem:s9+$0x15380] =	vst.msk vm1, v8;
	s9 =	sadd.s32 s9, s13  }
.LBB2_16:
0x155: {  	[tilespmem:s9+$0x14D00] =	vst.msk vm0, v6;
	v6 =	vor.u32 s10, v3;
	s6 =	sadd.s32 $0x40, s6;
	s2 =	sadd.s32 $0x40, s2;
	s10 =	spop (v2sf)  }
0x156: {  	p1 =	sne.s32 s8, $0x1;
	s8 =	sadd.s32 $0xFFFFFFFF, s8;
	[tilespmem:s9+$0x15380] =	vst.msk vm0, v6;
	s9 =	sadd.s32 s9, s10  }
0x157: {  	v6 =	vld [tilespmem:s2+$0xFFFFFFE0]  }
0x158: {  	v7 =	vld [tilespmem:s2+$0xFFFFFFF0];
	_ =	sdelay $0x1  }
0x159: {  	v8 =	vld [tilespmem:s2+$0x0];
	_ =	sdelay $0x1  }
0x15a: {  	vm0 =	vge.s32 v6, v4;
	vm1 =	vlt.s32 v6, v5;
	v9 =	vld [tilespmem:s2+$0x10]  }
0x15b: {  	vm3 =	vmand vm0, vm1;
	vm0 =	vge.s32 v7, v4;
	vm1 =	vlt.s32 v7, v5  }
0x15c: {  	v10 =	vmpcnt.ones.xlane vm3;
	vm1 =	vmand vm0, vm1  }
0x15d: {  	v11 =	vmpcnt.ones.xlane vm1;
	vm0 =	vge.s32 v8, v4  }
0x15e: {  	vm2 =	vlt.s32 v8, v5;
	(v2sf) =	vpush v10, $0x0  }
0x15f: {  	vm2 =	vmand vm0, vm2;
	vm0 =	vge.s32 v9, v4;
	(v2sf) =	vpush v11, $0x0  }
0x160: {  	v10 =	vmpcnt.ones.xlane vm2;
	vm4 =	vlt.s32 v9, v5  }
0x161: {  	vm0 =	vmand vm0, vm4  }
0x162: {  	v11 =	vmpcnt.ones.xlane vm0;
	(v2sf) =	vpush v10, $0x0;
	_ =	sdelay $0x1  }
0x163: {  	(v2sf) =	vpush v11, $0x0;
	_ =	sdelay $0x7  }
0x164: {  	v6 =	vsub.s32 v6, v4  }
0x165: {  	s10 =	sadd.s32 $0x10, s6;
	v7 =	vsub.s32 v7, v4;
	[tilespmem:s9+$0x14D00] =	vst.msk vm3, v6;
	v6 =	vor.u32 s6, v3;
	s13 =	spop (v2sf)  }
.Ltmp14:
0x166: {  	[tilespmem:s9+$0x15380] =	vst.msk vm3, v6;
	s9 =	sadd.s32 s9, s13;
	v6 =	vor.u32 s10, v3;
	s10 =	spop (v2sf);
	(pc) =	sbr.rel @p1 .LBB2_16-.Ltmp14, $4  }
0x167: {  	[tilespmem:s9+$0x14D00] =	vst.msk vm1, v7;
	s13 =	sadd.s32 s9, s10  }
0x168: {  	s10 =	sadd.s32 $0x20, s6;
	v7 =	vsub.s32 v8, v4;
	[tilespmem:s9+$0x15380] =	vst.msk vm1, v6  }
0x169: {  	[tilespmem:s13+$0x14D00] =	vst.msk vm2, v7;
	v7 =	vor.u32 s10, v3;
	s9 =	spop (v2sf)  }
0x16a: {  	v6 =	vsub.s32 v9, v4;
	s10 =	sadd.s32 $0x30, s6;
	[tilespmem:s13+$0x15380] =	vst.msk vm2, v7;
	s9 =	sadd.s32 s13, s9  }
.LBB2_17:
0x16b: {  	[tilespmem:s9+$0x14D00] =	vst.msk vm0, v6;
	v4 =	vor.u32 s10, v3;
	s2 =	spop (v2sf)  }
0x16c: {  	[tilespmem:s9+$0x15380] =	vst.msk vm0, v4;
	s10 =	sadd.s32 s9, s2  }
.LBB2_18:
0x16d: {  	s2 =	sadd.s32 $0xF, s10  }
0x16e: {  	s6 =	sand.u32 $0xF, s2  }
0x16f: {  	s8 =	sshra.s32 s2, $0x1F;
	p1 =	slt.s32 s2, $0x1;
	p2 =	sne.s32 s6, $0x0  }
0x170: {  	s29 =	sshrl.u32 s8, $0x1C;
	p1 =	por !p1, !p2  }
0x171: {  	s6 =	simm.s32 $0x1;
	s2 =	sadd.s32 s29, s2;
	p1 =	por !p1, !p1  }
0x172: {  	s2 =	sshra.s32 s2, $0x4;
	s6 =	simm.s32 @!p1 $0x0  }
0x173: {  	s9 =	ssub.s32 s2, s6  }
0x174: {  	p1 =	slt.s32 s9, $0x1  }
.Ltmp15:
0x175: {  	_ = 	snop;
	(pc) =	sbr.rel @p1 .LBB2_22-.Ltmp15, $1  }
0x176: {  	_ =	sdelay $0x3  }
0x177: {  	s2 =	simm.s32 $0x14D00  }
0x178: {  	v5 =	vld [tilespmem:s2+$0x0];
	_ =	sdelay $0x3  }
0x179: {  	s6 =	simm.s32 $0x0  }
0x17a: {  	v4 =	vmov s10;
	v6 =	vor.u32 s6, v3;
	v7 =	vshll.u32 v5, $0x3  }
0x17b: {  	s8 =	simm.s32 $0x15380;
	vm0 =	vlt.s32 v6, v4;
	v5 =	vand.u32 $0x7F, v5;
	v6 =	vand.u32 $0xFFFFFC00, v7  }
0x17c: {  	v5 =	vor.u32 v5, v6;
	v6 =	vld [tilespmem:s8+$0x0];
	_ =	sdelay $0x4  }
0x17d: {  	v7 =	vld.idx.msk [tilespmem:v5+s24+$0x0], vm0;
	v8 =	vshll.u32 v6, $0x4  }
0x17e: {  	v6 =	vor.u32 $0x80, v5;
	_ =	sdelay $0x3  }
0x17f: {  	[tilespmem:v8+s26+$0x0] =	vst.idx.msk vm0, v7  }
0x180: {  	v7 =	vor.u32 $0x1, v8;
	v6 =	vld.idx.msk [tilespmem:v6+s24+$0x0], vm0  }
0x181: {  	v9 =	vor.u32 $0x100, v5;
	_ =	sdelay $0x3  }
0x182: {  	[tilespmem:v7+s26+$0x0] =	vst.idx.msk vm0, v6  }
0x183: {  	v7 =	vor.u32 $0x2, v8;
	v6 =	vld.idx.msk [tilespmem:v9+s24+$0x0], vm0  }
0x184: {  	v52 =	vor.u32 $0x180, v5;
	_ =	sdelay $0x3  }
0x185: {  	[tilespmem:v7+s26+$0x0] =	vst.idx.msk vm0, v6  }
0x186: {  	v7 =	vor.u32 $0x3, v8;
	v6 =	vld.idx.msk [tilespmem:v52+s24+$0x0], vm0  }
0x187: {  	v53 =	vor.u32 $0x200, v5;
	_ =	sdelay $0x3  }
0x188: {  	[tilespmem:v7+s26+$0x0] =	vst.idx.msk vm0, v6  }
0x189: {  	v7 =	vor.u32 $0x4, v8;
	v6 =	vld.idx.msk [tilespmem:v53+s24+$0x0], vm0  }
0x18a: {  	v54 =	vor.u32 $0x280, v5;
	_ =	sdelay $0x3  }
0x18b: {  	[tilespmem:v7+s26+$0x0] =	vst.idx.msk vm0, v6  }
0x18c: {  	v7 =	vor.u32 $0x5, v8;
	v6 =	vld.idx.msk [tilespmem:v54+s24+$0x0], vm0  }
0x18d: {  	v55 =	vor.u32 $0x300, v5;
	_ =	sdelay $0x3  }
0x18e: {  	[tilespmem:v7+s26+$0x0] =	vst.idx.msk vm0, v6  }
0x18f: {  	v7 =	vor.u32 $0x6, v8;
	v6 =	vld.idx.msk [tilespmem:v55+s24+$0x0], vm0  }
0x190: {  	v56 =	vor.u32 $0x380, v5;
	_ =	sdelay $0x3  }
0x191: {  	[tilespmem:v7+s26+$0x0] =	vst.idx.msk vm0, v6  }
0x192: {  	v7 =	vor.u32 $0x7, v8;
	v6 =	vld.idx.msk [tilespmem:v56+s24+$0x0], vm0  }
0x193: {  	v57 =	vadd.s32 $0x4000, v5;
	_ =	sdelay $0x3  }
0x194: {  	[tilespmem:v7+s26+$0x0] =	vst.idx.msk vm0, v6  }
0x195: {  	v7 =	vor.u32 $0x8, v8;
	v6 =	vld.idx.msk [tilespmem:v57+s24+$0x0], vm0  }
0x196: {  	v58 =	vadd.s32 $0x4080, v5;
	_ =	sdelay $0x3  }
0x197: {  	[tilespmem:v7+s26+$0x0] =	vst.idx.msk vm0, v6  }
0x198: {  	v7 =	vor.u32 $0x9, v8;
	v6 =	vld.idx.msk [tilespmem:v58+s24+$0x0], vm0  }
0x199: {  	v59 =	vadd.s32 $0x4100, v5;
	_ =	sdelay $0x3  }
0x19a: {  	[tilespmem:v7+s26+$0x0] =	vst.idx.msk vm0, v6  }
0x19b: {  	v7 =	vor.u32 $0xA, v8;
	v6 =	vld.idx.msk [tilespmem:v59+s24+$0x0], vm0  }
0x19c: {  	v60 =	vadd.s32 $0x4180, v5;
	_ =	sdelay $0x3  }
0x19d: {  	[tilespmem:v7+s26+$0x0] =	vst.idx.msk vm0, v6  }
0x19e: {  	v7 =	vor.u32 $0xB, v8;
	v6 =	vld.idx.msk [tilespmem:v60+s24+$0x0], vm0  }
0x19f: {  	v61 =	vadd.s32 $0x4200, v5;
	_ =	sdelay $0x3  }
0x1a0: {  	[tilespmem:v7+s26+$0x0] =	vst.idx.msk vm0, v6  }
0x1a1: {  	v7 =	vor.u32 $0xC, v8;
	v6 =	vld.idx.msk [tilespmem:v61+s24+$0x0], vm0  }
0x1a2: {  	v62 =	vadd.s32 $0x4280, v5;
	_ =	sdelay $0x3  }
0x1a3: {  	[tilespmem:v7+s26+$0x0] =	vst.idx.msk vm0, v6  }
0x1a4: {  	v7 =	vor.u32 $0xD, v8;
	v6 =	vld.idx.msk [tilespmem:v62+s24+$0x0], vm0  }
0x1a5: {  	v63 =	vadd.s32 $0x4300, v5;
	_ =	sdelay $0x3  }
0x1a6: {  	[tilespmem:v7+s26+$0x0] =	vst.idx.msk vm0, v6  }
0x1a7: {  	v7 =	vor.u32 $0xE, v8;
	v6 =	vld.idx.msk [tilespmem:v63+s24+$0x0], vm0  }
0x1a8: {  	v5 =	vadd.s32 $0x4380, v5;
	_ =	sdelay $0x3  }
0x1a9: {  	p1 =	sne.s32 s9, $0x1;
	[tilespmem:v7+s26+$0x0] =	vst.idx.msk vm0, v6  }
.Ltmp16:
0x1aa: {  	v6 =	vld.idx.msk [tilespmem:v5+s24+$0x0], vm0;
	v5 =	vor.u32 $0xF, v8;
	(pc) =	sbr.rel @!p1 .LBB2_21-.Ltmp16, $2  }
0x1ab: {  	_ =	sdelay $0x2  }
0x1ac: {  	s9 =	sadd.s32 $0xFFFFFFFF, s9  }
.LBB2_20:
0x1ad: {  	[tilespmem:v5+s26+$0x0] =	vst.idx.msk vm0, v6;
	s2 =	sadd.s32 $0x10, s2;
	s8 =	sadd.s32 $0x10, s8;
	s6 =	sadd.s32 $0x10, s6  }
0x1ae: {  	p1 =	sne.s32 s9, $0x1;
	s9 =	sadd.s32 $0xFFFFFFFF, s9;
	v5 =	vld [tilespmem:s2+$0x0];
	_ =	sdelay $0x4  }
0x1af: {  	v6 =	vor.u32 s6, v3;
	v7 =	vshll.u32 v5, $0x3  }
0x1b0: {  	vm0 =	vlt.s32 v6, v4;
	v5 =	vand.u32 $0x7F, v5;
	v6 =	vand.u32 $0xFFFFFC00, v7  }
0x1b1: {  	v6 =	vor.u32 v5, v6  }
0x1b2: {  	v5 =	vld [tilespmem:s8+$0x0];
	_ =	sdelay $0x3  }
0x1b3: {  	v7 =	vld.idx.msk [tilespmem:v6+s24+$0x0], vm0  }
0x1b4: {  	v5 =	vshll.u32 v5, $0x4  }
0x1b5: {  	v8 =	vor.u32 $0x80, v6;
	_ =	sdelay $0x3  }
0x1b6: {  	[tilespmem:v5+s26+$0x0] =	vst.idx.msk vm0, v7  }
0x1b7: {  	v7 =	vld.idx.msk [tilespmem:v8+s24+$0x0], vm0  }
0x1b8: {  	v8 =	vor.u32 $0x1, v5  }
0x1b9: {  	v9 =	vor.u32 $0x100, v6;
	_ =	sdelay $0x3  }
0x1ba: {  	[tilespmem:v8+s26+$0x0] =	vst.idx.msk vm0, v7  }
0x1bb: {  	v7 =	vld.idx.msk [tilespmem:v9+s24+$0x0], vm0  }
0x1bc: {  	v8 =	vor.u32 $0x2, v5  }
0x1bd: {  	v9 =	vor.u32 $0x180, v6;
	_ =	sdelay $0x3  }
0x1be: {  	[tilespmem:v8+s26+$0x0] =	vst.idx.msk vm0, v7  }
0x1bf: {  	v7 =	vld.idx.msk [tilespmem:v9+s24+$0x0], vm0  }
0x1c0: {  	v8 =	vor.u32 $0x3, v5  }
0x1c1: {  	v9 =	vor.u32 $0x200, v6;
	_ =	sdelay $0x3  }
0x1c2: {  	[tilespmem:v8+s26+$0x0] =	vst.idx.msk vm0, v7  }
0x1c3: {  	v7 =	vld.idx.msk [tilespmem:v9+s24+$0x0], vm0  }
0x1c4: {  	v8 =	vor.u32 $0x4, v5  }
0x1c5: {  	v9 =	vor.u32 $0x280, v6;
	_ =	sdelay $0x3  }
0x1c6: {  	[tilespmem:v8+s26+$0x0] =	vst.idx.msk vm0, v7  }
0x1c7: {  	v7 =	vld.idx.msk [tilespmem:v9+s24+$0x0], vm0  }
0x1c8: {  	v8 =	vor.u32 $0x5, v5  }
0x1c9: {  	v9 =	vor.u32 $0x300, v6;
	_ =	sdelay $0x3  }
0x1ca: {  	[tilespmem:v8+s26+$0x0] =	vst.idx.msk vm0, v7  }
0x1cb: {  	v7 =	vld.idx.msk [tilespmem:v9+s24+$0x0], vm0  }
0x1cc: {  	v8 =	vor.u32 $0x6, v5  }
0x1cd: {  	v9 =	vor.u32 $0x380, v6;
	_ =	sdelay $0x3  }
0x1ce: {  	[tilespmem:v8+s26+$0x0] =	vst.idx.msk vm0, v7  }
0x1cf: {  	v7 =	vld.idx.msk [tilespmem:v9+s24+$0x0], vm0  }
0x1d0: {  	v8 =	vor.u32 $0x7, v5  }
0x1d1: {  	v9 =	vadd.s32 $0x4000, v6;
	_ =	sdelay $0x3  }
0x1d2: {  	[tilespmem:v8+s26+$0x0] =	vst.idx.msk vm0, v7  }
0x1d3: {  	v7 =	vld.idx.msk [tilespmem:v9+s24+$0x0], vm0  }
0x1d4: {  	v8 =	vor.u32 $0x8, v5  }
0x1d5: {  	v9 =	vadd.s32 $0x4080, v6;
	_ =	sdelay $0x3  }
0x1d6: {  	[tilespmem:v8+s26+$0x0] =	vst.idx.msk vm0, v7  }
0x1d7: {  	v7 =	vld.idx.msk [tilespmem:v9+s24+$0x0], vm0  }
0x1d8: {  	v8 =	vor.u32 $0x9, v5  }
0x1d9: {  	v9 =	vadd.s32 $0x4100, v6;
	_ =	sdelay $0x3  }
0x1da: {  	[tilespmem:v8+s26+$0x0] =	vst.idx.msk vm0, v7  }
0x1db: {  	v7 =	vld.idx.msk [tilespmem:v9+s24+$0x0], vm0  }
0x1dc: {  	v8 =	vor.u32 $0xA, v5  }
0x1dd: {  	v9 =	vadd.s32 $0x4180, v6;
	_ =	sdelay $0x3  }
0x1de: {  	[tilespmem:v8+s26+$0x0] =	vst.idx.msk vm0, v7  }
0x1df: {  	v7 =	vld.idx.msk [tilespmem:v9+s24+$0x0], vm0  }
0x1e0: {  	v8 =	vor.u32 $0xB, v5  }
0x1e1: {  	v9 =	vadd.s32 $0x4200, v6;
	_ =	sdelay $0x3  }
0x1e2: {  	[tilespmem:v8+s26+$0x0] =	vst.idx.msk vm0, v7  }
0x1e3: {  	v7 =	vld.idx.msk [tilespmem:v9+s24+$0x0], vm0  }
0x1e4: {  	v8 =	vor.u32 $0xC, v5  }
0x1e5: {  	v9 =	vadd.s32 $0x4280, v6;
	_ =	sdelay $0x3  }
0x1e6: {  	[tilespmem:v8+s26+$0x0] =	vst.idx.msk vm0, v7  }
0x1e7: {  	v7 =	vld.idx.msk [tilespmem:v9+s24+$0x0], vm0  }
0x1e8: {  	v8 =	vor.u32 $0xD, v5  }
0x1e9: {  	v9 =	vadd.s32 $0x4300, v6;
	_ =	sdelay $0x3  }
0x1ea: {  	[tilespmem:v8+s26+$0x0] =	vst.idx.msk vm0, v7  }
0x1eb: {  	v7 =	vld.idx.msk [tilespmem:v9+s24+$0x0], vm0  }
0x1ec: {  	v8 =	vor.u32 $0xE, v5  }
0x1ed: {  	v6 =	vadd.s32 $0x4380, v6;
	_ =	sdelay $0x1  }
.Ltmp17:
0x1ee: {  	(pc) =	sbr.rel @p1 .LBB2_20-.Ltmp17, $4  }
0x1ef: {  	_ = 	snop  }
0x1f0: {  	[tilespmem:v8+s26+$0x0] =	vst.idx.msk vm0, v7  }
0x1f1: {  	v6 =	vld.idx.msk [tilespmem:v6+s24+$0x0], vm0  }
0x1f2: {  	v5 =	vor.u32 $0xF, v5  }
.Ltmp18:
0x1f3: {  	_ = 	snop;
	(pc) =	sbr.rel .LBB2_21-.Ltmp18, $1  }
0x1f4: {  	_ =	sdelay $0x3  }
.LBB2_23:
0x1f5: {  	_ =	swait.ge [sflag:s21], $0x8000  }
0x1f6: {  	[sflag:s21] =	ssyncset.done $0x0  }
0x1f7: {  	s1 =	simm.s32 $0x0;
	s2 =	rddreg [dreg:$0x8];
	[sflag:s21] =	ssyncadd.s32 $0xFFFF8000  }
0x1f8: {  	[hbm4b:s2+s1] =	stream.linear.scatter [tilespmem:s26], [sflag:$0x3], $0x6000, $0x38;
	[tilespmem:$0x1BA00] =	vst v63  }
0x1f9: {  	_ =	swait.ge [sflag:s20], $0x6000  }
0x1fa: {  	[sflag:s20] =	ssyncset.done $0x0  }
0x1fb: {  	s4 =	simm.s32 $0x14680;
	s31 =	rddreg [dreg:$0x9];
	[sflag:s20] =	ssyncadd.s32 $0xFFFFA000  }
0x1fc: {  	[hbm4b:s31+s1] =	stream.linear.scatter [tilespmem:s4], [sflag:$0x3], $0x600, $0x38;
	[tilespmem:$0x1BA00] =	vst v63  }
0x1fd: {  	_ =	swait.ge [sflag:s20], $0x600  }
0x1fe: {  	[sflag:s20] =	ssyncset.done $0x0  }
0x1ff: {  	s2 =	simm.s32 $0x0;
	s1 =	simm.s32 $0x40;
	[sflag:s20] =	ssyncadd.s32 $0xFFFFFA00  }
.LBB2_24:
0x200: {  	p0 =	sne.s32 s1, $0x18C0;
	[tilespmem:s2+$0x14680] =	vst v2;
	s4 =	smov.u32 s1;
	s1 =	sadd.s32 $0x40, s1  }
.Ltmp19:
0x201: {  	[tilespmem:s2+$0x14000] =	vst v2;
	(pc) =	sbr.rel @p0 .LBB2_24-.Ltmp19, $2  }
0x202: {  	_ =	sdelay $0x2  }
0x203: {  	s2 =	sshra.s32 s4, $0x2  }
0x204: {  	[tilespmem:s2+$0x14680] =	vst v2  }
0x205: {  	[tilespmem:s2+$0x14000] =	vst v2;
	s13 =	simm.s32 $0x0;
	s1 =	rddreg [dreg:$0x1]  }
0x206: {  	[tilespmem:s13], [sflag:$0x3] =	stream.linear.gather [hbm4b:s1+s13], $0x4000, $0x38;
	[tilespmem:$0x1BA00] =	vst v63  }
0x207: {  	_ =	swait.ge [sflag:s20], $0x4000  }
0x208: {  	[sflag:s20] =	ssyncset.done $0x0  }
0x209: {  	s1 =	simm.s32 $0x20;
	[sflag:s20] =	ssyncadd.s32 $0xFFFFC000  }
0x20a: {  	v5 =	vld [tilespmem:s1+$0xFFFFFFE0];
	_ =	sdelay $0x4  }
0x20b: {  	vm0 =	vge.s32 v5, v0;
	vm1 =	vlt.s32 v5, v1  }
0x20c: {  	vm0 =	vmand vm0, vm1  }
0x20d: {  	v4 =	vmpcnt.ones.xlane vm0;
	_ =	sdelay $0x1  }
0x20e: {  	v6 =	vld [tilespmem:s1+$0xFFFFFFF0];
	(v2sf) =	vpush v4, $0x0  }
0x20f: {  	v7 =	vld [tilespmem:s1+$0x0];
	_ =	sdelay $0x3  }
0x210: {  	vm2 =	vlt.s32 v6, v1;
	vm1 =	vge.s32 v6, v0  }
0x211: {  	vm3 =	vlt.s32 v7, v1;
	vm1 =	vmand vm1, vm2;
	vm2 =	vge.s32 v7, v0  }
0x212: {  	v8 =	vmpcnt.ones.xlane vm1;
	vm2 =	vmand vm2, vm3  }
0x213: {  	v4 =	vmpcnt.ones.xlane vm2  }
0x214: {  	(v2sf) =	vpush v8, $0x0  }
0x215: {  	(v2sf) =	vpush v4, $0x0;
	v4 =	vld [tilespmem:s1+$0x10];
	_ =	sdelay $0x4  }
0x216: {  	[tilespmem:s13+$0x14000] =	vst.msk vm0, v5;
	v5 =	vor.u32 s13, v3;
	vm3 =	vge.s32 v4, v0;
	vm4 =	vlt.s32 v4, v1;
	s4 =	spop (v2sf)  }
0x217: {  	[tilespmem:s13+$0x14680] =	vst.msk vm0, v5;
	vm0 =	vmand vm3, vm4;
	s14 =	sadd.s32 $0x0, s4  }
0x218: {  	[tilespmem:s14+$0x14000] =	vst.msk vm1, v6;
	v6 =	vmpcnt.ones.xlane vm0;
	_ =	sdelay $0x1  }
0x219: {  	(v2sf) =	vpush v6, $0x0;
	_ =	sdelay $0x9  }
0x21a: {  	s6 =	simm.s32 $0x10  }
0x21b: {  	v5 =	vor.u32 s6, v3;
	s29 =	spop (v2sf)  }
0x21c: {  	s31 =	simm.s32 $0x20;
	s4 =	sadd.s32 s14, s29;
	[tilespmem:s14+$0x14680] =	vst.msk vm1, v5  }
0x21d: {  	s8 =	spop (v2sf);
	v5 =	vor.u32 s31, v3;
	[tilespmem:s4+$0x14000] =	vst.msk vm2, v7  }
0x21e: {  	s2 =	simm.s32 $0x40;
	s6 =	simm.s32 $0x30;
	[tilespmem:s4+$0x14680] =	vst.msk vm2, v5;
	s4 =	sadd.s32 s4, s8  }
.LBB2_26:
0x21f: {  	p0 =	sne.s32 s2, $0x3FC0;
	[tilespmem:s4+$0x14000] =	vst.msk vm0, v4;
	v4 =	vor.u32 s6, v3;
	s1 =	sadd.s32 $0x40, s1;
	s6 =	spop (v2sf)  }
0x220: {  	[tilespmem:s4+$0x14680] =	vst.msk vm0, v4;
	s6 =	sadd.s32 s4, s6;
	s4 =	smov.u32 s2;
	s2 =	sadd.s32 $0x40, s2  }
0x221: {  	v5 =	vld [tilespmem:s1+$0xFFFFFFE0]  }
0x222: {  	v6 =	vld [tilespmem:s1+$0xFFFFFFF0];
	_ =	sdelay $0x1  }
0x223: {  	v7 =	vld [tilespmem:s1+$0x0];
	_ =	sdelay $0x1  }
0x224: {  	vm0 =	vge.s32 v5, v0;
	vm1 =	vlt.s32 v5, v1;
	v4 =	vld [tilespmem:s1+$0x10]  }
0x225: {  	vm3 =	vmand vm0, vm1;
	vm0 =	vge.s32 v6, v0;
	vm1 =	vlt.s32 v6, v1  }
0x226: {  	v8 =	vmpcnt.ones.xlane vm3;
	vm1 =	vmand vm0, vm1  }
0x227: {  	v9 =	vmpcnt.ones.xlane vm1;
	vm0 =	vge.s32 v7, v0  }
0x228: {  	vm2 =	vlt.s32 v7, v1;
	(v2sf) =	vpush v8, $0x0  }
0x229: {  	vm2 =	vmand vm0, vm2;
	vm0 =	vge.s32 v4, v0;
	(v2sf) =	vpush v9, $0x0  }
0x22a: {  	v8 =	vmpcnt.ones.xlane vm2;
	vm4 =	vlt.s32 v4, v1  }
0x22b: {  	vm0 =	vmand vm0, vm4  }
0x22c: {  	v9 =	vmpcnt.ones.xlane vm0;
	(v2sf) =	vpush v8, $0x0;
	_ =	sdelay $0x1  }
0x22d: {  	(v2sf) =	vpush v9, $0x0;
	_ =	sdelay $0x8  }
0x22e: {  	s8 =	sadd.s32 $0x10, s4;
	[tilespmem:s6+$0x14000] =	vst.msk vm3, v5;
	v5 =	vor.u32 s4, v3;
	s9 =	spop (v2sf)  }
.Ltmp20:
0x22f: {  	[tilespmem:s6+$0x14680] =	vst.msk vm3, v5;
	s6 =	sadd.s32 s6, s9;
	v5 =	vor.u32 s8, v3;
	s8 =	spop (v2sf);
	(pc) =	sbr.rel @p0 .LBB2_26-.Ltmp20, $4  }
0x230: {  	[tilespmem:s6+$0x14000] =	vst.msk vm1, v6;
	s8 =	sadd.s32 s6, s8  }
0x231: {  	s9 =	sadd.s32 $0x20, s4;
	[tilespmem:s6+$0x14680] =	vst.msk vm1, v5  }
0x232: {  	v5 =	vor.u32 s9, v3;
	[tilespmem:s8+$0x14000] =	vst.msk vm2, v7;
	s9 =	spop (v2sf)  }
0x233: {  	s6 =	sadd.s32 $0x30, s4;
	[tilespmem:s8+$0x14680] =	vst.msk vm2, v5;
	s4 =	sadd.s32 s8, s9  }
0x234: {  	s1 =	spop (v2sf)  }
0x235: {  	v5 =	vor.u32 s6, v3;
	[tilespmem:s4+$0x14000] =	vst.msk vm0, v4;
	s1 =	sadd.s32 s4, s1  }
0x236: {  	s31 =	simm.s32 $0x0;
	[tilespmem:s4+$0x14680] =	vst.msk vm0, v5;
	s1 =	sadd.s32 $0x3F, s1  }
0x237: {  	[tilespmem:s22], [sflag:$0x1] =	stream.linear.gather [hbm4b:s15+s31], $0x4000, $0x38;
	[tilespmem:$0x1BA00] =	vst v63  }
0x238: {  	s8 =	sand.u32 $0x3F, s1  }
0x239: {  	s2 =	sshra.s32 s1, $0x1F;
	p1 =	slt.s32 s1, $0x1;
	p0 =	sne.s32 s8, $0x0  }
0x23a: {  	[tilespmem:s23], [sflag:$0x1] =	stream.linear.gather [hbm4b:s16+s31], $0x4000, $0x38;
	[tilespmem:$0x1BA00] =	vst v63  }
.Ltmp21:
0x23b: {  	s2 =	sshrl.u32 s2, $0x1A;
	p0 =	por !p1, !p0;
	(pc) =	sbr.rel .LBB2_28-.Ltmp21, $4  }
0x23c: {  	s1 =	sadd.s32 s2, s1;
	s2 =	simm.s32 $0x1;
	p0 =	por !p0, !p0  }
0x23d: {  	s1 =	sshra.s32 s1, $0x6;
	s2 =	simm.s32 @!p0 $0x0  }
0x23e: {  	s4 =	ssub.s32 s1, s2  }
0x23f: {  	s1 =	simm.s32 $0x0;
	p0 =	slt.s32 s4, $0x1  }
.LBB2_43:
0x240: {  	_ =	sdelay $0x4  }
0x241: {  	[tilespmem:v5+s26+$0x0] =	vst.idx.msk vm0, v6  }
.LBB2_44:
0x242: {  	s1 =	sadd.s32 $0x1, s1  }
0x243: {  	p1 =	sne.s32 s1, $0x8  }
.Ltmp22:
0x244: {  	_ = 	snop;
	(pc) =	sbr.rel @!p1 .LBB2_45-.Ltmp22, $1  }
0x245: {  	_ =	sdelay $0x3  }
.LBB2_28:
0x246: {  	s2 =	sshll.u32 s1, $0x5  }
0x247: {  	s6 =	sadd.s32 s2, s11  }
0x248: {  	s8 =	smov.u32 s0;
	p1 =	slt.s32 s6, s0  }
0x249: {  	s8 =	smov.u32 @p1 s6  }
0x24a: {  	s6 =	sshll.u32 s8, $0xA  }
0x24b: {  	s9 =	sshrl.u32 s6, $0x3;
	s6 =	sadd.s32 $0x7A1400, s6  }
0x24c: {  	s9 =	sadd.s32 s5, s9;
	s6 =	sshrl.u32 s6, $0x3  }
0x24d: {  	[tilespmem:s24], [sflag:$0x2] =	stream.linear.gather [hbm4b:s9+s31], $0x4000, $0x38;
	[tilespmem:$0x1BA00] =	vst v63  }
.Ltmp23:
0x24e: {  	s6 =	sadd.s32 s5, s6;
	(pc) =	sbr.rel @p0 .LBB2_32-.Ltmp23, $4  }
0x24f: {  	[tilespmem:s25], [sflag:$0x2] =	stream.linear.gather [hbm4b:s6+s31], $0x4000, $0x38;
	[tilespmem:$0x1BA00] =	vst v63  }
0x250: {  	_ =	swait.ge [sflag:s21], $0x8000  }
0x251: {  	[sflag:s21] =	ssyncset.done $0x0  }
0x252: {  	s9 =	simm.s32 $0x0;
	[sflag:s21] =	ssyncadd.s32 $0xFFFF8000  }
0x253: {  	s9 =	sadd.s32 s7, s2;
	s6 =	simm.s32 $0x14020  }
0x254: {  	s10 =	smov.u32 s0;
	p1 =	slt.s32 s9, s0;
	v6 =	vld [tilespmem:s6+$0xFFFFFFE0]  }
0x255: {  	s10 =	smov.u32 @p1 s9  }
0x256: {  	s9 =	sshll.u32 s10, $0x7  }
0x257: {  	s10 =	sadd.s32 $0x800, s9  }
0x258: {  	v4 =	vmov s9;
	v5 =	vmov s10  }
0x259: {  	vm0 =	vge.s32 v6, v4;
	vm1 =	vlt.s32 v6, v5  }
0x25a: {  	vm0 =	vmand vm0, vm1  }
0x25b: {  	v9 =	vmpcnt.ones.xlane vm0;
	_ =	sdelay $0x1  }
0x25c: {  	(v2sf) =	vpush v9, $0x0;
	_ =	sdelay $0x5  }
0x25d: {  	v7 =	vld [tilespmem:s6+$0xFFFFFFF0]  }
0x25e: {  	v8 =	vld [tilespmem:s6+$0x0];
	_ =	sdelay $0x1  }
0x25f: {  	v63 =	vld [tilespmem:s6+$0x10];
	_ =	sdelay $0x1  }
0x260: {  	vm2 =	vlt.s32 v7, v5;
	vm1 =	vge.s32 v7, v4  }
0x261: {  	vm3 =	vlt.s32 v8, v5;
	vm2 =	vmand vm1, vm2  }
0x262: {  	s9 =	simm.s32 $0x0;
	v6 =	vsub.s32 v6, v4;
	vm1 =	vge.s32 v8, v4;
	v10 =	vmpcnt.ones.xlane vm2  }
0x263: {  	vm4 =	vlt.s32 v63, v5;
	[tilespmem:s9+$0x14D00] =	vst.msk vm0, v6;
	v6 =	vor.u32 s9, v3;
	vm1 =	vmand vm1, vm3  }
0x264: {  	vm3 =	vge.s32 v63, v4;
	v62 =	vmpcnt.ones.xlane vm1;
	(v2sf) =	vpush v10, $0x0;
	s14 =	spop (v2sf)  }
0x265: {  	v7 =	vsub.s32 v7, v4;
	[tilespmem:s9+$0x15380] =	vst.msk vm0, v6;
	vm0 =	vmand vm3, vm4;
	s10 =	sadd.s32 $0x0, s14  }
0x266: {  	(v2sf) =	vpush v62, $0x0;
	[tilespmem:s10+$0x14D00] =	vst.msk vm2, v7;
	v7 =	vmpcnt.ones.xlane vm0;
	_ =	sdelay $0x1  }
0x267: {  	(v2sf) =	vpush v7, $0x0;
	_ =	sdelay $0x8  }
0x268: {  	p1 =	sne.s32 s4, $0x1  }
.Ltmp24:
0x269: {  	s13 =	simm.s32 $0x10;
	(pc) =	sbr.rel @!p1 .LBB2_31-.Ltmp24, $4  }
0x26a: {  	v6 =	vor.u32 s13, v3;
	s14 =	spop (v2sf)  }
0x26b: {  	v8 =	vsub.s32 v8, v4;
	s13 =	simm.s32 $0x20;
	s14 =	sadd.s32 s10, s14;
	[tilespmem:s10+$0x15380] =	vst.msk vm2, v6  }
0x26c: {  	s29 =	spop (v2sf);
	[tilespmem:s14+$0x14D00] =	vst.msk vm1, v8;
	v8 =	vor.u32 s13, v3  }
0x26d: {  	s10 =	sadd.s32 $0xFFFFFFFF, s4;
	v6 =	vsub.s32 v63, v4;
	s29 =	sadd.s32 s14, s29;
	s13 =	simm.s32 $0x30;
	[tilespmem:s14+$0x15380] =	vst.msk vm1, v8  }
.LBB2_30:
0x26e: {  	[tilespmem:s29+$0x14D00] =	vst.msk vm0, v6;
	v6 =	vor.u32 s13, v3;
	s9 =	sadd.s32 $0x40, s9;
	s6 =	sadd.s32 $0x40, s6;
	s13 =	spop (v2sf)  }
0x26f: {  	p1 =	sne.s32 s10, $0x1;
	s10 =	sadd.s32 $0xFFFFFFFF, s10;
	[tilespmem:s29+$0x15380] =	vst.msk vm0, v6;
	s13 =	sadd.s32 s29, s13  }
0x270: {  	v6 =	vld [tilespmem:s6+$0xFFFFFFE0]  }
0x271: {  	v7 =	vld [tilespmem:s6+$0xFFFFFFF0];
	_ =	sdelay $0x1  }
0x272: {  	v8 =	vld [tilespmem:s6+$0x0];
	_ =	sdelay $0x1  }
0x273: {  	vm0 =	vge.s32 v6, v4;
	vm1 =	vlt.s32 v6, v5;
	v9 =	vld [tilespmem:s6+$0x10]  }
0x274: {  	vm3 =	vmand vm0, vm1;
	vm0 =	vge.s32 v7, v4;
	vm1 =	vlt.s32 v7, v5  }
0x275: {  	v10 =	vmpcnt.ones.xlane vm3;
	vm1 =	vmand vm0, vm1  }
0x276: {  	v11 =	vmpcnt.ones.xlane vm1;
	vm0 =	vge.s32 v8, v4  }
0x277: {  	vm2 =	vlt.s32 v8, v5;
	(v2sf) =	vpush v10, $0x0  }
0x278: {  	vm2 =	vmand vm0, vm2;
	vm0 =	vge.s32 v9, v4;
	(v2sf) =	vpush v11, $0x0  }
0x279: {  	v10 =	vmpcnt.ones.xlane vm2;
	vm4 =	vlt.s32 v9, v5  }
0x27a: {  	vm0 =	vmand vm0, vm4  }
0x27b: {  	v11 =	vmpcnt.ones.xlane vm0;
	(v2sf) =	vpush v10, $0x0;
	_ =	sdelay $0x1  }
0x27c: {  	(v2sf) =	vpush v11, $0x0;
	_ =	sdelay $0x7  }
0x27d: {  	v6 =	vsub.s32 v6, v4  }
0x27e: {  	s14 =	sadd.s32 $0x10, s9;
	v7 =	vsub.s32 v7, v4;
	[tilespmem:s13+$0x14D00] =	vst.msk vm3, v6;
	v6 =	vor.u32 s9, v3;
	s29 =	spop (v2sf)  }
.Ltmp25:
0x27f: {  	[tilespmem:s13+$0x15380] =	vst.msk vm3, v6;
	s13 =	sadd.s32 s13, s29;
	v6 =	vor.u32 s14, v3;
	s14 =	spop (v2sf);
	(pc) =	sbr.rel @p1 .LBB2_30-.Ltmp25, $4  }
0x280: {  	[tilespmem:s13+$0x14D00] =	vst.msk vm1, v7;
	s14 =	sadd.s32 s13, s14  }
0x281: {  	s29 =	sadd.s32 $0x20, s9;
	v7 =	vsub.s32 v8, v4;
	[tilespmem:s13+$0x15380] =	vst.msk vm1, v6  }
0x282: {  	[tilespmem:s14+$0x14D00] =	vst.msk vm2, v7;
	v7 =	vor.u32 s29, v3;
	s29 =	spop (v2sf)  }
0x283: {  	s13 =	sadd.s32 $0x30, s9;
	v6 =	vsub.s32 v9, v4;
	[tilespmem:s14+$0x15380] =	vst.msk vm2, v7;
	s29 =	sadd.s32 s14, s29  }
.LBB2_31:
0x284: {  	[tilespmem:s29+$0x14D00] =	vst.msk vm0, v6;
	v4 =	vor.u32 s13, v3;
	s6 =	spop (v2sf)  }
0x285: {  	[tilespmem:s29+$0x15380] =	vst.msk vm0, v4;
	s9 =	sadd.s32 s29, s6  }
.LBB2_32:
0x286: {  	s6 =	sadd.s32 $0xF, s9  }
0x287: {  	s10 =	sand.u32 $0xF, s6  }
0x288: {  	s13 =	sshra.s32 s6, $0x1F;
	p1 =	slt.s32 s6, $0x1;
	p2 =	sne.s32 s10, $0x0  }
0x289: {  	s29 =	sshrl.u32 s13, $0x1C;
	p1 =	por !p1, !p2  }
0x28a: {  	s10 =	simm.s32 $0x1;
	s6 =	sadd.s32 s29, s6;
	p1 =	por !p1, !p1  }
0x28b: {  	s6 =	sshra.s32 s6, $0x4;
	s10 =	simm.s32 @!p1 $0x0  }
0x28c: {  	s10 =	ssub.s32 s6, s10  }
0x28d: {  	p1 =	slt.s32 s10, $0x1  }
.Ltmp26:
0x28e: {  	_ = 	snop;
	(pc) =	sbr.rel @p1 .LBB2_36-.Ltmp26, $1  }
0x28f: {  	_ =	sdelay $0x3  }
0x290: {  	s6 =	simm.s32 $0x14D00  }
0x291: {  	v5 =	vld [tilespmem:s6+$0x0];
	_ =	sdelay $0x3  }
0x292: {  	s29 =	simm.s32 $0x0  }
0x293: {  	v4 =	vmov s9;
	v6 =	vor.u32 s29, v3;
	v7 =	vshll.u32 v5, $0x3  }
0x294: {  	s9 =	simm.s32 $0x15380;
	vm0 =	vlt.s32 v6, v4;
	v5 =	vand.u32 $0x7F, v5;
	v6 =	vand.u32 $0xFFFFFC00, v7  }
0x295: {  	v5 =	vor.u32 v5, v6;
	v6 =	vld [tilespmem:s9+$0x0];
	_ =	sdelay $0x4  }
0x296: {  	v7 =	vld.idx.msk [tilespmem:v5+s22+$0x0], vm0;
	v8 =	vshll.u32 v6, $0x4  }
0x297: {  	v6 =	vor.u32 $0x80, v5;
	_ =	sdelay $0x3  }
0x298: {  	[tilespmem:v8+s26+$0x0] =	vst.idx.msk vm0, v7  }
0x299: {  	v7 =	vor.u32 $0x1, v8;
	v6 =	vld.idx.msk [tilespmem:v6+s22+$0x0], vm0  }
0x29a: {  	v9 =	vor.u32 $0x100, v5;
	_ =	sdelay $0x3  }
0x29b: {  	[tilespmem:v7+s26+$0x0] =	vst.idx.msk vm0, v6  }
0x29c: {  	v7 =	vor.u32 $0x2, v8;
	v6 =	vld.idx.msk [tilespmem:v9+s22+$0x0], vm0  }
0x29d: {  	v52 =	vor.u32 $0x180, v5;
	_ =	sdelay $0x3  }
0x29e: {  	[tilespmem:v7+s26+$0x0] =	vst.idx.msk vm0, v6  }
0x29f: {  	v7 =	vor.u32 $0x3, v8;
	v6 =	vld.idx.msk [tilespmem:v52+s22+$0x0], vm0  }
0x2a0: {  	v53 =	vor.u32 $0x200, v5;
	_ =	sdelay $0x3  }
0x2a1: {  	[tilespmem:v7+s26+$0x0] =	vst.idx.msk vm0, v6  }
0x2a2: {  	v7 =	vor.u32 $0x4, v8;
	v6 =	vld.idx.msk [tilespmem:v53+s22+$0x0], vm0  }
0x2a3: {  	v54 =	vor.u32 $0x280, v5;
	_ =	sdelay $0x3  }
0x2a4: {  	[tilespmem:v7+s26+$0x0] =	vst.idx.msk vm0, v6  }
0x2a5: {  	v7 =	vor.u32 $0x5, v8;
	v6 =	vld.idx.msk [tilespmem:v54+s22+$0x0], vm0  }
0x2a6: {  	v55 =	vor.u32 $0x300, v5;
	_ =	sdelay $0x3  }
0x2a7: {  	[tilespmem:v7+s26+$0x0] =	vst.idx.msk vm0, v6  }
0x2a8: {  	v7 =	vor.u32 $0x6, v8;
	v6 =	vld.idx.msk [tilespmem:v55+s22+$0x0], vm0  }
0x2a9: {  	v56 =	vor.u32 $0x380, v5;
	_ =	sdelay $0x3  }
0x2aa: {  	[tilespmem:v7+s26+$0x0] =	vst.idx.msk vm0, v6  }
0x2ab: {  	v7 =	vor.u32 $0x7, v8;
	v6 =	vld.idx.msk [tilespmem:v56+s22+$0x0], vm0  }
0x2ac: {  	v57 =	vadd.s32 $0x4000, v5;
	_ =	sdelay $0x3  }
0x2ad: {  	[tilespmem:v7+s26+$0x0] =	vst.idx.msk vm0, v6  }
0x2ae: {  	v7 =	vor.u32 $0x8, v8;
	v6 =	vld.idx.msk [tilespmem:v57+s22+$0x0], vm0  }
0x2af: {  	v58 =	vadd.s32 $0x4080, v5;
	_ =	sdelay $0x3  }
0x2b0: {  	[tilespmem:v7+s26+$0x0] =	vst.idx.msk vm0, v6  }
0x2b1: {  	v7 =	vor.u32 $0x9, v8;
	v6 =	vld.idx.msk [tilespmem:v58+s22+$0x0], vm0  }
0x2b2: {  	v59 =	vadd.s32 $0x4100, v5;
	_ =	sdelay $0x3  }
0x2b3: {  	[tilespmem:v7+s26+$0x0] =	vst.idx.msk vm0, v6  }
0x2b4: {  	v7 =	vor.u32 $0xA, v8;
	v6 =	vld.idx.msk [tilespmem:v59+s22+$0x0], vm0  }
0x2b5: {  	v60 =	vadd.s32 $0x4180, v5;
	_ =	sdelay $0x3  }
0x2b6: {  	[tilespmem:v7+s26+$0x0] =	vst.idx.msk vm0, v6  }
0x2b7: {  	v7 =	vor.u32 $0xB, v8;
	v6 =	vld.idx.msk [tilespmem:v60+s22+$0x0], vm0  }
0x2b8: {  	v61 =	vadd.s32 $0x4200, v5;
	_ =	sdelay $0x3  }
0x2b9: {  	[tilespmem:v7+s26+$0x0] =	vst.idx.msk vm0, v6  }
0x2ba: {  	v7 =	vor.u32 $0xC, v8;
	v6 =	vld.idx.msk [tilespmem:v61+s22+$0x0], vm0  }
0x2bb: {  	v62 =	vadd.s32 $0x4280, v5;
	_ =	sdelay $0x3  }
0x2bc: {  	[tilespmem:v7+s26+$0x0] =	vst.idx.msk vm0, v6  }
0x2bd: {  	v7 =	vor.u32 $0xD, v8;
	v6 =	vld.idx.msk [tilespmem:v62+s22+$0x0], vm0  }
0x2be: {  	v63 =	vadd.s32 $0x4300, v5;
	_ =	sdelay $0x3  }
0x2bf: {  	[tilespmem:v7+s26+$0x0] =	vst.idx.msk vm0, v6  }
0x2c0: {  	v7 =	vor.u32 $0xE, v8;
	v6 =	vld.idx.msk [tilespmem:v63+s22+$0x0], vm0  }
0x2c1: {  	p1 =	sne.s32 s10, $0x1;
	v5 =	vadd.s32 $0x4380, v5  }
.Ltmp27:
0x2c2: {  	_ = 	snop;
	(pc) =	sbr.rel @!p1 .LBB2_35-.Ltmp27, $3  }
0x2c3: {  	_ =	sdelay $0x1  }
0x2c4: {  	[tilespmem:v7+s26+$0x0] =	vst.idx.msk vm0, v6  }
0x2c5: {  	s10 =	sadd.s32 $0xFFFFFFFF, s10;
	v6 =	vld.idx.msk [tilespmem:v5+s22+$0x0], vm0;
	v5 =	vor.u32 $0xF, v8  }
.LBB2_34:
0x2c6: {  	_ =	sdelay $0x3  }
0x2c7: {  	s6 =	sadd.s32 $0x10, s6;
	s9 =	sadd.s32 $0x10, s9;
	s29 =	sadd.s32 $0x10, s29;
	[tilespmem:v5+s26+$0x0] =	vst.idx.msk vm0, v6  }
0x2c8: {  	p1 =	sne.s32 s10, $0x1;
	s10 =	sadd.s32 $0xFFFFFFFF, s10;
	v5 =	vld [tilespmem:s6+$0x0];
	_ =	sdelay $0x4  }
0x2c9: {  	v6 =	vor.u32 s29, v3;
	v7 =	vshll.u32 v5, $0x3  }
0x2ca: {  	vm0 =	vlt.s32 v6, v4;
	v5 =	vand.u32 $0x7F, v5;
	v6 =	vand.u32 $0xFFFFFC00, v7  }
0x2cb: {  	v6 =	vor.u32 v5, v6  }
0x2cc: {  	v5 =	vld [tilespmem:s9+$0x0];
	_ =	sdelay $0x3  }
0x2cd: {  	v7 =	vld.idx.msk [tilespmem:v6+s22+$0x0], vm0  }
0x2ce: {  	v5 =	vshll.u32 v5, $0x4  }
0x2cf: {  	v8 =	vor.u32 $0x80, v6;
	_ =	sdelay $0x3  }
0x2d0: {  	[tilespmem:v5+s26+$0x0] =	vst.idx.msk vm0, v7  }
0x2d1: {  	v7 =	vld.idx.msk [tilespmem:v8+s22+$0x0], vm0  }
0x2d2: {  	v8 =	vor.u32 $0x1, v5  }
0x2d3: {  	v9 =	vor.u32 $0x100, v6;
	_ =	sdelay $0x3  }
0x2d4: {  	[tilespmem:v8+s26+$0x0] =	vst.idx.msk vm0, v7  }
0x2d5: {  	v7 =	vld.idx.msk [tilespmem:v9+s22+$0x0], vm0  }
0x2d6: {  	v8 =	vor.u32 $0x2, v5  }
0x2d7: {  	v9 =	vor.u32 $0x180, v6;
	_ =	sdelay $0x3  }
0x2d8: {  	[tilespmem:v8+s26+$0x0] =	vst.idx.msk vm0, v7  }
0x2d9: {  	v7 =	vld.idx.msk [tilespmem:v9+s22+$0x0], vm0  }
0x2da: {  	v8 =	vor.u32 $0x3, v5  }
0x2db: {  	v9 =	vor.u32 $0x200, v6;
	_ =	sdelay $0x3  }
0x2dc: {  	[tilespmem:v8+s26+$0x0] =	vst.idx.msk vm0, v7  }
0x2dd: {  	v7 =	vld.idx.msk [tilespmem:v9+s22+$0x0], vm0  }
0x2de: {  	v8 =	vor.u32 $0x4, v5  }
0x2df: {  	v9 =	vor.u32 $0x280, v6;
	_ =	sdelay $0x3  }
0x2e0: {  	[tilespmem:v8+s26+$0x0] =	vst.idx.msk vm0, v7  }
0x2e1: {  	v7 =	vld.idx.msk [tilespmem:v9+s22+$0x0], vm0  }
0x2e2: {  	v8 =	vor.u32 $0x5, v5  }
0x2e3: {  	v9 =	vor.u32 $0x300, v6;
	_ =	sdelay $0x3  }
0x2e4: {  	[tilespmem:v8+s26+$0x0] =	vst.idx.msk vm0, v7  }
0x2e5: {  	v7 =	vld.idx.msk [tilespmem:v9+s22+$0x0], vm0  }
0x2e6: {  	v8 =	vor.u32 $0x6, v5  }
0x2e7: {  	v9 =	vor.u32 $0x380, v6;
	_ =	sdelay $0x3  }
0x2e8: {  	[tilespmem:v8+s26+$0x0] =	vst.idx.msk vm0, v7  }
0x2e9: {  	v7 =	vld.idx.msk [tilespmem:v9+s22+$0x0], vm0  }
0x2ea: {  	v8 =	vor.u32 $0x7, v5  }
0x2eb: {  	v9 =	vadd.s32 $0x4000, v6;
	_ =	sdelay $0x3  }
0x2ec: {  	[tilespmem:v8+s26+$0x0] =	vst.idx.msk vm0, v7  }
0x2ed: {  	v7 =	vld.idx.msk [tilespmem:v9+s22+$0x0], vm0  }
0x2ee: {  	v8 =	vor.u32 $0x8, v5  }
0x2ef: {  	v9 =	vadd.s32 $0x4080, v6;
	_ =	sdelay $0x3  }
0x2f0: {  	[tilespmem:v8+s26+$0x0] =	vst.idx.msk vm0, v7  }
0x2f1: {  	v7 =	vld.idx.msk [tilespmem:v9+s22+$0x0], vm0  }
0x2f2: {  	v8 =	vor.u32 $0x9, v5  }
0x2f3: {  	v9 =	vadd.s32 $0x4100, v6;
	_ =	sdelay $0x3  }
0x2f4: {  	[tilespmem:v8+s26+$0x0] =	vst.idx.msk vm0, v7  }
0x2f5: {  	v7 =	vld.idx.msk [tilespmem:v9+s22+$0x0], vm0  }
0x2f6: {  	v8 =	vor.u32 $0xA, v5  }
0x2f7: {  	v9 =	vadd.s32 $0x4180, v6;
	_ =	sdelay $0x3  }
0x2f8: {  	[tilespmem:v8+s26+$0x0] =	vst.idx.msk vm0, v7  }
0x2f9: {  	v7 =	vld.idx.msk [tilespmem:v9+s22+$0x0], vm0  }
0x2fa: {  	v8 =	vor.u32 $0xB, v5  }
0x2fb: {  	v9 =	vadd.s32 $0x4200, v6;
	_ =	sdelay $0x3  }
0x2fc: {  	[tilespmem:v8+s26+$0x0] =	vst.idx.msk vm0, v7  }
0x2fd: {  	v7 =	vld.idx.msk [tilespmem:v9+s22+$0x0], vm0  }
0x2fe: {  	v8 =	vor.u32 $0xC, v5  }
0x2ff: {  	v9 =	vadd.s32 $0x4280, v6;
	_ =	sdelay $0x3  }
0x300: {  	[tilespmem:v8+s26+$0x0] =	vst.idx.msk vm0, v7  }
0x301: {  	v7 =	vld.idx.msk [tilespmem:v9+s22+$0x0], vm0  }
0x302: {  	v8 =	vor.u32 $0xD, v5  }
0x303: {  	v9 =	vadd.s32 $0x4300, v6;
	_ =	sdelay $0x3  }
0x304: {  	[tilespmem:v8+s26+$0x0] =	vst.idx.msk vm0, v7  }
0x305: {  	v7 =	vld.idx.msk [tilespmem:v9+s22+$0x0], vm0  }
0x306: {  	v8 =	vor.u32 $0xE, v5  }
0x307: {  	v6 =	vadd.s32 $0x4380, v6;
	_ =	sdelay $0x1  }
.Ltmp28:
0x308: {  	(pc) =	sbr.rel @p1 .LBB2_34-.Ltmp28, $4  }
0x309: {  	_ = 	snop  }
0x30a: {  	[tilespmem:v8+s26+$0x0] =	vst.idx.msk vm0, v7  }
0x30b: {  	v6 =	vld.idx.msk [tilespmem:v6+s22+$0x0], vm0  }
0x30c: {  	v5 =	vor.u32 $0xF, v5  }
.LBB2_35:
0x30d: {  	_ =	sdelay $0x4  }
0x30e: {  	[tilespmem:v5+s26+$0x0] =	vst.idx.msk vm0, v6  }
.LBB2_36:
0x30f: {  	s2 =	sadd.s32 s2, s12  }
0x310: {  	s6 =	smov.u32 s0;
	p1 =	slt.s32 s2, s0  }
0x311: {  	s6 =	smov.u32 @p1 s2  }
0x312: {  	s2 =	sshll.u32 s6, $0xA  }
0x313: {  	s6 =	sshrl.u32 s2, $0x3;
	s2 =	sadd.s32 $0x7A1400, s2  }
0x314: {  	s10 =	simm.s32 $0x0;
	s6 =	sadd.s32 s5, s6;
	s2 =	sshrl.u32 s2, $0x3  }
0x315: {  	[tilespmem:s22], [sflag:$0x1] =	stream.linear.gather [hbm4b:s6+s10], $0x4000, $0x38;
	[tilespmem:$0x1BA00] =	vst v63  }
.Ltmp29:
0x316: {  	s2 =	sadd.s32 s5, s2;
	(pc) =	sbr.rel @p0 .LBB2_40-.Ltmp29, $4  }
0x317: {  	[tilespmem:s23], [sflag:$0x1] =	stream.linear.gather [hbm4b:s2+s10], $0x4000, $0x38;
	[tilespmem:$0x1BA00] =	vst v63  }
0x318: {  	_ =	swait.ge [sflag:s28], $0x8000  }
0x319: {  	[sflag:s28] =	ssyncset.done $0x0  }
0x31a: {  	[sflag:s28] =	ssyncadd.s32 $0xFFFF8000  }
0x31b: {  	s2 =	simm.s32 $0x14020  }
0x31c: {  	v6 =	vld [tilespmem:s2+$0xFFFFFFE0];
	_ =	sdelay $0x1  }
0x31d: {  	s6 =	sshll.u32 s8, $0x7  }
0x31e: {  	s8 =	sadd.s32 $0x800, s6  }
0x31f: {  	v4 =	vmov s6;
	v5 =	vmov s8  }
0x320: {  	vm0 =	vge.s32 v6, v4;
	vm1 =	vlt.s32 v6, v5  }
0x321: {  	vm0 =	vmand vm0, vm1  }
0x322: {  	v9 =	vmpcnt.ones.xlane vm0;
	_ =	sdelay $0x1  }
0x323: {  	(v2sf) =	vpush v9, $0x0;
	_ =	sdelay $0x5  }
0x324: {  	v7 =	vld [tilespmem:s2+$0xFFFFFFF0]  }
0x325: {  	v8 =	vld [tilespmem:s2+$0x0];
	_ =	sdelay $0x1  }
0x326: {  	v63 =	vld [tilespmem:s2+$0x10];
	_ =	sdelay $0x1  }
0x327: {  	vm2 =	vlt.s32 v7, v5;
	vm1 =	vge.s32 v7, v4  }
0x328: {  	vm3 =	vlt.s32 v8, v5;
	vm2 =	vmand vm1, vm2  }
0x329: {  	s6 =	simm.s32 $0x0;
	v6 =	vsub.s32 v6, v4;
	vm1 =	vge.s32 v8, v4;
	v10 =	vmpcnt.ones.xlane vm2  }
0x32a: {  	vm4 =	vlt.s32 v63, v5;
	[tilespmem:s6+$0x14D00] =	vst.msk vm0, v6;
	v6 =	vor.u32 s6, v3;
	vm1 =	vmand vm1, vm3  }
0x32b: {  	vm3 =	vge.s32 v63, v4;
	v62 =	vmpcnt.ones.xlane vm1;
	(v2sf) =	vpush v10, $0x0;
	s14 =	spop (v2sf)  }
0x32c: {  	v7 =	vsub.s32 v7, v4;
	[tilespmem:s6+$0x15380] =	vst.msk vm0, v6;
	vm0 =	vmand vm3, vm4;
	s8 =	sadd.s32 $0x0, s14  }
0x32d: {  	(v2sf) =	vpush v62, $0x0;
	[tilespmem:s8+$0x14D00] =	vst.msk vm2, v7;
	v7 =	vmpcnt.ones.xlane vm0;
	_ =	sdelay $0x1  }
0x32e: {  	(v2sf) =	vpush v7, $0x0;
	_ =	sdelay $0x8  }
0x32f: {  	p1 =	sne.s32 s4, $0x1  }
.Ltmp30:
0x330: {  	s9 =	simm.s32 $0x10;
	(pc) =	sbr.rel @!p1 .LBB2_39-.Ltmp30, $4  }
0x331: {  	v6 =	vor.u32 s9, v3;
	s29 =	spop (v2sf)  }
0x332: {  	s10 =	simm.s32 $0x20;
	v8 =	vsub.s32 v8, v4;
	s9 =	sadd.s32 s8, s29;
	[tilespmem:s8+$0x15380] =	vst.msk vm2, v6  }
0x333: {  	s13 =	spop (v2sf);
	[tilespmem:s9+$0x14D00] =	vst.msk vm1, v8;
	v8 =	vor.u32 s10, v3  }
0x334: {  	s8 =	sadd.s32 $0xFFFFFFFF, s4;
	v6 =	vsub.s32 v63, v4;
	s10 =	simm.s32 $0x30;
	[tilespmem:s9+$0x15380] =	vst.msk vm1, v8;
	s9 =	sadd.s32 s9, s13  }
.LBB2_38:
0x335: {  	[tilespmem:s9+$0x14D00] =	vst.msk vm0, v6;
	v6 =	vor.u32 s10, v3;
	s6 =	sadd.s32 $0x40, s6;
	s2 =	sadd.s32 $0x40, s2;
	s10 =	spop (v2sf)  }
0x336: {  	p1 =	sne.s32 s8, $0x1;
	s8 =	sadd.s32 $0xFFFFFFFF, s8;
	[tilespmem:s9+$0x15380] =	vst.msk vm0, v6;
	s9 =	sadd.s32 s9, s10  }
0x337: {  	v6 =	vld [tilespmem:s2+$0xFFFFFFE0]  }
0x338: {  	v7 =	vld [tilespmem:s2+$0xFFFFFFF0];
	_ =	sdelay $0x1  }
0x339: {  	v8 =	vld [tilespmem:s2+$0x0];
	_ =	sdelay $0x1  }
0x33a: {  	vm0 =	vge.s32 v6, v4;
	vm1 =	vlt.s32 v6, v5;
	v9 =	vld [tilespmem:s2+$0x10]  }
0x33b: {  	vm3 =	vmand vm0, vm1;
	vm0 =	vge.s32 v7, v4;
	vm1 =	vlt.s32 v7, v5  }
0x33c: {  	v10 =	vmpcnt.ones.xlane vm3;
	vm1 =	vmand vm0, vm1  }
0x33d: {  	v11 =	vmpcnt.ones.xlane vm1;
	vm0 =	vge.s32 v8, v4  }
0x33e: {  	vm2 =	vlt.s32 v8, v5;
	(v2sf) =	vpush v10, $0x0  }
0x33f: {  	vm2 =	vmand vm0, vm2;
	vm0 =	vge.s32 v9, v4;
	(v2sf) =	vpush v11, $0x0  }
0x340: {  	v10 =	vmpcnt.ones.xlane vm2;
	vm4 =	vlt.s32 v9, v5  }
0x341: {  	vm0 =	vmand vm0, vm4  }
0x342: {  	v11 =	vmpcnt.ones.xlane vm0;
	(v2sf) =	vpush v10, $0x0;
	_ =	sdelay $0x1  }
0x343: {  	(v2sf) =	vpush v11, $0x0;
	_ =	sdelay $0x7  }
0x344: {  	v6 =	vsub.s32 v6, v4  }
0x345: {  	s10 =	sadd.s32 $0x10, s6;
	v7 =	vsub.s32 v7, v4;
	[tilespmem:s9+$0x14D00] =	vst.msk vm3, v6;
	v6 =	vor.u32 s6, v3;
	s13 =	spop (v2sf)  }
.Ltmp31:
0x346: {  	[tilespmem:s9+$0x15380] =	vst.msk vm3, v6;
	s9 =	sadd.s32 s9, s13;
	v6 =	vor.u32 s10, v3;
	s10 =	spop (v2sf);
	(pc) =	sbr.rel @p1 .LBB2_38-.Ltmp31, $4  }
0x347: {  	[tilespmem:s9+$0x14D00] =	vst.msk vm1, v7;
	s13 =	sadd.s32 s9, s10  }
0x348: {  	s10 =	sadd.s32 $0x20, s6;
	v7 =	vsub.s32 v8, v4;
	[tilespmem:s9+$0x15380] =	vst.msk vm1, v6  }
0x349: {  	[tilespmem:s13+$0x14D00] =	vst.msk vm2, v7;
	v7 =	vor.u32 s10, v3;
	s9 =	spop (v2sf)  }
0x34a: {  	v6 =	vsub.s32 v9, v4;
	s10 =	sadd.s32 $0x30, s6;
	[tilespmem:s13+$0x15380] =	vst.msk vm2, v7;
	s9 =	sadd.s32 s13, s9  }
.LBB2_39:
0x34b: {  	[tilespmem:s9+$0x14D00] =	vst.msk vm0, v6;
	v4 =	vor.u32 s10, v3;
	s2 =	spop (v2sf)  }
0x34c: {  	[tilespmem:s9+$0x15380] =	vst.msk vm0, v4;
	s10 =	sadd.s32 s9, s2  }
.LBB2_40:
0x34d: {  	s2 =	sadd.s32 $0xF, s10  }
0x34e: {  	s6 =	sand.u32 $0xF, s2  }
0x34f: {  	s8 =	sshra.s32 s2, $0x1F;
	p1 =	slt.s32 s2, $0x1;
	p2 =	sne.s32 s6, $0x0  }
0x350: {  	s29 =	sshrl.u32 s8, $0x1C;
	p1 =	por !p1, !p2  }
0x351: {  	s6 =	simm.s32 $0x1;
	s2 =	sadd.s32 s29, s2;
	p1 =	por !p1, !p1  }
0x352: {  	s2 =	sshra.s32 s2, $0x4;
	s6 =	simm.s32 @!p1 $0x0  }
0x353: {  	s9 =	ssub.s32 s2, s6  }
0x354: {  	p1 =	slt.s32 s9, $0x1  }
.Ltmp32:
0x355: {  	_ = 	snop;
	(pc) =	sbr.rel @p1 .LBB2_44-.Ltmp32, $1  }
0x356: {  	_ =	sdelay $0x3  }
0x357: {  	s2 =	simm.s32 $0x14D00  }
0x358: {  	v5 =	vld [tilespmem:s2+$0x0];
	_ =	sdelay $0x3  }
0x359: {  	s6 =	simm.s32 $0x0  }
0x35a: {  	v4 =	vmov s10;
	v6 =	vor.u32 s6, v3;
	v7 =	vshll.u32 v5, $0x3  }
0x35b: {  	s8 =	simm.s32 $0x15380;
	vm0 =	vlt.s32 v6, v4;
	v5 =	vand.u32 $0x7F, v5;
	v6 =	vand.u32 $0xFFFFFC00, v7  }
0x35c: {  	v5 =	vor.u32 v5, v6;
	v6 =	vld [tilespmem:s8+$0x0];
	_ =	sdelay $0x4  }
0x35d: {  	v7 =	vld.idx.msk [tilespmem:v5+s24+$0x0], vm0;
	v8 =	vshll.u32 v6, $0x4  }
0x35e: {  	v6 =	vor.u32 $0x80, v5;
	_ =	sdelay $0x3  }
0x35f: {  	[tilespmem:v8+s26+$0x0] =	vst.idx.msk vm0, v7  }
0x360: {  	v7 =	vor.u32 $0x1, v8;
	v6 =	vld.idx.msk [tilespmem:v6+s24+$0x0], vm0  }
0x361: {  	v9 =	vor.u32 $0x100, v5;
	_ =	sdelay $0x3  }
0x362: {  	[tilespmem:v7+s26+$0x0] =	vst.idx.msk vm0, v6  }
0x363: {  	v7 =	vor.u32 $0x2, v8;
	v6 =	vld.idx.msk [tilespmem:v9+s24+$0x0], vm0  }
0x364: {  	v52 =	vor.u32 $0x180, v5;
	_ =	sdelay $0x3  }
0x365: {  	[tilespmem:v7+s26+$0x0] =	vst.idx.msk vm0, v6  }
0x366: {  	v7 =	vor.u32 $0x3, v8;
	v6 =	vld.idx.msk [tilespmem:v52+s24+$0x0], vm0  }
0x367: {  	v53 =	vor.u32 $0x200, v5;
	_ =	sdelay $0x3  }
0x368: {  	[tilespmem:v7+s26+$0x0] =	vst.idx.msk vm0, v6  }
0x369: {  	v7 =	vor.u32 $0x4, v8;
	v6 =	vld.idx.msk [tilespmem:v53+s24+$0x0], vm0  }
0x36a: {  	v54 =	vor.u32 $0x280, v5;
	_ =	sdelay $0x3  }
0x36b: {  	[tilespmem:v7+s26+$0x0] =	vst.idx.msk vm0, v6  }
0x36c: {  	v7 =	vor.u32 $0x5, v8;
	v6 =	vld.idx.msk [tilespmem:v54+s24+$0x0], vm0  }
0x36d: {  	v55 =	vor.u32 $0x300, v5;
	_ =	sdelay $0x3  }
0x36e: {  	[tilespmem:v7+s26+$0x0] =	vst.idx.msk vm0, v6  }
0x36f: {  	v7 =	vor.u32 $0x6, v8;
	v6 =	vld.idx.msk [tilespmem:v55+s24+$0x0], vm0  }
0x370: {  	v56 =	vor.u32 $0x380, v5;
	_ =	sdelay $0x3  }
0x371: {  	[tilespmem:v7+s26+$0x0] =	vst.idx.msk vm0, v6  }
0x372: {  	v7 =	vor.u32 $0x7, v8;
	v6 =	vld.idx.msk [tilespmem:v56+s24+$0x0], vm0  }
0x373: {  	v57 =	vadd.s32 $0x4000, v5;
	_ =	sdelay $0x3  }
0x374: {  	[tilespmem:v7+s26+$0x0] =	vst.idx.msk vm0, v6  }
0x375: {  	v7 =	vor.u32 $0x8, v8;
	v6 =	vld.idx.msk [tilespmem:v57+s24+$0x0], vm0  }
0x376: {  	v58 =	vadd.s32 $0x4080, v5;
	_ =	sdelay $0x3  }
0x377: {  	[tilespmem:v7+s26+$0x0] =	vst.idx.msk vm0, v6  }
0x378: {  	v7 =	vor.u32 $0x9, v8;
	v6 =	vld.idx.msk [tilespmem:v58+s24+$0x0], vm0  }
0x379: {  	v59 =	vadd.s32 $0x4100, v5;
	_ =	sdelay $0x3  }
0x37a: {  	[tilespmem:v7+s26+$0x0] =	vst.idx.msk vm0, v6  }
0x37b: {  	v7 =	vor.u32 $0xA, v8;
	v6 =	vld.idx.msk [tilespmem:v59+s24+$0x0], vm0  }
0x37c: {  	v60 =	vadd.s32 $0x4180, v5;
	_ =	sdelay $0x3  }
0x37d: {  	[tilespmem:v7+s26+$0x0] =	vst.idx.msk vm0, v6  }
0x37e: {  	v7 =	vor.u32 $0xB, v8;
	v6 =	vld.idx.msk [tilespmem:v60+s24+$0x0], vm0  }
0x37f: {  	v61 =	vadd.s32 $0x4200, v5;
	_ =	sdelay $0x3  }
0x380: {  	[tilespmem:v7+s26+$0x0] =	vst.idx.msk vm0, v6  }
0x381: {  	v7 =	vor.u32 $0xC, v8;
	v6 =	vld.idx.msk [tilespmem:v61+s24+$0x0], vm0  }
0x382: {  	v62 =	vadd.s32 $0x4280, v5;
	_ =	sdelay $0x3  }
0x383: {  	[tilespmem:v7+s26+$0x0] =	vst.idx.msk vm0, v6  }
0x384: {  	v7 =	vor.u32 $0xD, v8;
	v6 =	vld.idx.msk [tilespmem:v62+s24+$0x0], vm0  }
0x385: {  	v63 =	vadd.s32 $0x4300, v5;
	_ =	sdelay $0x3  }
0x386: {  	[tilespmem:v7+s26+$0x0] =	vst.idx.msk vm0, v6  }
0x387: {  	v7 =	vor.u32 $0xE, v8;
	v6 =	vld.idx.msk [tilespmem:v63+s24+$0x0], vm0  }
0x388: {  	v5 =	vadd.s32 $0x4380, v5;
	_ =	sdelay $0x3  }
0x389: {  	p1 =	sne.s32 s9, $0x1;
	[tilespmem:v7+s26+$0x0] =	vst.idx.msk vm0, v6  }
.Ltmp33:
0x38a: {  	v6 =	vld.idx.msk [tilespmem:v5+s24+$0x0], vm0;
	v5 =	vor.u32 $0xF, v8;
	(pc) =	sbr.rel @!p1 .LBB2_43-.Ltmp33, $2  }
0x38b: {  	_ =	sdelay $0x2  }
0x38c: {  	s9 =	sadd.s32 $0xFFFFFFFF, s9  }
.LBB2_42:
0x38d: {  	[tilespmem:v5+s26+$0x0] =	vst.idx.msk vm0, v6;
	s2 =	sadd.s32 $0x10, s2;
	s8 =	sadd.s32 $0x10, s8;
	s6 =	sadd.s32 $0x10, s6  }
0x38e: {  	p1 =	sne.s32 s9, $0x1;
	s9 =	sadd.s32 $0xFFFFFFFF, s9;
	v5 =	vld [tilespmem:s2+$0x0];
	_ =	sdelay $0x4  }
0x38f: {  	v6 =	vor.u32 s6, v3;
	v7 =	vshll.u32 v5, $0x3  }
0x390: {  	vm0 =	vlt.s32 v6, v4;
	v5 =	vand.u32 $0x7F, v5;
	v6 =	vand.u32 $0xFFFFFC00, v7  }
0x391: {  	v6 =	vor.u32 v5, v6  }
0x392: {  	v5 =	vld [tilespmem:s8+$0x0];
	_ =	sdelay $0x3  }
0x393: {  	v7 =	vld.idx.msk [tilespmem:v6+s24+$0x0], vm0  }
0x394: {  	v5 =	vshll.u32 v5, $0x4  }
0x395: {  	v8 =	vor.u32 $0x80, v6;
	_ =	sdelay $0x3  }
0x396: {  	[tilespmem:v5+s26+$0x0] =	vst.idx.msk vm0, v7  }
0x397: {  	v7 =	vld.idx.msk [tilespmem:v8+s24+$0x0], vm0  }
0x398: {  	v8 =	vor.u32 $0x1, v5  }
0x399: {  	v9 =	vor.u32 $0x100, v6;
	_ =	sdelay $0x3  }
0x39a: {  	[tilespmem:v8+s26+$0x0] =	vst.idx.msk vm0, v7  }
0x39b: {  	v7 =	vld.idx.msk [tilespmem:v9+s24+$0x0], vm0  }
0x39c: {  	v8 =	vor.u32 $0x2, v5  }
0x39d: {  	v9 =	vor.u32 $0x180, v6;
	_ =	sdelay $0x3  }
0x39e: {  	[tilespmem:v8+s26+$0x0] =	vst.idx.msk vm0, v7  }
0x39f: {  	v7 =	vld.idx.msk [tilespmem:v9+s24+$0x0], vm0  }
0x3a0: {  	v8 =	vor.u32 $0x3, v5  }
0x3a1: {  	v9 =	vor.u32 $0x200, v6;
	_ =	sdelay $0x3  }
0x3a2: {  	[tilespmem:v8+s26+$0x0] =	vst.idx.msk vm0, v7  }
0x3a3: {  	v7 =	vld.idx.msk [tilespmem:v9+s24+$0x0], vm0  }
0x3a4: {  	v8 =	vor.u32 $0x4, v5  }
0x3a5: {  	v9 =	vor.u32 $0x280, v6;
	_ =	sdelay $0x3  }
0x3a6: {  	[tilespmem:v8+s26+$0x0] =	vst.idx.msk vm0, v7  }
0x3a7: {  	v7 =	vld.idx.msk [tilespmem:v9+s24+$0x0], vm0  }
0x3a8: {  	v8 =	vor.u32 $0x5, v5  }
0x3a9: {  	v9 =	vor.u32 $0x300, v6;
	_ =	sdelay $0x3  }
0x3aa: {  	[tilespmem:v8+s26+$0x0] =	vst.idx.msk vm0, v7  }
0x3ab: {  	v7 =	vld.idx.msk [tilespmem:v9+s24+$0x0], vm0  }
0x3ac: {  	v8 =	vor.u32 $0x6, v5  }
0x3ad: {  	v9 =	vor.u32 $0x380, v6;
	_ =	sdelay $0x3  }
0x3ae: {  	[tilespmem:v8+s26+$0x0] =	vst.idx.msk vm0, v7  }
0x3af: {  	v7 =	vld.idx.msk [tilespmem:v9+s24+$0x0], vm0  }
0x3b0: {  	v8 =	vor.u32 $0x7, v5  }
0x3b1: {  	v9 =	vadd.s32 $0x4000, v6;
	_ =	sdelay $0x3  }
0x3b2: {  	[tilespmem:v8+s26+$0x0] =	vst.idx.msk vm0, v7  }
0x3b3: {  	v7 =	vld.idx.msk [tilespmem:v9+s24+$0x0], vm0  }
0x3b4: {  	v8 =	vor.u32 $0x8, v5  }
0x3b5: {  	v9 =	vadd.s32 $0x4080, v6;
	_ =	sdelay $0x3  }
0x3b6: {  	[tilespmem:v8+s26+$0x0] =	vst.idx.msk vm0, v7  }
0x3b7: {  	v7 =	vld.idx.msk [tilespmem:v9+s24+$0x0], vm0  }
0x3b8: {  	v8 =	vor.u32 $0x9, v5  }
0x3b9: {  	v9 =	vadd.s32 $0x4100, v6;
	_ =	sdelay $0x3  }
0x3ba: {  	[tilespmem:v8+s26+$0x0] =	vst.idx.msk vm0, v7  }
0x3bb: {  	v7 =	vld.idx.msk [tilespmem:v9+s24+$0x0], vm0  }
0x3bc: {  	v8 =	vor.u32 $0xA, v5  }
0x3bd: {  	v9 =	vadd.s32 $0x4180, v6;
	_ =	sdelay $0x3  }
0x3be: {  	[tilespmem:v8+s26+$0x0] =	vst.idx.msk vm0, v7  }
0x3bf: {  	v7 =	vld.idx.msk [tilespmem:v9+s24+$0x0], vm0  }
0x3c0: {  	v8 =	vor.u32 $0xB, v5  }
0x3c1: {  	v9 =	vadd.s32 $0x4200, v6;
	_ =	sdelay $0x3  }
0x3c2: {  	[tilespmem:v8+s26+$0x0] =	vst.idx.msk vm0, v7  }
0x3c3: {  	v7 =	vld.idx.msk [tilespmem:v9+s24+$0x0], vm0  }
0x3c4: {  	v8 =	vor.u32 $0xC, v5  }
0x3c5: {  	v9 =	vadd.s32 $0x4280, v6;
	_ =	sdelay $0x3  }
0x3c6: {  	[tilespmem:v8+s26+$0x0] =	vst.idx.msk vm0, v7  }
0x3c7: {  	v7 =	vld.idx.msk [tilespmem:v9+s24+$0x0], vm0  }
0x3c8: {  	v8 =	vor.u32 $0xD, v5  }
0x3c9: {  	v9 =	vadd.s32 $0x4300, v6;
	_ =	sdelay $0x3  }
0x3ca: {  	[tilespmem:v8+s26+$0x0] =	vst.idx.msk vm0, v7  }
0x3cb: {  	v7 =	vld.idx.msk [tilespmem:v9+s24+$0x0], vm0  }
0x3cc: {  	v8 =	vor.u32 $0xE, v5  }
0x3cd: {  	v6 =	vadd.s32 $0x4380, v6;
	_ =	sdelay $0x1  }
.Ltmp34:
0x3ce: {  	(pc) =	sbr.rel @p1 .LBB2_42-.Ltmp34, $4  }
0x3cf: {  	_ = 	snop  }
0x3d0: {  	[tilespmem:v8+s26+$0x0] =	vst.idx.msk vm0, v7  }
0x3d1: {  	v6 =	vld.idx.msk [tilespmem:v6+s24+$0x0], vm0  }
0x3d2: {  	v5 =	vor.u32 $0xF, v5  }
.Ltmp35:
0x3d3: {  	_ = 	snop;
	(pc) =	sbr.rel .LBB2_43-.Ltmp35, $1  }
0x3d4: {  	_ =	sdelay $0x3  }
.LBB2_46:
0x3d5: {  	_ =	sfence.sel $0x180000  }
0x3d6: {  	[bflag:$0x0] =	sbarrier.arrive $0xFFFF  }
0x3d7: {  	_ =	strace $0x90000047  }
0x3d8: {  	s0 =	stileid.u32;
	[bflag:$0x2] =	sbarrier.arrive $0xFFFF  }
0x3d9: {  	p0 =	sne.s32 s0, $0x0;
	s0 =	rddreg [dreg:$0x5]  }
0x3da: {  	s0 =	sadd.s32 @!p0 $0x100000, s0  }
0x3db: {  	[sflag:s0] =	ssyncadd.tile.s32 @!p0 $0x1;
	_ =	shalt  }
.Lfunc_end2:
_tile_overlayer_lowered:
.L_overlay_start_2:
0x3dc: {  	(tag) =	ssettag $0x2  }
0x3dd: {  	s0 =	rddreg [dreg:$0x0];
	s2 =	stileid.u32  }
0x3de: {  	s1 =	rddreg [dreg:$0x1];
	p0 =	sne.s32 s2, $0x0  }
0x3df: {  	s3 =	rddreg [dreg:$0x2];
	[bflag:$0x3] =	sbarrier.arrive $0xFFFF;
	s2 =	simm.s32 @!p0 $0x1C03  }
0x3e0: {  	[timem:s3], [sflag:s2] =	dma.local @!p0 [hbm:s0], s1  }
0x3e1: {  	s0 =	simm.s32 @!p0 $0x3  }
0x3e2: {  	_ =	swait.ge @!p0 [sflag:s0], s1  }
0x3e3: {  	s1 =	ssub.s32 @!p0 $0x0, s1;
	[sflag:s0] =	ssyncset.done @!p0 $0x0  }
0x3e4: {  	[sflag:s0] =	ssyncadd.s32 @!p0 s1  }
0x3e5: {  	[bflag:$0x3] =	sbarrier.arrive $0xFFFF  }
0x3e6: {  	_ =	shalt  }

// kernel: kernel.8.cloned.1.call-start
scs
__scs_entry_jumppad:
0x0: {  	(pc) =	sbr.rel $0x88, $3  }
0x1: {  	(tag) =	ssettag $0x0;
	lr =	simm.s32 $0x1  }
0x2: {  	[smem:$0x3F9B] =	sst lr;
	_ =	strace $0xD0000000  }
0x3: {  	_ = 	snop  }
0x4: {  	_ = 	snop  }
0x5: {  	_ = 	snop  }
0x6: {  	_ = 	snop  }
0x7: {  	_ = 	snop  }
__scs_overlays_trampoline_lowered:
0x8: {  	[smem:$0x3FAA] =	sst s0  }
0x9: {  	[smem:$0x3FAB] =	sst s1  }
0xa: {  	[smem:$0x3FAC] =	sst s2  }
0xb: {  	[smem:$0x3FAD] =	sst s3  }
0xc: {  	[smem:$0x3FAE] =	sst s4  }
0xd: {  	[smem:$0x3FAF] =	sst s5  }
0xe: {  	[smem:$0x3FB0] =	sst s6  }
0xf: {  	[smem:$0x3FB1] =	sst s7  }
0x10: {  	[smem:$0x3FB2] =	sst s8  }
0x11: {  	[smem:$0x3FB3] =	sst s9;
	s0 =	simm.s32 @!p0 $0x0  }
0x12: {  	s1 =	sld [smem:$0x3F99];
	s0 =	simm.s32 @p0 $0x1  }
0x13: {  	[smem:$0x3FB4] =	sst s0;
	s0 =	simm.s32 @!p1 $0x0  }
0x14: {  	s2 =	sld [smem:$0x3F98];
	s0 =	simm.s32 @p1 $0x1  }
0x15: {  	[smem:$0x3FB5] =	sst s0;
	s0 =	simm.s32 @!p2 $0x0  }
0x16: {  	s3 =	sld [smem:$0x3FDB];
	s0 =	simm.s32 @p2 $0x1  }
0x17: {  	s4 =	simm.s32 $0x1BF5;
	[smem:$0x3FB7] =	sst s0  }
0x18: {  	s0 =	sld [smem:$0x3F9A];
	_ =	swait.ge [sflag:s4], $0x0  }
0x19: {  	s7 =	sld [smem:$0x3F9B]  }
0x1a: {  	s8 =	sadd.s32 $0xFFFFE003, lr  }
0x1b: {  	s9 =	sadd.s32 $0xFFFFFEF7, lr;
	s5 =	simm.s32 $0xFFFFFFFF;
	p2 =	slt.u32 s8, $0xFFFFF086  }
0x1c: {  	p1 =	slt.u32 s9, $0xF7A;
	s5 =	simm.s32 @!p2 $0x0  }
0x1d: {  	s5 =	simm.s32 @p1 $0x1;
	p0 =	seq.s32 s7, s2  }
0x1e: {  	s7 =	smul.u32 @!p0 $0xF7A, s2;
	p2 =	seq.s32 @!p0 s5, $0x0  }
0x1f: {  	s9 =	smul.u32 $0xF7A, s1;
	s8 =	simm.s32 @!p0 $0x1BF5;
	p2 =	por !p2, p0  }
0x20: {  	[sflag:s8] =	ssyncset.s32 @!p0 $0xFFFFF086;
	s6 =	sadd.s32 @!p0 s3, s7;
	s7 =	simm.s32 @!p0 $0x108  }
0x21: {  	s3 =	sadd.s32 s3, s9;
	s6 =	sadd.s32 @!p0 $0x88, s6;
	s7 =	simm.s32 @p2 $0x1082  }
0x22: {  	[simem:s7], [sflag:s8] =	dma.local @!p0 [hbm:s6], $0xF7A  }
0x23: {  	s9 =	sor.u32 $0xD0000000, s2;
	s6 =	simm.s32 $0x108;
	_ =	swait.ge @!p0 [sflag:s8], $0x0  }
0x24: {  	s3 =	sadd.s32 $0x88, s3;
	s6 =	simm.s32 @!p1 $0x1082;
	[sflag:s4] =	ssyncset.s32 $0xFFFFF086  }
0x25: {  	[simem:s6], [sflag:s4] =	dma.local [hbm:s3], $0xF7A  }
0x26: {  	[smem:$0x3F9B] =	sst s1;
	(tag) =	ssettag s2;
	_ =	strace s9  }
0x27: {  	s1 =	sld [smem:$0x3FAB]  }
0x28: {  	s2 =	sld [smem:$0x3FAC]  }
0x29: {  	s4 =	sld [smem:$0x3FAE]  }
0x2a: {  	p0 =	seq.s32 s5, $0x0;
	s5 =	sld [smem:$0x3FAF]  }
0x2b: {  	s6 =	sld [smem:$0x3FB0]  }
0x2c: {  	s7 =	sld [smem:$0x3FB1]  }
0x2d: {  	s3 =	simm.s32 $0x108;
	s8 =	sld [smem:$0x3FB2]  }
0x2e: {  	s3 =	simm.s32 @!p0 $0x1082;
	s9 =	sld [smem:$0x3FB3]  }
0x2f: {  	lr =	sadd.s32 s0, s3;
	s0 =	sld [smem:$0x3FAA]  }
0x30: {  	s3 =	sld [smem:$0x3FAD]  }
0x31: {  	[smem:$0x3FB6] =	sst s10  }
0x32: {  	s10 =	sld [smem:$0x3FB4];
	_ =	sdelay $0x3  }
0x33: {  	p0 =	seq.s32 s10, $0x1;
	s10 =	sld [smem:$0x3FB6];
	_ =	sdelay $0x3  }
0x34: {  	[smem:$0x3FB6] =	sst s10  }
0x35: {  	s10 =	sld [smem:$0x3FB5];
	_ =	sdelay $0x3  }
0x36: {  	p1 =	seq.s32 s10, $0x1;
	s10 =	sld [smem:$0x3FB6];
	_ =	sdelay $0x3  }
0x37: {  	[smem:$0x3FB6] =	sst s10  }
0x38: {  	s10 =	sld [smem:$0x3FB7]  }
0x39: {  	_ = 	snop;
	(pc) =	sbr.ind lr, $3  }
0x3a: {  	_ = 	snop  }
0x3b: {  	_ = 	snop  }
0x3c: {  	p2 =	seq.s32 s10, $0x1;
	s10 =	sld [smem:$0x3FB6]  }
0x3d: {  	_ =	shalt  }
0x3e: {  	_ =	shalt  }
0x3f: {  	_ =	shalt  }
0x40: {  	_ =	shalt  }
0x41: {  	_ =	shalt  }
0x42: {  	_ =	shalt  }
0x43: {  	_ =	shalt  }
0x44: {  	_ =	shalt  }
0x45: {  	_ =	shalt  }
0x46: {  	_ =	shalt  }
0x47: {  	_ =	shalt  }
0x48: {  	_ =	shalt  }
0x49: {  	_ =	shalt  }
0x4a: {  	_ =	shalt  }
0x4b: {  	_ =	shalt  }
0x4c: {  	_ =	shalt  }
0x4d: {  	_ =	shalt  }
0x4e: {  	_ =	shalt  }
0x4f: {  	_ =	shalt  }
0x50: {  	_ =	shalt  }
0x51: {  	_ =	shalt  }
0x52: {  	_ =	shalt  }
0x53: {  	_ =	shalt  }
0x54: {  	_ =	shalt  }
0x55: {  	_ =	shalt  }
0x56: {  	_ =	shalt  }
0x57: {  	_ =	shalt  }
0x58: {  	_ =	shalt  }
0x59: {  	_ =	shalt  }
0x5a: {  	_ =	shalt  }
0x5b: {  	_ =	shalt  }
0x5c: {  	_ =	shalt  }
0x5d: {  	_ =	shalt  }
0x5e: {  	_ =	shalt  }
0x5f: {  	_ =	shalt  }
0x60: {  	_ =	shalt  }
0x61: {  	_ =	shalt  }
0x62: {  	_ =	shalt  }
0x63: {  	_ =	shalt  }
0x64: {  	_ =	shalt  }
0x65: {  	_ =	shalt  }
0x66: {  	_ =	shalt  }
0x67: {  	_ =	shalt  }
0x68: {  	_ =	shalt  }
0x69: {  	_ =	shalt  }
0x6a: {  	_ =	shalt  }
0x6b: {  	_ =	shalt  }
0x6c: {  	_ =	shalt  }
0x6d: {  	_ =	shalt  }
0x6e: {  	_ =	shalt  }
0x6f: {  	_ =	shalt  }
0x70: {  	_ =	shalt  }
0x71: {  	_ =	shalt  }
0x72: {  	_ =	shalt  }
0x73: {  	_ =	shalt  }
0x74: {  	_ =	shalt  }
0x75: {  	_ =	shalt  }
0x76: {  	_ =	shalt  }
0x77: {  	_ =	shalt  }
0x78: {  	_ =	shalt  }
0x79: {  	_ =	shalt  }
0x7a: {  	_ =	shalt  }
0x7b: {  	_ =	shalt  }
0x7c: {  	_ =	shalt  }
0x7d: {  	_ =	shalt  }
0x7e: {  	_ =	shalt  }
0x7f: {  	_ =	shalt  }
0x80: {  	_ =	shalt  }
0x81: {  	_ =	shalt  }
0x82: {  	_ =	shalt  }
0x83: {  	_ =	shalt  }
0x84: {  	_ =	shalt  }
0x85: {  	_ =	shalt  }
0x86: {  	_ =	shalt  }
0x87: {  	_ =	shalt  }
.Lfunc_end0:
.L_simem_size_0:
called_computation.1_lowered:
.L_overlay_start_0:
0x88: {  	s2 =	sld [smem:$0x3FD9]  }
0x89: {  	s3 =	sld [smem:$0x3FFE];
	_ =	sdelay $0x1  }
0x8a: {  	s1 =	srdreg.scid  }
0x8b: {  	s0 =	sand.u32 $0x1, s1  }
0x8c: {  	s16 =	sshll.u32 s0, $0xA;
	s2 =	sadd.s32 s3, s2  }
0x8d: {  	s2 =	sadd.s32 s2, s16  }
0x8e: {  	[smem:$0x3FC2] =	sst s2  }
0x8f: {  	_ = 	snop  }
0x90: {  	(tm) =	ssettm $0x1  }
0x91: {  	s17 =	sld [smem:$0x3FFB];
	_ =	sdelay $0x3  }
0x92: {  	_ =	strace s17  }
0x93: {  	s2 =	sld [smem:$0x3FFC];
	_ =	sdelay $0x3  }
0x94: {  	_ =	strace s2  }
0x95: {  	s2 =	sld [smem:$0x3FFD];
	_ =	sdelay $0x3  }
0x96: {  	_ =	strace s2  }
0x97: {  	_ =	strace $0x8FFFFFFF  }
0x98: {  	s18 =	sld [smem:$0x3FDB];
	_ =	sdelay $0x1  }
0x99: {  	s19 =	simm.s32 $_scs_section_size  }
0x9a: {  	s4 =	simm.s32 $_size__tile_overlayer_lowered;
	s5 =	simm.s32 $_tile_overlayer_lowered  }
0x9b: {  	s22 =	simm.s32 $0x1BFF;
	s21 =	sshll.u32 s5, $0x1;
	s2 =	sadd.s32 s19, s18  }
0x9c: {  	s6 =	simm.s32 $0x0;
	s20 =	sshll.u32 s4, $0x1;
	s4 =	sadd.s32 s21, s2  }
0x9d: {  	[timem:s6], [sflag:s22] =	dma.local [hbm:s4], s20  }
0x9e: {  	_ =	swait.ge [sflag:s22], s20  }
0x9f: {  	s3 =	ssub.s32 $0x0, s20;
	[sflag:s22] =	ssyncset.done $0x0  }
0xa0: {  	[sflag:s22] =	ssyncadd.s32 s3;
	_ =	sdelay $0x1  }
0xa1: {  	s23 =	simm.s32 $0x1B8B  }
0xa2: {  	_ =	swait.ge [sflag:s23], $0x1  }
0xa3: {  	[sflag:s23] =	ssyncset.done $0x0  }
0xa4: {  	s25 =	simm.s32 $0x1B8E;
	s24 =	sld [smem:$0x3FFE];
	[sflag:s23] =	ssyncadd.s32 $0xFFFFFFFF  }
0xa5: {  	s26 =	simm.s32 $execute0_lowered;
	[smem:$0x3FD2] =	sst s25  }
0xa6: {  	s4 =	sshll.u32 s26, $0x1;
	_ =	strace $0x80000049;
	[dreg:$0x1] =	wrdreg $0xFFFFFFFF  }
0xa7: {  	s28 =	simm.s32 $_size_execute0_lowered;
	s2 =	sadd.s32 s2, s4;
	[dreg:$0x0] =	wrdreg $0x0  }
0xa8: {  	s4 =	sshll.u32 s28, $0x1;
	[dreg:$0x2] =	wrdreg s2  }
0xa9: {  	[dreg:$0x3] =	wrdreg s4  }
0xaa: {  	[dreg:$0x4] =	wrdreg $0xC0  }
0xab: {  	_ =	task [dreg:s6], $0x5FFFF  }
0xac: {  	[dreg:$0x1] =	wrdreg $0xFFFFFFFF  }
0xad: {  	[dreg:$0x0] =	wrdreg $0x60  }
0xae: {  	[dreg:$0x2] =	wrdreg s24  }
0xaf: {  	[dreg:$0x3] =	wrdreg $0x9  }
0xb0: {  	_ =	task.clear_ibuf [dreg:s6], $0x4FFFF;
	_ =	strace $0x90000049  }
0xb1: {  	s29 =	simm.s32 $0x9;
	_ =	strace $0x8000004B  }
0xb2: {  	_ =	swait.ge [sflag:s29], $0x1  }
0xb3: {  	[sflag:s29] =	ssyncadd.s32 $0xFFFFFFFF  }
0xb4: {  	_ =	strace $0x9000004B  }
0xb5: {  	_ =	sfence  }
0xb6: {  	s30 =	sld [smem:$0x0];
	_ =	sdelay $0x2  }
0xb7: {  	s31 =	sshll.u32 s1, $0xD;
	s1 =	sshrl.u32 s1, $0x2  }
0xb8: {  	s3 =	sand.u32 $0x4000, s31;
	s1 =	sadd.s32 s1, s30  }
0xb9: {  	s0 =	sor.u32 s3, s0;
	s1 =	sshll.u32 s1, $0x11  }
0xba: {  	s0 =	sor.u32 s1, s0  }
0xbb: {  	s0 =	sadd.s32 $0x8F2B, s0  }
0xbc: {  	[sflag:s0] =	ssyncadd.remote.s32 $0x1  }
0xbd: {  	_ =	sfence.sel $0xFFFF  }
0xbe: {  	[dreg:$0x0] =	wrdreg $0xFFFFFFFF;
	(pc) =	sbr.abs _section_cstart, $3  }
0xbf: {  	[dreg:$0x1] =	wrdreg $0xFFFFFFFF  }
0xc0: {  	_ =	task.clear_ibuf [dreg:s6], $0x2FFFF;
	_ =	strace $0x9FFFFFFF  }
0xc1: {  	(tm) =	ssettm $0x7FFFFFFF  }
tec
execute0_lowered:
.L_overlay_start_1:
0x0: {  	(tag) =	ssettag $0x1  }
0x1: {  	s1 =	srdreg.scid;
	s0 =	stileid.u32  }
0x2: {  	s12 =	sand.u32 $0x1, s1;
	s30 =	sshll.u32 s0, $0x1  }
0x3: {  	s3 =	sor.u32 s12, s30  }
0x4: {  	s13 =	rddreg [dreg:$0x0];
	s2 =	simm.s32 $0x0;
	s4 =	smul.u32 $0xC00, s3  }
0x5: {  	[smem:$0x7FF] =	sst s2  }
0x6: {  	s1 =	rddreg [dreg:$0x1];
	_ =	strace $0x8000004A;
	s10 =	sadd.s32 s4, s13  }
0x7: {  	s5 =	smul.u32 $0xC0, s3;
	s4 =	simm.s32 $0x2;
	s3 =	sadd.s32 $0x1600, s10  }
0x8: {  	[tilespmem:s2], [sflag:$0x2] =	stream.linear.gather [hbm4b:s3+s2], $0x6000, $0x38;
	[tilespmem:$0x6600] =	vst v63  }
0x9: {  	_ =	swait.ge [sflag:s4], $0x6000  }
0xa: {  	s11 =	sadd.s32 s5, s13;
	[sflag:s4] =	ssyncset.done $0x0  }
0xb: {  	s6 =	simm.s32 $0x6000;
	s5 =	sadd.s32 $0x19600, s11;
	[sflag:s4] =	ssyncadd.s32 $0xFFFFA000  }
0xc: {  	[tilespmem:s6], [sflag:$0x2] =	stream.linear.gather [hbm4b:s5+s2], $0x600, $0x38;
	[tilespmem:$0x6600] =	vst v63  }
0xd: {  	_ =	swait.ge [sflag:s4], $0x600  }
0xe: {  	[sflag:s4] =	ssyncset.done $0x0  }
0xf: {  	s9 =	simm.s32 $0x600;
	[sflag:s4] =	ssyncadd.s32 $0xFFFFFA00;
	(ifvalue) =	ssetifvalue $0xFFFFFFFF  }
0x10: {  	s8 =	simm.s32 $0x1;
	s7 =	sadd.s32 $0x34600, s13;
	(ifvalue) =	ssetifvalue $0xFFFFFFFF  }
0x11: {  	[hbm4b:s7+s9] =	stream.indirect.scatter [tilespmem:s2], [sflag:$0x1], $0x10, s6, s9, $0x40b8;
	[tilespmem:$0x6600] =	vst v63  }
0x12: {  	_ =	swait.ge [sflag:s8], $0x6000  }
0x13: {  	[sflag:s8] =	ssyncset.done $0x0  }
0x14: {  	s10 =	sadd.s32 $0x1AE00, s10;
	[sflag:s8] =	ssyncadd.s32 $0xFFFFA000  }
0x15: {  	[tilespmem:s2], [sflag:$0x2] =	stream.linear.gather [hbm4b:s10+s2], $0x6000, $0x38;
	[tilespmem:$0x6600] =	vst v63  }
0x16: {  	s12 =	ssub.s32 $0x2, s12;
	_ =	swait.ge [sflag:s4], $0x6000  }
0x17: {  	s14 =	sshrl.u32 s12, $0x1;
	[sflag:s4] =	ssyncset.done $0x0  }
0x18: {  	s14 =	ssub.s32 s12, s14;
	s11 =	sadd.s32 $0x32E00, s11;
	[sflag:s4] =	ssyncadd.s32 $0xFFFFA000  }
0x19: {  	[tilespmem:s6], [sflag:$0x2] =	stream.linear.gather [hbm4b:s11+s2], $0x600, $0x38;
	[tilespmem:$0x6600] =	vst v63  }
0x1a: {  	s31 =	smax.u32 s14, $0x1;
	_ =	swait.ge [sflag:s4], $0x600  }
0x1b: {  	p0 =	sne.s32 s31, $0x1;
	[sflag:s4] =	ssyncset.done $0x0  }
.Ltmp0:
0x1c: {  	[sflag:s4] =	ssyncadd.s32 $0xFFFFFA00;
	(ifvalue) =	ssetifvalue $0xFFFFFFFF;
	(pc) =	sbr.rel @!p0 .LBB2_2-.Ltmp0, $4  }
0x1d: {  	s12 =	sadd.s32 $0x3C600, s13;
	(ifvalue) =	ssetifvalue $0xFFFFFFFF  }
0x1e: {  	[hbm4b:s12+s9] =	stream.indirect.scatter [tilespmem:s2], [sflag:$0x1], $0x10, s6, s9, $0x40b8;
	[tilespmem:$0x6600] =	vst v63  }
0x1f: {  	_ =	swait.ge [sflag:s8], $0x6000  }
0x20: {  	s13 =	sadd.s32 $0xFFFFFFFF, s31;
	[sflag:s8] =	ssyncset.done $0x0  }
.LBB2_1:
0x21: {  	p0 =	sne.s32 s13, $0x1;
	s13 =	sadd.s32 $0xFFFFFFFF, s13;
	[sflag:s8] =	ssyncadd.s32 $0xFFFFA000  }
0x22: {  	[tilespmem:s2], [sflag:$0x2] =	stream.linear.gather [hbm4b:s3+s2], $0x6000, $0x38;
	[tilespmem:$0x6600] =	vst v63  }
0x23: {  	_ =	swait.ge [sflag:s4], $0x6000  }
0x24: {  	[sflag:s4] =	ssyncset.done $0x0  }
0x25: {  	[sflag:s4] =	ssyncadd.s32 $0xFFFFA000  }
0x26: {  	[tilespmem:s6], [sflag:$0x2] =	stream.linear.gather [hbm4b:s5+s2], $0x600, $0x38;
	[tilespmem:$0x6600] =	vst v63  }
0x27: {  	_ =	swait.ge [sflag:s4], $0x600  }
0x28: {  	[sflag:s4] =	ssyncset.done $0x0  }
0x29: {  	[sflag:s4] =	ssyncadd.s32 $0xFFFFFA00  }
0x2a: {  	(ifvalue) =	ssetifvalue $0xFFFFFFFF  }
0x2b: {  	(ifvalue) =	ssetifvalue $0xFFFFFFFF  }
0x2c: {  	[hbm4b:s7+s9] =	stream.indirect.scatter [tilespmem:s2], [sflag:$0x1], $0x10, s6, s9, $0x40b8;
	[tilespmem:$0x6600] =	vst v63  }
0x2d: {  	_ =	swait.ge [sflag:s8], $0x6000  }
0x2e: {  	[sflag:s8] =	ssyncset.done $0x0  }
0x2f: {  	[sflag:s8] =	ssyncadd.s32 $0xFFFFA000  }
0x30: {  	[tilespmem:s2], [sflag:$0x2] =	stream.linear.gather [hbm4b:s10+s2], $0x6000, $0x38;
	[tilespmem:$0x6600] =	vst v63  }
0x31: {  	_ =	swait.ge [sflag:s4], $0x6000  }
0x32: {  	[sflag:s4] =	ssyncset.done $0x0  }
0x33: {  	[sflag:s4] =	ssyncadd.s32 $0xFFFFA000  }
0x34: {  	[tilespmem:s6], [sflag:$0x2] =	stream.linear.gather [hbm4b:s11+s2], $0x600, $0x38;
	[tilespmem:$0x6600] =	vst v63  }
0x35: {  	_ =	swait.ge [sflag:s4], $0x600  }
0x36: {  	[sflag:s4] =	ssyncset.done $0x0  }
0x37: {  	[sflag:s4] =	ssyncadd.s32 $0xFFFFFA00  }
.Ltmp1:
0x38: {  	(ifvalue) =	ssetifvalue $0xFFFFFFFF;
	(pc) =	sbr.rel @p0 .LBB2_1-.Ltmp1, $4  }
0x39: {  	(ifvalue) =	ssetifvalue $0xFFFFFFFF  }
0x3a: {  	[hbm4b:s12+s9] =	stream.indirect.scatter [tilespmem:s2], [sflag:$0x1], $0x10, s6, s9, $0x40b8;
	[tilespmem:$0x6600] =	vst v63  }
0x3b: {  	_ =	swait.ge [sflag:s8], $0x6000  }
0x3c: {  	[sflag:s8] =	ssyncset.done $0x0  }
.LBB2_2:
0x3d: {  	[sflag:s8] =	ssyncadd.s32 $0xFFFFA000  }
0x3e: {  	_ =	sfence.sel $0x180000  }
0x3f: {  	[bflag:$0x0] =	sbarrier.arrive $0xFFFF  }
0x40: {  	p0 =	sne.s32 s0, $0x0;
	_ =	strace $0x9000004A  }
0x41: {  	s0 =	sadd.s32 @!p0 $0x100000, s1;
	[bflag:$0x2] =	sbarrier.arrive $0xFFFF  }
0x42: {  	[sflag:s0] =	ssyncadd.tile.s32 @!p0 $0x1;
	_ =	shalt  }
.Lfunc_end2:
_tile_overlayer_lowered:
.L_overlay_start_2:
0x43: {  	(tag) =	ssettag $0x2  }
0x44: {  	s0 =	rddreg [dreg:$0x0];
	s2 =	stileid.u32  }
0x45: {  	s1 =	rddreg [dreg:$0x1];
	p0 =	sne.s32 s2, $0x0  }
0x46: {  	s3 =	rddreg [dreg:$0x2];
	[bflag:$0x3] =	sbarrier.arrive $0xFFFF;
	s2 =	simm.s32 @!p0 $0x1C02  }
0x47: {  	[timem:s3], [sflag:s2] =	dma.local @!p0 [hbm:s0], s1  }
0x48: {  	s0 =	simm.s32 @!p0 $0x2  }
0x49: {  	_ =	swait.ge @!p0 [sflag:s0], s1  }
0x4a: {  	s1 =	ssub.s32 @!p0 $0x0, s1;
	[sflag:s0] =	ssyncset.done @!p0 $0x0  }
0x4b: {  	[sflag:s0] =	ssyncadd.s32 @!p0 s1  }
0x4c: {  	[bflag:$0x3] =	sbarrier.arrive $0xFFFF  }
0x4d: {  	_ =	shalt  }

</sc_bundles>
